<compile_context>
chip_gen: v7x
topology: tpu7x:2x2x1
jax: 0.10.2.dev20260603
libtpu: 0.0.44.dev20260713+nightly
codegen_flags: <defaults>
</compile_context>

<pallas_src>
import functools

import jax
import jax.numpy as jnp
from jax import lax
from jax.experimental import pallas as pl
from jax.experimental.pallas import tpu as pltpu
from jax.experimental.pallas import tpu_sc as plsc

NUM_CONS = 100000
NUM_RELS = 1000
DIM = 128
B = 4096
NEG = 10
REG_SCALE = 0.0005
P_NEG = 1.0

NC = 2
NS = 16
L = 16
NW = NC * NS
CH = 128
POS_PER_W = B // NW
NEG_PER_W = (B * NEG) // NW
NEG_CHUNKS = NEG_PER_W // CH
DG = DIM // L


def _sc_body(h_hbm, r_hbm, t_hbm, w_hbm,
             hn_e_hbm, hn_r_hbm, hn_t_hbm,
             tn_e_hbm, tn_r_hbm, tn_t_hbm,
             ent_re_hbm, ent_im_hbm, rel_re_hbm, rel_im_hbm,
             lwb_hbm,
             out_hbm,
             ia_v, ib_v, ic_v, w_v,
             hre_v, him_v, rre_v, rim_v, tre_v, tim_v,
             lwb_v, part_v, sem):
    cid = lax.axis_index("c")
    sid = lax.axis_index("s")
    wid = sid * NC + cid

    pltpu.sync_copy(lwb_hbm, lwb_v)
    lw = lwb_v[0, :]
    lb = lwb_v[1, :]
    lanes = jnp.arange(L, dtype=jnp.int32)

    def gather_chunk(eidx_hbm, ridx_hbm, tidx_hbm, base):
        base = pl.multiple_of(base, 8)
        pltpu.sync_copy(eidx_hbm.at[pl.ds(base, CH)], ia_v)
        pltpu.sync_copy(ridx_hbm.at[pl.ds(base, CH)], ib_v)
        pltpu.sync_copy(tidx_hbm.at[pl.ds(base, CH)], ic_v)
        cps = [
            pltpu.make_async_copy(ent_re_hbm.at[ia_v], hre_v, sem),
            pltpu.make_async_copy(ent_im_hbm.at[ia_v], him_v, sem),
            pltpu.make_async_copy(rel_re_hbm.at[ib_v], rre_v, sem),
            pltpu.make_async_copy(rel_im_hbm.at[ib_v], rim_v, sem),
            pltpu.make_async_copy(ent_re_hbm.at[ic_v], tre_v, sem),
            pltpu.make_async_copy(ent_im_hbm.at[ic_v], tim_v, sem),
        ]
        for cp in cps:
            cp.start()
        for cp in cps:
            cp.wait()

    zero = jnp.zeros((L,), jnp.float32)

    def chunk_compute(positive, acc0, reg0):
        acc = acc0
        reg = reg0
        for g in range(CH // L):
            rows = g * L + lanes

            def dstep(d, carry):
                sc, rg = carry
                dvec = (d + lanes) & (DIM - 1)
                idx = [rows, dvec]
                a = plsc.load_gather(hre_v, idx)
                bb = plsc.load_gather(him_v, idx)
                c = plsc.load_gather(rre_v, idx)
                e = plsc.load_gather(rim_v, idx)
                f = plsc.load_gather(tre_v, idx)
                gg = plsc.load_gather(tim_v, idx)
                sc = sc + c * (a * f + bb * gg) + e * (a * gg - bb * f)
                if positive:
                    rg = rg + (a * a + bb * bb + c * c
                               + e * e + f * f + gg * gg)
                return (sc, rg)

            sc, reg = lax.fori_loop(0, DIM, dstep, (zero, reg), unroll=2)
            z = sc * lw + lb
            p = 1.0 / (1.0 + jnp.exp(-z))
            if positive:
                dd = p - w_v[pl.ds(g * L, L)]
            else:
                dd = p
            acc = acc + dd * dd
        return acc, reg

    pos_base = pl.multiple_of(wid * POS_PER_W, 8)
    pltpu.sync_copy(w_hbm.at[pl.ds(pos_base, CH)], w_v)
    gather_chunk(h_hbm, r_hbm, t_hbm, pos_base)
    pos_acc, reg_acc = chunk_compute(True, zero, zero)

    def neg_loop(eidx, ridx, tidx):
        def chunk(c, acc):
            gather_chunk(eidx, ridx, tidx, wid * NEG_PER_W + c * CH)
            acc, _ = chunk_compute(False, acc, zero)
            return acc
        return lax.fori_loop(0, NEG_CHUNKS, chunk, zero)

    hn_acc = neg_loop(hn_e_hbm, hn_r_hbm, hn_t_hbm)
    tn_acc = neg_loop(tn_e_hbm, tn_r_hbm, tn_t_hbm)

    partial = (pos_acc
               + (hn_acc + tn_acc) * (P_NEG / (2.0 * NEG))
               + reg_acc * (REG_SCALE / 2.0)) * (1.0 / B)
    part_v[...] = partial
    pltpu.sync_copy(part_v, out_hbm.at[wid])


_sc_loss = pl.kernel(
    _sc_body,
    out_type=jax.ShapeDtypeStruct((NW, L), jnp.float32),
    mesh=plsc.VectorSubcoreMesh(core_axis_name="c", subcore_axis_name="s",
                                num_cores=NC, num_subcores=NS),
    scratch_types=[
        pltpu.VMEM((CH,), jnp.int32),
        pltpu.VMEM((CH,), jnp.int32),
        pltpu.VMEM((CH,), jnp.int32),
        pltpu.VMEM((CH,), jnp.float32),
        pltpu.VMEM((CH, DIM), jnp.float32),
        pltpu.VMEM((CH, DIM), jnp.float32),
        pltpu.VMEM((CH, DIM), jnp.float32),
        pltpu.VMEM((CH, DIM), jnp.float32),
        pltpu.VMEM((CH, DIM), jnp.float32),
        pltpu.VMEM((CH, DIM), jnp.float32),
        pltpu.VMEM((2, L), jnp.float32),
        pltpu.VMEM((L,), jnp.float32),
        pltpu.SemaphoreType.DMA,
    ],
    compiler_params=pltpu.CompilerParams(needs_layout_passes=False),
)


def kernel(h, r, t, w, n_hn, n_rel_hn, n_t, n_h, n_rel_tn, n_tn,
           s_h, s_r, s_t, s_w, ent_real, ent_img, rel_real, rel_img,
           lin_w, lin_b):
    i32 = jnp.int32
    lwb = jnp.concatenate(
        [jnp.full((1, L), lin_w[0, 0], jnp.float32),
         jnp.full((1, L), lin_b[0], jnp.float32)], axis=0)
    out = _sc_loss(
        h.astype(i32), r.astype(i32), t.astype(i32), w,
        n_hn.reshape(-1).astype(i32), n_rel_hn.reshape(-1).astype(i32),
        n_t.reshape(-1).astype(i32),
        n_h.reshape(-1).astype(i32), n_rel_tn.reshape(-1).astype(i32),
        n_tn.reshape(-1).astype(i32),
        ent_real, ent_img, rel_real, rel_img, lwb)
    return jnp.sum(out)

# --- scband reference (transcript-rebuilt; emitter-appended) ---
"""Pipeline reference for scband-u-compl-ex-16338055594520 (READ-ONLY COPY).

The authoritative reference and input builder live on the scoring server;
editing this copy changes nothing except your own understanding.
"""

import jax, jax.numpy as jnp
import numpy as np

NUM_CONS = 100000
NUM_RELS = 1000
DIM = 128
B = 4096
NEG = 10
REG_SCALE = 0.0005
P_NEG = 1.0


def _xavier(key, shape):
    a = float(np.sqrt(6.0 / (shape[0] + shape[1])))
    return jax.random.uniform(key, shape, minval=-a, maxval=a, dtype=jnp.float32)


def setup_inputs(seed: int = 0) -> dict:
    key = jax.random.key(seed)
    ks = jax.random.split(key, 22)
    inp = {}
    inp['h'] = jax.random.randint(ks[0], (B,), 0, NUM_CONS)
    inp['r'] = jax.random.randint(ks[1], (B,), 0, NUM_RELS)
    inp['t'] = jax.random.randint(ks[2], (B,), 0, NUM_CONS)
    inp['w'] = jax.random.uniform(ks[3], (B,), dtype=jnp.float32)
    inp['n_hn'] = jax.random.randint(ks[4], (B, NEG), 0, NUM_CONS)
    inp['n_rel_hn'] = jax.random.randint(ks[5], (B, NEG), 0, NUM_RELS)
    inp['n_t'] = jax.random.randint(ks[6], (B, NEG), 0, NUM_CONS)
    inp['n_h'] = jax.random.randint(ks[7], (B, NEG), 0, NUM_CONS)
    inp['n_rel_tn'] = jax.random.randint(ks[8], (B, NEG), 0, NUM_RELS)
    inp['n_tn'] = jax.random.randint(ks[9], (B, NEG), 0, NUM_CONS)
    inp['s_h'] = jax.random.randint(ks[10], (1,), 0, NUM_CONS)
    inp['s_r'] = jax.random.randint(ks[11], (1,), 0, NUM_RELS)
    inp['s_t'] = jax.random.randint(ks[12], (1,), 0, NUM_CONS)
    inp['s_w'] = jax.random.uniform(ks[13], (1,), dtype=jnp.float32)
    inp['ent_real'] = _xavier(ks[14], (NUM_CONS, DIM))
    inp['ent_img'] = _xavier(ks[15], (NUM_CONS, DIM))
    inp['rel_real'] = _xavier(ks[16], (NUM_RELS, DIM))
    inp['rel_img'] = _xavier(ks[17], (NUM_RELS, DIM))
    inp['lin_w'] = jax.random.normal(ks[18], (1, 1), dtype=jnp.float32) * 0.3
    inp['lin_b'] = jax.random.normal(ks[19], (1,), dtype=jnp.float32) * 0.3
    return inp


def _liner(x, lin_w, lin_b):
    # torch.nn.Linear(1,1): y = x * W[0,0] + b[0], applied on trailing dim of size 1
    return x * lin_w[0, 0] + lin_b[0]


def _complex_score(hre, him, rre, rim, tre, tim, axis):
    return jnp.sum(hre * tre * rre + him * tim * rre + hre * tim * rim - him * tre * rim, axis=axis)


def reference(h, r, t, w, n_hn, n_rel_hn, n_t, n_h, n_rel_tn, n_tn, s_h, s_r, s_t, s_w, ent_real, ent_img, rel_real, rel_img, lin_w, lin_b):
    def embed(hh, rr, tt):
        return (ent_real[hh], ent_img[hh], rel_real[rr], rel_img[rr], ent_real[tt], ent_img[tt])

    h_er, h_ei, r_er, r_ei, t_er, t_ei = embed(h, r, t)
    nhn_er, nhn_ei, nrh_er, nrh_ei, nt_er, nt_ei = embed(n_hn, n_rel_hn, n_t)
    nh_er, nh_ei, nrt_er, nrt_ei, ntn_er, ntn_ei = embed(n_h, n_rel_tn, n_tn)

    htr = _complex_score(h_er, h_ei, r_er, r_ei, t_er, t_ei, axis=1)[:, None]
    f_prob = _liner(htr, lin_w, lin_b)
    f_prob_hn = _liner(_complex_score(nhn_er, nhn_ei, nrh_er, nrh_ei, nt_er, nt_ei, axis=2)[:, :, None], lin_w, lin_b)
    f_prob_tn = _liner(_complex_score(nh_er, nh_ei, nrt_er, nrt_ei, ntn_er, ntn_ei, axis=2)[:, :, None], lin_w, lin_b)

    # function == 'logi'
    f_prob = jax.nn.sigmoid(f_prob)
    f_prob_hn = jax.nn.sigmoid(f_prob_hn)
    f_prob_tn = jax.nn.sigmoid(f_prob_tn)

    f_prob = jnp.squeeze(f_prob, axis=-1)
    f_score = jnp.square(f_prob - w)
    f_prob_hn = jnp.squeeze(f_prob_hn, axis=-1)
    f_score_hn = jnp.mean(jnp.square(f_prob_hn), axis=1)
    f_prob_tn = jnp.squeeze(f_prob_tn, axis=-1)
    f_score_tn = jnp.mean(jnp.square(f_prob_tn), axis=1)

    this_loss = jnp.sum((f_score_tn + f_score_hn) / 2.0 * P_NEG + f_score) / B
    regularizer = (jnp.sum(jnp.square(h_er)) / 2.0 / B + jnp.sum(jnp.square(h_ei)) / 2.0 / B
                   + jnp.sum(jnp.square(r_er)) / 2.0 / B + jnp.sum(jnp.square(r_ei)) / 2.0 / B
                   + jnp.sum(jnp.square(t_er)) / 2.0 / B + jnp.sum(jnp.square(t_ei)) / 2.0 / B)
    main_loss = this_loss + REG_SCALE * regularizer
    return main_loss

if __name__ == "__main__":
    import jax
    _d = setup_inputs()
    print(jax.jit(kernel)(*tuple(_d.values())))

</pallas_src>

<mosaic_0001>
#map = affine_map<(d0, d1) -> (0)>
#map1 = affine_map<(d0, d1) -> (0, 0)>
module attributes {stable_mosaic.version = 14 : i64} {
  func.func @_sc_body(%arg0: i32, %arg1: i32, %arg2: memref<4096xi32, #tpu.memory_space<hbm>>, %arg3: memref<4096xi32, #tpu.memory_space<hbm>>, %arg4: memref<4096xi32, #tpu.memory_space<hbm>>, %arg5: memref<4096xf32, #tpu.memory_space<hbm>>, %arg6: memref<40960xi32, #tpu.memory_space<hbm>>, %arg7: memref<40960xi32, #tpu.memory_space<hbm>>, %arg8: memref<40960xi32, #tpu.memory_space<hbm>>, %arg9: memref<40960xi32, #tpu.memory_space<hbm>>, %arg10: memref<40960xi32, #tpu.memory_space<hbm>>, %arg11: memref<40960xi32, #tpu.memory_space<hbm>>, %arg12: memref<100000x128xf32, #tpu.memory_space<hbm>>, %arg13: memref<100000x128xf32, #tpu.memory_space<hbm>>, %arg14: memref<1000x128xf32, #tpu.memory_space<hbm>>, %arg15: memref<1000x128xf32, #tpu.memory_space<hbm>>, %arg16: memref<2x16xf32, #tpu.memory_space<hbm>>, %arg17: memref<32x16xf32, #tpu.memory_space<hbm>>, %arg18: memref<128xi32, #tpu.memory_space<vmem>>, %arg19: memref<128xi32, #tpu.memory_space<vmem>>, %arg20: memref<128xi32, #tpu.memory_space<vmem>>, %arg21: memref<128xf32, #tpu.memory_space<vmem>>, %arg22: memref<128x128xf32, #tpu.memory_space<vmem>>, %arg23: memref<128x128xf32, #tpu.memory_space<vmem>>, %arg24: memref<128x128xf32, #tpu.memory_space<vmem>>, %arg25: memref<128x128xf32, #tpu.memory_space<vmem>>, %arg26: memref<128x128xf32, #tpu.memory_space<vmem>>, %arg27: memref<128x128xf32, #tpu.memory_space<vmem>>, %arg28: memref<2x16xf32, #tpu.memory_space<vmem>>, %arg29: memref<16xf32, #tpu.memory_space<vmem>>, %arg30: memref<!tpu.dma_semaphore, #tpu.memory_space<semaphore_mem>>) attributes {dimension_semantics = [#tpu.dimension_semantics<core_parallel>, #tpu.dimension_semantics<subcore_parallel>], iteration_bounds = array<i64: 2, 16>, scalar_prefetch = 0 : i64, scratch_operands = 13 : i64, tpu.core_type = #tpu.core_type<sc_vector_subcore>, window_params = [{transform_indices = #map}, {transform_indices = #map}, {transform_indices = #map}, {transform_indices = #map}, {transform_indices = #map}, {transform_indices = #map}, {transform_indices = #map}, {transform_indices = #map}, {transform_indices = #map}, {transform_indices = #map}, {transform_indices = #map1}, {transform_indices = #map1}, {transform_indices = #map1}, {transform_indices = #map1}, {transform_indices = #map1}, {transform_indices = #map1}]} {
    %mul3A = arith.constant 2 : i32
    %mul3A_0 = arith.muli %arg1, %mul3A : i32
    %add3A = arith.addi %mul3A_0, %arg0 : i32
    "tpu.region"() ({
      %run_scoped3A = tpu.sem_alloc : memref<!tpu.dma_semaphore, #tpu.memory_space<semaphore_mem>>
      tpu.enqueue_dma source(%arg16 : memref<2x16xf32, #tpu.memory_space<hbm>>) target(%arg28 : memref<2x16xf32, #tpu.memory_space<vmem>>) target_semaphore(%run_scoped3A : memref<!tpu.dma_semaphore, #tpu.memory_space<semaphore_mem>>)
      tpu.wait_dma2 semaphore(%run_scoped3A : memref<!tpu.dma_semaphore, #tpu.memory_space<semaphore_mem>>) src(%arg16 : memref<2x16xf32, #tpu.memory_space<hbm>>) dst(%arg28 : memref<2x16xf32, #tpu.memory_space<vmem>>)
      tpu.yield
    }) : () -> ()
    %get3A = arith.constant 0 : i32
    %get3A_1 = arith.index_cast %get3A : i32 to index
    %get3A_2 = arith.constant 0 : index
    %get3A_3 = tpu.vector_load %arg28[%get3A_1, %get3A_2] {strides = array<i32>} : memref<2x16xf32, #tpu.memory_space<vmem>>, vector<16xf32>,
    %get3A_4 = arith.constant 1 : i32
    %get3A_5 = arith.index_cast %get3A_4 : i32 to index
    %get3A_6 = arith.constant 0 : index
    %get3A_7 = tpu.vector_load %arg28[%get3A_5, %get3A_6] {strides = array<i32>} : memref<2x16xf32, #tpu.memory_space<vmem>>, vector<16xf32>,
    %iota3A = tpu.iota {dimensions = array<i32: 0>} : vector<16xi32>
    %broadcast_in_dim3A = arith.constant 0.000000e+00 : f32
    %broadcast_in_dim3A_8 = vector.broadcast %broadcast_in_dim3A : f32 to vector<16xf32>
    %mul3A_9 = arith.constant 128 : i32
    %mul3A_10 = arith.muli %add3A, %mul3A_9 : i32
    %multiple_of3A = tpu.assume_multiple %mul3A_10, 8 : i32
    "tpu.region"() ({
      %run_scoped3A = tpu.sem_alloc : memref<!tpu.dma_semaphore, #tpu.memory_space<semaphore_mem>>
      %dma_start3A_274 = tpu.memref_slice %arg5[%multiple_of3A] : memref<4096xf32, #tpu.memory_space<hbm>> -> memref<128xf32, #tpu.memory_space<hbm>>
      %dma_start3A_275 = tpu.memref_slice %arg5[%multiple_of3A] : memref<4096xf32, #tpu.memory_space<hbm>> -> memref<128xf32, #tpu.memory_space<hbm>>
      tpu.enqueue_dma source(%dma_start3A_275 : memref<128xf32, #tpu.memory_space<hbm>>) target(%arg21 : memref<128xf32, #tpu.memory_space<vmem>>) target_semaphore(%run_scoped3A : memref<!tpu.dma_semaphore, #tpu.memory_space<semaphore_mem>>)
      %dma_wait3A_276 = tpu.memref_slice %arg5[%multiple_of3A] : memref<4096xf32, #tpu.memory_space<hbm>> -> memref<128xf32, #tpu.memory_space<hbm>>
      %dma_wait3A_277 = tpu.memref_slice %arg5[%multiple_of3A] : memref<4096xf32, #tpu.memory_space<hbm>> -> memref<128xf32, #tpu.memory_space<hbm>>
      tpu.wait_dma2 semaphore(%run_scoped3A : memref<!tpu.dma_semaphore, #tpu.memory_space<semaphore_mem>>) src(%dma_wait3A_277 : memref<128xf32, #tpu.memory_space<hbm>>) dst(%arg21 : memref<128xf32, #tpu.memory_space<vmem>>)
      tpu.yield
    }) : () -> ()
    %multiple_of3A_11 = tpu.assume_multiple %multiple_of3A, 8 : i32
    "tpu.region"() ({
      %run_scoped3A = tpu.sem_alloc : memref<!tpu.dma_semaphore, #tpu.memory_space<semaphore_mem>>
      %dma_start3A_274 = tpu.memref_slice %arg2[%multiple_of3A_11] : memref<4096xi32, #tpu.memory_space<hbm>> -> memref<128xi32, #tpu.memory_space<hbm>>
      %dma_start3A_275 = tpu.memref_slice %arg2[%multiple_of3A_11] : memref<4096xi32, #tpu.memory_space<hbm>> -> memref<128xi32, #tpu.memory_space<hbm>>
      tpu.enqueue_dma source(%dma_start3A_275 : memref<128xi32, #tpu.memory_space<hbm>>) target(%arg18 : memref<128xi32, #tpu.memory_space<vmem>>) target_semaphore(%run_scoped3A : memref<!tpu.dma_semaphore, #tpu.memory_space<semaphore_mem>>)
      %dma_wait3A_276 = tpu.memref_slice %arg2[%multiple_of3A_11] : memref<4096xi32, #tpu.memory_space<hbm>> -> memref<128xi32, #tpu.memory_space<hbm>>
      %dma_wait3A_277 = tpu.memref_slice %arg2[%multiple_of3A_11] : memref<4096xi32, #tpu.memory_space<hbm>> -> memref<128xi32, #tpu.memory_space<hbm>>
      tpu.wait_dma2 semaphore(%run_scoped3A : memref<!tpu.dma_semaphore, #tpu.memory_space<semaphore_mem>>) src(%dma_wait3A_277 : memref<128xi32, #tpu.memory_space<hbm>>) dst(%arg18 : memref<128xi32, #tpu.memory_space<vmem>>)
      tpu.yield
    }) : () -> ()
    "tpu.region"() ({
      %run_scoped3A = tpu.sem_alloc : memref<!tpu.dma_semaphore, #tpu.memory_space<semaphore_mem>>
      %dma_start3A_274 = tpu.memref_slice %arg3[%multiple_of3A_11] : memref<4096xi32, #tpu.memory_space<hbm>> -> memref<128xi32, #tpu.memory_space<hbm>>
      %dma_start3A_275 = tpu.memref_slice %arg3[%multiple_of3A_11] : memref<4096xi32, #tpu.memory_space<hbm>> -> memref<128xi32, #tpu.memory_space<hbm>>
      tpu.enqueue_dma source(%dma_start3A_275 : memref<128xi32, #tpu.memory_space<hbm>>) target(%arg19 : memref<128xi32, #tpu.memory_space<vmem>>) target_semaphore(%run_scoped3A : memref<!tpu.dma_semaphore, #tpu.memory_space<semaphore_mem>>)
      %dma_wait3A_276 = tpu.memref_slice %arg3[%multiple_of3A_11] : memref<4096xi32, #tpu.memory_space<hbm>> -> memref<128xi32, #tpu.memory_space<hbm>>
      %dma_wait3A_277 = tpu.memref_slice %arg3[%multiple_of3A_11] : memref<4096xi32, #tpu.memory_space<hbm>> -> memref<128xi32, #tpu.memory_space<hbm>>
      tpu.wait_dma2 semaphore(%run_scoped3A : memref<!tpu.dma_semaphore, #tpu.memory_space<semaphore_mem>>) src(%dma_wait3A_277 : memref<128xi32, #tpu.memory_space<hbm>>) dst(%arg19 : memref<128xi32, #tpu.memory_space<vmem>>)
      tpu.yield
    }) : () -> ()
    "tpu.region"() ({
      %run_scoped3A = tpu.sem_alloc : memref<!tpu.dma_semaphore, #tpu.memory_space<semaphore_mem>>
      %dma_start3A_274 = tpu.memref_slice %arg4[%multiple_of3A_11] : memref<4096xi32, #tpu.memory_space<hbm>> -> memref<128xi32, #tpu.memory_space<hbm>>
      %dma_start3A_275 = tpu.memref_slice %arg4[%multiple_of3A_11] : memref<4096xi32, #tpu.memory_space<hbm>> -> memref<128xi32, #tpu.memory_space<hbm>>
      tpu.enqueue_dma source(%dma_start3A_275 : memref<128xi32, #tpu.memory_space<hbm>>) target(%arg20 : memref<128xi32, #tpu.memory_space<vmem>>) target_semaphore(%run_scoped3A : memref<!tpu.dma_semaphore, #tpu.memory_space<semaphore_mem>>)
      %dma_wait3A_276 = tpu.memref_slice %arg4[%multiple_of3A_11] : memref<4096xi32, #tpu.memory_space<hbm>> -> memref<128xi32, #tpu.memory_space<hbm>>
      %dma_wait3A_277 = tpu.memref_slice %arg4[%multiple_of3A_11] : memref<4096xi32, #tpu.memory_space<hbm>> -> memref<128xi32, #tpu.memory_space<hbm>>
      tpu.wait_dma2 semaphore(%run_scoped3A : memref<!tpu.dma_semaphore, #tpu.memory_space<semaphore_mem>>) src(%dma_wait3A_277 : memref<128xi32, #tpu.memory_space<hbm>>) dst(%arg20 : memref<128xi32, #tpu.memory_space<vmem>>)
      tpu.yield
    }) : () -> ()
    %dma_start3A = arith.constant 0 : i32
    %dma_start3A_12 = arith.constant 0 : i32
    %dma_start3A_13 = tpu.memref_slice %arg12[%dma_start3A, %dma_start3A_12] : memref<100000x128xf32, #tpu.memory_space<hbm>> -> memref<100000x128xf32, #tpu.memory_space<hbm>>
    tpu.enqueue_indirect_dma source(%dma_start3A_13 : memref<100000x128xf32, #tpu.memory_space<hbm>>) target(%arg22 : memref<128x128xf32, #tpu.memory_space<vmem>>) offsets(%arg18 : memref<128xi32, #tpu.memory_space<vmem>>) semaphore(%arg30 : memref<!tpu.dma_semaphore, #tpu.memory_space<semaphore_mem>>)
    %dma_start3A_14 = arith.constant 0 : i32
    %dma_start3A_15 = arith.constant 0 : i32
    %dma_start3A_16 = tpu.memref_slice %arg13[%dma_start3A_14, %dma_start3A_15] : memref<100000x128xf32, #tpu.memory_space<hbm>> -> memref<100000x128xf32, #tpu.memory_space<hbm>>
    tpu.enqueue_indirect_dma source(%dma_start3A_16 : memref<100000x128xf32, #tpu.memory_space<hbm>>) target(%arg23 : memref<128x128xf32, #tpu.memory_space<vmem>>) offsets(%arg18 : memref<128xi32, #tpu.memory_space<vmem>>) semaphore(%arg30 : memref<!tpu.dma_semaphore, #tpu.memory_space<semaphore_mem>>)
    %dma_start3A_17 = arith.constant 0 : i32
    %dma_start3A_18 = arith.constant 0 : i32
    %dma_start3A_19 = tpu.memref_slice %arg14[%dma_start3A_17, %dma_start3A_18] : memref<1000x128xf32, #tpu.memory_space<hbm>> -> memref<1000x128xf32, #tpu.memory_space<hbm>>
    tpu.enqueue_indirect_dma source(%dma_start3A_19 : memref<1000x128xf32, #tpu.memory_space<hbm>>) target(%arg24 : memref<128x128xf32, #tpu.memory_space<vmem>>) offsets(%arg19 : memref<128xi32, #tpu.memory_space<vmem>>) semaphore(%arg30 : memref<!tpu.dma_semaphore, #tpu.memory_space<semaphore_mem>>)
    %dma_start3A_20 = arith.constant 0 : i32
    %dma_start3A_21 = arith.constant 0 : i32
    %dma_start3A_22 = tpu.memref_slice %arg15[%dma_start3A_20, %dma_start3A_21] : memref<1000x128xf32, #tpu.memory_space<hbm>> -> memref<1000x128xf32, #tpu.memory_space<hbm>>
    tpu.enqueue_indirect_dma source(%dma_start3A_22 : memref<1000x128xf32, #tpu.memory_space<hbm>>) target(%arg25 : memref<128x128xf32, #tpu.memory_space<vmem>>) offsets(%arg19 : memref<128xi32, #tpu.memory_space<vmem>>) semaphore(%arg30 : memref<!tpu.dma_semaphore, #tpu.memory_space<semaphore_mem>>)
    %dma_start3A_23 = arith.constant 0 : i32
    %dma_start3A_24 = arith.constant 0 : i32
    %dma_start3A_25 = tpu.memref_slice %arg12[%dma_start3A_23, %dma_start3A_24] : memref<100000x128xf32, #tpu.memory_space<hbm>> -> memref<100000x128xf32, #tpu.memory_space<hbm>>
    tpu.enqueue_indirect_dma source(%dma_start3A_25 : memref<100000x128xf32, #tpu.memory_space<hbm>>) target(%arg26 : memref<128x128xf32, #tpu.memory_space<vmem>>) offsets(%arg20 : memref<128xi32, #tpu.memory_space<vmem>>) semaphore(%arg30 : memref<!tpu.dma_semaphore, #tpu.memory_space<semaphore_mem>>)
    %dma_start3A_26 = arith.constant 0 : i32
    %dma_start3A_27 = arith.constant 0 : i32
    %dma_start3A_28 = tpu.memref_slice %arg13[%dma_start3A_26, %dma_start3A_27] : memref<100000x128xf32, #tpu.memory_space<hbm>> -> memref<100000x128xf32, #tpu.memory_space<hbm>>
    tpu.enqueue_indirect_dma source(%dma_start3A_28 : memref<100000x128xf32, #tpu.memory_space<hbm>>) target(%arg27 : memref<128x128xf32, #tpu.memory_space<vmem>>) offsets(%arg20 : memref<128xi32, #tpu.memory_space<vmem>>) semaphore(%arg30 : memref<!tpu.dma_semaphore, #tpu.memory_space<semaphore_mem>>)
    %dma_wait3A = arith.constant 0 : i32
    %dma_wait3A_29 = arith.constant 0 : i32
    %dma_wait3A_30 = tpu.memref_slice %arg12[%dma_wait3A, %dma_wait3A_29] : memref<100000x128xf32, #tpu.memory_space<hbm>> -> memref<100000x128xf32, #tpu.memory_space<hbm>>
    tpu.wait_indirect_dma semaphore(%arg30 : memref<!tpu.dma_semaphore, #tpu.memory_space<semaphore_mem>>) src(%dma_wait3A_30 : memref<100000x128xf32, #tpu.memory_space<hbm>>) dst(%arg22 : memref<128x128xf32, #tpu.memory_space<vmem>>)
    %dma_wait3A_31 = arith.constant 0 : i32
    %dma_wait3A_32 = arith.constant 0 : i32
    %dma_wait3A_33 = tpu.memref_slice %arg13[%dma_wait3A_31, %dma_wait3A_32] : memref<100000x128xf32, #tpu.memory_space<hbm>> -> memref<100000x128xf32, #tpu.memory_space<hbm>>
    tpu.wait_indirect_dma semaphore(%arg30 : memref<!tpu.dma_semaphore, #tpu.memory_space<semaphore_mem>>) src(%dma_wait3A_33 : memref<100000x128xf32, #tpu.memory_space<hbm>>) dst(%arg23 : memref<128x128xf32, #tpu.memory_space<vmem>>)
    %dma_wait3A_34 = arith.constant 0 : i32
    %dma_wait3A_35 = arith.constant 0 : i32
    %dma_wait3A_36 = tpu.memref_slice %arg14[%dma_wait3A_34, %dma_wait3A_35] : memref<1000x128xf32, #tpu.memory_space<hbm>> -> memref<1000x128xf32, #tpu.memory_space<hbm>>
    tpu.wait_indirect_dma semaphore(%arg30 : memref<!tpu.dma_semaphore, #tpu.memory_space<semaphore_mem>>) src(%dma_wait3A_36 : memref<1000x128xf32, #tpu.memory_space<hbm>>) dst(%arg24 : memref<128x128xf32, #tpu.memory_space<vmem>>)
    %dma_wait3A_37 = arith.constant 0 : i32
    %dma_wait3A_38 = arith.constant 0 : i32
    %dma_wait3A_39 = tpu.memref_slice %arg15[%dma_wait3A_37, %dma_wait3A_38] : memref<1000x128xf32, #tpu.memory_space<hbm>> -> memref<1000x128xf32, #tpu.memory_space<hbm>>
    tpu.wait_indirect_dma semaphore(%arg30 : memref<!tpu.dma_semaphore, #tpu.memory_space<semaphore_mem>>) src(%dma_wait3A_39 : memref<1000x128xf32, #tpu.memory_space<hbm>>) dst(%arg25 : memref<128x128xf32, #tpu.memory_space<vmem>>)
    %dma_wait3A_40 = arith.constant 0 : i32
    %dma_wait3A_41 = arith.constant 0 : i32
    %dma_wait3A_42 = tpu.memref_slice %arg12[%dma_wait3A_40, %dma_wait3A_41] : memref<100000x128xf32, #tpu.memory_space<hbm>> -> memref<100000x128xf32, #tpu.memory_space<hbm>>
    tpu.wait_indirect_dma semaphore(%arg30 : memref<!tpu.dma_semaphore, #tpu.memory_space<semaphore_mem>>) src(%dma_wait3A_42 : memref<100000x128xf32, #tpu.memory_space<hbm>>) dst(%arg26 : memref<128x128xf32, #tpu.memory_space<vmem>>)
    %dma_wait3A_43 = arith.constant 0 : i32
    %dma_wait3A_44 = arith.constant 0 : i32
    %dma_wait3A_45 = tpu.memref_slice %arg13[%dma_wait3A_43, %dma_wait3A_44] : memref<100000x128xf32, #tpu.memory_space<hbm>> -> memref<100000x128xf32, #tpu.memory_space<hbm>>
    tpu.wait_indirect_dma semaphore(%arg30 : memref<!tpu.dma_semaphore, #tpu.memory_space<semaphore_mem>>) src(%dma_wait3A_45 : memref<100000x128xf32, #tpu.memory_space<hbm>>) dst(%arg27 : memref<128x128xf32, #tpu.memory_space<vmem>>)
    %add3A_46 = arith.constant 0 : i32
    %add3A_47 = vector.broadcast %add3A_46 : i32 to vector<16xi32>
    %add3A_48 = arith.addi %add3A_47, %iota3A : vector<16xi32>
    %scan3A = arith.constant 0 : i32
    %scan3A_49 = arith.constant 128 : i32
    %scan3A_50 = arith.addi %scan3A, %scan3A_49 : i32
    %scan3A_51 = arith.constant 2 : i32
    %scan3A_52:2 = scf.for %scan3A_274 = %scan3A to %scan3A_50 step %scan3A_51 iter_args(%scan3A_275 = %broadcast_in_dim3A_8, %scan3A_276 = %broadcast_in_dim3A_8) -> (vector<16xf32>, vector<16xf32>)  : i32 {
      %add3A_277 = vector.broadcast %scan3A_274 : i32 to vector<16xi32>
      %add3A_278 = arith.addi %add3A_277, %iota3A : vector<16xi32>
      %and3A = arith.constant 127 : i32
      %and3A_279 = vector.broadcast %and3A : i32 to vector<16xi32>
      %and3A_280 = arith.andi %add3A_278, %and3A_279 : vector<16xi32>
      %gather3A = tpu.vector_load_idx %arg22[%add3A_48, %and3A_280] : memref<128x128xf32, #tpu.memory_space<vmem>>[vector<16xi32>, vector<16xi32>], vector<16xf32>,
      %gather3A_281 = tpu.vector_load_idx %arg23[%add3A_48, %and3A_280] : memref<128x128xf32, #tpu.memory_space<vmem>>[vector<16xi32>, vector<16xi32>], vector<16xf32>,
      %gather3A_282 = tpu.vector_load_idx %arg24[%add3A_48, %and3A_280] : memref<128x128xf32, #tpu.memory_space<vmem>>[vector<16xi32>, vector<16xi32>], vector<16xf32>,
      %gather3A_283 = tpu.vector_load_idx %arg25[%add3A_48, %and3A_280] : memref<128x128xf32, #tpu.memory_space<vmem>>[vector<16xi32>, vector<16xi32>], vector<16xf32>,
      %gather3A_284 = tpu.vector_load_idx %arg26[%add3A_48, %and3A_280] : memref<128x128xf32, #tpu.memory_space<vmem>>[vector<16xi32>, vector<16xi32>], vector<16xf32>,
      %gather3A_285 = tpu.vector_load_idx %arg27[%add3A_48, %and3A_280] : memref<128x128xf32, #tpu.memory_space<vmem>>[vector<16xi32>, vector<16xi32>], vector<16xf32>,
      %mul3A_286 = arith.mulf %gather3A, %gather3A_284 : vector<16xf32>
      %mul3A_287 = arith.mulf %gather3A_281, %gather3A_285 : vector<16xf32>
      %add3A_288 = arith.addf %mul3A_286, %mul3A_287 : vector<16xf32>
      %mul3A_289 = arith.mulf %gather3A_282, %add3A_288 : vector<16xf32>
      %add3A_290 = arith.addf %scan3A_275, %mul3A_289 : vector<16xf32>
      %mul3A_291 = arith.mulf %gather3A, %gather3A_285 : vector<16xf32>
      %mul3A_292 = arith.mulf %gather3A_281, %gather3A_284 : vector<16xf32>
      %sub3A_293 = arith.subf %mul3A_291, %mul3A_292 : vector<16xf32>
      %mul3A_294 = arith.mulf %gather3A_283, %sub3A_293 : vector<16xf32>
      %add3A_295 = arith.addf %add3A_290, %mul3A_294 : vector<16xf32>
      %mul3A_296 = arith.mulf %gather3A, %gather3A : vector<16xf32>
      %mul3A_297 = arith.mulf %gather3A_281, %gather3A_281 : vector<16xf32>
      %add3A_298 = arith.addf %mul3A_296, %mul3A_297 : vector<16xf32>
      %mul3A_299 = arith.mulf %gather3A_282, %gather3A_282 : vector<16xf32>
      %add3A_300 = arith.addf %add3A_298, %mul3A_299 : vector<16xf32>
      %mul3A_301 = arith.mulf %gather3A_283, %gather3A_283 : vector<16xf32>
      %add3A_302 = arith.addf %add3A_300, %mul3A_301 : vector<16xf32>
      %mul3A_303 = arith.mulf %gather3A_284, %gather3A_284 : vector<16xf32>
      %add3A_304 = arith.addf %add3A_302, %mul3A_303 : vector<16xf32>
      %mul3A_305 = arith.mulf %gather3A_285, %gather3A_285 : vector<16xf32>
      %add3A_306 = arith.addf %add3A_304, %mul3A_305 : vector<16xf32>
      %add3A_307 = arith.addf %scan3A_276, %add3A_306 : vector<16xf32>
      %scan3A_308 = arith.constant 1 : i32
      %scan3A_309 = arith.addi %scan3A_274, %scan3A_308 : i32
      %add3A_310 = vector.broadcast %scan3A_309 : i32 to vector<16xi32>
      %add3A_311 = arith.addi %add3A_310, %iota3A : vector<16xi32>
      %and3A_312 = arith.constant 127 : i32
      %and3A_313 = vector.broadcast %and3A_312 : i32 to vector<16xi32>
      %and3A_314 = arith.andi %add3A_311, %and3A_313 : vector<16xi32>
      %gather3A_315 = tpu.vector_load_idx %arg22[%add3A_48, %and3A_314] : memref<128x128xf32, #tpu.memory_space<vmem>>[vector<16xi32>, vector<16xi32>], vector<16xf32>,
      %gather3A_316 = tpu.vector_load_idx %arg23[%add3A_48, %and3A_314] : memref<128x128xf32, #tpu.memory_space<vmem>>[vector<16xi32>, vector<16xi32>], vector<16xf32>,
      %gather3A_317 = tpu.vector_load_idx %arg24[%add3A_48, %and3A_314] : memref<128x128xf32, #tpu.memory_space<vmem>>[vector<16xi32>, vector<16xi32>], vector<16xf32>,
      %gather3A_318 = tpu.vector_load_idx %arg25[%add3A_48, %and3A_314] : memref<128x128xf32, #tpu.memory_space<vmem>>[vector<16xi32>, vector<16xi32>], vector<16xf32>,
      %gather3A_319 = tpu.vector_load_idx %arg26[%add3A_48, %and3A_314] : memref<128x128xf32, #tpu.memory_space<vmem>>[vector<16xi32>, vector<16xi32>], vector<16xf32>,
      %gather3A_320 = tpu.vector_load_idx %arg27[%add3A_48, %and3A_314] : memref<128x128xf32, #tpu.memory_space<vmem>>[vector<16xi32>, vector<16xi32>], vector<16xf32>,
      %mul3A_321 = arith.mulf %gather3A_315, %gather3A_319 : vector<16xf32>
      %mul3A_322 = arith.mulf %gather3A_316, %gather3A_320 : vector<16xf32>
      %add3A_323 = arith.addf %mul3A_321, %mul3A_322 : vector<16xf32>
      %mul3A_324 = arith.mulf %gather3A_317, %add3A_323 : vector<16xf32>
      %add3A_325 = arith.addf %add3A_295, %mul3A_324 : vector<16xf32>
      %mul3A_326 = arith.mulf %gather3A_315, %gather3A_320 : vector<16xf32>
      %mul3A_327 = arith.mulf %gather3A_316, %gather3A_319 : vector<16xf32>
      %sub3A_328 = arith.subf %mul3A_326, %mul3A_327 : vector<16xf32>
      %mul3A_329 = arith.mulf %gather3A_318, %sub3A_328 : vector<16xf32>
      %add3A_330 = arith.addf %add3A_325, %mul3A_329 : vector<16xf32>
      %mul3A_331 = arith.mulf %gather3A_315, %gather3A_315 : vector<16xf32>
      %mul3A_332 = arith.mulf %gather3A_316, %gather3A_316 : vector<16xf32>
      %add3A_333 = arith.addf %mul3A_331, %mul3A_332 : vector<16xf32>
      %mul3A_334 = arith.mulf %gather3A_317, %gather3A_317 : vector<16xf32>
      %add3A_335 = arith.addf %add3A_333, %mul3A_334 : vector<16xf32>
      %mul3A_336 = arith.mulf %gather3A_318, %gather3A_318 : vector<16xf32>
      %add3A_337 = arith.addf %add3A_335, %mul3A_336 : vector<16xf32>
      %mul3A_338 = arith.mulf %gather3A_319, %gather3A_319 : vector<16xf32>
      %add3A_339 = arith.addf %add3A_337, %mul3A_338 : vector<16xf32>
      %mul3A_340 = arith.mulf %gather3A_320, %gather3A_320 : vector<16xf32>
      %add3A_341 = arith.addf %add3A_339, %mul3A_340 : vector<16xf32>
      %add3A_342 = arith.addf %add3A_307, %add3A_341 : vector<16xf32>
      scf.yield %add3A_330, %add3A_342 : vector<16xf32>, vector<16xf32>
    }
    %scan3A_53 = arith.constant 128 : i32
    %mul3A_54 = arith.mulf %scan3A_52#0, %get3A_3 : vector<16xf32>
    %add3A_55 = arith.addf %mul3A_54, %get3A_7 : vector<16xf32>
    %neg3A = arith.constant 0.000000e+00 : f32
    %neg3A_56 = vector.broadcast %neg3A : f32 to vector<16xf32>
    %neg3A_57 = arith.subf %neg3A_56, %add3A_55 : vector<16xf32>
    %exp3A = math.exp %neg3A_57 : vector<16xf32>
    %add3A_58 = arith.constant 1.000000e+00 : f32
    %add3A_59 = vector.broadcast %add3A_58 : f32 to vector<16xf32>
    %add3A_60 = arith.addf %add3A_59, %exp3A : vector<16xf32>
    %div3A = arith.constant 1.000000e+00 : f32
    %div3A_61 = vector.broadcast %div3A : f32 to vector<16xf32>
    %div3A_62 = arith.divf %div3A_61, %add3A_60 : vector<16xf32>
    %get3A_63 = arith.constant 0 : index
    %get3A_64 = tpu.vector_load %arg21[%get3A_63] {strides = array<i32>} : memref<128xf32, #tpu.memory_space<vmem>>, vector<16xf32>,
    %sub3A = arith.subf %div3A_62, %get3A_64 : vector<16xf32>
    %mul3A_65 = arith.mulf %sub3A, %sub3A : vector<16xf32>
    %add3A_66 = arith.addf %broadcast_in_dim3A_8, %mul3A_65 : vector<16xf32>
    %add3A_67 = arith.constant 16 : i32
    %add3A_68 = vector.broadcast %add3A_67 : i32 to vector<16xi32>
    %add3A_69 = arith.addi %add3A_68, %iota3A : vector<16xi32>
    %scan3A_70 = arith.constant 0 : i32
    %scan3A_71 = arith.constant 128 : i32
    %scan3A_72 = arith.addi %scan3A_70, %scan3A_71 : i32
    %scan3A_73 = arith.constant 2 : i32
    %scan3A_74:2 = scf.for %scan3A_274 = %scan3A_70 to %scan3A_72 step %scan3A_73 iter_args(%scan3A_275 = %broadcast_in_dim3A_8, %scan3A_276 = %scan3A_52#1) -> (vector<16xf32>, vector<16xf32>)  : i32 {
      %add3A_277 = vector.broadcast %scan3A_274 : i32 to vector<16xi32>
      %add3A_278 = arith.addi %add3A_277, %iota3A : vector<16xi32>
      %and3A = arith.constant 127 : i32
      %and3A_279 = vector.broadcast %and3A : i32 to vector<16xi32>
      %and3A_280 = arith.andi %add3A_278, %and3A_279 : vector<16xi32>
      %gather3A = tpu.vector_load_idx %arg22[%add3A_69, %and3A_280] : memref<128x128xf32, #tpu.memory_space<vmem>>[vector<16xi32>, vector<16xi32>], vector<16xf32>,
      %gather3A_281 = tpu.vector_load_idx %arg23[%add3A_69, %and3A_280] : memref<128x128xf32, #tpu.memory_space<vmem>>[vector<16xi32>, vector<16xi32>], vector<16xf32>,
      %gather3A_282 = tpu.vector_load_idx %arg24[%add3A_69, %and3A_280] : memref<128x128xf32, #tpu.memory_space<vmem>>[vector<16xi32>, vector<16xi32>], vector<16xf32>,
      %gather3A_283 = tpu.vector_load_idx %arg25[%add3A_69, %and3A_280] : memref<128x128xf32, #tpu.memory_space<vmem>>[vector<16xi32>, vector<16xi32>], vector<16xf32>,
      %gather3A_284 = tpu.vector_load_idx %arg26[%add3A_69, %and3A_280] : memref<128x128xf32, #tpu.memory_space<vmem>>[vector<16xi32>, vector<16xi32>], vector<16xf32>,
      %gather3A_285 = tpu.vector_load_idx %arg27[%add3A_69, %and3A_280] : memref<128x128xf32, #tpu.memory_space<vmem>>[vector<16xi32>, vector<16xi32>], vector<16xf32>,
      %mul3A_286 = arith.mulf %gather3A, %gather3A_284 : vector<16xf32>
      %mul3A_287 = arith.mulf %gather3A_281, %gather3A_285 : vector<16xf32>
      %add3A_288 = arith.addf %mul3A_286, %mul3A_287 : vector<16xf32>
      %mul3A_289 = arith.mulf %gather3A_282, %add3A_288 : vector<16xf32>
      %add3A_290 = arith.addf %scan3A_275, %mul3A_289 : vector<16xf32>
      %mul3A_291 = arith.mulf %gather3A, %gather3A_285 : vector<16xf32>
      %mul3A_292 = arith.mulf %gather3A_281, %gather3A_284 : vector<16xf32>
      %sub3A_293 = arith.subf %mul3A_291, %mul3A_292 : vector<16xf32>
      %mul3A_294 = arith.mulf %gather3A_283, %sub3A_293 : vector<16xf32>
      %add3A_295 = arith.addf %add3A_290, %mul3A_294 : vector<16xf32>
      %mul3A_296 = arith.mulf %gather3A, %gather3A : vector<16xf32>
      %mul3A_297 = arith.mulf %gather3A_281, %gather3A_281 : vector<16xf32>
      %add3A_298 = arith.addf %mul3A_296, %mul3A_297 : vector<16xf32>
      %mul3A_299 = arith.mulf %gather3A_282, %gather3A_282 : vector<16xf32>
      %add3A_300 = arith.addf %add3A_298, %mul3A_299 : vector<16xf32>
      %mul3A_301 = arith.mulf %gather3A_283, %gather3A_283 : vector<16xf32>
      %add3A_302 = arith.addf %add3A_300, %mul3A_301 : vector<16xf32>
      %mul3A_303 = arith.mulf %gather3A_284, %gather3A_284 : vector<16xf32>
      %add3A_304 = arith.addf %add3A_302, %mul3A_303 : vector<16xf32>
      %mul3A_305 = arith.mulf %gather3A_285, %gather3A_285 : vector<16xf32>
      %add3A_306 = arith.addf %add3A_304, %mul3A_305 : vector<16xf32>
      %add3A_307 = arith.addf %scan3A_276, %add3A_306 : vector<16xf32>
      %scan3A_308 = arith.constant 1 : i32
      %scan3A_309 = arith.addi %scan3A_274, %scan3A_308 : i32
      %add3A_310 = vector.broadcast %scan3A_309 : i32 to vector<16xi32>
      %add3A_311 = arith.addi %add3A_310, %iota3A : vector<16xi32>
      %and3A_312 = arith.constant 127 : i32
      %and3A_313 = vector.broadcast %and3A_312 : i32 to vector<16xi32>
      %and3A_314 = arith.andi %add3A_311, %and3A_313 : vector<16xi32>
      %gather3A_315 = tpu.vector_load_idx %arg22[%add3A_69, %and3A_314] : memref<128x128xf32, #tpu.memory_space<vmem>>[vector<16xi32>, vector<16xi32>], vector<16xf32>,
      %gather3A_316 = tpu.vector_load_idx %arg23[%add3A_69, %and3A_314] : memref<128x128xf32, #tpu.memory_space<vmem>>[vector<16xi32>, vector<16xi32>], vector<16xf32>,
      %gather3A_317 = tpu.vector_load_idx %arg24[%add3A_69, %and3A_314] : memref<128x128xf32, #tpu.memory_space<vmem>>[vector<16xi32>, vector<16xi32>], vector<16xf32>,
      %gather3A_318 = tpu.vector_load_idx %arg25[%add3A_69, %and3A_314] : memref<128x128xf32, #tpu.memory_space<vmem>>[vector<16xi32>, vector<16xi32>], vector<16xf32>,
      %gather3A_319 = tpu.vector_load_idx %arg26[%add3A_69, %and3A_314] : memref<128x128xf32, #tpu.memory_space<vmem>>[vector<16xi32>, vector<16xi32>], vector<16xf32>,
      %gather3A_320 = tpu.vector_load_idx %arg27[%add3A_69, %and3A_314] : memref<128x128xf32, #tpu.memory_space<vmem>>[vector<16xi32>, vector<16xi32>], vector<16xf32>,
      %mul3A_321 = arith.mulf %gather3A_315, %gather3A_319 : vector<16xf32>
      %mul3A_322 = arith.mulf %gather3A_316, %gather3A_320 : vector<16xf32>
      %add3A_323 = arith.addf %mul3A_321, %mul3A_322 : vector<16xf32>
      %mul3A_324 = arith.mulf %gather3A_317, %add3A_323 : vector<16xf32>
      %add3A_325 = arith.addf %add3A_295, %mul3A_324 : vector<16xf32>
      %mul3A_326 = arith.mulf %gather3A_315, %gather3A_320 : vector<16xf32>
      %mul3A_327 = arith.mulf %gather3A_316, %gather3A_319 : vector<16xf32>
      %sub3A_328 = arith.subf %mul3A_326, %mul3A_327 : vector<16xf32>
      %mul3A_329 = arith.mulf %gather3A_318, %sub3A_328 : vector<16xf32>
      %add3A_330 = arith.addf %add3A_325, %mul3A_329 : vector<16xf32>
      %mul3A_331 = arith.mulf %gather3A_315, %gather3A_315 : vector<16xf32>
      %mul3A_332 = arith.mulf %gather3A_316, %gather3A_316 : vector<16xf32>
      %add3A_333 = arith.addf %mul3A_331, %mul3A_332 : vector<16xf32>
      %mul3A_334 = arith.mulf %gather3A_317, %gather3A_317 : vector<16xf32>
      %add3A_335 = arith.addf %add3A_333, %mul3A_334 : vector<16xf32>
      %mul3A_336 = arith.mulf %gather3A_318, %gather3A_318 : vector<16xf32>
      %add3A_337 = arith.addf %add3A_335, %mul3A_336 : vector<16xf32>
      %mul3A_338 = arith.mulf %gather3A_319, %gather3A_319 : vector<16xf32>
      %add3A_339 = arith.addf %add3A_337, %mul3A_338 : vector<16xf32>
      %mul3A_340 = arith.mulf %gather3A_320, %gather3A_320 : vector<16xf32>
      %add3A_341 = arith.addf %add3A_339, %mul3A_340 : vector<16xf32>
      %add3A_342 = arith.addf %add3A_307, %add3A_341 : vector<16xf32>
      scf.yield %add3A_330, %add3A_342 : vector<16xf32>, vector<16xf32>
    }
    %scan3A_75 = arith.constant 128 : i32
    %mul3A_76 = arith.mulf %scan3A_74#0, %get3A_3 : vector<16xf32>
    %add3A_77 = arith.addf %mul3A_76, %get3A_7 : vector<16xf32>
    %neg3A_78 = arith.constant 0.000000e+00 : f32
    %neg3A_79 = vector.broadcast %neg3A_78 : f32 to vector<16xf32>
    %neg3A_80 = arith.subf %neg3A_79, %add3A_77 : vector<16xf32>
    %exp3A_81 = math.exp %neg3A_80 : vector<16xf32>
    %add3A_82 = arith.constant 1.000000e+00 : f32
    %add3A_83 = vector.broadcast %add3A_82 : f32 to vector<16xf32>
    %add3A_84 = arith.addf %add3A_83, %exp3A_81 : vector<16xf32>
    %div3A_85 = arith.constant 1.000000e+00 : f32
    %div3A_86 = vector.broadcast %div3A_85 : f32 to vector<16xf32>
    %div3A_87 = arith.divf %div3A_86, %add3A_84 : vector<16xf32>
    %get3A_88 = arith.constant 16 : index
    %get3A_89 = tpu.vector_load %arg21[%get3A_88] {strides = array<i32>} : memref<128xf32, #tpu.memory_space<vmem>>, vector<16xf32>,
    %sub3A_90 = arith.subf %div3A_87, %get3A_89 : vector<16xf32>
    %mul3A_91 = arith.mulf %sub3A_90, %sub3A_90 : vector<16xf32>
    %add3A_92 = arith.addf %add3A_66, %mul3A_91 : vector<16xf32>
    %add3A_93 = arith.constant 32 : i32
    %add3A_94 = vector.broadcast %add3A_93 : i32 to vector<16xi32>
    %add3A_95 = arith.addi %add3A_94, %iota3A : vector<16xi32>
    %scan3A_96 = arith.constant 0 : i32
    %scan3A_97 = arith.constant 128 : i32
    %scan3A_98 = arith.addi %scan3A_96, %scan3A_97 : i32
    %scan3A_99 = arith.constant 2 : i32
    %scan3A_100:2 = scf.for %scan3A_274 = %scan3A_96 to %scan3A_98 step %scan3A_99 iter_args(%scan3A_275 = %broadcast_in_dim3A_8, %scan3A_276 = %scan3A_74#1) -> (vector<16xf32>, vector<16xf32>)  : i32 {
      %add3A_277 = vector.broadcast %scan3A_274 : i32 to vector<16xi32>
      %add3A_278 = arith.addi %add3A_277, %iota3A : vector<16xi32>
      %and3A = arith.constant 127 : i32
      %and3A_279 = vector.broadcast %and3A : i32 to vector<16xi32>
      %and3A_280 = arith.andi %add3A_278, %and3A_279 : vector<16xi32>
      %gather3A = tpu.vector_load_idx %arg22[%add3A_95, %and3A_280] : memref<128x128xf32, #tpu.memory_space<vmem>>[vector<16xi32>, vector<16xi32>], vector<16xf32>,
      %gather3A_281 = tpu.vector_load_idx %arg23[%add3A_95, %and3A_280] : memref<128x128xf32, #tpu.memory_space<vmem>>[vector<16xi32>, vector<16xi32>], vector<16xf32>,
      %gather3A_282 = tpu.vector_load_idx %arg24[%add3A_95, %and3A_280] : memref<128x128xf32, #tpu.memory_space<vmem>>[vector<16xi32>, vector<16xi32>], vector<16xf32>,
      %gather3A_283 = tpu.vector_load_idx %arg25[%add3A_95, %and3A_280] : memref<128x128xf32, #tpu.memory_space<vmem>>[vector<16xi32>, vector<16xi32>], vector<16xf32>,
      %gather3A_284 = tpu.vector_load_idx %arg26[%add3A_95, %and3A_280] : memref<128x128xf32, #tpu.memory_space<vmem>>[vector<16xi32>, vector<16xi32>], vector<16xf32>,
      %gather3A_285 = tpu.vector_load_idx %arg27[%add3A_95, %and3A_280] : memref<128x128xf32, #tpu.memory_space<vmem>>[vector<16xi32>, vector<16xi32>], vector<16xf32>,
      %mul3A_286 = arith.mulf %gather3A, %gather3A_284 : vector<16xf32>
      %mul3A_287 = arith.mulf %gather3A_281, %gather3A_285 : vector<16xf32>
      %add3A_288 = arith.addf %mul3A_286, %mul3A_287 : vector<16xf32>
      %mul3A_289 = arith.mulf %gather3A_282, %add3A_288 : vector<16xf32>
      %add3A_290 = arith.addf %scan3A_275, %mul3A_289 : vector<16xf32>
      %mul3A_291 = arith.mulf %gather3A, %gather3A_285 : vector<16xf32>
      %mul3A_292 = arith.mulf %gather3A_281, %gather3A_284 : vector<16xf32>
      %sub3A_293 = arith.subf %mul3A_291, %mul3A_292 : vector<16xf32>
      %mul3A_294 = arith.mulf %gather3A_283, %sub3A_293 : vector<16xf32>
      %add3A_295 = arith.addf %add3A_290, %mul3A_294 : vector<16xf32>
      %mul3A_296 = arith.mulf %gather3A, %gather3A : vector<16xf32>
      %mul3A_297 = arith.mulf %gather3A_281, %gather3A_281 : vector<16xf32>
      %add3A_298 = arith.addf %mul3A_296, %mul3A_297 : vector<16xf32>
      %mul3A_299 = arith.mulf %gather3A_282, %gather3A_282 : vector<16xf32>
      %add3A_300 = arith.addf %add3A_298, %mul3A_299 : vector<16xf32>
      %mul3A_301 = arith.mulf %gather3A_283, %gather3A_283 : vector<16xf32>
      %add3A_302 = arith.addf %add3A_300, %mul3A_301 : vector<16xf32>
      %mul3A_303 = arith.mulf %gather3A_284, %gather3A_284 : vector<16xf32>
      %add3A_304 = arith.addf %add3A_302, %mul3A_303 : vector<16xf32>
      %mul3A_305 = arith.mulf %gather3A_285, %gather3A_285 : vector<16xf32>
      %add3A_306 = arith.addf %add3A_304, %mul3A_305 : vector<16xf32>
      %add3A_307 = arith.addf %scan3A_276, %add3A_306 : vector<16xf32>
      %scan3A_308 = arith.constant 1 : i32
      %scan3A_309 = arith.addi %scan3A_274, %scan3A_308 : i32
      %add3A_310 = vector.broadcast %scan3A_309 : i32 to vector<16xi32>
      %add3A_311 = arith.addi %add3A_310, %iota3A : vector<16xi32>
      %and3A_312 = arith.constant 127 : i32
      %and3A_313 = vector.broadcast %and3A_312 : i32 to vector<16xi32>
      %and3A_314 = arith.andi %add3A_311, %and3A_313 : vector<16xi32>
      %gather3A_315 = tpu.vector_load_idx %arg22[%add3A_95, %and3A_314] : memref<128x128xf32, #tpu.memory_space<vmem>>[vector<16xi32>, vector<16xi32>], vector<16xf32>,
      %gather3A_316 = tpu.vector_load_idx %arg23[%add3A_95, %and3A_314] : memref<128x128xf32, #tpu.memory_space<vmem>>[vector<16xi32>, vector<16xi32>], vector<16xf32>,
      %gather3A_317 = tpu.vector_load_idx %arg24[%add3A_95, %and3A_314] : memref<128x128xf32, #tpu.memory_space<vmem>>[vector<16xi32>, vector<16xi32>], vector<16xf32>,
      %gather3A_318 = tpu.vector_load_idx %arg25[%add3A_95, %and3A_314] : memref<128x128xf32, #tpu.memory_space<vmem>>[vector<16xi32>, vector<16xi32>], vector<16xf32>,
      %gather3A_319 = tpu.vector_load_idx %arg26[%add3A_95, %and3A_314] : memref<128x128xf32, #tpu.memory_space<vmem>>[vector<16xi32>, vector<16xi32>], vector<16xf32>,
      %gather3A_320 = tpu.vector_load_idx %arg27[%add3A_95, %and3A_314] : memref<128x128xf32, #tpu.memory_space<vmem>>[vector<16xi32>, vector<16xi32>], vector<16xf32>,
      %mul3A_321 = arith.mulf %gather3A_315, %gather3A_319 : vector<16xf32>
      %mul3A_322 = arith.mulf %gather3A_316, %gather3A_320 : vector<16xf32>
      %add3A_323 = arith.addf %mul3A_321, %mul3A_322 : vector<16xf32>
      %mul3A_324 = arith.mulf %gather3A_317, %add3A_323 : vector<16xf32>
      %add3A_325 = arith.addf %add3A_295, %mul3A_324 : vector<16xf32>
      %mul3A_326 = arith.mulf %gather3A_315, %gather3A_320 : vector<16xf32>
      %mul3A_327 = arith.mulf %gather3A_316, %gather3A_319 : vector<16xf32>
      %sub3A_328 = arith.subf %mul3A_326, %mul3A_327 : vector<16xf32>
      %mul3A_329 = arith.mulf %gather3A_318, %sub3A_328 : vector<16xf32>
      %add3A_330 = arith.addf %add3A_325, %mul3A_329 : vector<16xf32>
      %mul3A_331 = arith.mulf %gather3A_315, %gather3A_315 : vector<16xf32>
      %mul3A_332 = arith.mulf %gather3A_316, %gather3A_316 : vector<16xf32>
      %add3A_333 = arith.addf %mul3A_331, %mul3A_332 : vector<16xf32>
      %mul3A_334 = arith.mulf %gather3A_317, %gather3A_317 : vector<16xf32>
      %add3A_335 = arith.addf %add3A_333, %mul3A_334 : vector<16xf32>
      %mul3A_336 = arith.mulf %gather3A_318, %gather3A_318 : vector<16xf32>
      %add3A_337 = arith.addf %add3A_335, %mul3A_336 : vector<16xf32>
      %mul3A_338 = arith.mulf %gather3A_319, %gather3A_319 : vector<16xf32>
      %add3A_339 = arith.addf %add3A_337, %mul3A_338 : vector<16xf32>
      %mul3A_340 = arith.mulf %gather3A_320, %gather3A_320 : vector<16xf32>
      %add3A_341 = arith.addf %add3A_339, %mul3A_340 : vector<16xf32>
      %add3A_342 = arith.addf %add3A_307, %add3A_341 : vector<16xf32>
      scf.yield %add3A_330, %add3A_342 : vector<16xf32>, vector<16xf32>
    }
    %scan3A_101 = arith.constant 128 : i32
    %mul3A_102 = arith.mulf %scan3A_100#0, %get3A_3 : vector<16xf32>
    %add3A_103 = arith.addf %mul3A_102, %get3A_7 : vector<16xf32>
    %neg3A_104 = arith.constant 0.000000e+00 : f32
    %neg3A_105 = vector.broadcast %neg3A_104 : f32 to vector<16xf32>
    %neg3A_106 = arith.subf %neg3A_105, %add3A_103 : vector<16xf32>
    %exp3A_107 = math.exp %neg3A_106 : vector<16xf32>
    %add3A_108 = arith.constant 1.000000e+00 : f32
    %add3A_109 = vector.broadcast %add3A_108 : f32 to vector<16xf32>
    %add3A_110 = arith.addf %add3A_109, %exp3A_107 : vector<16xf32>
    %div3A_111 = arith.constant 1.000000e+00 : f32
    %div3A_112 = vector.broadcast %div3A_111 : f32 to vector<16xf32>
    %div3A_113 = arith.divf %div3A_112, %add3A_110 : vector<16xf32>
    %get3A_114 = arith.constant 32 : index
    %get3A_115 = tpu.vector_load %arg21[%get3A_114] {strides = array<i32>} : memref<128xf32, #tpu.memory_space<vmem>>, vector<16xf32>,
    %sub3A_116 = arith.subf %div3A_113, %get3A_115 : vector<16xf32>
    %mul3A_117 = arith.mulf %sub3A_116, %sub3A_116 : vector<16xf32>
    %add3A_118 = arith.addf %add3A_92, %mul3A_117 : vector<16xf32>
    %add3A_119 = arith.constant 48 : i32
    %add3A_120 = vector.broadcast %add3A_119 : i32 to vector<16xi32>
    %add3A_121 = arith.addi %add3A_120, %iota3A : vector<16xi32>
    %scan3A_122 = arith.constant 0 : i32
    %scan3A_123 = arith.constant 128 : i32
    %scan3A_124 = arith.addi %scan3A_122, %scan3A_123 : i32
    %scan3A_125 = arith.constant 2 : i32
    %scan3A_126:2 = scf.for %scan3A_274 = %scan3A_122 to %scan3A_124 step %scan3A_125 iter_args(%scan3A_275 = %broadcast_in_dim3A_8, %scan3A_276 = %scan3A_100#1) -> (vector<16xf32>, vector<16xf32>)  : i32 {
      %add3A_277 = vector.broadcast %scan3A_274 : i32 to vector<16xi32>
      %add3A_278 = arith.addi %add3A_277, %iota3A : vector<16xi32>
      %and3A = arith.constant 127 : i32
      %and3A_279 = vector.broadcast %and3A : i32 to vector<16xi32>
      %and3A_280 = arith.andi %add3A_278, %and3A_279 : vector<16xi32>
      %gather3A = tpu.vector_load_idx %arg22[%add3A_121, %and3A_280] : memref<128x128xf32, #tpu.memory_space<vmem>>[vector<16xi32>, vector<16xi32>], vector<16xf32>,
      %gather3A_281 = tpu.vector_load_idx %arg23[%add3A_121, %and3A_280] : memref<128x128xf32, #tpu.memory_space<vmem>>[vector<16xi32>, vector<16xi32>], vector<16xf32>,
      %gather3A_282 = tpu.vector_load_idx %arg24[%add3A_121, %and3A_280] : memref<128x128xf32, #tpu.memory_space<vmem>>[vector<16xi32>, vector<16xi32>], vector<16xf32>,
      %gather3A_283 = tpu.vector_load_idx %arg25[%add3A_121, %and3A_280] : memref<128x128xf32, #tpu.memory_space<vmem>>[vector<16xi32>, vector<16xi32>], vector<16xf32>,
      %gather3A_284 = tpu.vector_load_idx %arg26[%add3A_121, %and3A_280] : memref<128x128xf32, #tpu.memory_space<vmem>>[vector<16xi32>, vector<16xi32>], vector<16xf32>,
      %gather3A_285 = tpu.vector_load_idx %arg27[%add3A_121, %and3A_280] : memref<128x128xf32, #tpu.memory_space<vmem>>[vector<16xi32>, vector<16xi32>], vector<16xf32>,
      %mul3A_286 = arith.mulf %gather3A, %gather3A_284 : vector<16xf32>
      %mul3A_287 = arith.mulf %gather3A_281, %gather3A_285 : vector<16xf32>
      %add3A_288 = arith.addf %mul3A_286, %mul3A_287 : vector<16xf32>
      %mul3A_289 = arith.mulf %gather3A_282, %add3A_288 : vector<16xf32>
      %add3A_290 = arith.addf %scan3A_275, %mul3A_289 : vector<16xf32>
      %mul3A_291 = arith.mulf %gather3A, %gather3A_285 : vector<16xf32>
      %mul3A_292 = arith.mulf %gather3A_281, %gather3A_284 : vector<16xf32>
      %sub3A_293 = arith.subf %mul3A_291, %mul3A_292 : vector<16xf32>
      %mul3A_294 = arith.mulf %gather3A_283, %sub3A_293 : vector<16xf32>
      %add3A_295 = arith.addf %add3A_290, %mul3A_294 : vector<16xf32>
      %mul3A_296 = arith.mulf %gather3A, %gather3A : vector<16xf32>
      %mul3A_297 = arith.mulf %gather3A_281, %gather3A_281 : vector<16xf32>
      %add3A_298 = arith.addf %mul3A_296, %mul3A_297 : vector<16xf32>
      %mul3A_299 = arith.mulf %gather3A_282, %gather3A_282 : vector<16xf32>
      %add3A_300 = arith.addf %add3A_298, %mul3A_299 : vector<16xf32>
      %mul3A_301 = arith.mulf %gather3A_283, %gather3A_283 : vector<16xf32>
      %add3A_302 = arith.addf %add3A_300, %mul3A_301 : vector<16xf32>
      %mul3A_303 = arith.mulf %gather3A_284, %gather3A_284 : vector<16xf32>
      %add3A_304 = arith.addf %add3A_302, %mul3A_303 : vector<16xf32>
      %mul3A_305 = arith.mulf %gather3A_285, %gather3A_285 : vector<16xf32>
      %add3A_306 = arith.addf %add3A_304, %mul3A_305 : vector<16xf32>
      %add3A_307 = arith.addf %scan3A_276, %add3A_306 : vector<16xf32>
      %scan3A_308 = arith.constant 1 : i32
      %scan3A_309 = arith.addi %scan3A_274, %scan3A_308 : i32
      %add3A_310 = vector.broadcast %scan3A_309 : i32 to vector<16xi32>
      %add3A_311 = arith.addi %add3A_310, %iota3A : vector<16xi32>
      %and3A_312 = arith.constant 127 : i32
      %and3A_313 = vector.broadcast %and3A_312 : i32 to vector<16xi32>
      %and3A_314 = arith.andi %add3A_311, %and3A_313 : vector<16xi32>
      %gather3A_315 = tpu.vector_load_idx %arg22[%add3A_121, %and3A_314] : memref<128x128xf32, #tpu.memory_space<vmem>>[vector<16xi32>, vector<16xi32>], vector<16xf32>,
      %gather3A_316 = tpu.vector_load_idx %arg23[%add3A_121, %and3A_314] : memref<128x128xf32, #tpu.memory_space<vmem>>[vector<16xi32>, vector<16xi32>], vector<16xf32>,
      %gather3A_317 = tpu.vector_load_idx %arg24[%add3A_121, %and3A_314] : memref<128x128xf32, #tpu.memory_space<vmem>>[vector<16xi32>, vector<16xi32>], vector<16xf32>,
      %gather3A_318 = tpu.vector_load_idx %arg25[%add3A_121, %and3A_314] : memref<128x128xf32, #tpu.memory_space<vmem>>[vector<16xi32>, vector<16xi32>], vector<16xf32>,
      %gather3A_319 = tpu.vector_load_idx %arg26[%add3A_121, %and3A_314] : memref<128x128xf32, #tpu.memory_space<vmem>>[vector<16xi32>, vector<16xi32>], vector<16xf32>,
      %gather3A_320 = tpu.vector_load_idx %arg27[%add3A_121, %and3A_314] : memref<128x128xf32, #tpu.memory_space<vmem>>[vector<16xi32>, vector<16xi32>], vector<16xf32>,
      %mul3A_321 = arith.mulf %gather3A_315, %gather3A_319 : vector<16xf32>
      %mul3A_322 = arith.mulf %gather3A_316, %gather3A_320 : vector<16xf32>
      %add3A_323 = arith.addf %mul3A_321, %mul3A_322 : vector<16xf32>
      %mul3A_324 = arith.mulf %gather3A_317, %add3A_323 : vector<16xf32>
      %add3A_325 = arith.addf %add3A_295, %mul3A_324 : vector<16xf32>
      %mul3A_326 = arith.mulf %gather3A_315, %gather3A_320 : vector<16xf32>
      %mul3A_327 = arith.mulf %gather3A_316, %gather3A_319 : vector<16xf32>
      %sub3A_328 = arith.subf %mul3A_326, %mul3A_327 : vector<16xf32>
      %mul3A_329 = arith.mulf %gather3A_318, %sub3A_328 : vector<16xf32>
      %add3A_330 = arith.addf %add3A_325, %mul3A_329 : vector<16xf32>
      %mul3A_331 = arith.mulf %gather3A_315, %gather3A_315 : vector<16xf32>
      %mul3A_332 = arith.mulf %gather3A_316, %gather3A_316 : vector<16xf32>
      %add3A_333 = arith.addf %mul3A_331, %mul3A_332 : vector<16xf32>
      %mul3A_334 = arith.mulf %gather3A_317, %gather3A_317 : vector<16xf32>
      %add3A_335 = arith.addf %add3A_333, %mul3A_334 : vector<16xf32>
      %mul3A_336 = arith.mulf %gather3A_318, %gather3A_318 : vector<16xf32>
      %add3A_337 = arith.addf %add3A_335, %mul3A_336 : vector<16xf32>
      %mul3A_338 = arith.mulf %gather3A_319, %gather3A_319 : vector<16xf32>
      %add3A_339 = arith.addf %add3A_337, %mul3A_338 : vector<16xf32>
      %mul3A_340 = arith.mulf %gather3A_320, %gather3A_320 : vector<16xf32>
      %add3A_341 = arith.addf %add3A_339, %mul3A_340 : vector<16xf32>
      %add3A_342 = arith.addf %add3A_307, %add3A_341 : vector<16xf32>
      scf.yield %add3A_330, %add3A_342 : vector<16xf32>, vector<16xf32>
    }
    %scan3A_127 = arith.constant 128 : i32
    %mul3A_128 = arith.mulf %scan3A_126#0, %get3A_3 : vector<16xf32>
    %add3A_129 = arith.addf %mul3A_128, %get3A_7 : vector<16xf32>
    %neg3A_130 = arith.constant 0.000000e+00 : f32
    %neg3A_131 = vector.broadcast %neg3A_130 : f32 to vector<16xf32>
    %neg3A_132 = arith.subf %neg3A_131, %add3A_129 : vector<16xf32>
    %exp3A_133 = math.exp %neg3A_132 : vector<16xf32>
    %add3A_134 = arith.constant 1.000000e+00 : f32
    %add3A_135 = vector.broadcast %add3A_134 : f32 to vector<16xf32>
    %add3A_136 = arith.addf %add3A_135, %exp3A_133 : vector<16xf32>
    %div3A_137 = arith.constant 1.000000e+00 : f32
    %div3A_138 = vector.broadcast %div3A_137 : f32 to vector<16xf32>
    %div3A_139 = arith.divf %div3A_138, %add3A_136 : vector<16xf32>
    %get3A_140 = arith.constant 48 : index
    %get3A_141 = tpu.vector_load %arg21[%get3A_140] {strides = array<i32>} : memref<128xf32, #tpu.memory_space<vmem>>, vector<16xf32>,
    %sub3A_142 = arith.subf %div3A_139, %get3A_141 : vector<16xf32>
    %mul3A_143 = arith.mulf %sub3A_142, %sub3A_142 : vector<16xf32>
    %add3A_144 = arith.addf %add3A_118, %mul3A_143 : vector<16xf32>
    %add3A_145 = arith.constant 64 : i32
    %add3A_146 = vector.broadcast %add3A_145 : i32 to vector<16xi32>
    %add3A_147 = arith.addi %add3A_146, %iota3A : vector<16xi32>
    %scan3A_148 = arith.constant 0 : i32
    %scan3A_149 = arith.constant 128 : i32
    %scan3A_150 = arith.addi %scan3A_148, %scan3A_149 : i32
    %scan3A_151 = arith.constant 2 : i32
    %scan3A_152:2 = scf.for %scan3A_274 = %scan3A_148 to %scan3A_150 step %scan3A_151 iter_args(%scan3A_275 = %broadcast_in_dim3A_8, %scan3A_276 = %scan3A_126#1) -> (vector<16xf32>, vector<16xf32>)  : i32 {
      %add3A_277 = vector.broadcast %scan3A_274 : i32 to vector<16xi32>
      %add3A_278 = arith.addi %add3A_277, %iota3A : vector<16xi32>
      %and3A = arith.constant 127 : i32
      %and3A_279 = vector.broadcast %and3A : i32 to vector<16xi32>
      %and3A_280 = arith.andi %add3A_278, %and3A_279 : vector<16xi32>
      %gather3A = tpu.vector_load_idx %arg22[%add3A_147, %and3A_280] : memref<128x128xf32, #tpu.memory_space<vmem>>[vector<16xi32>, vector<16xi32>], vector<16xf32>,
      %gather3A_281 = tpu.vector_load_idx %arg23[%add3A_147, %and3A_280] : memref<128x128xf32, #tpu.memory_space<vmem>>[vector<16xi32>, vector<16xi32>], vector<16xf32>,
      %gather3A_282 = tpu.vector_load_idx %arg24[%add3A_147, %and3A_280] : memref<128x128xf32, #tpu.memory_space<vmem>>[vector<16xi32>, vector<16xi32>], vector<16xf32>,
      %gather3A_283 = tpu.vector_load_idx %arg25[%add3A_147, %and3A_280] : memref<128x128xf32, #tpu.memory_space<vmem>>[vector<16xi32>, vector<16xi32>], vector<16xf32>,
      %gather3A_284 = tpu.vector_load_idx %arg26[%add3A_147, %and3A_280] : memref<128x128xf32, #tpu.memory_space<vmem>>[vector<16xi32>, vector<16xi32>], vector<16xf32>,
      %gather3A_285 = tpu.vector_load_idx %arg27[%add3A_147, %and3A_280] : memref<128x128xf32, #tpu.memory_space<vmem>>[vector<16xi32>, vector<16xi32>], vector<16xf32>,
      %mul3A_286 = arith.mulf %gather3A, %gather3A_284 : vector<16xf32>
      %mul3A_287 = arith.mulf %gather3A_281, %gather3A_285 : vector<16xf32>
      %add3A_288 = arith.addf %mul3A_286, %mul3A_287 : vector<16xf32>
      %mul3A_289 = arith.mulf %gather3A_282, %add3A_288 : vector<16xf32>
      %add3A_290 = arith.addf %scan3A_275, %mul3A_289 : vector<16xf32>
      %mul3A_291 = arith.mulf %gather3A, %gather3A_285 : vector<16xf32>
      %mul3A_292 = arith.mulf %gather3A_281, %gather3A_284 : vector<16xf32>
      %sub3A_293 = arith.subf %mul3A_291, %mul3A_292 : vector<16xf32>
      %mul3A_294 = arith.mulf %gather3A_283, %sub3A_293 : vector<16xf32>
      %add3A_295 = arith.addf %add3A_290, %mul3A_294 : vector<16xf32>
      %mul3A_296 = arith.mulf %gather3A, %gather3A : vector<16xf32>
      %mul3A_297 = arith.mulf %gather3A_281, %gather3A_281 : vector<16xf32>
      %add3A_298 = arith.addf %mul3A_296, %mul3A_297 : vector<16xf32>
      %mul3A_299 = arith.mulf %gather3A_282, %gather3A_282 : vector<16xf32>
      %add3A_300 = arith.addf %add3A_298, %mul3A_299 : vector<16xf32>
      %mul3A_301 = arith.mulf %gather3A_283, %gather3A_283 : vector<16xf32>
      %add3A_302 = arith.addf %add3A_300, %mul3A_301 : vector<16xf32>
      %mul3A_303 = arith.mulf %gather3A_284, %gather3A_284 : vector<16xf32>
      %add3A_304 = arith.addf %add3A_302, %mul3A_303 : vector<16xf32>
      %mul3A_305 = arith.mulf %gather3A_285, %gather3A_285 : vector<16xf32>
      %add3A_306 = arith.addf %add3A_304, %mul3A_305 : vector<16xf32>
      %add3A_307 = arith.addf %scan3A_276, %add3A_306 : vector<16xf32>
      %scan3A_308 = arith.constant 1 : i32
      %scan3A_309 = arith.addi %scan3A_274, %scan3A_308 : i32
      %add3A_310 = vector.broadcast %scan3A_309 : i32 to vector<16xi32>
      %add3A_311 = arith.addi %add3A_310, %iota3A : vector<16xi32>
      %and3A_312 = arith.constant 127 : i32
      %and3A_313 = vector.broadcast %and3A_312 : i32 to vector<16xi32>
      %and3A_314 = arith.andi %add3A_311, %and3A_313 : vector<16xi32>
      %gather3A_315 = tpu.vector_load_idx %arg22[%add3A_147, %and3A_314] : memref<128x128xf32, #tpu.memory_space<vmem>>[vector<16xi32>, vector<16xi32>], vector<16xf32>,
      %gather3A_316 = tpu.vector_load_idx %arg23[%add3A_147, %and3A_314] : memref<128x128xf32, #tpu.memory_space<vmem>>[vector<16xi32>, vector<16xi32>], vector<16xf32>,
      %gather3A_317 = tpu.vector_load_idx %arg24[%add3A_147, %and3A_314] : memref<128x128xf32, #tpu.memory_space<vmem>>[vector<16xi32>, vector<16xi32>], vector<16xf32>,
      %gather3A_318 = tpu.vector_load_idx %arg25[%add3A_147, %and3A_314] : memref<128x128xf32, #tpu.memory_space<vmem>>[vector<16xi32>, vector<16xi32>], vector<16xf32>,
      %gather3A_319 = tpu.vector_load_idx %arg26[%add3A_147, %and3A_314] : memref<128x128xf32, #tpu.memory_space<vmem>>[vector<16xi32>, vector<16xi32>], vector<16xf32>,
      %gather3A_320 = tpu.vector_load_idx %arg27[%add3A_147, %and3A_314] : memref<128x128xf32, #tpu.memory_space<vmem>>[vector<16xi32>, vector<16xi32>], vector<16xf32>,
      %mul3A_321 = arith.mulf %gather3A_315, %gather3A_319 : vector<16xf32>
      %mul3A_322 = arith.mulf %gather3A_316, %gather3A_320 : vector<16xf32>
      %add3A_323 = arith.addf %mul3A_321, %mul3A_322 : vector<16xf32>
      %mul3A_324 = arith.mulf %gather3A_317, %add3A_323 : vector<16xf32>
      %add3A_325 = arith.addf %add3A_295, %mul3A_324 : vector<16xf32>
      %mul3A_326 = arith.mulf %gather3A_315, %gather3A_320 : vector<16xf32>
      %mul3A_327 = arith.mulf %gather3A_316, %gather3A_319 : vector<16xf32>
      %sub3A_328 = arith.subf %mul3A_326, %mul3A_327 : vector<16xf32>
      %mul3A_329 = arith.mulf %gather3A_318, %sub3A_328 : vector<16xf32>
      %add3A_330 = arith.addf %add3A_325, %mul3A_329 : vector<16xf32>
      %mul3A_331 = arith.mulf %gather3A_315, %gather3A_315 : vector<16xf32>
      %mul3A_332 = arith.mulf %gather3A_316, %gather3A_316 : vector<16xf32>
      %add3A_333 = arith.addf %mul3A_331, %mul3A_332 : vector<16xf32>
      %mul3A_334 = arith.mulf %gather3A_317, %gather3A_317 : vector<16xf32>
      %add3A_335 = arith.addf %add3A_333, %mul3A_334 : vector<16xf32>
      %mul3A_336 = arith.mulf %gather3A_318, %gather3A_318 : vector<16xf32>
      %add3A_337 = arith.addf %add3A_335, %mul3A_336 : vector<16xf32>
      %mul3A_338 = arith.mulf %gather3A_319, %gather3A_319 : vector<16xf32>
      %add3A_339 = arith.addf %add3A_337, %mul3A_338 : vector<16xf32>
      %mul3A_340 = arith.mulf %gather3A_320, %gather3A_320 : vector<16xf32>
      %add3A_341 = arith.addf %add3A_339, %mul3A_340 : vector<16xf32>
      %add3A_342 = arith.addf %add3A_307, %add3A_341 : vector<16xf32>
      scf.yield %add3A_330, %add3A_342 : vector<16xf32>, vector<16xf32>
    }
    %scan3A_153 = arith.constant 128 : i32
    %mul3A_154 = arith.mulf %scan3A_152#0, %get3A_3 : vector<16xf32>
    %add3A_155 = arith.addf %mul3A_154, %get3A_7 : vector<16xf32>
    %neg3A_156 = arith.constant 0.000000e+00 : f32
    %neg3A_157 = vector.broadcast %neg3A_156 : f32 to vector<16xf32>
    %neg3A_158 = arith.subf %neg3A_157, %add3A_155 : vector<16xf32>
    %exp3A_159 = math.exp %neg3A_158 : vector<16xf32>
    %add3A_160 = arith.constant 1.000000e+00 : f32
    %add3A_161 = vector.broadcast %add3A_160 : f32 to vector<16xf32>
    %add3A_162 = arith.addf %add3A_161, %exp3A_159 : vector<16xf32>
    %div3A_163 = arith.constant 1.000000e+00 : f32
    %div3A_164 = vector.broadcast %div3A_163 : f32 to vector<16xf32>
    %div3A_165 = arith.divf %div3A_164, %add3A_162 : vector<16xf32>
    %get3A_166 = arith.constant 64 : index
    %get3A_167 = tpu.vector_load %arg21[%get3A_166] {strides = array<i32>} : memref<128xf32, #tpu.memory_space<vmem>>, vector<16xf32>,
    %sub3A_168 = arith.subf %div3A_165, %get3A_167 : vector<16xf32>
    %mul3A_169 = arith.mulf %sub3A_168, %sub3A_168 : vector<16xf32>
    %add3A_170 = arith.addf %add3A_144, %mul3A_169 : vector<16xf32>
    %add3A_171 = arith.constant 80 : i32
    %add3A_172 = vector.broadcast %add3A_171 : i32 to vector<16xi32>
    %add3A_173 = arith.addi %add3A_172, %iota3A : vector<16xi32>
    %scan3A_174 = arith.constant 0 : i32
    %scan3A_175 = arith.constant 128 : i32
    %scan3A_176 = arith.addi %scan3A_174, %scan3A_175 : i32
    %scan3A_177 = arith.constant 2 : i32
    %scan3A_178:2 = scf.for %scan3A_274 = %scan3A_174 to %scan3A_176 step %scan3A_177 iter_args(%scan3A_275 = %broadcast_in_dim3A_8, %scan3A_276 = %scan3A_152#1) -> (vector<16xf32>, vector<16xf32>)  : i32 {
      %add3A_277 = vector.broadcast %scan3A_274 : i32 to vector<16xi32>
      %add3A_278 = arith.addi %add3A_277, %iota3A : vector<16xi32>
      %and3A = arith.constant 127 : i32
      %and3A_279 = vector.broadcast %and3A : i32 to vector<16xi32>
      %and3A_280 = arith.andi %add3A_278, %and3A_279 : vector<16xi32>
      %gather3A = tpu.vector_load_idx %arg22[%add3A_173, %and3A_280] : memref<128x128xf32, #tpu.memory_space<vmem>>[vector<16xi32>, vector<16xi32>], vector<16xf32>,
      %gather3A_281 = tpu.vector_load_idx %arg23[%add3A_173, %and3A_280] : memref<128x128xf32, #tpu.memory_space<vmem>>[vector<16xi32>, vector<16xi32>], vector<16xf32>,
      %gather3A_282 = tpu.vector_load_idx %arg24[%add3A_173, %and3A_280] : memref<128x128xf32, #tpu.memory_space<vmem>>[vector<16xi32>, vector<16xi32>], vector<16xf32>,
      %gather3A_283 = tpu.vector_load_idx %arg25[%add3A_173, %and3A_280] : memref<128x128xf32, #tpu.memory_space<vmem>>[vector<16xi32>, vector<16xi32>], vector<16xf32>,
      %gather3A_284 = tpu.vector_load_idx %arg26[%add3A_173, %and3A_280] : memref<128x128xf32, #tpu.memory_space<vmem>>[vector<16xi32>, vector<16xi32>], vector<16xf32>,
      %gather3A_285 = tpu.vector_load_idx %arg27[%add3A_173, %and3A_280] : memref<128x128xf32, #tpu.memory_space<vmem>>[vector<16xi32>, vector<16xi32>], vector<16xf32>,
      %mul3A_286 = arith.mulf %gather3A, %gather3A_284 : vector<16xf32>
      %mul3A_287 = arith.mulf %gather3A_281, %gather3A_285 : vector<16xf32>
      %add3A_288 = arith.addf %mul3A_286, %mul3A_287 : vector<16xf32>
      %mul3A_289 = arith.mulf %gather3A_282, %add3A_288 : vector<16xf32>
      %add3A_290 = arith.addf %scan3A_275, %mul3A_289 : vector<16xf32>
      %mul3A_291 = arith.mulf %gather3A, %gather3A_285 : vector<16xf32>
      %mul3A_292 = arith.mulf %gather3A_281, %gather3A_284 : vector<16xf32>
      %sub3A_293 = arith.subf %mul3A_291, %mul3A_292 : vector<16xf32>
      %mul3A_294 = arith.mulf %gather3A_283, %sub3A_293 : vector<16xf32>
      %add3A_295 = arith.addf %add3A_290, %mul3A_294 : vector<16xf32>
      %mul3A_296 = arith.mulf %gather3A, %gather3A : vector<16xf32>
      %mul3A_297 = arith.mulf %gather3A_281, %gather3A_281 : vector<16xf32>
      %add3A_298 = arith.addf %mul3A_296, %mul3A_297 : vector<16xf32>
      %mul3A_299 = arith.mulf %gather3A_282, %gather3A_282 : vector<16xf32>
      %add3A_300 = arith.addf %add3A_298, %mul3A_299 : vector<16xf32>
      %mul3A_301 = arith.mulf %gather3A_283, %gather3A_283 : vector<16xf32>
      %add3A_302 = arith.addf %add3A_300, %mul3A_301 : vector<16xf32>
      %mul3A_303 = arith.mulf %gather3A_284, %gather3A_284 : vector<16xf32>
      %add3A_304 = arith.addf %add3A_302, %mul3A_303 : vector<16xf32>
      %mul3A_305 = arith.mulf %gather3A_285, %gather3A_285 : vector<16xf32>
      %add3A_306 = arith.addf %add3A_304, %mul3A_305 : vector<16xf32>
      %add3A_307 = arith.addf %scan3A_276, %add3A_306 : vector<16xf32>
      %scan3A_308 = arith.constant 1 : i32
      %scan3A_309 = arith.addi %scan3A_274, %scan3A_308 : i32
      %add3A_310 = vector.broadcast %scan3A_309 : i32 to vector<16xi32>
      %add3A_311 = arith.addi %add3A_310, %iota3A : vector<16xi32>
      %and3A_312 = arith.constant 127 : i32
      %and3A_313 = vector.broadcast %and3A_312 : i32 to vector<16xi32>
      %and3A_314 = arith.andi %add3A_311, %and3A_313 : vector<16xi32>
      %gather3A_315 = tpu.vector_load_idx %arg22[%add3A_173, %and3A_314] : memref<128x128xf32, #tpu.memory_space<vmem>>[vector<16xi32>, vector<16xi32>], vector<16xf32>,
      %gather3A_316 = tpu.vector_load_idx %arg23[%add3A_173, %and3A_314] : memref<128x128xf32, #tpu.memory_space<vmem>>[vector<16xi32>, vector<16xi32>], vector<16xf32>,
      %gather3A_317 = tpu.vector_load_idx %arg24[%add3A_173, %and3A_314] : memref<128x128xf32, #tpu.memory_space<vmem>>[vector<16xi32>, vector<16xi32>], vector<16xf32>,
      %gather3A_318 = tpu.vector_load_idx %arg25[%add3A_173, %and3A_314] : memref<128x128xf32, #tpu.memory_space<vmem>>[vector<16xi32>, vector<16xi32>], vector<16xf32>,
      %gather3A_319 = tpu.vector_load_idx %arg26[%add3A_173, %and3A_314] : memref<128x128xf32, #tpu.memory_space<vmem>>[vector<16xi32>, vector<16xi32>], vector<16xf32>,
      %gather3A_320 = tpu.vector_load_idx %arg27[%add3A_173, %and3A_314] : memref<128x128xf32, #tpu.memory_space<vmem>>[vector<16xi32>, vector<16xi32>], vector<16xf32>,
      %mul3A_321 = arith.mulf %gather3A_315, %gather3A_319 : vector<16xf32>
      %mul3A_322 = arith.mulf %gather3A_316, %gather3A_320 : vector<16xf32>
      %add3A_323 = arith.addf %mul3A_321, %mul3A_322 : vector<16xf32>
      %mul3A_324 = arith.mulf %gather3A_317, %add3A_323 : vector<16xf32>
      %add3A_325 = arith.addf %add3A_295, %mul3A_324 : vector<16xf32>
      %mul3A_326 = arith.mulf %gather3A_315, %gather3A_320 : vector<16xf32>
      %mul3A_327 = arith.mulf %gather3A_316, %gather3A_319 : vector<16xf32>
      %sub3A_328 = arith.subf %mul3A_326, %mul3A_327 : vector<16xf32>
      %mul3A_329 = arith.mulf %gather3A_318, %sub3A_328 : vector<16xf32>
      %add3A_330 = arith.addf %add3A_325, %mul3A_329 : vector<16xf32>
      %mul3A_331 = arith.mulf %gather3A_315, %gather3A_315 : vector<16xf32>
      %mul3A_332 = arith.mulf %gather3A_316, %gather3A_316 : vector<16xf32>
      %add3A_333 = arith.addf %mul3A_331, %mul3A_332 : vector<16xf32>
      %mul3A_334 = arith.mulf %gather3A_317, %gather3A_317 : vector<16xf32>
      %add3A_335 = arith.addf %add3A_333, %mul3A_334 : vector<16xf32>
      %mul3A_336 = arith.mulf %gather3A_318, %gather3A_318 : vector<16xf32>
      %add3A_337 = arith.addf %add3A_335, %mul3A_336 : vector<16xf32>
      %mul3A_338 = arith.mulf %gather3A_319, %gather3A_319 : vector<16xf32>
      %add3A_339 = arith.addf %add3A_337, %mul3A_338 : vector<16xf32>
      %mul3A_340 = arith.mulf %gather3A_320, %gather3A_320 : vector<16xf32>
      %add3A_341 = arith.addf %add3A_339, %mul3A_340 : vector<16xf32>
      %add3A_342 = arith.addf %add3A_307, %add3A_341 : vector<16xf32>
      scf.yield %add3A_330, %add3A_342 : vector<16xf32>, vector<16xf32>
    }
    %scan3A_179 = arith.constant 128 : i32
    %mul3A_180 = arith.mulf %scan3A_178#0, %get3A_3 : vector<16xf32>
    %add3A_181 = arith.addf %mul3A_180, %get3A_7 : vector<16xf32>
    %neg3A_182 = arith.constant 0.000000e+00 : f32
    %neg3A_183 = vector.broadcast %neg3A_182 : f32 to vector<16xf32>
    %neg3A_184 = arith.subf %neg3A_183, %add3A_181 : vector<16xf32>
    %exp3A_185 = math.exp %neg3A_184 : vector<16xf32>
    %add3A_186 = arith.constant 1.000000e+00 : f32
    %add3A_187 = vector.broadcast %add3A_186 : f32 to vector<16xf32>
    %add3A_188 = arith.addf %add3A_187, %exp3A_185 : vector<16xf32>
    %div3A_189 = arith.constant 1.000000e+00 : f32
    %div3A_190 = vector.broadcast %div3A_189 : f32 to vector<16xf32>
    %div3A_191 = arith.divf %div3A_190, %add3A_188 : vector<16xf32>
    %get3A_192 = arith.constant 80 : index
    %get3A_193 = tpu.vector_load %arg21[%get3A_192] {strides = array<i32>} : memref<128xf32, #tpu.memory_space<vmem>>, vector<16xf32>,
    %sub3A_194 = arith.subf %div3A_191, %get3A_193 : vector<16xf32>
    %mul3A_195 = arith.mulf %sub3A_194, %sub3A_194 : vector<16xf32>
    %add3A_196 = arith.addf %add3A_170, %mul3A_195 : vector<16xf32>
    %add3A_197 = arith.constant 96 : i32
    %add3A_198 = vector.broadcast %add3A_197 : i32 to vector<16xi32>
    %add3A_199 = arith.addi %add3A_198, %iota3A : vector<16xi32>
    %scan3A_200 = arith.constant 0 : i32
    %scan3A_201 = arith.constant 128 : i32
    %scan3A_202 = arith.addi %scan3A_200, %scan3A_201 : i32
    %scan3A_203 = arith.constant 2 : i32
    %scan3A_204:2 = scf.for %scan3A_274 = %scan3A_200 to %scan3A_202 step %scan3A_203 iter_args(%scan3A_275 = %broadcast_in_dim3A_8, %scan3A_276 = %scan3A_178#1) -> (vector<16xf32>, vector<16xf32>)  : i32 {
      %add3A_277 = vector.broadcast %scan3A_274 : i32 to vector<16xi32>
      %add3A_278 = arith.addi %add3A_277, %iota3A : vector<16xi32>
      %and3A = arith.constant 127 : i32
      %and3A_279 = vector.broadcast %and3A : i32 to vector<16xi32>
      %and3A_280 = arith.andi %add3A_278, %and3A_279 : vector<16xi32>
      %gather3A = tpu.vector_load_idx %arg22[%add3A_199, %and3A_280] : memref<128x128xf32, #tpu.memory_space<vmem>>[vector<16xi32>, vector<16xi32>], vector<16xf32>,
      %gather3A_281 = tpu.vector_load_idx %arg23[%add3A_199, %and3A_280] : memref<128x128xf32, #tpu.memory_space<vmem>>[vector<16xi32>, vector<16xi32>], vector<16xf32>,
      %gather3A_282 = tpu.vector_load_idx %arg24[%add3A_199, %and3A_280] : memref<128x128xf32, #tpu.memory_space<vmem>>[vector<16xi32>, vector<16xi32>], vector<16xf32>,
      %gather3A_283 = tpu.vector_load_idx %arg25[%add3A_199, %and3A_280] : memref<128x128xf32, #tpu.memory_space<vmem>>[vector<16xi32>, vector<16xi32>], vector<16xf32>,
      %gather3A_284 = tpu.vector_load_idx %arg26[%add3A_199, %and3A_280] : memref<128x128xf32, #tpu.memory_space<vmem>>[vector<16xi32>, vector<16xi32>], vector<16xf32>,
      %gather3A_285 = tpu.vector_load_idx %arg27[%add3A_199, %and3A_280] : memref<128x128xf32, #tpu.memory_space<vmem>>[vector<16xi32>, vector<16xi32>], vector<16xf32>,
      %mul3A_286 = arith.mulf %gather3A, %gather3A_284 : vector<16xf32>
      %mul3A_287 = arith.mulf %gather3A_281, %gather3A_285 : vector<16xf32>
      %add3A_288 = arith.addf %mul3A_286, %mul3A_287 : vector<16xf32>
      %mul3A_289 = arith.mulf %gather3A_282, %add3A_288 : vector<16xf32>
      %add3A_290 = arith.addf %scan3A_275, %mul3A_289 : vector<16xf32>
      %mul3A_291 = arith.mulf %gather3A, %gather3A_285 : vector<16xf32>
      %mul3A_292 = arith.mulf %gather3A_281, %gather3A_284 : vector<16xf32>
      %sub3A_293 = arith.subf %mul3A_291, %mul3A_292 : vector<16xf32>
      %mul3A_294 = arith.mulf %gather3A_283, %sub3A_293 : vector<16xf32>
      %add3A_295 = arith.addf %add3A_290, %mul3A_294 : vector<16xf32>
      %mul3A_296 = arith.mulf %gather3A, %gather3A : vector<16xf32>
      %mul3A_297 = arith.mulf %gather3A_281, %gather3A_281 : vector<16xf32>
      %add3A_298 = arith.addf %mul3A_296, %mul3A_297 : vector<16xf32>
      %mul3A_299 = arith.mulf %gather3A_282, %gather3A_282 : vector<16xf32>
      %add3A_300 = arith.addf %add3A_298, %mul3A_299 : vector<16xf32>
      %mul3A_301 = arith.mulf %gather3A_283, %gather3A_283 : vector<16xf32>
      %add3A_302 = arith.addf %add3A_300, %mul3A_301 : vector<16xf32>
      %mul3A_303 = arith.mulf %gather3A_284, %gather3A_284 : vector<16xf32>
      %add3A_304 = arith.addf %add3A_302, %mul3A_303 : vector<16xf32>
      %mul3A_305 = arith.mulf %gather3A_285, %gather3A_285 : vector<16xf32>
      %add3A_306 = arith.addf %add3A_304, %mul3A_305 : vector<16xf32>
      %add3A_307 = arith.addf %scan3A_276, %add3A_306 : vector<16xf32>
      %scan3A_308 = arith.constant 1 : i32
      %scan3A_309 = arith.addi %scan3A_274, %scan3A_308 : i32
      %add3A_310 = vector.broadcast %scan3A_309 : i32 to vector<16xi32>
      %add3A_311 = arith.addi %add3A_310, %iota3A : vector<16xi32>
      %and3A_312 = arith.constant 127 : i32
      %and3A_313 = vector.broadcast %and3A_312 : i32 to vector<16xi32>
      %and3A_314 = arith.andi %add3A_311, %and3A_313 : vector<16xi32>
      %gather3A_315 = tpu.vector_load_idx %arg22[%add3A_199, %and3A_314] : memref<128x128xf32, #tpu.memory_space<vmem>>[vector<16xi32>, vector<16xi32>], vector<16xf32>,
      %gather3A_316 = tpu.vector_load_idx %arg23[%add3A_199, %and3A_314] : memref<128x128xf32, #tpu.memory_space<vmem>>[vector<16xi32>, vector<16xi32>], vector<16xf32>,
      %gather3A_317 = tpu.vector_load_idx %arg24[%add3A_199, %and3A_314] : memref<128x128xf32, #tpu.memory_space<vmem>>[vector<16xi32>, vector<16xi32>], vector<16xf32>,
      %gather3A_318 = tpu.vector_load_idx %arg25[%add3A_199, %and3A_314] : memref<128x128xf32, #tpu.memory_space<vmem>>[vector<16xi32>, vector<16xi32>], vector<16xf32>,
      %gather3A_319 = tpu.vector_load_idx %arg26[%add3A_199, %and3A_314] : memref<128x128xf32, #tpu.memory_space<vmem>>[vector<16xi32>, vector<16xi32>], vector<16xf32>,
      %gather3A_320 = tpu.vector_load_idx %arg27[%add3A_199, %and3A_314] : memref<128x128xf32, #tpu.memory_space<vmem>>[vector<16xi32>, vector<16xi32>], vector<16xf32>,
      %mul3A_321 = arith.mulf %gather3A_315, %gather3A_319 : vector<16xf32>
      %mul3A_322 = arith.mulf %gather3A_316, %gather3A_320 : vector<16xf32>
      %add3A_323 = arith.addf %mul3A_321, %mul3A_322 : vector<16xf32>
      %mul3A_324 = arith.mulf %gather3A_317, %add3A_323 : vector<16xf32>
      %add3A_325 = arith.addf %add3A_295, %mul3A_324 : vector<16xf32>
      %mul3A_326 = arith.mulf %gather3A_315, %gather3A_320 : vector<16xf32>
      %mul3A_327 = arith.mulf %gather3A_316, %gather3A_319 : vector<16xf32>
      %sub3A_328 = arith.subf %mul3A_326, %mul3A_327 : vector<16xf32>
      %mul3A_329 = arith.mulf %gather3A_318, %sub3A_328 : vector<16xf32>
      %add3A_330 = arith.addf %add3A_325, %mul3A_329 : vector<16xf32>
      %mul3A_331 = arith.mulf %gather3A_315, %gather3A_315 : vector<16xf32>
      %mul3A_332 = arith.mulf %gather3A_316, %gather3A_316 : vector<16xf32>
      %add3A_333 = arith.addf %mul3A_331, %mul3A_332 : vector<16xf32>
      %mul3A_334 = arith.mulf %gather3A_317, %gather3A_317 : vector<16xf32>
      %add3A_335 = arith.addf %add3A_333, %mul3A_334 : vector<16xf32>
      %mul3A_336 = arith.mulf %gather3A_318, %gather3A_318 : vector<16xf32>
      %add3A_337 = arith.addf %add3A_335, %mul3A_336 : vector<16xf32>
      %mul3A_338 = arith.mulf %gather3A_319, %gather3A_319 : vector<16xf32>
      %add3A_339 = arith.addf %add3A_337, %mul3A_338 : vector<16xf32>
      %mul3A_340 = arith.mulf %gather3A_320, %gather3A_320 : vector<16xf32>
      %add3A_341 = arith.addf %add3A_339, %mul3A_340 : vector<16xf32>
      %add3A_342 = arith.addf %add3A_307, %add3A_341 : vector<16xf32>
      scf.yield %add3A_330, %add3A_342 : vector<16xf32>, vector<16xf32>
    }
    %scan3A_205 = arith.constant 128 : i32
    %mul3A_206 = arith.mulf %scan3A_204#0, %get3A_3 : vector<16xf32>
    %add3A_207 = arith.addf %mul3A_206, %get3A_7 : vector<16xf32>
    %neg3A_208 = arith.constant 0.000000e+00 : f32
    %neg3A_209 = vector.broadcast %neg3A_208 : f32 to vector<16xf32>
    %neg3A_210 = arith.subf %neg3A_209, %add3A_207 : vector<16xf32>
    %exp3A_211 = math.exp %neg3A_210 : vector<16xf32>
    %add3A_212 = arith.constant 1.000000e+00 : f32
    %add3A_213 = vector.broadcast %add3A_212 : f32 to vector<16xf32>
    %add3A_214 = arith.addf %add3A_213, %exp3A_211 : vector<16xf32>
    %div3A_215 = arith.constant 1.000000e+00 : f32
    %div3A_216 = vector.broadcast %div3A_215 : f32 to vector<16xf32>
    %div3A_217 = arith.divf %div3A_216, %add3A_214 : vector<16xf32>
    %get3A_218 = arith.constant 96 : index
    %get3A_219 = tpu.vector_load %arg21[%get3A_218] {strides = array<i32>} : memref<128xf32, #tpu.memory_space<vmem>>, vector<16xf32>,
    %sub3A_220 = arith.subf %div3A_217, %get3A_219 : vector<16xf32>
    %mul3A_221 = arith.mulf %sub3A_220, %sub3A_220 : vector<16xf32>
    %add3A_222 = arith.addf %add3A_196, %mul3A_221 : vector<16xf32>
    %add3A_223 = arith.constant 112 : i32
    %add3A_224 = vector.broadcast %add3A_223 : i32 to vector<16xi32>
    %add3A_225 = arith.addi %add3A_224, %iota3A : vector<16xi32>
    %scan3A_226 = arith.constant 0 : i32
    %scan3A_227 = arith.constant 128 : i32
    %scan3A_228 = arith.addi %scan3A_226, %scan3A_227 : i32
    %scan3A_229 = arith.constant 2 : i32
    %scan3A_230:2 = scf.for %scan3A_274 = %scan3A_226 to %scan3A_228 step %scan3A_229 iter_args(%scan3A_275 = %broadcast_in_dim3A_8, %scan3A_276 = %scan3A_204#1) -> (vector<16xf32>, vector<16xf32>)  : i32 {
      %add3A_277 = vector.broadcast %scan3A_274 : i32 to vector<16xi32>
      %add3A_278 = arith.addi %add3A_277, %iota3A : vector<16xi32>
      %and3A = arith.constant 127 : i32
      %and3A_279 = vector.broadcast %and3A : i32 to vector<16xi32>
      %and3A_280 = arith.andi %add3A_278, %and3A_279 : vector<16xi32>
      %gather3A = tpu.vector_load_idx %arg22[%add3A_225, %and3A_280] : memref<128x128xf32, #tpu.memory_space<vmem>>[vector<16xi32>, vector<16xi32>], vector<16xf32>,
      %gather3A_281 = tpu.vector_load_idx %arg23[%add3A_225, %and3A_280] : memref<128x128xf32, #tpu.memory_space<vmem>>[vector<16xi32>, vector<16xi32>], vector<16xf32>,
      %gather3A_282 = tpu.vector_load_idx %arg24[%add3A_225, %and3A_280] : memref<128x128xf32, #tpu.memory_space<vmem>>[vector<16xi32>, vector<16xi32>], vector<16xf32>,
      %gather3A_283 = tpu.vector_load_idx %arg25[%add3A_225, %and3A_280] : memref<128x128xf32, #tpu.memory_space<vmem>>[vector<16xi32>, vector<16xi32>], vector<16xf32>,
      %gather3A_284 = tpu.vector_load_idx %arg26[%add3A_225, %and3A_280] : memref<128x128xf32, #tpu.memory_space<vmem>>[vector<16xi32>, vector<16xi32>], vector<16xf32>,
      %gather3A_285 = tpu.vector_load_idx %arg27[%add3A_225, %and3A_280] : memref<128x128xf32, #tpu.memory_space<vmem>>[vector<16xi32>, vector<16xi32>], vector<16xf32>,
      %mul3A_286 = arith.mulf %gather3A, %gather3A_284 : vector<16xf32>
      %mul3A_287 = arith.mulf %gather3A_281, %gather3A_285 : vector<16xf32>
      %add3A_288 = arith.addf %mul3A_286, %mul3A_287 : vector<16xf32>
      %mul3A_289 = arith.mulf %gather3A_282, %add3A_288 : vector<16xf32>
      %add3A_290 = arith.addf %scan3A_275, %mul3A_289 : vector<16xf32>
      %mul3A_291 = arith.mulf %gather3A, %gather3A_285 : vector<16xf32>
      %mul3A_292 = arith.mulf %gather3A_281, %gather3A_284 : vector<16xf32>
      %sub3A_293 = arith.subf %mul3A_291, %mul3A_292 : vector<16xf32>
      %mul3A_294 = arith.mulf %gather3A_283, %sub3A_293 : vector<16xf32>
      %add3A_295 = arith.addf %add3A_290, %mul3A_294 : vector<16xf32>
      %mul3A_296 = arith.mulf %gather3A, %gather3A : vector<16xf32>
      %mul3A_297 = arith.mulf %gather3A_281, %gather3A_281 : vector<16xf32>
      %add3A_298 = arith.addf %mul3A_296, %mul3A_297 : vector<16xf32>
      %mul3A_299 = arith.mulf %gather3A_282, %gather3A_282 : vector<16xf32>
      %add3A_300 = arith.addf %add3A_298, %mul3A_299 : vector<16xf32>
      %mul3A_301 = arith.mulf %gather3A_283, %gather3A_283 : vector<16xf32>
      %add3A_302 = arith.addf %add3A_300, %mul3A_301 : vector<16xf32>
      %mul3A_303 = arith.mulf %gather3A_284, %gather3A_284 : vector<16xf32>
      %add3A_304 = arith.addf %add3A_302, %mul3A_303 : vector<16xf32>
      %mul3A_305 = arith.mulf %gather3A_285, %gather3A_285 : vector<16xf32>
      %add3A_306 = arith.addf %add3A_304, %mul3A_305 : vector<16xf32>
      %add3A_307 = arith.addf %scan3A_276, %add3A_306 : vector<16xf32>
      %scan3A_308 = arith.constant 1 : i32
      %scan3A_309 = arith.addi %scan3A_274, %scan3A_308 : i32
      %add3A_310 = vector.broadcast %scan3A_309 : i32 to vector<16xi32>
      %add3A_311 = arith.addi %add3A_310, %iota3A : vector<16xi32>
      %and3A_312 = arith.constant 127 : i32
      %and3A_313 = vector.broadcast %and3A_312 : i32 to vector<16xi32>
      %and3A_314 = arith.andi %add3A_311, %and3A_313 : vector<16xi32>
      %gather3A_315 = tpu.vector_load_idx %arg22[%add3A_225, %and3A_314] : memref<128x128xf32, #tpu.memory_space<vmem>>[vector<16xi32>, vector<16xi32>], vector<16xf32>,
      %gather3A_316 = tpu.vector_load_idx %arg23[%add3A_225, %and3A_314] : memref<128x128xf32, #tpu.memory_space<vmem>>[vector<16xi32>, vector<16xi32>], vector<16xf32>,
      %gather3A_317 = tpu.vector_load_idx %arg24[%add3A_225, %and3A_314] : memref<128x128xf32, #tpu.memory_space<vmem>>[vector<16xi32>, vector<16xi32>], vector<16xf32>,
      %gather3A_318 = tpu.vector_load_idx %arg25[%add3A_225, %and3A_314] : memref<128x128xf32, #tpu.memory_space<vmem>>[vector<16xi32>, vector<16xi32>], vector<16xf32>,
      %gather3A_319 = tpu.vector_load_idx %arg26[%add3A_225, %and3A_314] : memref<128x128xf32, #tpu.memory_space<vmem>>[vector<16xi32>, vector<16xi32>], vector<16xf32>,
      %gather3A_320 = tpu.vector_load_idx %arg27[%add3A_225, %and3A_314] : memref<128x128xf32, #tpu.memory_space<vmem>>[vector<16xi32>, vector<16xi32>], vector<16xf32>,
      %mul3A_321 = arith.mulf %gather3A_315, %gather3A_319 : vector<16xf32>
      %mul3A_322 = arith.mulf %gather3A_316, %gather3A_320 : vector<16xf32>
      %add3A_323 = arith.addf %mul3A_321, %mul3A_322 : vector<16xf32>
      %mul3A_324 = arith.mulf %gather3A_317, %add3A_323 : vector<16xf32>
      %add3A_325 = arith.addf %add3A_295, %mul3A_324 : vector<16xf32>
      %mul3A_326 = arith.mulf %gather3A_315, %gather3A_320 : vector<16xf32>
      %mul3A_327 = arith.mulf %gather3A_316, %gather3A_319 : vector<16xf32>
      %sub3A_328 = arith.subf %mul3A_326, %mul3A_327 : vector<16xf32>
      %mul3A_329 = arith.mulf %gather3A_318, %sub3A_328 : vector<16xf32>
      %add3A_330 = arith.addf %add3A_325, %mul3A_329 : vector<16xf32>
      %mul3A_331 = arith.mulf %gather3A_315, %gather3A_315 : vector<16xf32>
      %mul3A_332 = arith.mulf %gather3A_316, %gather3A_316 : vector<16xf32>
      %add3A_333 = arith.addf %mul3A_331, %mul3A_332 : vector<16xf32>
      %mul3A_334 = arith.mulf %gather3A_317, %gather3A_317 : vector<16xf32>
      %add3A_335 = arith.addf %add3A_333, %mul3A_334 : vector<16xf32>
      %mul3A_336 = arith.mulf %gather3A_318, %gather3A_318 : vector<16xf32>
      %add3A_337 = arith.addf %add3A_335, %mul3A_336 : vector<16xf32>
      %mul3A_338 = arith.mulf %gather3A_319, %gather3A_319 : vector<16xf32>
      %add3A_339 = arith.addf %add3A_337, %mul3A_338 : vector<16xf32>
      %mul3A_340 = arith.mulf %gather3A_320, %gather3A_320 : vector<16xf32>
      %add3A_341 = arith.addf %add3A_339, %mul3A_340 : vector<16xf32>
      %add3A_342 = arith.addf %add3A_307, %add3A_341 : vector<16xf32>
      scf.yield %add3A_330, %add3A_342 : vector<16xf32>, vector<16xf32>
    }
    %scan3A_231 = arith.constant 128 : i32
    %mul3A_232 = arith.mulf %scan3A_230#0, %get3A_3 : vector<16xf32>
    %add3A_233 = arith.addf %mul3A_232, %get3A_7 : vector<16xf32>
    %neg3A_234 = arith.constant 0.000000e+00 : f32
    %neg3A_235 = vector.broadcast %neg3A_234 : f32 to vector<16xf32>
    %neg3A_236 = arith.subf %neg3A_235, %add3A_233 : vector<16xf32>
    %exp3A_237 = math.exp %neg3A_236 : vector<16xf32>
    %add3A_238 = arith.constant 1.000000e+00 : f32
    %add3A_239 = vector.broadcast %add3A_238 : f32 to vector<16xf32>
    %add3A_240 = arith.addf %add3A_239, %exp3A_237 : vector<16xf32>
    %div3A_241 = arith.constant 1.000000e+00 : f32
    %div3A_242 = vector.broadcast %div3A_241 : f32 to vector<16xf32>
    %div3A_243 = arith.divf %div3A_242, %add3A_240 : vector<16xf32>
    %get3A_244 = arith.constant 112 : index
    %get3A_245 = tpu.vector_load %arg21[%get3A_244] {strides = array<i32>} : memref<128xf32, #tpu.memory_space<vmem>>, vector<16xf32>,
    %sub3A_246 = arith.subf %div3A_243, %get3A_245 : vector<16xf32>
    %mul3A_247 = arith.mulf %sub3A_246, %sub3A_246 : vector<16xf32>
    %add3A_248 = arith.addf %add3A_222, %mul3A_247 : vector<16xf32>
    %scan3A_249 = arith.constant 0 : i32
    %scan3A_250 = arith.constant 10 : i32
    %scan3A_251 = arith.addi %scan3A_249, %scan3A_250 : i32
    %scan3A_252 = arith.constant 1 : i32
    %scan3A_253 = scf.for %scan3A_274 = %scan3A_249 to %scan3A_251 step %scan3A_252 iter_args(%scan3A_275 = %broadcast_in_dim3A_8) -> (vector<16xf32>)  : i32 {
      %mul3A_276 = arith.constant 1280 : i32
      %mul3A_277 = arith.muli %add3A, %mul3A_276 : i32
      %mul3A_278 = arith.constant 128 : i32
      %mul3A_279 = arith.muli %scan3A_274, %mul3A_278 : i32
      %add3A_280 = arith.addi %mul3A_277, %mul3A_279 : i32
      %multiple_of3A_281 = tpu.assume_multiple %add3A_280, 8 : i32
      "tpu.region"() ({
        %run_scoped3A = tpu.sem_alloc : memref<!tpu.dma_semaphore, #tpu.memory_space<semaphore_mem>>
        %dma_start3A_502 = tpu.memref_slice %arg6[%multiple_of3A_281] : memref<40960xi32, #tpu.memory_space<hbm>> -> memref<128xi32, #tpu.memory_space<hbm>>
        %dma_start3A_503 = tpu.memref_slice %arg6[%multiple_of3A_281] : memref<40960xi32, #tpu.memory_space<hbm>> -> memref<128xi32, #tpu.memory_space<hbm>>
        tpu.enqueue_dma source(%dma_start3A_503 : memref<128xi32, #tpu.memory_space<hbm>>) target(%arg18 : memref<128xi32, #tpu.memory_space<vmem>>) target_semaphore(%run_scoped3A : memref<!tpu.dma_semaphore, #tpu.memory_space<semaphore_mem>>)
        %dma_wait3A_504 = tpu.memref_slice %arg6[%multiple_of3A_281] : memref<40960xi32, #tpu.memory_space<hbm>> -> memref<128xi32, #tpu.memory_space<hbm>>
        %dma_wait3A_505 = tpu.memref_slice %arg6[%multiple_of3A_281] : memref<40960xi32, #tpu.memory_space<hbm>> -> memref<128xi32, #tpu.memory_space<hbm>>
        tpu.wait_dma2 semaphore(%run_scoped3A : memref<!tpu.dma_semaphore, #tpu.memory_space<semaphore_mem>>) src(%dma_wait3A_505 : memref<128xi32, #tpu.memory_space<hbm>>) dst(%arg18 : memref<128xi32, #tpu.memory_space<vmem>>)
        tpu.yield
      }) : () -> ()
      "tpu.region"() ({
        %run_scoped3A = tpu.sem_alloc : memref<!tpu.dma_semaphore, #tpu.memory_space<semaphore_mem>>
        %dma_start3A_502 = tpu.memref_slice %arg7[%multiple_of3A_281] : memref<40960xi32, #tpu.memory_space<hbm>> -> memref<128xi32, #tpu.memory_space<hbm>>
        %dma_start3A_503 = tpu.memref_slice %arg7[%multiple_of3A_281] : memref<40960xi32, #tpu.memory_space<hbm>> -> memref<128xi32, #tpu.memory_space<hbm>>
        tpu.enqueue_dma source(%dma_start3A_503 : memref<128xi32, #tpu.memory_space<hbm>>) target(%arg19 : memref<128xi32, #tpu.memory_space<vmem>>) target_semaphore(%run_scoped3A : memref<!tpu.dma_semaphore, #tpu.memory_space<semaphore_mem>>)
        %dma_wait3A_504 = tpu.memref_slice %arg7[%multiple_of3A_281] : memref<40960xi32, #tpu.memory_space<hbm>> -> memref<128xi32, #tpu.memory_space<hbm>>
        %dma_wait3A_505 = tpu.memref_slice %arg7[%multiple_of3A_281] : memref<40960xi32, #tpu.memory_space<hbm>> -> memref<128xi32, #tpu.memory_space<hbm>>
        tpu.wait_dma2 semaphore(%run_scoped3A : memref<!tpu.dma_semaphore, #tpu.memory_space<semaphore_mem>>) src(%dma_wait3A_505 : memref<128xi32, #tpu.memory_space<hbm>>) dst(%arg19 : memref<128xi32, #tpu.memory_space<vmem>>)
        tpu.yield
      }) : () -> ()
      "tpu.region"() ({
        %run_scoped3A = tpu.sem_alloc : memref<!tpu.dma_semaphore, #tpu.memory_space<semaphore_mem>>
        %dma_start3A_502 = tpu.memref_slice %arg8[%multiple_of3A_281] : memref<40960xi32, #tpu.memory_space<hbm>> -> memref<128xi32, #tpu.memory_space<hbm>>
        %dma_start3A_503 = tpu.memref_slice %arg8[%multiple_of3A_281] : memref<40960xi32, #tpu.memory_space<hbm>> -> memref<128xi32, #tpu.memory_space<hbm>>
        tpu.enqueue_dma source(%dma_start3A_503 : memref<128xi32, #tpu.memory_space<hbm>>) target(%arg20 : memref<128xi32, #tpu.memory_space<vmem>>) target_semaphore(%run_scoped3A : memref<!tpu.dma_semaphore, #tpu.memory_space<semaphore_mem>>)
        %dma_wait3A_504 = tpu.memref_slice %arg8[%multiple_of3A_281] : memref<40960xi32, #tpu.memory_space<hbm>> -> memref<128xi32, #tpu.memory_space<hbm>>
        %dma_wait3A_505 = tpu.memref_slice %arg8[%multiple_of3A_281] : memref<40960xi32, #tpu.memory_space<hbm>> -> memref<128xi32, #tpu.memory_space<hbm>>
        tpu.wait_dma2 semaphore(%run_scoped3A : memref<!tpu.dma_semaphore, #tpu.memory_space<semaphore_mem>>) src(%dma_wait3A_505 : memref<128xi32, #tpu.memory_space<hbm>>) dst(%arg20 : memref<128xi32, #tpu.memory_space<vmem>>)
        tpu.yield
      }) : () -> ()
      %dma_start3A_282 = arith.constant 0 : i32
      %dma_start3A_283 = arith.constant 0 : i32
      %dma_start3A_284 = tpu.memref_slice %arg12[%dma_start3A_282, %dma_start3A_283] : memref<100000x128xf32, #tpu.memory_space<hbm>> -> memref<100000x128xf32, #tpu.memory_space<hbm>>
      tpu.enqueue_indirect_dma source(%dma_start3A_284 : memref<100000x128xf32, #tpu.memory_space<hbm>>) target(%arg22 : memref<128x128xf32, #tpu.memory_space<vmem>>) offsets(%arg18 : memref<128xi32, #tpu.memory_space<vmem>>) semaphore(%arg30 : memref<!tpu.dma_semaphore, #tpu.memory_space<semaphore_mem>>)
      %dma_start3A_285 = arith.constant 0 : i32
      %dma_start3A_286 = arith.constant 0 : i32
      %dma_start3A_287 = tpu.memref_slice %arg13[%dma_start3A_285, %dma_start3A_286] : memref<100000x128xf32, #tpu.memory_space<hbm>> -> memref<100000x128xf32, #tpu.memory_space<hbm>>
      tpu.enqueue_indirect_dma source(%dma_start3A_287 : memref<100000x128xf32, #tpu.memory_space<hbm>>) target(%arg23 : memref<128x128xf32, #tpu.memory_space<vmem>>) offsets(%arg18 : memref<128xi32, #tpu.memory_space<vmem>>) semaphore(%arg30 : memref<!tpu.dma_semaphore, #tpu.memory_space<semaphore_mem>>)
      %dma_start3A_288 = arith.constant 0 : i32
      %dma_start3A_289 = arith.constant 0 : i32
      %dma_start3A_290 = tpu.memref_slice %arg14[%dma_start3A_288, %dma_start3A_289] : memref<1000x128xf32, #tpu.memory_space<hbm>> -> memref<1000x128xf32, #tpu.memory_space<hbm>>
      tpu.enqueue_indirect_dma source(%dma_start3A_290 : memref<1000x128xf32, #tpu.memory_space<hbm>>) target(%arg24 : memref<128x128xf32, #tpu.memory_space<vmem>>) offsets(%arg19 : memref<128xi32, #tpu.memory_space<vmem>>) semaphore(%arg30 : memref<!tpu.dma_semaphore, #tpu.memory_space<semaphore_mem>>)
      %dma_start3A_291 = arith.constant 0 : i32
      %dma_start3A_292 = arith.constant 0 : i32
      %dma_start3A_293 = tpu.memref_slice %arg15[%dma_start3A_291, %dma_start3A_292] : memref<1000x128xf32, #tpu.memory_space<hbm>> -> memref<1000x128xf32, #tpu.memory_space<hbm>>
      tpu.enqueue_indirect_dma source(%dma_start3A_293 : memref<1000x128xf32, #tpu.memory_space<hbm>>) target(%arg25 : memref<128x128xf32, #tpu.memory_space<vmem>>) offsets(%arg19 : memref<128xi32, #tpu.memory_space<vmem>>) semaphore(%arg30 : memref<!tpu.dma_semaphore, #tpu.memory_space<semaphore_mem>>)
      %dma_start3A_294 = arith.constant 0 : i32
      %dma_start3A_295 = arith.constant 0 : i32
      %dma_start3A_296 = tpu.memref_slice %arg12[%dma_start3A_294, %dma_start3A_295] : memref<100000x128xf32, #tpu.memory_space<hbm>> -> memref<100000x128xf32, #tpu.memory_space<hbm>>
      tpu.enqueue_indirect_dma source(%dma_start3A_296 : memref<100000x128xf32, #tpu.memory_space<hbm>>) target(%arg26 : memref<128x128xf32, #tpu.memory_space<vmem>>) offsets(%arg20 : memref<128xi32, #tpu.memory_space<vmem>>) semaphore(%arg30 : memref<!tpu.dma_semaphore, #tpu.memory_space<semaphore_mem>>)
      %dma_start3A_297 = arith.constant 0 : i32
      %dma_start3A_298 = arith.constant 0 : i32
      %dma_start3A_299 = tpu.memref_slice %arg13[%dma_start3A_297, %dma_start3A_298] : memref<100000x128xf32, #tpu.memory_space<hbm>> -> memref<100000x128xf32, #tpu.memory_space<hbm>>
      tpu.enqueue_indirect_dma source(%dma_start3A_299 : memref<100000x128xf32, #tpu.memory_space<hbm>>) target(%arg27 : memref<128x128xf32, #tpu.memory_space<vmem>>) offsets(%arg20 : memref<128xi32, #tpu.memory_space<vmem>>) semaphore(%arg30 : memref<!tpu.dma_semaphore, #tpu.memory_space<semaphore_mem>>)
      %dma_wait3A_300 = arith.constant 0 : i32
      %dma_wait3A_301 = arith.constant 0 : i32
      %dma_wait3A_302 = tpu.memref_slice %arg12[%dma_wait3A_300, %dma_wait3A_301] : memref<100000x128xf32, #tpu.memory_space<hbm>> -> memref<100000x128xf32, #tpu.memory_space<hbm>>
      tpu.wait_indirect_dma semaphore(%arg30 : memref<!tpu.dma_semaphore, #tpu.memory_space<semaphore_mem>>) src(%dma_wait3A_302 : memref<100000x128xf32, #tpu.memory_space<hbm>>) dst(%arg22 : memref<128x128xf32, #tpu.memory_space<vmem>>)
      %dma_wait3A_303 = arith.constant 0 : i32
      %dma_wait3A_304 = arith.constant 0 : i32
      %dma_wait3A_305 = tpu.memref_slice %arg13[%dma_wait3A_303, %dma_wait3A_304] : memref<100000x128xf32, #tpu.memory_space<hbm>> -> memref<100000x128xf32, #tpu.memory_space<hbm>>
      tpu.wait_indirect_dma semaphore(%arg30 : memref<!tpu.dma_semaphore, #tpu.memory_space<semaphore_mem>>) src(%dma_wait3A_305 : memref<100000x128xf32, #tpu.memory_space<hbm>>) dst(%arg23 : memref<128x128xf32, #tpu.memory_space<vmem>>)
      %dma_wait3A_306 = arith.constant 0 : i32
      %dma_wait3A_307 = arith.constant 0 : i32
      %dma_wait3A_308 = tpu.memref_slice %arg14[%dma_wait3A_306, %dma_wait3A_307] : memref<1000x128xf32, #tpu.memory_space<hbm>> -> memref<1000x128xf32, #tpu.memory_space<hbm>>
      tpu.wait_indirect_dma semaphore(%arg30 : memref<!tpu.dma_semaphore, #tpu.memory_space<semaphore_mem>>) src(%dma_wait3A_308 : memref<1000x128xf32, #tpu.memory_space<hbm>>) dst(%arg24 : memref<128x128xf32, #tpu.memory_space<vmem>>)
      %dma_wait3A_309 = arith.constant 0 : i32
      %dma_wait3A_310 = arith.constant 0 : i32
      %dma_wait3A_311 = tpu.memref_slice %arg15[%dma_wait3A_309, %dma_wait3A_310] : memref<1000x128xf32, #tpu.memory_space<hbm>> -> memref<1000x128xf32, #tpu.memory_space<hbm>>
      tpu.wait_indirect_dma semaphore(%arg30 : memref<!tpu.dma_semaphore, #tpu.memory_space<semaphore_mem>>) src(%dma_wait3A_311 : memref<1000x128xf32, #tpu.memory_space<hbm>>) dst(%arg25 : memref<128x128xf32, #tpu.memory_space<vmem>>)
      %dma_wait3A_312 = arith.constant 0 : i32
      %dma_wait3A_313 = arith.constant 0 : i32
      %dma_wait3A_314 = tpu.memref_slice %arg12[%dma_wait3A_312, %dma_wait3A_313] : memref<100000x128xf32, #tpu.memory_space<hbm>> -> memref<100000x128xf32, #tpu.memory_space<hbm>>
      tpu.wait_indirect_dma semaphore(%arg30 : memref<!tpu.dma_semaphore, #tpu.memory_space<semaphore_mem>>) src(%dma_wait3A_314 : memref<100000x128xf32, #tpu.memory_space<hbm>>) dst(%arg26 : memref<128x128xf32, #tpu.memory_space<vmem>>)
      %dma_wait3A_315 = arith.constant 0 : i32
      %dma_wait3A_316 = arith.constant 0 : i32
      %dma_wait3A_317 = tpu.memref_slice %arg13[%dma_wait3A_315, %dma_wait3A_316] : memref<100000x128xf32, #tpu.memory_space<hbm>> -> memref<100000x128xf32, #tpu.memory_space<hbm>>
      tpu.wait_indirect_dma semaphore(%arg30 : memref<!tpu.dma_semaphore, #tpu.memory_space<semaphore_mem>>) src(%dma_wait3A_317 : memref<100000x128xf32, #tpu.memory_space<hbm>>) dst(%arg27 : memref<128x128xf32, #tpu.memory_space<vmem>>)
      %add3A_318 = arith.constant 0 : i32
      %add3A_319 = vector.broadcast %add3A_318 : i32 to vector<16xi32>
      %add3A_320 = arith.addi %add3A_319, %iota3A : vector<16xi32>
      %scan3A_321 = arith.constant 0 : i32
      %scan3A_322 = arith.constant 128 : i32
      %scan3A_323 = arith.addi %scan3A_321, %scan3A_322 : i32
      %scan3A_324 = arith.constant 2 : i32
      %scan3A_325 = scf.for %scan3A_502 = %scan3A_321 to %scan3A_323 step %scan3A_324 iter_args(%scan3A_503 = %broadcast_in_dim3A_8) -> (vector<16xf32>)  : i32 {
        %add3A_504 = vector.broadcast %scan3A_502 : i32 to vector<16xi32>
        %add3A_505 = arith.addi %add3A_504, %iota3A : vector<16xi32>
        %and3A = arith.constant 127 : i32
        %and3A_506 = vector.broadcast %and3A : i32 to vector<16xi32>
        %and3A_507 = arith.andi %add3A_505, %and3A_506 : vector<16xi32>
        %gather3A = tpu.vector_load_idx %arg22[%add3A_320, %and3A_507] : memref<128x128xf32, #tpu.memory_space<vmem>>[vector<16xi32>, vector<16xi32>], vector<16xf32>,
        %gather3A_508 = tpu.vector_load_idx %arg23[%add3A_320, %and3A_507] : memref<128x128xf32, #tpu.memory_space<vmem>>[vector<16xi32>, vector<16xi32>], vector<16xf32>,
        %gather3A_509 = tpu.vector_load_idx %arg24[%add3A_320, %and3A_507] : memref<128x128xf32, #tpu.memory_space<vmem>>[vector<16xi32>, vector<16xi32>], vector<16xf32>,
        %gather3A_510 = tpu.vector_load_idx %arg25[%add3A_320, %and3A_507] : memref<128x128xf32, #tpu.memory_space<vmem>>[vector<16xi32>, vector<16xi32>], vector<16xf32>,
        %gather3A_511 = tpu.vector_load_idx %arg26[%add3A_320, %and3A_507] : memref<128x128xf32, #tpu.memory_space<vmem>>[vector<16xi32>, vector<16xi32>], vector<16xf32>,
        %gather3A_512 = tpu.vector_load_idx %arg27[%add3A_320, %and3A_507] : memref<128x128xf32, #tpu.memory_space<vmem>>[vector<16xi32>, vector<16xi32>], vector<16xf32>,
        %mul3A_513 = arith.mulf %gather3A, %gather3A_511 : vector<16xf32>
        %mul3A_514 = arith.mulf %gather3A_508, %gather3A_512 : vector<16xf32>
        %add3A_515 = arith.addf %mul3A_513, %mul3A_514 : vector<16xf32>
        %mul3A_516 = arith.mulf %gather3A_509, %add3A_515 : vector<16xf32>
        %add3A_517 = arith.addf %scan3A_503, %mul3A_516 : vector<16xf32>
        %mul3A_518 = arith.mulf %gather3A, %gather3A_512 : vector<16xf32>
        %mul3A_519 = arith.mulf %gather3A_508, %gather3A_511 : vector<16xf32>
        %sub3A_520 = arith.subf %mul3A_518, %mul3A_519 : vector<16xf32>
        %mul3A_521 = arith.mulf %gather3A_510, %sub3A_520 : vector<16xf32>
        %add3A_522 = arith.addf %add3A_517, %mul3A_521 : vector<16xf32>
        %scan3A_523 = arith.constant 1 : i32
        %scan3A_524 = arith.addi %scan3A_502, %scan3A_523 : i32
        %add3A_525 = vector.broadcast %scan3A_524 : i32 to vector<16xi32>
        %add3A_526 = arith.addi %add3A_525, %iota3A : vector<16xi32>
        %and3A_527 = arith.constant 127 : i32
        %and3A_528 = vector.broadcast %and3A_527 : i32 to vector<16xi32>
        %and3A_529 = arith.andi %add3A_526, %and3A_528 : vector<16xi32>
        %gather3A_530 = tpu.vector_load_idx %arg22[%add3A_320, %and3A_529] : memref<128x128xf32, #tpu.memory_space<vmem>>[vector<16xi32>, vector<16xi32>], vector<16xf32>,
        %gather3A_531 = tpu.vector_load_idx %arg23[%add3A_320, %and3A_529] : memref<128x128xf32, #tpu.memory_space<vmem>>[vector<16xi32>, vector<16xi32>], vector<16xf32>,
        %gather3A_532 = tpu.vector_load_idx %arg24[%add3A_320, %and3A_529] : memref<128x128xf32, #tpu.memory_space<vmem>>[vector<16xi32>, vector<16xi32>], vector<16xf32>,
        %gather3A_533 = tpu.vector_load_idx %arg25[%add3A_320, %and3A_529] : memref<128x128xf32, #tpu.memory_space<vmem>>[vector<16xi32>, vector<16xi32>], vector<16xf32>,
        %gather3A_534 = tpu.vector_load_idx %arg26[%add3A_320, %and3A_529] : memref<128x128xf32, #tpu.memory_space<vmem>>[vector<16xi32>, vector<16xi32>], vector<16xf32>,
        %gather3A_535 = tpu.vector_load_idx %arg27[%add3A_320, %and3A_529] : memref<128x128xf32, #tpu.memory_space<vmem>>[vector<16xi32>, vector<16xi32>], vector<16xf32>,
        %mul3A_536 = arith.mulf %gather3A_530, %gather3A_534 : vector<16xf32>
        %mul3A_537 = arith.mulf %gather3A_531, %gather3A_535 : vector<16xf32>
        %add3A_538 = arith.addf %mul3A_536, %mul3A_537 : vector<16xf32>
        %mul3A_539 = arith.mulf %gather3A_532, %add3A_538 : vector<16xf32>
        %add3A_540 = arith.addf %add3A_522, %mul3A_539 : vector<16xf32>
        %mul3A_541 = arith.mulf %gather3A_530, %gather3A_535 : vector<16xf32>
        %mul3A_542 = arith.mulf %gather3A_531, %gather3A_534 : vector<16xf32>
        %sub3A_543 = arith.subf %mul3A_541, %mul3A_542 : vector<16xf32>
        %mul3A_544 = arith.mulf %gather3A_533, %sub3A_543 : vector<16xf32>
        %add3A_545 = arith.addf %add3A_540, %mul3A_544 : vector<16xf32>
        scf.yield %add3A_545 : vector<16xf32>
      }
      %scan3A_326 = arith.constant 128 : i32
      %mul3A_327 = arith.mulf %scan3A_325, %get3A_3 : vector<16xf32>
      %add3A_328 = arith.addf %mul3A_327, %get3A_7 : vector<16xf32>
      %neg3A_329 = arith.constant 0.000000e+00 : f32
      %neg3A_330 = vector.broadcast %neg3A_329 : f32 to vector<16xf32>
      %neg3A_331 = arith.subf %neg3A_330, %add3A_328 : vector<16xf32>
      %exp3A_332 = math.exp %neg3A_331 : vector<16xf32>
      %add3A_333 = arith.constant 1.000000e+00 : f32
      %add3A_334 = vector.broadcast %add3A_333 : f32 to vector<16xf32>
      %add3A_335 = arith.addf %add3A_334, %exp3A_332 : vector<16xf32>
      %div3A_336 = arith.constant 1.000000e+00 : f32
      %div3A_337 = vector.broadcast %div3A_336 : f32 to vector<16xf32>
      %div3A_338 = arith.divf %div3A_337, %add3A_335 : vector<16xf32>
      %mul3A_339 = arith.mulf %div3A_338, %div3A_338 : vector<16xf32>
      %add3A_340 = arith.addf %scan3A_275, %mul3A_339 : vector<16xf32>
      %add3A_341 = arith.constant 16 : i32
      %add3A_342 = vector.broadcast %add3A_341 : i32 to vector<16xi32>
      %add3A_343 = arith.addi %add3A_342, %iota3A : vector<16xi32>
      %scan3A_344 = arith.constant 0 : i32
      %scan3A_345 = arith.constant 128 : i32
      %scan3A_346 = arith.addi %scan3A_344, %scan3A_345 : i32
      %scan3A_347 = arith.constant 2 : i32
      %scan3A_348 = scf.for %scan3A_502 = %scan3A_344 to %scan3A_346 step %scan3A_347 iter_args(%scan3A_503 = %broadcast_in_dim3A_8) -> (vector<16xf32>)  : i32 {
        %add3A_504 = vector.broadcast %scan3A_502 : i32 to vector<16xi32>
        %add3A_505 = arith.addi %add3A_504, %iota3A : vector<16xi32>
        %and3A = arith.constant 127 : i32
        %and3A_506 = vector.broadcast %and3A : i32 to vector<16xi32>
        %and3A_507 = arith.andi %add3A_505, %and3A_506 : vector<16xi32>
        %gather3A = tpu.vector_load_idx %arg22[%add3A_343, %and3A_507] : memref<128x128xf32, #tpu.memory_space<vmem>>[vector<16xi32>, vector<16xi32>], vector<16xf32>,
        %gather3A_508 = tpu.vector_load_idx %arg23[%add3A_343, %and3A_507] : memref<128x128xf32, #tpu.memory_space<vmem>>[vector<16xi32>, vector<16xi32>], vector<16xf32>,
        %gather3A_509 = tpu.vector_load_idx %arg24[%add3A_343, %and3A_507] : memref<128x128xf32, #tpu.memory_space<vmem>>[vector<16xi32>, vector<16xi32>], vector<16xf32>,
        %gather3A_510 = tpu.vector_load_idx %arg25[%add3A_343, %and3A_507] : memref<128x128xf32, #tpu.memory_space<vmem>>[vector<16xi32>, vector<16xi32>], vector<16xf32>,
        %gather3A_511 = tpu.vector_load_idx %arg26[%add3A_343, %and3A_507] : memref<128x128xf32, #tpu.memory_space<vmem>>[vector<16xi32>, vector<16xi32>], vector<16xf32>,
        %gather3A_512 = tpu.vector_load_idx %arg27[%add3A_343, %and3A_507] : memref<128x128xf32, #tpu.memory_space<vmem>>[vector<16xi32>, vector<16xi32>], vector<16xf32>,
        %mul3A_513 = arith.mulf %gather3A, %gather3A_511 : vector<16xf32>
        %mul3A_514 = arith.mulf %gather3A_508, %gather3A_512 : vector<16xf32>
        %add3A_515 = arith.addf %mul3A_513, %mul3A_514 : vector<16xf32>
        %mul3A_516 = arith.mulf %gather3A_509, %add3A_515 : vector<16xf32>
        %add3A_517 = arith.addf %scan3A_503, %mul3A_516 : vector<16xf32>
        %mul3A_518 = arith.mulf %gather3A, %gather3A_512 : vector<16xf32>
        %mul3A_519 = arith.mulf %gather3A_508, %gather3A_511 : vector<16xf32>
        %sub3A_520 = arith.subf %mul3A_518, %mul3A_519 : vector<16xf32>
        %mul3A_521 = arith.mulf %gather3A_510, %sub3A_520 : vector<16xf32>
        %add3A_522 = arith.addf %add3A_517, %mul3A_521 : vector<16xf32>
        %scan3A_523 = arith.constant 1 : i32
        %scan3A_524 = arith.addi %scan3A_502, %scan3A_523 : i32
        %add3A_525 = vector.broadcast %scan3A_524 : i32 to vector<16xi32>
        %add3A_526 = arith.addi %add3A_525, %iota3A : vector<16xi32>
        %and3A_527 = arith.constant 127 : i32
        %and3A_528 = vector.broadcast %and3A_527 : i32 to vector<16xi32>
        %and3A_529 = arith.andi %add3A_526, %and3A_528 : vector<16xi32>
        %gather3A_530 = tpu.vector_load_idx %arg22[%add3A_343, %and3A_529] : memref<128x128xf32, #tpu.memory_space<vmem>>[vector<16xi32>, vector<16xi32>], vector<16xf32>,
        %gather3A_531 = tpu.vector_load_idx %arg23[%add3A_343, %and3A_529] : memref<128x128xf32, #tpu.memory_space<vmem>>[vector<16xi32>, vector<16xi32>], vector<16xf32>,
        %gather3A_532 = tpu.vector_load_idx %arg24[%add3A_343, %and3A_529] : memref<128x128xf32, #tpu.memory_space<vmem>>[vector<16xi32>, vector<16xi32>], vector<16xf32>,
        %gather3A_533 = tpu.vector_load_idx %arg25[%add3A_343, %and3A_529] : memref<128x128xf32, #tpu.memory_space<vmem>>[vector<16xi32>, vector<16xi32>], vector<16xf32>,
        %gather3A_534 = tpu.vector_load_idx %arg26[%add3A_343, %and3A_529] : memref<128x128xf32, #tpu.memory_space<vmem>>[vector<16xi32>, vector<16xi32>], vector<16xf32>,
        %gather3A_535 = tpu.vector_load_idx %arg27[%add3A_343, %and3A_529] : memref<128x128xf32, #tpu.memory_space<vmem>>[vector<16xi32>, vector<16xi32>], vector<16xf32>,
        %mul3A_536 = arith.mulf %gather3A_530, %gather3A_534 : vector<16xf32>
        %mul3A_537 = arith.mulf %gather3A_531, %gather3A_535 : vector<16xf32>
        %add3A_538 = arith.addf %mul3A_536, %mul3A_537 : vector<16xf32>
        %mul3A_539 = arith.mulf %gather3A_532, %add3A_538 : vector<16xf32>
        %add3A_540 = arith.addf %add3A_522, %mul3A_539 : vector<16xf32>
        %mul3A_541 = arith.mulf %gather3A_530, %gather3A_535 : vector<16xf32>
        %mul3A_542 = arith.mulf %gather3A_531, %gather3A_534 : vector<16xf32>
        %sub3A_543 = arith.subf %mul3A_541, %mul3A_542 : vector<16xf32>
        %mul3A_544 = arith.mulf %gather3A_533, %sub3A_543 : vector<16xf32>
        %add3A_545 = arith.addf %add3A_540, %mul3A_544 : vector<16xf32>
        scf.yield %add3A_545 : vector<16xf32>
      }
      %scan3A_349 = arith.constant 128 : i32
      %mul3A_350 = arith.mulf %scan3A_348, %get3A_3 : vector<16xf32>
      %add3A_351 = arith.addf %mul3A_350, %get3A_7 : vector<16xf32>
      %neg3A_352 = arith.constant 0.000000e+00 : f32
      %neg3A_353 = vector.broadcast %neg3A_352 : f32 to vector<16xf32>
      %neg3A_354 = arith.subf %neg3A_353, %add3A_351 : vector<16xf32>
      %exp3A_355 = math.exp %neg3A_354 : vector<16xf32>
      %add3A_356 = arith.constant 1.000000e+00 : f32
      %add3A_357 = vector.broadcast %add3A_356 : f32 to vector<16xf32>
      %add3A_358 = arith.addf %add3A_357, %exp3A_355 : vector<16xf32>
      %div3A_359 = arith.constant 1.000000e+00 : f32
      %div3A_360 = vector.broadcast %div3A_359 : f32 to vector<16xf32>
      %div3A_361 = arith.divf %div3A_360, %add3A_358 : vector<16xf32>
      %mul3A_362 = arith.mulf %div3A_361, %div3A_361 : vector<16xf32>
      %add3A_363 = arith.addf %add3A_340, %mul3A_362 : vector<16xf32>
      %add3A_364 = arith.constant 32 : i32
      %add3A_365 = vector.broadcast %add3A_364 : i32 to vector<16xi32>
      %add3A_366 = arith.addi %add3A_365, %iota3A : vector<16xi32>
      %scan3A_367 = arith.constant 0 : i32
      %scan3A_368 = arith.constant 128 : i32
      %scan3A_369 = arith.addi %scan3A_367, %scan3A_368 : i32
      %scan3A_370 = arith.constant 2 : i32
      %scan3A_371 = scf.for %scan3A_502 = %scan3A_367 to %scan3A_369 step %scan3A_370 iter_args(%scan3A_503 = %broadcast_in_dim3A_8) -> (vector<16xf32>)  : i32 {
        %add3A_504 = vector.broadcast %scan3A_502 : i32 to vector<16xi32>
        %add3A_505 = arith.addi %add3A_504, %iota3A : vector<16xi32>
        %and3A = arith.constant 127 : i32
        %and3A_506 = vector.broadcast %and3A : i32 to vector<16xi32>
        %and3A_507 = arith.andi %add3A_505, %and3A_506 : vector<16xi32>
        %gather3A = tpu.vector_load_idx %arg22[%add3A_366, %and3A_507] : memref<128x128xf32, #tpu.memory_space<vmem>>[vector<16xi32>, vector<16xi32>], vector<16xf32>,
        %gather3A_508 = tpu.vector_load_idx %arg23[%add3A_366, %and3A_507] : memref<128x128xf32, #tpu.memory_space<vmem>>[vector<16xi32>, vector<16xi32>], vector<16xf32>,
        %gather3A_509 = tpu.vector_load_idx %arg24[%add3A_366, %and3A_507] : memref<128x128xf32, #tpu.memory_space<vmem>>[vector<16xi32>, vector<16xi32>], vector<16xf32>,
        %gather3A_510 = tpu.vector_load_idx %arg25[%add3A_366, %and3A_507] : memref<128x128xf32, #tpu.memory_space<vmem>>[vector<16xi32>, vector<16xi32>], vector<16xf32>,
        %gather3A_511 = tpu.vector_load_idx %arg26[%add3A_366, %and3A_507] : memref<128x128xf32, #tpu.memory_space<vmem>>[vector<16xi32>, vector<16xi32>], vector<16xf32>,
        %gather3A_512 = tpu.vector_load_idx %arg27[%add3A_366, %and3A_507] : memref<128x128xf32, #tpu.memory_space<vmem>>[vector<16xi32>, vector<16xi32>], vector<16xf32>,
        %mul3A_513 = arith.mulf %gather3A, %gather3A_511 : vector<16xf32>
        %mul3A_514 = arith.mulf %gather3A_508, %gather3A_512 : vector<16xf32>
        %add3A_515 = arith.addf %mul3A_513, %mul3A_514 : vector<16xf32>
        %mul3A_516 = arith.mulf %gather3A_509, %add3A_515 : vector<16xf32>
        %add3A_517 = arith.addf %scan3A_503, %mul3A_516 : vector<16xf32>
        %mul3A_518 = arith.mulf %gather3A, %gather3A_512 : vector<16xf32>
        %mul3A_519 = arith.mulf %gather3A_508, %gather3A_511 : vector<16xf32>
        %sub3A_520 = arith.subf %mul3A_518, %mul3A_519 : vector<16xf32>
        %mul3A_521 = arith.mulf %gather3A_510, %sub3A_520 : vector<16xf32>
        %add3A_522 = arith.addf %add3A_517, %mul3A_521 : vector<16xf32>
        %scan3A_523 = arith.constant 1 : i32
        %scan3A_524 = arith.addi %scan3A_502, %scan3A_523 : i32
        %add3A_525 = vector.broadcast %scan3A_524 : i32 to vector<16xi32>
        %add3A_526 = arith.addi %add3A_525, %iota3A : vector<16xi32>
        %and3A_527 = arith.constant 127 : i32
        %and3A_528 = vector.broadcast %and3A_527 : i32 to vector<16xi32>
        %and3A_529 = arith.andi %add3A_526, %and3A_528 : vector<16xi32>
        %gather3A_530 = tpu.vector_load_idx %arg22[%add3A_366, %and3A_529] : memref<128x128xf32, #tpu.memory_space<vmem>>[vector<16xi32>, vector<16xi32>], vector<16xf32>,
        %gather3A_531 = tpu.vector_load_idx %arg23[%add3A_366, %and3A_529] : memref<128x128xf32, #tpu.memory_space<vmem>>[vector<16xi32>, vector<16xi32>], vector<16xf32>,
        %gather3A_532 = tpu.vector_load_idx %arg24[%add3A_366, %and3A_529] : memref<128x128xf32, #tpu.memory_space<vmem>>[vector<16xi32>, vector<16xi32>], vector<16xf32>,
        %gather3A_533 = tpu.vector_load_idx %arg25[%add3A_366, %and3A_529] : memref<128x128xf32, #tpu.memory_space<vmem>>[vector<16xi32>, vector<16xi32>], vector<16xf32>,
        %gather3A_534 = tpu.vector_load_idx %arg26[%add3A_366, %and3A_529] : memref<128x128xf32, #tpu.memory_space<vmem>>[vector<16xi32>, vector<16xi32>], vector<16xf32>,
        %gather3A_535 = tpu.vector_load_idx %arg27[%add3A_366, %and3A_529] : memref<128x128xf32, #tpu.memory_space<vmem>>[vector<16xi32>, vector<16xi32>], vector<16xf32>,
        %mul3A_536 = arith.mulf %gather3A_530, %gather3A_534 : vector<16xf32>
        %mul3A_537 = arith.mulf %gather3A_531, %gather3A_535 : vector<16xf32>
        %add3A_538 = arith.addf %mul3A_536, %mul3A_537 : vector<16xf32>
        %mul3A_539 = arith.mulf %gather3A_532, %add3A_538 : vector<16xf32>
        %add3A_540 = arith.addf %add3A_522, %mul3A_539 : vector<16xf32>
        %mul3A_541 = arith.mulf %gather3A_530, %gather3A_535 : vector<16xf32>
        %mul3A_542 = arith.mulf %gather3A_531, %gather3A_534 : vector<16xf32>
        %sub3A_543 = arith.subf %mul3A_541, %mul3A_542 : vector<16xf32>
        %mul3A_544 = arith.mulf %gather3A_533, %sub3A_543 : vector<16xf32>
        %add3A_545 = arith.addf %add3A_540, %mul3A_544 : vector<16xf32>
        scf.yield %add3A_545 : vector<16xf32>
      }
      %scan3A_372 = arith.constant 128 : i32
      %mul3A_373 = arith.mulf %scan3A_371, %get3A_3 : vector<16xf32>
      %add3A_374 = arith.addf %mul3A_373, %get3A_7 : vector<16xf32>
      %neg3A_375 = arith.constant 0.000000e+00 : f32
      %neg3A_376 = vector.broadcast %neg3A_375 : f32 to vector<16xf32>
      %neg3A_377 = arith.subf %neg3A_376, %add3A_374 : vector<16xf32>
      %exp3A_378 = math.exp %neg3A_377 : vector<16xf32>
      %add3A_379 = arith.constant 1.000000e+00 : f32
      %add3A_380 = vector.broadcast %add3A_379 : f32 to vector<16xf32>
      %add3A_381 = arith.addf %add3A_380, %exp3A_378 : vector<16xf32>
      %div3A_382 = arith.constant 1.000000e+00 : f32
      %div3A_383 = vector.broadcast %div3A_382 : f32 to vector<16xf32>
      %div3A_384 = arith.divf %div3A_383, %add3A_381 : vector<16xf32>
      %mul3A_385 = arith.mulf %div3A_384, %div3A_384 : vector<16xf32>
      %add3A_386 = arith.addf %add3A_363, %mul3A_385 : vector<16xf32>
      %add3A_387 = arith.constant 48 : i32
      %add3A_388 = vector.broadcast %add3A_387 : i32 to vector<16xi32>
      %add3A_389 = arith.addi %add3A_388, %iota3A : vector<16xi32>
      %scan3A_390 = arith.constant 0 : i32
      %scan3A_391 = arith.constant 128 : i32
      %scan3A_392 = arith.addi %scan3A_390, %scan3A_391 : i32
      %scan3A_393 = arith.constant 2 : i32
      %scan3A_394 = scf.for %scan3A_502 = %scan3A_390 to %scan3A_392 step %scan3A_393 iter_args(%scan3A_503 = %broadcast_in_dim3A_8) -> (vector<16xf32>)  : i32 {
        %add3A_504 = vector.broadcast %scan3A_502 : i32 to vector<16xi32>
        %add3A_505 = arith.addi %add3A_504, %iota3A : vector<16xi32>
        %and3A = arith.constant 127 : i32
        %and3A_506 = vector.broadcast %and3A : i32 to vector<16xi32>
        %and3A_507 = arith.andi %add3A_505, %and3A_506 : vector<16xi32>
        %gather3A = tpu.vector_load_idx %arg22[%add3A_389, %and3A_507] : memref<128x128xf32, #tpu.memory_space<vmem>>[vector<16xi32>, vector<16xi32>], vector<16xf32>,
        %gather3A_508 = tpu.vector_load_idx %arg23[%add3A_389, %and3A_507] : memref<128x128xf32, #tpu.memory_space<vmem>>[vector<16xi32>, vector<16xi32>], vector<16xf32>,
        %gather3A_509 = tpu.vector_load_idx %arg24[%add3A_389, %and3A_507] : memref<128x128xf32, #tpu.memory_space<vmem>>[vector<16xi32>, vector<16xi32>], vector<16xf32>,
        %gather3A_510 = tpu.vector_load_idx %arg25[%add3A_389, %and3A_507] : memref<128x128xf32, #tpu.memory_space<vmem>>[vector<16xi32>, vector<16xi32>], vector<16xf32>,
        %gather3A_511 = tpu.vector_load_idx %arg26[%add3A_389, %and3A_507] : memref<128x128xf32, #tpu.memory_space<vmem>>[vector<16xi32>, vector<16xi32>], vector<16xf32>,
        %gather3A_512 = tpu.vector_load_idx %arg27[%add3A_389, %and3A_507] : memref<128x128xf32, #tpu.memory_space<vmem>>[vector<16xi32>, vector<16xi32>], vector<16xf32>,
        %mul3A_513 = arith.mulf %gather3A, %gather3A_511 : vector<16xf32>
        %mul3A_514 = arith.mulf %gather3A_508, %gather3A_512 : vector<16xf32>
        %add3A_515 = arith.addf %mul3A_513, %mul3A_514 : vector<16xf32>
        %mul3A_516 = arith.mulf %gather3A_509, %add3A_515 : vector<16xf32>
        %add3A_517 = arith.addf %scan3A_503, %mul3A_516 : vector<16xf32>
        %mul3A_518 = arith.mulf %gather3A, %gather3A_512 : vector<16xf32>
        %mul3A_519 = arith.mulf %gather3A_508, %gather3A_511 : vector<16xf32>
        %sub3A_520 = arith.subf %mul3A_518, %mul3A_519 : vector<16xf32>
        %mul3A_521 = arith.mulf %gather3A_510, %sub3A_520 : vector<16xf32>
        %add3A_522 = arith.addf %add3A_517, %mul3A_521 : vector<16xf32>
        %scan3A_523 = arith.constant 1 : i32
        %scan3A_524 = arith.addi %scan3A_502, %scan3A_523 : i32
        %add3A_525 = vector.broadcast %scan3A_524 : i32 to vector<16xi32>
        %add3A_526 = arith.addi %add3A_525, %iota3A : vector<16xi32>
        %and3A_527 = arith.constant 127 : i32
        %and3A_528 = vector.broadcast %and3A_527 : i32 to vector<16xi32>
        %and3A_529 = arith.andi %add3A_526, %and3A_528 : vector<16xi32>
        %gather3A_530 = tpu.vector_load_idx %arg22[%add3A_389, %and3A_529] : memref<128x128xf32, #tpu.memory_space<vmem>>[vector<16xi32>, vector<16xi32>], vector<16xf32>,
        %gather3A_531 = tpu.vector_load_idx %arg23[%add3A_389, %and3A_529] : memref<128x128xf32, #tpu.memory_space<vmem>>[vector<16xi32>, vector<16xi32>], vector<16xf32>,
        %gather3A_532 = tpu.vector_load_idx %arg24[%add3A_389, %and3A_529] : memref<128x128xf32, #tpu.memory_space<vmem>>[vector<16xi32>, vector<16xi32>], vector<16xf32>,
        %gather3A_533 = tpu.vector_load_idx %arg25[%add3A_389, %and3A_529] : memref<128x128xf32, #tpu.memory_space<vmem>>[vector<16xi32>, vector<16xi32>], vector<16xf32>,
        %gather3A_534 = tpu.vector_load_idx %arg26[%add3A_389, %and3A_529] : memref<128x128xf32, #tpu.memory_space<vmem>>[vector<16xi32>, vector<16xi32>], vector<16xf32>,
        %gather3A_535 = tpu.vector_load_idx %arg27[%add3A_389, %and3A_529] : memref<128x128xf32, #tpu.memory_space<vmem>>[vector<16xi32>, vector<16xi32>], vector<16xf32>,
        %mul3A_536 = arith.mulf %gather3A_530, %gather3A_534 : vector<16xf32>
        %mul3A_537 = arith.mulf %gather3A_531, %gather3A_535 : vector<16xf32>
        %add3A_538 = arith.addf %mul3A_536, %mul3A_537 : vector<16xf32>
        %mul3A_539 = arith.mulf %gather3A_532, %add3A_538 : vector<16xf32>
        %add3A_540 = arith.addf %add3A_522, %mul3A_539 : vector<16xf32>
        %mul3A_541 = arith.mulf %gather3A_530, %gather3A_535 : vector<16xf32>
        %mul3A_542 = arith.mulf %gather3A_531, %gather3A_534 : vector<16xf32>
        %sub3A_543 = arith.subf %mul3A_541, %mul3A_542 : vector<16xf32>
        %mul3A_544 = arith.mulf %gather3A_533, %sub3A_543 : vector<16xf32>
        %add3A_545 = arith.addf %add3A_540, %mul3A_544 : vector<16xf32>
        scf.yield %add3A_545 : vector<16xf32>
      }
      %scan3A_395 = arith.constant 128 : i32
      %mul3A_396 = arith.mulf %scan3A_394, %get3A_3 : vector<16xf32>
      %add3A_397 = arith.addf %mul3A_396, %get3A_7 : vector<16xf32>
      %neg3A_398 = arith.constant 0.000000e+00 : f32
      %neg3A_399 = vector.broadcast %neg3A_398 : f32 to vector<16xf32>
      %neg3A_400 = arith.subf %neg3A_399, %add3A_397 : vector<16xf32>
      %exp3A_401 = math.exp %neg3A_400 : vector<16xf32>
      %add3A_402 = arith.constant 1.000000e+00 : f32
      %add3A_403 = vector.broadcast %add3A_402 : f32 to vector<16xf32>
      %add3A_404 = arith.addf %add3A_403, %exp3A_401 : vector<16xf32>
      %div3A_405 = arith.constant 1.000000e+00 : f32
      %div3A_406 = vector.broadcast %div3A_405 : f32 to vector<16xf32>
      %div3A_407 = arith.divf %div3A_406, %add3A_404 : vector<16xf32>
      %mul3A_408 = arith.mulf %div3A_407, %div3A_407 : vector<16xf32>
      %add3A_409 = arith.addf %add3A_386, %mul3A_408 : vector<16xf32>
      %add3A_410 = arith.constant 64 : i32
      %add3A_411 = vector.broadcast %add3A_410 : i32 to vector<16xi32>
      %add3A_412 = arith.addi %add3A_411, %iota3A : vector<16xi32>
      %scan3A_413 = arith.constant 0 : i32
      %scan3A_414 = arith.constant 128 : i32
      %scan3A_415 = arith.addi %scan3A_413, %scan3A_414 : i32
      %scan3A_416 = arith.constant 2 : i32
      %scan3A_417 = scf.for %scan3A_502 = %scan3A_413 to %scan3A_415 step %scan3A_416 iter_args(%scan3A_503 = %broadcast_in_dim3A_8) -> (vector<16xf32>)  : i32 {
        %add3A_504 = vector.broadcast %scan3A_502 : i32 to vector<16xi32>
        %add3A_505 = arith.addi %add3A_504, %iota3A : vector<16xi32>
        %and3A = arith.constant 127 : i32
        %and3A_506 = vector.broadcast %and3A : i32 to vector<16xi32>
        %and3A_507 = arith.andi %add3A_505, %and3A_506 : vector<16xi32>
        %gather3A = tpu.vector_load_idx %arg22[%add3A_412, %and3A_507] : memref<128x128xf32, #tpu.memory_space<vmem>>[vector<16xi32>, vector<16xi32>], vector<16xf32>,
        %gather3A_508 = tpu.vector_load_idx %arg23[%add3A_412, %and3A_507] : memref<128x128xf32, #tpu.memory_space<vmem>>[vector<16xi32>, vector<16xi32>], vector<16xf32>,
        %gather3A_509 = tpu.vector_load_idx %arg24[%add3A_412, %and3A_507] : memref<128x128xf32, #tpu.memory_space<vmem>>[vector<16xi32>, vector<16xi32>], vector<16xf32>,
        %gather3A_510 = tpu.vector_load_idx %arg25[%add3A_412, %and3A_507] : memref<128x128xf32, #tpu.memory_space<vmem>>[vector<16xi32>, vector<16xi32>], vector<16xf32>,
        %gather3A_511 = tpu.vector_load_idx %arg26[%add3A_412, %and3A_507] : memref<128x128xf32, #tpu.memory_space<vmem>>[vector<16xi32>, vector<16xi32>], vector<16xf32>,
        %gather3A_512 = tpu.vector_load_idx %arg27[%add3A_412, %and3A_507] : memref<128x128xf32, #tpu.memory_space<vmem>>[vector<16xi32>, vector<16xi32>], vector<16xf32>,
        %mul3A_513 = arith.mulf %gather3A, %gather3A_511 : vector<16xf32>
        %mul3A_514 = arith.mulf %gather3A_508, %gather3A_512 : vector<16xf32>
        %add3A_515 = arith.addf %mul3A_513, %mul3A_514 : vector<16xf32>
        %mul3A_516 = arith.mulf %gather3A_509, %add3A_515 : vector<16xf32>
        %add3A_517 = arith.addf %scan3A_503, %mul3A_516 : vector<16xf32>
        %mul3A_518 = arith.mulf %gather3A, %gather3A_512 : vector<16xf32>
        %mul3A_519 = arith.mulf %gather3A_508, %gather3A_511 : vector<16xf32>
        %sub3A_520 = arith.subf %mul3A_518, %mul3A_519 : vector<16xf32>
        %mul3A_521 = arith.mulf %gather3A_510, %sub3A_520 : vector<16xf32>
        %add3A_522 = arith.addf %add3A_517, %mul3A_521 : vector<16xf32>
        %scan3A_523 = arith.constant 1 : i32
        %scan3A_524 = arith.addi %scan3A_502, %scan3A_523 : i32
        %add3A_525 = vector.broadcast %scan3A_524 : i32 to vector<16xi32>
        %add3A_526 = arith.addi %add3A_525, %iota3A : vector<16xi32>
        %and3A_527 = arith.constant 127 : i32
        %and3A_528 = vector.broadcast %and3A_527 : i32 to vector<16xi32>
        %and3A_529 = arith.andi %add3A_526, %and3A_528 : vector<16xi32>
        %gather3A_530 = tpu.vector_load_idx %arg22[%add3A_412, %and3A_529] : memref<128x128xf32, #tpu.memory_space<vmem>>[vector<16xi32>, vector<16xi32>], vector<16xf32>,
        %gather3A_531 = tpu.vector_load_idx %arg23[%add3A_412, %and3A_529] : memref<128x128xf32, #tpu.memory_space<vmem>>[vector<16xi32>, vector<16xi32>], vector<16xf32>,
        %gather3A_532 = tpu.vector_load_idx %arg24[%add3A_412, %and3A_529] : memref<128x128xf32, #tpu.memory_space<vmem>>[vector<16xi32>, vector<16xi32>], vector<16xf32>,
        %gather3A_533 = tpu.vector_load_idx %arg25[%add3A_412, %and3A_529] : memref<128x128xf32, #tpu.memory_space<vmem>>[vector<16xi32>, vector<16xi32>], vector<16xf32>,
        %gather3A_534 = tpu.vector_load_idx %arg26[%add3A_412, %and3A_529] : memref<128x128xf32, #tpu.memory_space<vmem>>[vector<16xi32>, vector<16xi32>], vector<16xf32>,
        %gather3A_535 = tpu.vector_load_idx %arg27[%add3A_412, %and3A_529] : memref<128x128xf32, #tpu.memory_space<vmem>>[vector<16xi32>, vector<16xi32>], vector<16xf32>,
        %mul3A_536 = arith.mulf %gather3A_530, %gather3A_534 : vector<16xf32>
        %mul3A_537 = arith.mulf %gather3A_531, %gather3A_535 : vector<16xf32>
        %add3A_538 = arith.addf %mul3A_536, %mul3A_537 : vector<16xf32>
        %mul3A_539 = arith.mulf %gather3A_532, %add3A_538 : vector<16xf32>
        %add3A_540 = arith.addf %add3A_522, %mul3A_539 : vector<16xf32>
        %mul3A_541 = arith.mulf %gather3A_530, %gather3A_535 : vector<16xf32>
        %mul3A_542 = arith.mulf %gather3A_531, %gather3A_534 : vector<16xf32>
        %sub3A_543 = arith.subf %mul3A_541, %mul3A_542 : vector<16xf32>
        %mul3A_544 = arith.mulf %gather3A_533, %sub3A_543 : vector<16xf32>
        %add3A_545 = arith.addf %add3A_540, %mul3A_544 : vector<16xf32>
        scf.yield %add3A_545 : vector<16xf32>
      }
      %scan3A_418 = arith.constant 128 : i32
      %mul3A_419 = arith.mulf %scan3A_417, %get3A_3 : vector<16xf32>
      %add3A_420 = arith.addf %mul3A_419, %get3A_7 : vector<16xf32>
      %neg3A_421 = arith.constant 0.000000e+00 : f32
      %neg3A_422 = vector.broadcast %neg3A_421 : f32 to vector<16xf32>
      %neg3A_423 = arith.subf %neg3A_422, %add3A_420 : vector<16xf32>
      %exp3A_424 = math.exp %neg3A_423 : vector<16xf32>
      %add3A_425 = arith.constant 1.000000e+00 : f32
      %add3A_426 = vector.broadcast %add3A_425 : f32 to vector<16xf32>
      %add3A_427 = arith.addf %add3A_426, %exp3A_424 : vector<16xf32>
      %div3A_428 = arith.constant 1.000000e+00 : f32
      %div3A_429 = vector.broadcast %div3A_428 : f32 to vector<16xf32>
      %div3A_430 = arith.divf %div3A_429, %add3A_427 : vector<16xf32>
      %mul3A_431 = arith.mulf %div3A_430, %div3A_430 : vector<16xf32>
      %add3A_432 = arith.addf %add3A_409, %mul3A_431 : vector<16xf32>
      %add3A_433 = arith.constant 80 : i32
      %add3A_434 = vector.broadcast %add3A_433 : i32 to vector<16xi32>
      %add3A_435 = arith.addi %add3A_434, %iota3A : vector<16xi32>
      %scan3A_436 = arith.constant 0 : i32
      %scan3A_437 = arith.constant 128 : i32
      %scan3A_438 = arith.addi %scan3A_436, %scan3A_437 : i32
      %scan3A_439 = arith.constant 2 : i32
      %scan3A_440 = scf.for %scan3A_502 = %scan3A_436 to %scan3A_438 step %scan3A_439 iter_args(%scan3A_503 = %broadcast_in_dim3A_8) -> (vector<16xf32>)  : i32 {
        %add3A_504 = vector.broadcast %scan3A_502 : i32 to vector<16xi32>
        %add3A_505 = arith.addi %add3A_504, %iota3A : vector<16xi32>
        %and3A = arith.constant 127 : i32
        %and3A_506 = vector.broadcast %and3A : i32 to vector<16xi32>
        %and3A_507 = arith.andi %add3A_505, %and3A_506 : vector<16xi32>
        %gather3A = tpu.vector_load_idx %arg22[%add3A_435, %and3A_507] : memref<128x128xf32, #tpu.memory_space<vmem>>[vector<16xi32>, vector<16xi32>], vector<16xf32>,
        %gather3A_508 = tpu.vector_load_idx %arg23[%add3A_435, %and3A_507] : memref<128x128xf32, #tpu.memory_space<vmem>>[vector<16xi32>, vector<16xi32>], vector<16xf32>,
        %gather3A_509 = tpu.vector_load_idx %arg24[%add3A_435, %and3A_507] : memref<128x128xf32, #tpu.memory_space<vmem>>[vector<16xi32>, vector<16xi32>], vector<16xf32>,
        %gather3A_510 = tpu.vector_load_idx %arg25[%add3A_435, %and3A_507] : memref<128x128xf32, #tpu.memory_space<vmem>>[vector<16xi32>, vector<16xi32>], vector<16xf32>,
        %gather3A_511 = tpu.vector_load_idx %arg26[%add3A_435, %and3A_507] : memref<128x128xf32, #tpu.memory_space<vmem>>[vector<16xi32>, vector<16xi32>], vector<16xf32>,
        %gather3A_512 = tpu.vector_load_idx %arg27[%add3A_435, %and3A_507] : memref<128x128xf32, #tpu.memory_space<vmem>>[vector<16xi32>, vector<16xi32>], vector<16xf32>,
        %mul3A_513 = arith.mulf %gather3A, %gather3A_511 : vector<16xf32>
        %mul3A_514 = arith.mulf %gather3A_508, %gather3A_512 : vector<16xf32>
        %add3A_515 = arith.addf %mul3A_513, %mul3A_514 : vector<16xf32>
        %mul3A_516 = arith.mulf %gather3A_509, %add3A_515 : vector<16xf32>
        %add3A_517 = arith.addf %scan3A_503, %mul3A_516 : vector<16xf32>
        %mul3A_518 = arith.mulf %gather3A, %gather3A_512 : vector<16xf32>
        %mul3A_519 = arith.mulf %gather3A_508, %gather3A_511 : vector<16xf32>
        %sub3A_520 = arith.subf %mul3A_518, %mul3A_519 : vector<16xf32>
        %mul3A_521 = arith.mulf %gather3A_510, %sub3A_520 : vector<16xf32>
        %add3A_522 = arith.addf %add3A_517, %mul3A_521 : vector<16xf32>
        %scan3A_523 = arith.constant 1 : i32
        %scan3A_524 = arith.addi %scan3A_502, %scan3A_523 : i32
        %add3A_525 = vector.broadcast %scan3A_524 : i32 to vector<16xi32>
        %add3A_526 = arith.addi %add3A_525, %iota3A : vector<16xi32>
        %and3A_527 = arith.constant 127 : i32
        %and3A_528 = vector.broadcast %and3A_527 : i32 to vector<16xi32>
        %and3A_529 = arith.andi %add3A_526, %and3A_528 : vector<16xi32>
        %gather3A_530 = tpu.vector_load_idx %arg22[%add3A_435, %and3A_529] : memref<128x128xf32, #tpu.memory_space<vmem>>[vector<16xi32>, vector<16xi32>], vector<16xf32>,
        %gather3A_531 = tpu.vector_load_idx %arg23[%add3A_435, %and3A_529] : memref<128x128xf32, #tpu.memory_space<vmem>>[vector<16xi32>, vector<16xi32>], vector<16xf32>,
        %gather3A_532 = tpu.vector_load_idx %arg24[%add3A_435, %and3A_529] : memref<128x128xf32, #tpu.memory_space<vmem>>[vector<16xi32>, vector<16xi32>], vector<16xf32>,
        %gather3A_533 = tpu.vector_load_idx %arg25[%add3A_435, %and3A_529] : memref<128x128xf32, #tpu.memory_space<vmem>>[vector<16xi32>, vector<16xi32>], vector<16xf32>,
        %gather3A_534 = tpu.vector_load_idx %arg26[%add3A_435, %and3A_529] : memref<128x128xf32, #tpu.memory_space<vmem>>[vector<16xi32>, vector<16xi32>], vector<16xf32>,
        %gather3A_535 = tpu.vector_load_idx %arg27[%add3A_435, %and3A_529] : memref<128x128xf32, #tpu.memory_space<vmem>>[vector<16xi32>, vector<16xi32>], vector<16xf32>,
        %mul3A_536 = arith.mulf %gather3A_530, %gather3A_534 : vector<16xf32>
        %mul3A_537 = arith.mulf %gather3A_531, %gather3A_535 : vector<16xf32>
        %add3A_538 = arith.addf %mul3A_536, %mul3A_537 : vector<16xf32>
        %mul3A_539 = arith.mulf %gather3A_532, %add3A_538 : vector<16xf32>
        %add3A_540 = arith.addf %add3A_522, %mul3A_539 : vector<16xf32>
        %mul3A_541 = arith.mulf %gather3A_530, %gather3A_535 : vector<16xf32>
        %mul3A_542 = arith.mulf %gather3A_531, %gather3A_534 : vector<16xf32>
        %sub3A_543 = arith.subf %mul3A_541, %mul3A_542 : vector<16xf32>
        %mul3A_544 = arith.mulf %gather3A_533, %sub3A_543 : vector<16xf32>
        %add3A_545 = arith.addf %add3A_540, %mul3A_544 : vector<16xf32>
        scf.yield %add3A_545 : vector<16xf32>
      }
      %scan3A_441 = arith.constant 128 : i32
      %mul3A_442 = arith.mulf %scan3A_440, %get3A_3 : vector<16xf32>
      %add3A_443 = arith.addf %mul3A_442, %get3A_7 : vector<16xf32>
      %neg3A_444 = arith.constant 0.000000e+00 : f32
      %neg3A_445 = vector.broadcast %neg3A_444 : f32 to vector<16xf32>
      %neg3A_446 = arith.subf %neg3A_445, %add3A_443 : vector<16xf32>
      %exp3A_447 = math.exp %neg3A_446 : vector<16xf32>
      %add3A_448 = arith.constant 1.000000e+00 : f32
      %add3A_449 = vector.broadcast %add3A_448 : f32 to vector<16xf32>
      %add3A_450 = arith.addf %add3A_449, %exp3A_447 : vector<16xf32>
      %div3A_451 = arith.constant 1.000000e+00 : f32
      %div3A_452 = vector.broadcast %div3A_451 : f32 to vector<16xf32>
      %div3A_453 = arith.divf %div3A_452, %add3A_450 : vector<16xf32>
      %mul3A_454 = arith.mulf %div3A_453, %div3A_453 : vector<16xf32>
      %add3A_455 = arith.addf %add3A_432, %mul3A_454 : vector<16xf32>
      %add3A_456 = arith.constant 96 : i32
      %add3A_457 = vector.broadcast %add3A_456 : i32 to vector<16xi32>
      %add3A_458 = arith.addi %add3A_457, %iota3A : vector<16xi32>
      %scan3A_459 = arith.constant 0 : i32
      %scan3A_460 = arith.constant 128 : i32
      %scan3A_461 = arith.addi %scan3A_459, %scan3A_460 : i32
      %scan3A_462 = arith.constant 2 : i32
      %scan3A_463 = scf.for %scan3A_502 = %scan3A_459 to %scan3A_461 step %scan3A_462 iter_args(%scan3A_503 = %broadcast_in_dim3A_8) -> (vector<16xf32>)  : i32 {
        %add3A_504 = vector.broadcast %scan3A_502 : i32 to vector<16xi32>
        %add3A_505 = arith.addi %add3A_504, %iota3A : vector<16xi32>
        %and3A = arith.constant 127 : i32
        %and3A_506 = vector.broadcast %and3A : i32 to vector<16xi32>
        %and3A_507 = arith.andi %add3A_505, %and3A_506 : vector<16xi32>
        %gather3A = tpu.vector_load_idx %arg22[%add3A_458, %and3A_507] : memref<128x128xf32, #tpu.memory_space<vmem>>[vector<16xi32>, vector<16xi32>], vector<16xf32>,
        %gather3A_508 = tpu.vector_load_idx %arg23[%add3A_458, %and3A_507] : memref<128x128xf32, #tpu.memory_space<vmem>>[vector<16xi32>, vector<16xi32>], vector<16xf32>,
        %gather3A_509 = tpu.vector_load_idx %arg24[%add3A_458, %and3A_507] : memref<128x128xf32, #tpu.memory_space<vmem>>[vector<16xi32>, vector<16xi32>], vector<16xf32>,
        %gather3A_510 = tpu.vector_load_idx %arg25[%add3A_458, %and3A_507] : memref<128x128xf32, #tpu.memory_space<vmem>>[vector<16xi32>, vector<16xi32>], vector<16xf32>,
        %gather3A_511 = tpu.vector_load_idx %arg26[%add3A_458, %and3A_507] : memref<128x128xf32, #tpu.memory_space<vmem>>[vector<16xi32>, vector<16xi32>], vector<16xf32>,
        %gather3A_512 = tpu.vector_load_idx %arg27[%add3A_458, %and3A_507] : memref<128x128xf32, #tpu.memory_space<vmem>>[vector<16xi32>, vector<16xi32>], vector<16xf32>,
        %mul3A_513 = arith.mulf %gather3A, %gather3A_511 : vector<16xf32>
        %mul3A_514 = arith.mulf %gather3A_508, %gather3A_512 : vector<16xf32>
        %add3A_515 = arith.addf %mul3A_513, %mul3A_514 : vector<16xf32>
        %mul3A_516 = arith.mulf %gather3A_509, %add3A_515 : vector<16xf32>
        %add3A_517 = arith.addf %scan3A_503, %mul3A_516 : vector<16xf32>
        %mul3A_518 = arith.mulf %gather3A, %gather3A_512 : vector<16xf32>
        %mul3A_519 = arith.mulf %gather3A_508, %gather3A_511 : vector<16xf32>
        %sub3A_520 = arith.subf %mul3A_518, %mul3A_519 : vector<16xf32>
        %mul3A_521 = arith.mulf %gather3A_510, %sub3A_520 : vector<16xf32>
        %add3A_522 = arith.addf %add3A_517, %mul3A_521 : vector<16xf32>
        %scan3A_523 = arith.constant 1 : i32
        %scan3A_524 = arith.addi %scan3A_502, %scan3A_523 : i32
        %add3A_525 = vector.broadcast %scan3A_524 : i32 to vector<16xi32>
        %add3A_526 = arith.addi %add3A_525, %iota3A : vector<16xi32>
        %and3A_527 = arith.constant 127 : i32
        %and3A_528 = vector.broadcast %and3A_527 : i32 to vector<16xi32>
        %and3A_529 = arith.andi %add3A_526, %and3A_528 : vector<16xi32>
        %gather3A_530 = tpu.vector_load_idx %arg22[%add3A_458, %and3A_529] : memref<128x128xf32, #tpu.memory_space<vmem>>[vector<16xi32>, vector<16xi32>], vector<16xf32>,
        %gather3A_531 = tpu.vector_load_idx %arg23[%add3A_458, %and3A_529] : memref<128x128xf32, #tpu.memory_space<vmem>>[vector<16xi32>, vector<16xi32>], vector<16xf32>,
        %gather3A_532 = tpu.vector_load_idx %arg24[%add3A_458, %and3A_529] : memref<128x128xf32, #tpu.memory_space<vmem>>[vector<16xi32>, vector<16xi32>], vector<16xf32>,
        %gather3A_533 = tpu.vector_load_idx %arg25[%add3A_458, %and3A_529] : memref<128x128xf32, #tpu.memory_space<vmem>>[vector<16xi32>, vector<16xi32>], vector<16xf32>,
        %gather3A_534 = tpu.vector_load_idx %arg26[%add3A_458, %and3A_529] : memref<128x128xf32, #tpu.memory_space<vmem>>[vector<16xi32>, vector<16xi32>], vector<16xf32>,
        %gather3A_535 = tpu.vector_load_idx %arg27[%add3A_458, %and3A_529] : memref<128x128xf32, #tpu.memory_space<vmem>>[vector<16xi32>, vector<16xi32>], vector<16xf32>,
        %mul3A_536 = arith.mulf %gather3A_530, %gather3A_534 : vector<16xf32>
        %mul3A_537 = arith.mulf %gather3A_531, %gather3A_535 : vector<16xf32>
        %add3A_538 = arith.addf %mul3A_536, %mul3A_537 : vector<16xf32>
        %mul3A_539 = arith.mulf %gather3A_532, %add3A_538 : vector<16xf32>
        %add3A_540 = arith.addf %add3A_522, %mul3A_539 : vector<16xf32>
        %mul3A_541 = arith.mulf %gather3A_530, %gather3A_535 : vector<16xf32>
        %mul3A_542 = arith.mulf %gather3A_531, %gather3A_534 : vector<16xf32>
        %sub3A_543 = arith.subf %mul3A_541, %mul3A_542 : vector<16xf32>
        %mul3A_544 = arith.mulf %gather3A_533, %sub3A_543 : vector<16xf32>
        %add3A_545 = arith.addf %add3A_540, %mul3A_544 : vector<16xf32>
        scf.yield %add3A_545 : vector<16xf32>
      }
      %scan3A_464 = arith.constant 128 : i32
      %mul3A_465 = arith.mulf %scan3A_463, %get3A_3 : vector<16xf32>
      %add3A_466 = arith.addf %mul3A_465, %get3A_7 : vector<16xf32>
      %neg3A_467 = arith.constant 0.000000e+00 : f32
      %neg3A_468 = vector.broadcast %neg3A_467 : f32 to vector<16xf32>
      %neg3A_469 = arith.subf %neg3A_468, %add3A_466 : vector<16xf32>
      %exp3A_470 = math.exp %neg3A_469 : vector<16xf32>
      %add3A_471 = arith.constant 1.000000e+00 : f32
      %add3A_472 = vector.broadcast %add3A_471 : f32 to vector<16xf32>
      %add3A_473 = arith.addf %add3A_472, %exp3A_470 : vector<16xf32>
      %div3A_474 = arith.constant 1.000000e+00 : f32
      %div3A_475 = vector.broadcast %div3A_474 : f32 to vector<16xf32>
      %div3A_476 = arith.divf %div3A_475, %add3A_473 : vector<16xf32>
      %mul3A_477 = arith.mulf %div3A_476, %div3A_476 : vector<16xf32>
      %add3A_478 = arith.addf %add3A_455, %mul3A_477 : vector<16xf32>
      %add3A_479 = arith.constant 112 : i32
      %add3A_480 = vector.broadcast %add3A_479 : i32 to vector<16xi32>
      %add3A_481 = arith.addi %add3A_480, %iota3A : vector<16xi32>
      %scan3A_482 = arith.constant 0 : i32
      %scan3A_483 = arith.constant 128 : i32
      %scan3A_484 = arith.addi %scan3A_482, %scan3A_483 : i32
      %scan3A_485 = arith.constant 2 : i32
      %scan3A_486 = scf.for %scan3A_502 = %scan3A_482 to %scan3A_484 step %scan3A_485 iter_args(%scan3A_503 = %broadcast_in_dim3A_8) -> (vector<16xf32>)  : i32 {
        %add3A_504 = vector.broadcast %scan3A_502 : i32 to vector<16xi32>
        %add3A_505 = arith.addi %add3A_504, %iota3A : vector<16xi32>
        %and3A = arith.constant 127 : i32
        %and3A_506 = vector.broadcast %and3A : i32 to vector<16xi32>
        %and3A_507 = arith.andi %add3A_505, %and3A_506 : vector<16xi32>
        %gather3A = tpu.vector_load_idx %arg22[%add3A_481, %and3A_507] : memref<128x128xf32, #tpu.memory_space<vmem>>[vector<16xi32>, vector<16xi32>], vector<16xf32>,
        %gather3A_508 = tpu.vector_load_idx %arg23[%add3A_481, %and3A_507] : memref<128x128xf32, #tpu.memory_space<vmem>>[vector<16xi32>, vector<16xi32>], vector<16xf32>,
        %gather3A_509 = tpu.vector_load_idx %arg24[%add3A_481, %and3A_507] : memref<128x128xf32, #tpu.memory_space<vmem>>[vector<16xi32>, vector<16xi32>], vector<16xf32>,
        %gather3A_510 = tpu.vector_load_idx %arg25[%add3A_481, %and3A_507] : memref<128x128xf32, #tpu.memory_space<vmem>>[vector<16xi32>, vector<16xi32>], vector<16xf32>,
        %gather3A_511 = tpu.vector_load_idx %arg26[%add3A_481, %and3A_507] : memref<128x128xf32, #tpu.memory_space<vmem>>[vector<16xi32>, vector<16xi32>], vector<16xf32>,
        %gather3A_512 = tpu.vector_load_idx %arg27[%add3A_481, %and3A_507] : memref<128x128xf32, #tpu.memory_space<vmem>>[vector<16xi32>, vector<16xi32>], vector<16xf32>,
        %mul3A_513 = arith.mulf %gather3A, %gather3A_511 : vector<16xf32>
        %mul3A_514 = arith.mulf %gather3A_508, %gather3A_512 : vector<16xf32>
        %add3A_515 = arith.addf %mul3A_513, %mul3A_514 : vector<16xf32>
        %mul3A_516 = arith.mulf %gather3A_509, %add3A_515 : vector<16xf32>
        %add3A_517 = arith.addf %scan3A_503, %mul3A_516 : vector<16xf32>
        %mul3A_518 = arith.mulf %gather3A, %gather3A_512 : vector<16xf32>
        %mul3A_519 = arith.mulf %gather3A_508, %gather3A_511 : vector<16xf32>
        %sub3A_520 = arith.subf %mul3A_518, %mul3A_519 : vector<16xf32>
        %mul3A_521 = arith.mulf %gather3A_510, %sub3A_520 : vector<16xf32>
        %add3A_522 = arith.addf %add3A_517, %mul3A_521 : vector<16xf32>
        %scan3A_523 = arith.constant 1 : i32
        %scan3A_524 = arith.addi %scan3A_502, %scan3A_523 : i32
        %add3A_525 = vector.broadcast %scan3A_524 : i32 to vector<16xi32>
        %add3A_526 = arith.addi %add3A_525, %iota3A : vector<16xi32>
        %and3A_527 = arith.constant 127 : i32
        %and3A_528 = vector.broadcast %and3A_527 : i32 to vector<16xi32>
        %and3A_529 = arith.andi %add3A_526, %and3A_528 : vector<16xi32>
        %gather3A_530 = tpu.vector_load_idx %arg22[%add3A_481, %and3A_529] : memref<128x128xf32, #tpu.memory_space<vmem>>[vector<16xi32>, vector<16xi32>], vector<16xf32>,
        %gather3A_531 = tpu.vector_load_idx %arg23[%add3A_481, %and3A_529] : memref<128x128xf32, #tpu.memory_space<vmem>>[vector<16xi32>, vector<16xi32>], vector<16xf32>,
        %gather3A_532 = tpu.vector_load_idx %arg24[%add3A_481, %and3A_529] : memref<128x128xf32, #tpu.memory_space<vmem>>[vector<16xi32>, vector<16xi32>], vector<16xf32>,
        %gather3A_533 = tpu.vector_load_idx %arg25[%add3A_481, %and3A_529] : memref<128x128xf32, #tpu.memory_space<vmem>>[vector<16xi32>, vector<16xi32>], vector<16xf32>,
        %gather3A_534 = tpu.vector_load_idx %arg26[%add3A_481, %and3A_529] : memref<128x128xf32, #tpu.memory_space<vmem>>[vector<16xi32>, vector<16xi32>], vector<16xf32>,
        %gather3A_535 = tpu.vector_load_idx %arg27[%add3A_481, %and3A_529] : memref<128x128xf32, #tpu.memory_space<vmem>>[vector<16xi32>, vector<16xi32>], vector<16xf32>,
        %mul3A_536 = arith.mulf %gather3A_530, %gather3A_534 : vector<16xf32>
        %mul3A_537 = arith.mulf %gather3A_531, %gather3A_535 : vector<16xf32>
        %add3A_538 = arith.addf %mul3A_536, %mul3A_537 : vector<16xf32>
        %mul3A_539 = arith.mulf %gather3A_532, %add3A_538 : vector<16xf32>
        %add3A_540 = arith.addf %add3A_522, %mul3A_539 : vector<16xf32>
        %mul3A_541 = arith.mulf %gather3A_530, %gather3A_535 : vector<16xf32>
        %mul3A_542 = arith.mulf %gather3A_531, %gather3A_534 : vector<16xf32>
        %sub3A_543 = arith.subf %mul3A_541, %mul3A_542 : vector<16xf32>
        %mul3A_544 = arith.mulf %gather3A_533, %sub3A_543 : vector<16xf32>
        %add3A_545 = arith.addf %add3A_540, %mul3A_544 : vector<16xf32>
        scf.yield %add3A_545 : vector<16xf32>
      }
      %scan3A_487 = arith.constant 128 : i32
      %mul3A_488 = arith.mulf %scan3A_486, %get3A_3 : vector<16xf32>
      %add3A_489 = arith.addf %mul3A_488, %get3A_7 : vector<16xf32>
      %neg3A_490 = arith.constant 0.000000e+00 : f32
      %neg3A_491 = vector.broadcast %neg3A_490 : f32 to vector<16xf32>
      %neg3A_492 = arith.subf %neg3A_491, %add3A_489 : vector<16xf32>
      %exp3A_493 = math.exp %neg3A_492 : vector<16xf32>
      %add3A_494 = arith.constant 1.000000e+00 : f32
      %add3A_495 = vector.broadcast %add3A_494 : f32 to vector<16xf32>
      %add3A_496 = arith.addf %add3A_495, %exp3A_493 : vector<16xf32>
      %div3A_497 = arith.constant 1.000000e+00 : f32
      %div3A_498 = vector.broadcast %div3A_497 : f32 to vector<16xf32>
      %div3A_499 = arith.divf %div3A_498, %add3A_496 : vector<16xf32>
      %mul3A_500 = arith.mulf %div3A_499, %div3A_499 : vector<16xf32>
      %add3A_501 = arith.addf %add3A_478, %mul3A_500 : vector<16xf32>
      scf.yield %add3A_501 : vector<16xf32>
    }
    %scan3A_254 = arith.constant 10 : i32
    %scan3A_255 = arith.constant 0 : i32
    %scan3A_256 = arith.constant 10 : i32
    %scan3A_257 = arith.addi %scan3A_255, %scan3A_256 : i32
    %scan3A_258 = arith.constant 1 : i32
    %scan3A_259 = scf.for %scan3A_274 = %scan3A_255 to %scan3A_257 step %scan3A_258 iter_args(%scan3A_275 = %broadcast_in_dim3A_8) -> (vector<16xf32>)  : i32 {
      %mul3A_276 = arith.constant 1280 : i32
      %mul3A_277 = arith.muli %add3A, %mul3A_276 : i32
      %mul3A_278 = arith.constant 128 : i32
      %mul3A_279 = arith.muli %scan3A_274, %mul3A_278 : i32
      %add3A_280 = arith.addi %mul3A_277, %mul3A_279 : i32
      %multiple_of3A_281 = tpu.assume_multiple %add3A_280, 8 : i32
      "tpu.region"() ({
        %run_scoped3A = tpu.sem_alloc : memref<!tpu.dma_semaphore, #tpu.memory_space<semaphore_mem>>
        %dma_start3A_502 = tpu.memref_slice %arg9[%multiple_of3A_281] : memref<40960xi32, #tpu.memory_space<hbm>> -> memref<128xi32, #tpu.memory_space<hbm>>
        %dma_start3A_503 = tpu.memref_slice %arg9[%multiple_of3A_281] : memref<40960xi32, #tpu.memory_space<hbm>> -> memref<128xi32, #tpu.memory_space<hbm>>
        tpu.enqueue_dma source(%dma_start3A_503 : memref<128xi32, #tpu.memory_space<hbm>>) target(%arg18 : memref<128xi32, #tpu.memory_space<vmem>>) target_semaphore(%run_scoped3A : memref<!tpu.dma_semaphore, #tpu.memory_space<semaphore_mem>>)
        %dma_wait3A_504 = tpu.memref_slice %arg9[%multiple_of3A_281] : memref<40960xi32, #tpu.memory_space<hbm>> -> memref<128xi32, #tpu.memory_space<hbm>>
        %dma_wait3A_505 = tpu.memref_slice %arg9[%multiple_of3A_281] : memref<40960xi32, #tpu.memory_space<hbm>> -> memref<128xi32, #tpu.memory_space<hbm>>
        tpu.wait_dma2 semaphore(%run_scoped3A : memref<!tpu.dma_semaphore, #tpu.memory_space<semaphore_mem>>) src(%dma_wait3A_505 : memref<128xi32, #tpu.memory_space<hbm>>) dst(%arg18 : memref<128xi32, #tpu.memory_space<vmem>>)
        tpu.yield
      }) : () -> ()
      "tpu.region"() ({
        %run_scoped3A = tpu.sem_alloc : memref<!tpu.dma_semaphore, #tpu.memory_space<semaphore_mem>>
        %dma_start3A_502 = tpu.memref_slice %arg10[%multiple_of3A_281] : memref<40960xi32, #tpu.memory_space<hbm>> -> memref<128xi32, #tpu.memory_space<hbm>>
        %dma_start3A_503 = tpu.memref_slice %arg10[%multiple_of3A_281] : memref<40960xi32, #tpu.memory_space<hbm>> -> memref<128xi32, #tpu.memory_space<hbm>>
        tpu.enqueue_dma source(%dma_start3A_503 : memref<128xi32, #tpu.memory_space<hbm>>) target(%arg19 : memref<128xi32, #tpu.memory_space<vmem>>) target_semaphore(%run_scoped3A : memref<!tpu.dma_semaphore, #tpu.memory_space<semaphore_mem>>)
        %dma_wait3A_504 = tpu.memref_slice %arg10[%multiple_of3A_281] : memref<40960xi32, #tpu.memory_space<hbm>> -> memref<128xi32, #tpu.memory_space<hbm>>
        %dma_wait3A_505 = tpu.memref_slice %arg10[%multiple_of3A_281] : memref<40960xi32, #tpu.memory_space<hbm>> -> memref<128xi32, #tpu.memory_space<hbm>>
        tpu.wait_dma2 semaphore(%run_scoped3A : memref<!tpu.dma_semaphore, #tpu.memory_space<semaphore_mem>>) src(%dma_wait3A_505 : memref<128xi32, #tpu.memory_space<hbm>>) dst(%arg19 : memref<128xi32, #tpu.memory_space<vmem>>)
        tpu.yield
      }) : () -> ()
      "tpu.region"() ({
        %run_scoped3A = tpu.sem_alloc : memref<!tpu.dma_semaphore, #tpu.memory_space<semaphore_mem>>
        %dma_start3A_502 = tpu.memref_slice %arg11[%multiple_of3A_281] : memref<40960xi32, #tpu.memory_space<hbm>> -> memref<128xi32, #tpu.memory_space<hbm>>
        %dma_start3A_503 = tpu.memref_slice %arg11[%multiple_of3A_281] : memref<40960xi32, #tpu.memory_space<hbm>> -> memref<128xi32, #tpu.memory_space<hbm>>
        tpu.enqueue_dma source(%dma_start3A_503 : memref<128xi32, #tpu.memory_space<hbm>>) target(%arg20 : memref<128xi32, #tpu.memory_space<vmem>>) target_semaphore(%run_scoped3A : memref<!tpu.dma_semaphore, #tpu.memory_space<semaphore_mem>>)
        %dma_wait3A_504 = tpu.memref_slice %arg11[%multiple_of3A_281] : memref<40960xi32, #tpu.memory_space<hbm>> -> memref<128xi32, #tpu.memory_space<hbm>>
        %dma_wait3A_505 = tpu.memref_slice %arg11[%multiple_of3A_281] : memref<40960xi32, #tpu.memory_space<hbm>> -> memref<128xi32, #tpu.memory_space<hbm>>
        tpu.wait_dma2 semaphore(%run_scoped3A : memref<!tpu.dma_semaphore, #tpu.memory_space<semaphore_mem>>) src(%dma_wait3A_505 : memref<128xi32, #tpu.memory_space<hbm>>) dst(%arg20 : memref<128xi32, #tpu.memory_space<vmem>>)
        tpu.yield
      }) : () -> ()
      %dma_start3A_282 = arith.constant 0 : i32
      %dma_start3A_283 = arith.constant 0 : i32
      %dma_start3A_284 = tpu.memref_slice %arg12[%dma_start3A_282, %dma_start3A_283] : memref<100000x128xf32, #tpu.memory_space<hbm>> -> memref<100000x128xf32, #tpu.memory_space<hbm>>
      tpu.enqueue_indirect_dma source(%dma_start3A_284 : memref<100000x128xf32, #tpu.memory_space<hbm>>) target(%arg22 : memref<128x128xf32, #tpu.memory_space<vmem>>) offsets(%arg18 : memref<128xi32, #tpu.memory_space<vmem>>) semaphore(%arg30 : memref<!tpu.dma_semaphore, #tpu.memory_space<semaphore_mem>>)
      %dma_start3A_285 = arith.constant 0 : i32
      %dma_start3A_286 = arith.constant 0 : i32
      %dma_start3A_287 = tpu.memref_slice %arg13[%dma_start3A_285, %dma_start3A_286] : memref<100000x128xf32, #tpu.memory_space<hbm>> -> memref<100000x128xf32, #tpu.memory_space<hbm>>
      tpu.enqueue_indirect_dma source(%dma_start3A_287 : memref<100000x128xf32, #tpu.memory_space<hbm>>) target(%arg23 : memref<128x128xf32, #tpu.memory_space<vmem>>) offsets(%arg18 : memref<128xi32, #tpu.memory_space<vmem>>) semaphore(%arg30 : memref<!tpu.dma_semaphore, #tpu.memory_space<semaphore_mem>>)
      %dma_start3A_288 = arith.constant 0 : i32
      %dma_start3A_289 = arith.constant 0 : i32
      %dma_start3A_290 = tpu.memref_slice %arg14[%dma_start3A_288, %dma_start3A_289] : memref<1000x128xf32, #tpu.memory_space<hbm>> -> memref<1000x128xf32, #tpu.memory_space<hbm>>
      tpu.enqueue_indirect_dma source(%dma_start3A_290 : memref<1000x128xf32, #tpu.memory_space<hbm>>) target(%arg24 : memref<128x128xf32, #tpu.memory_space<vmem>>) offsets(%arg19 : memref<128xi32, #tpu.memory_space<vmem>>) semaphore(%arg30 : memref<!tpu.dma_semaphore, #tpu.memory_space<semaphore_mem>>)
      %dma_start3A_291 = arith.constant 0 : i32
      %dma_start3A_292 = arith.constant 0 : i32
      %dma_start3A_293 = tpu.memref_slice %arg15[%dma_start3A_291, %dma_start3A_292] : memref<1000x128xf32, #tpu.memory_space<hbm>> -> memref<1000x128xf32, #tpu.memory_space<hbm>>
      tpu.enqueue_indirect_dma source(%dma_start3A_293 : memref<1000x128xf32, #tpu.memory_space<hbm>>) target(%arg25 : memref<128x128xf32, #tpu.memory_space<vmem>>) offsets(%arg19 : memref<128xi32, #tpu.memory_space<vmem>>) semaphore(%arg30 : memref<!tpu.dma_semaphore, #tpu.memory_space<semaphore_mem>>)
      %dma_start3A_294 = arith.constant 0 : i32
      %dma_start3A_295 = arith.constant 0 : i32
      %dma_start3A_296 = tpu.memref_slice %arg12[%dma_start3A_294, %dma_start3A_295] : memref<100000x128xf32, #tpu.memory_space<hbm>> -> memref<100000x128xf32, #tpu.memory_space<hbm>>
      tpu.enqueue_indirect_dma source(%dma_start3A_296 : memref<100000x128xf32, #tpu.memory_space<hbm>>) target(%arg26 : memref<128x128xf32, #tpu.memory_space<vmem>>) offsets(%arg20 : memref<128xi32, #tpu.memory_space<vmem>>) semaphore(%arg30 : memref<!tpu.dma_semaphore, #tpu.memory_space<semaphore_mem>>)
      %dma_start3A_297 = arith.constant 0 : i32
      %dma_start3A_298 = arith.constant 0 : i32
      %dma_start3A_299 = tpu.memref_slice %arg13[%dma_start3A_297, %dma_start3A_298] : memref<100000x128xf32, #tpu.memory_space<hbm>> -> memref<100000x128xf32, #tpu.memory_space<hbm>>
      tpu.enqueue_indirect_dma source(%dma_start3A_299 : memref<100000x128xf32, #tpu.memory_space<hbm>>) target(%arg27 : memref<128x128xf32, #tpu.memory_space<vmem>>) offsets(%arg20 : memref<128xi32, #tpu.memory_space<vmem>>) semaphore(%arg30 : memref<!tpu.dma_semaphore, #tpu.memory_space<semaphore_mem>>)
      %dma_wait3A_300 = arith.constant 0 : i32
      %dma_wait3A_301 = arith.constant 0 : i32
      %dma_wait3A_302 = tpu.memref_slice %arg12[%dma_wait3A_300, %dma_wait3A_301] : memref<100000x128xf32, #tpu.memory_space<hbm>> -> memref<100000x128xf32, #tpu.memory_space<hbm>>
      tpu.wait_indirect_dma semaphore(%arg30 : memref<!tpu.dma_semaphore, #tpu.memory_space<semaphore_mem>>) src(%dma_wait3A_302 : memref<100000x128xf32, #tpu.memory_space<hbm>>) dst(%arg22 : memref<128x128xf32, #tpu.memory_space<vmem>>)
      %dma_wait3A_303 = arith.constant 0 : i32
      %dma_wait3A_304 = arith.constant 0 : i32
      %dma_wait3A_305 = tpu.memref_slice %arg13[%dma_wait3A_303, %dma_wait3A_304] : memref<100000x128xf32, #tpu.memory_space<hbm>> -> memref<100000x128xf32, #tpu.memory_space<hbm>>
      tpu.wait_indirect_dma semaphore(%arg30 : memref<!tpu.dma_semaphore, #tpu.memory_space<semaphore_mem>>) src(%dma_wait3A_305 : memref<100000x128xf32, #tpu.memory_space<hbm>>) dst(%arg23 : memref<128x128xf32, #tpu.memory_space<vmem>>)
      %dma_wait3A_306 = arith.constant 0 : i32
      %dma_wait3A_307 = arith.constant 0 : i32
      %dma_wait3A_308 = tpu.memref_slice %arg14[%dma_wait3A_306, %dma_wait3A_307] : memref<1000x128xf32, #tpu.memory_space<hbm>> -> memref<1000x128xf32, #tpu.memory_space<hbm>>
      tpu.wait_indirect_dma semaphore(%arg30 : memref<!tpu.dma_semaphore, #tpu.memory_space<semaphore_mem>>) src(%dma_wait3A_308 : memref<1000x128xf32, #tpu.memory_space<hbm>>) dst(%arg24 : memref<128x128xf32, #tpu.memory_space<vmem>>)
      %dma_wait3A_309 = arith.constant 0 : i32
      %dma_wait3A_310 = arith.constant 0 : i32
      %dma_wait3A_311 = tpu.memref_slice %arg15[%dma_wait3A_309, %dma_wait3A_310] : memref<1000x128xf32, #tpu.memory_space<hbm>> -> memref<1000x128xf32, #tpu.memory_space<hbm>>
      tpu.wait_indirect_dma semaphore(%arg30 : memref<!tpu.dma_semaphore, #tpu.memory_space<semaphore_mem>>) src(%dma_wait3A_311 : memref<1000x128xf32, #tpu.memory_space<hbm>>) dst(%arg25 : memref<128x128xf32, #tpu.memory_space<vmem>>)
      %dma_wait3A_312 = arith.constant 0 : i32
      %dma_wait3A_313 = arith.constant 0 : i32
      %dma_wait3A_314 = tpu.memref_slice %arg12[%dma_wait3A_312, %dma_wait3A_313] : memref<100000x128xf32, #tpu.memory_space<hbm>> -> memref<100000x128xf32, #tpu.memory_space<hbm>>
      tpu.wait_indirect_dma semaphore(%arg30 : memref<!tpu.dma_semaphore, #tpu.memory_space<semaphore_mem>>) src(%dma_wait3A_314 : memref<100000x128xf32, #tpu.memory_space<hbm>>) dst(%arg26 : memref<128x128xf32, #tpu.memory_space<vmem>>)
      %dma_wait3A_315 = arith.constant 0 : i32
      %dma_wait3A_316 = arith.constant 0 : i32
      %dma_wait3A_317 = tpu.memref_slice %arg13[%dma_wait3A_315, %dma_wait3A_316] : memref<100000x128xf32, #tpu.memory_space<hbm>> -> memref<100000x128xf32, #tpu.memory_space<hbm>>
      tpu.wait_indirect_dma semaphore(%arg30 : memref<!tpu.dma_semaphore, #tpu.memory_space<semaphore_mem>>) src(%dma_wait3A_317 : memref<100000x128xf32, #tpu.memory_space<hbm>>) dst(%arg27 : memref<128x128xf32, #tpu.memory_space<vmem>>)
      %add3A_318 = arith.constant 0 : i32
      %add3A_319 = vector.broadcast %add3A_318 : i32 to vector<16xi32>
      %add3A_320 = arith.addi %add3A_319, %iota3A : vector<16xi32>
      %scan3A_321 = arith.constant 0 : i32
      %scan3A_322 = arith.constant 128 : i32
      %scan3A_323 = arith.addi %scan3A_321, %scan3A_322 : i32
      %scan3A_324 = arith.constant 2 : i32
      %scan3A_325 = scf.for %scan3A_502 = %scan3A_321 to %scan3A_323 step %scan3A_324 iter_args(%scan3A_503 = %broadcast_in_dim3A_8) -> (vector<16xf32>)  : i32 {
        %add3A_504 = vector.broadcast %scan3A_502 : i32 to vector<16xi32>
        %add3A_505 = arith.addi %add3A_504, %iota3A : vector<16xi32>
        %and3A = arith.constant 127 : i32
        %and3A_506 = vector.broadcast %and3A : i32 to vector<16xi32>
        %and3A_507 = arith.andi %add3A_505, %and3A_506 : vector<16xi32>
        %gather3A = tpu.vector_load_idx %arg22[%add3A_320, %and3A_507] : memref<128x128xf32, #tpu.memory_space<vmem>>[vector<16xi32>, vector<16xi32>], vector<16xf32>,
        %gather3A_508 = tpu.vector_load_idx %arg23[%add3A_320, %and3A_507] : memref<128x128xf32, #tpu.memory_space<vmem>>[vector<16xi32>, vector<16xi32>], vector<16xf32>,
        %gather3A_509 = tpu.vector_load_idx %arg24[%add3A_320, %and3A_507] : memref<128x128xf32, #tpu.memory_space<vmem>>[vector<16xi32>, vector<16xi32>], vector<16xf32>,
        %gather3A_510 = tpu.vector_load_idx %arg25[%add3A_320, %and3A_507] : memref<128x128xf32, #tpu.memory_space<vmem>>[vector<16xi32>, vector<16xi32>], vector<16xf32>,
        %gather3A_511 = tpu.vector_load_idx %arg26[%add3A_320, %and3A_507] : memref<128x128xf32, #tpu.memory_space<vmem>>[vector<16xi32>, vector<16xi32>], vector<16xf32>,
        %gather3A_512 = tpu.vector_load_idx %arg27[%add3A_320, %and3A_507] : memref<128x128xf32, #tpu.memory_space<vmem>>[vector<16xi32>, vector<16xi32>], vector<16xf32>,
        %mul3A_513 = arith.mulf %gather3A, %gather3A_511 : vector<16xf32>
        %mul3A_514 = arith.mulf %gather3A_508, %gather3A_512 : vector<16xf32>
        %add3A_515 = arith.addf %mul3A_513, %mul3A_514 : vector<16xf32>
        %mul3A_516 = arith.mulf %gather3A_509, %add3A_515 : vector<16xf32>
        %add3A_517 = arith.addf %scan3A_503, %mul3A_516 : vector<16xf32>
        %mul3A_518 = arith.mulf %gather3A, %gather3A_512 : vector<16xf32>
        %mul3A_519 = arith.mulf %gather3A_508, %gather3A_511 : vector<16xf32>
        %sub3A_520 = arith.subf %mul3A_518, %mul3A_519 : vector<16xf32>
        %mul3A_521 = arith.mulf %gather3A_510, %sub3A_520 : vector<16xf32>
        %add3A_522 = arith.addf %add3A_517, %mul3A_521 : vector<16xf32>
        %scan3A_523 = arith.constant 1 : i32
        %scan3A_524 = arith.addi %scan3A_502, %scan3A_523 : i32
        %add3A_525 = vector.broadcast %scan3A_524 : i32 to vector<16xi32>
        %add3A_526 = arith.addi %add3A_525, %iota3A : vector<16xi32>
        %and3A_527 = arith.constant 127 : i32
        %and3A_528 = vector.broadcast %and3A_527 : i32 to vector<16xi32>
        %and3A_529 = arith.andi %add3A_526, %and3A_528 : vector<16xi32>
        %gather3A_530 = tpu.vector_load_idx %arg22[%add3A_320, %and3A_529] : memref<128x128xf32, #tpu.memory_space<vmem>>[vector<16xi32>, vector<16xi32>], vector<16xf32>,
        %gather3A_531 = tpu.vector_load_idx %arg23[%add3A_320, %and3A_529] : memref<128x128xf32, #tpu.memory_space<vmem>>[vector<16xi32>, vector<16xi32>], vector<16xf32>,
        %gather3A_532 = tpu.vector_load_idx %arg24[%add3A_320, %and3A_529] : memref<128x128xf32, #tpu.memory_space<vmem>>[vector<16xi32>, vector<16xi32>], vector<16xf32>,
        %gather3A_533 = tpu.vector_load_idx %arg25[%add3A_320, %and3A_529] : memref<128x128xf32, #tpu.memory_space<vmem>>[vector<16xi32>, vector<16xi32>], vector<16xf32>,
        %gather3A_534 = tpu.vector_load_idx %arg26[%add3A_320, %and3A_529] : memref<128x128xf32, #tpu.memory_space<vmem>>[vector<16xi32>, vector<16xi32>], vector<16xf32>,
        %gather3A_535 = tpu.vector_load_idx %arg27[%add3A_320, %and3A_529] : memref<128x128xf32, #tpu.memory_space<vmem>>[vector<16xi32>, vector<16xi32>], vector<16xf32>,
        %mul3A_536 = arith.mulf %gather3A_530, %gather3A_534 : vector<16xf32>
        %mul3A_537 = arith.mulf %gather3A_531, %gather3A_535 : vector<16xf32>
        %add3A_538 = arith.addf %mul3A_536, %mul3A_537 : vector<16xf32>
        %mul3A_539 = arith.mulf %gather3A_532, %add3A_538 : vector<16xf32>
        %add3A_540 = arith.addf %add3A_522, %mul3A_539 : vector<16xf32>
        %mul3A_541 = arith.mulf %gather3A_530, %gather3A_535 : vector<16xf32>
        %mul3A_542 = arith.mulf %gather3A_531, %gather3A_534 : vector<16xf32>
        %sub3A_543 = arith.subf %mul3A_541, %mul3A_542 : vector<16xf32>
        %mul3A_544 = arith.mulf %gather3A_533, %sub3A_543 : vector<16xf32>
        %add3A_545 = arith.addf %add3A_540, %mul3A_544 : vector<16xf32>
        scf.yield %add3A_545 : vector<16xf32>
      }
      %scan3A_326 = arith.constant 128 : i32
      %mul3A_327 = arith.mulf %scan3A_325, %get3A_3 : vector<16xf32>
      %add3A_328 = arith.addf %mul3A_327, %get3A_7 : vector<16xf32>
      %neg3A_329 = arith.constant 0.000000e+00 : f32
      %neg3A_330 = vector.broadcast %neg3A_329 : f32 to vector<16xf32>
      %neg3A_331 = arith.subf %neg3A_330, %add3A_328 : vector<16xf32>
      %exp3A_332 = math.exp %neg3A_331 : vector<16xf32>
      %add3A_333 = arith.constant 1.000000e+00 : f32
      %add3A_334 = vector.broadcast %add3A_333 : f32 to vector<16xf32>
      %add3A_335 = arith.addf %add3A_334, %exp3A_332 : vector<16xf32>
      %div3A_336 = arith.constant 1.000000e+00 : f32
      %div3A_337 = vector.broadcast %div3A_336 : f32 to vector<16xf32>
      %div3A_338 = arith.divf %div3A_337, %add3A_335 : vector<16xf32>
      %mul3A_339 = arith.mulf %div3A_338, %div3A_338 : vector<16xf32>
      %add3A_340 = arith.addf %scan3A_275, %mul3A_339 : vector<16xf32>
      %add3A_341 = arith.constant 16 : i32
      %add3A_342 = vector.broadcast %add3A_341 : i32 to vector<16xi32>
      %add3A_343 = arith.addi %add3A_342, %iota3A : vector<16xi32>
      %scan3A_344 = arith.constant 0 : i32
      %scan3A_345 = arith.constant 128 : i32
      %scan3A_346 = arith.addi %scan3A_344, %scan3A_345 : i32
      %scan3A_347 = arith.constant 2 : i32
      %scan3A_348 = scf.for %scan3A_502 = %scan3A_344 to %scan3A_346 step %scan3A_347 iter_args(%scan3A_503 = %broadcast_in_dim3A_8) -> (vector<16xf32>)  : i32 {
        %add3A_504 = vector.broadcast %scan3A_502 : i32 to vector<16xi32>
        %add3A_505 = arith.addi %add3A_504, %iota3A : vector<16xi32>
        %and3A = arith.constant 127 : i32
        %and3A_506 = vector.broadcast %and3A : i32 to vector<16xi32>
        %and3A_507 = arith.andi %add3A_505, %and3A_506 : vector<16xi32>
        %gather3A = tpu.vector_load_idx %arg22[%add3A_343, %and3A_507] : memref<128x128xf32, #tpu.memory_space<vmem>>[vector<16xi32>, vector<16xi32>], vector<16xf32>,
        %gather3A_508 = tpu.vector_load_idx %arg23[%add3A_343, %and3A_507] : memref<128x128xf32, #tpu.memory_space<vmem>>[vector<16xi32>, vector<16xi32>], vector<16xf32>,
        %gather3A_509 = tpu.vector_load_idx %arg24[%add3A_343, %and3A_507] : memref<128x128xf32, #tpu.memory_space<vmem>>[vector<16xi32>, vector<16xi32>], vector<16xf32>,
        %gather3A_510 = tpu.vector_load_idx %arg25[%add3A_343, %and3A_507] : memref<128x128xf32, #tpu.memory_space<vmem>>[vector<16xi32>, vector<16xi32>], vector<16xf32>,
        %gather3A_511 = tpu.vector_load_idx %arg26[%add3A_343, %and3A_507] : memref<128x128xf32, #tpu.memory_space<vmem>>[vector<16xi32>, vector<16xi32>], vector<16xf32>,
        %gather3A_512 = tpu.vector_load_idx %arg27[%add3A_343, %and3A_507] : memref<128x128xf32, #tpu.memory_space<vmem>>[vector<16xi32>, vector<16xi32>], vector<16xf32>,
        %mul3A_513 = arith.mulf %gather3A, %gather3A_511 : vector<16xf32>
        %mul3A_514 = arith.mulf %gather3A_508, %gather3A_512 : vector<16xf32>
        %add3A_515 = arith.addf %mul3A_513, %mul3A_514 : vector<16xf32>
        %mul3A_516 = arith.mulf %gather3A_509, %add3A_515 : vector<16xf32>
        %add3A_517 = arith.addf %scan3A_503, %mul3A_516 : vector<16xf32>
        %mul3A_518 = arith.mulf %gather3A, %gather3A_512 : vector<16xf32>
        %mul3A_519 = arith.mulf %gather3A_508, %gather3A_511 : vector<16xf32>
        %sub3A_520 = arith.subf %mul3A_518, %mul3A_519 : vector<16xf32>
        %mul3A_521 = arith.mulf %gather3A_510, %sub3A_520 : vector<16xf32>
        %add3A_522 = arith.addf %add3A_517, %mul3A_521 : vector<16xf32>
        %scan3A_523 = arith.constant 1 : i32
        %scan3A_524 = arith.addi %scan3A_502, %scan3A_523 : i32
        %add3A_525 = vector.broadcast %scan3A_524 : i32 to vector<16xi32>
        %add3A_526 = arith.addi %add3A_525, %iota3A : vector<16xi32>
        %and3A_527 = arith.constant 127 : i32
        %and3A_528 = vector.broadcast %and3A_527 : i32 to vector<16xi32>
        %and3A_529 = arith.andi %add3A_526, %and3A_528 : vector<16xi32>
        %gather3A_530 = tpu.vector_load_idx %arg22[%add3A_343, %and3A_529] : memref<128x128xf32, #tpu.memory_space<vmem>>[vector<16xi32>, vector<16xi32>], vector<16xf32>,
        %gather3A_531 = tpu.vector_load_idx %arg23[%add3A_343, %and3A_529] : memref<128x128xf32, #tpu.memory_space<vmem>>[vector<16xi32>, vector<16xi32>], vector<16xf32>,
        %gather3A_532 = tpu.vector_load_idx %arg24[%add3A_343, %and3A_529] : memref<128x128xf32, #tpu.memory_space<vmem>>[vector<16xi32>, vector<16xi32>], vector<16xf32>,
        %gather3A_533 = tpu.vector_load_idx %arg25[%add3A_343, %and3A_529] : memref<128x128xf32, #tpu.memory_space<vmem>>[vector<16xi32>, vector<16xi32>], vector<16xf32>,
        %gather3A_534 = tpu.vector_load_idx %arg26[%add3A_343, %and3A_529] : memref<128x128xf32, #tpu.memory_space<vmem>>[vector<16xi32>, vector<16xi32>], vector<16xf32>,
        %gather3A_535 = tpu.vector_load_idx %arg27[%add3A_343, %and3A_529] : memref<128x128xf32, #tpu.memory_space<vmem>>[vector<16xi32>, vector<16xi32>], vector<16xf32>,
        %mul3A_536 = arith.mulf %gather3A_530, %gather3A_534 : vector<16xf32>
        %mul3A_537 = arith.mulf %gather3A_531, %gather3A_535 : vector<16xf32>
        %add3A_538 = arith.addf %mul3A_536, %mul3A_537 : vector<16xf32>
        %mul3A_539 = arith.mulf %gather3A_532, %add3A_538 : vector<16xf32>
        %add3A_540 = arith.addf %add3A_522, %mul3A_539 : vector<16xf32>
        %mul3A_541 = arith.mulf %gather3A_530, %gather3A_535 : vector<16xf32>
        %mul3A_542 = arith.mulf %gather3A_531, %gather3A_534 : vector<16xf32>
        %sub3A_543 = arith.subf %mul3A_541, %mul3A_542 : vector<16xf32>
        %mul3A_544 = arith.mulf %gather3A_533, %sub3A_543 : vector<16xf32>
        %add3A_545 = arith.addf %add3A_540, %mul3A_544 : vector<16xf32>
        scf.yield %add3A_545 : vector<16xf32>
      }
      %scan3A_349 = arith.constant 128 : i32
      %mul3A_350 = arith.mulf %scan3A_348, %get3A_3 : vector<16xf32>
      %add3A_351 = arith.addf %mul3A_350, %get3A_7 : vector<16xf32>
      %neg3A_352 = arith.constant 0.000000e+00 : f32
      %neg3A_353 = vector.broadcast %neg3A_352 : f32 to vector<16xf32>
      %neg3A_354 = arith.subf %neg3A_353, %add3A_351 : vector<16xf32>
      %exp3A_355 = math.exp %neg3A_354 : vector<16xf32>
      %add3A_356 = arith.constant 1.000000e+00 : f32
      %add3A_357 = vector.broadcast %add3A_356 : f32 to vector<16xf32>
      %add3A_358 = arith.addf %add3A_357, %exp3A_355 : vector<16xf32>
      %div3A_359 = arith.constant 1.000000e+00 : f32
      %div3A_360 = vector.broadcast %div3A_359 : f32 to vector<16xf32>
      %div3A_361 = arith.divf %div3A_360, %add3A_358 : vector<16xf32>
      %mul3A_362 = arith.mulf %div3A_361, %div3A_361 : vector<16xf32>
      %add3A_363 = arith.addf %add3A_340, %mul3A_362 : vector<16xf32>
      %add3A_364 = arith.constant 32 : i32
      %add3A_365 = vector.broadcast %add3A_364 : i32 to vector<16xi32>
      %add3A_366 = arith.addi %add3A_365, %iota3A : vector<16xi32>
      %scan3A_367 = arith.constant 0 : i32
      %scan3A_368 = arith.constant 128 : i32
      %scan3A_369 = arith.addi %scan3A_367, %scan3A_368 : i32
      %scan3A_370 = arith.constant 2 : i32
      %scan3A_371 = scf.for %scan3A_502 = %scan3A_367 to %scan3A_369 step %scan3A_370 iter_args(%scan3A_503 = %broadcast_in_dim3A_8) -> (vector<16xf32>)  : i32 {
        %add3A_504 = vector.broadcast %scan3A_502 : i32 to vector<16xi32>
        %add3A_505 = arith.addi %add3A_504, %iota3A : vector<16xi32>
        %and3A = arith.constant 127 : i32
        %and3A_506 = vector.broadcast %and3A : i32 to vector<16xi32>
        %and3A_507 = arith.andi %add3A_505, %and3A_506 : vector<16xi32>
        %gather3A = tpu.vector_load_idx %arg22[%add3A_366, %and3A_507] : memref<128x128xf32, #tpu.memory_space<vmem>>[vector<16xi32>, vector<16xi32>], vector<16xf32>,
        %gather3A_508 = tpu.vector_load_idx %arg23[%add3A_366, %and3A_507] : memref<128x128xf32, #tpu.memory_space<vmem>>[vector<16xi32>, vector<16xi32>], vector<16xf32>,
        %gather3A_509 = tpu.vector_load_idx %arg24[%add3A_366, %and3A_507] : memref<128x128xf32, #tpu.memory_space<vmem>>[vector<16xi32>, vector<16xi32>], vector<16xf32>,
        %gather3A_510 = tpu.vector_load_idx %arg25[%add3A_366, %and3A_507] : memref<128x128xf32, #tpu.memory_space<vmem>>[vector<16xi32>, vector<16xi32>], vector<16xf32>,
        %gather3A_511 = tpu.vector_load_idx %arg26[%add3A_366, %and3A_507] : memref<128x128xf32, #tpu.memory_space<vmem>>[vector<16xi32>, vector<16xi32>], vector<16xf32>,
        %gather3A_512 = tpu.vector_load_idx %arg27[%add3A_366, %and3A_507] : memref<128x128xf32, #tpu.memory_space<vmem>>[vector<16xi32>, vector<16xi32>], vector<16xf32>,
        %mul3A_513 = arith.mulf %gather3A, %gather3A_511 : vector<16xf32>
        %mul3A_514 = arith.mulf %gather3A_508, %gather3A_512 : vector<16xf32>
        %add3A_515 = arith.addf %mul3A_513, %mul3A_514 : vector<16xf32>
        %mul3A_516 = arith.mulf %gather3A_509, %add3A_515 : vector<16xf32>
        %add3A_517 = arith.addf %scan3A_503, %mul3A_516 : vector<16xf32>
        %mul3A_518 = arith.mulf %gather3A, %gather3A_512 : vector<16xf32>
        %mul3A_519 = arith.mulf %gather3A_508, %gather3A_511 : vector<16xf32>
        %sub3A_520 = arith.subf %mul3A_518, %mul3A_519 : vector<16xf32>
        %mul3A_521 = arith.mulf %gather3A_510, %sub3A_520 : vector<16xf32>
        %add3A_522 = arith.addf %add3A_517, %mul3A_521 : vector<16xf32>
        %scan3A_523 = arith.constant 1 : i32
        %scan3A_524 = arith.addi %scan3A_502, %scan3A_523 : i32
        %add3A_525 = vector.broadcast %scan3A_524 : i32 to vector<16xi32>
        %add3A_526 = arith.addi %add3A_525, %iota3A : vector<16xi32>
        %and3A_527 = arith.constant 127 : i32
        %and3A_528 = vector.broadcast %and3A_527 : i32 to vector<16xi32>
        %and3A_529 = arith.andi %add3A_526, %and3A_528 : vector<16xi32>
        %gather3A_530 = tpu.vector_load_idx %arg22[%add3A_366, %and3A_529] : memref<128x128xf32, #tpu.memory_space<vmem>>[vector<16xi32>, vector<16xi32>], vector<16xf32>,
        %gather3A_531 = tpu.vector_load_idx %arg23[%add3A_366, %and3A_529] : memref<128x128xf32, #tpu.memory_space<vmem>>[vector<16xi32>, vector<16xi32>], vector<16xf32>,
        %gather3A_532 = tpu.vector_load_idx %arg24[%add3A_366, %and3A_529] : memref<128x128xf32, #tpu.memory_space<vmem>>[vector<16xi32>, vector<16xi32>], vector<16xf32>,
        %gather3A_533 = tpu.vector_load_idx %arg25[%add3A_366, %and3A_529] : memref<128x128xf32, #tpu.memory_space<vmem>>[vector<16xi32>, vector<16xi32>], vector<16xf32>,
        %gather3A_534 = tpu.vector_load_idx %arg26[%add3A_366, %and3A_529] : memref<128x128xf32, #tpu.memory_space<vmem>>[vector<16xi32>, vector<16xi32>], vector<16xf32>,
        %gather3A_535 = tpu.vector_load_idx %arg27[%add3A_366, %and3A_529] : memref<128x128xf32, #tpu.memory_space<vmem>>[vector<16xi32>, vector<16xi32>], vector<16xf32>,
        %mul3A_536 = arith.mulf %gather3A_530, %gather3A_534 : vector<16xf32>
        %mul3A_537 = arith.mulf %gather3A_531, %gather3A_535 : vector<16xf32>
        %add3A_538 = arith.addf %mul3A_536, %mul3A_537 : vector<16xf32>
        %mul3A_539 = arith.mulf %gather3A_532, %add3A_538 : vector<16xf32>
        %add3A_540 = arith.addf %add3A_522, %mul3A_539 : vector<16xf32>
        %mul3A_541 = arith.mulf %gather3A_530, %gather3A_535 : vector<16xf32>
        %mul3A_542 = arith.mulf %gather3A_531, %gather3A_534 : vector<16xf32>
        %sub3A_543 = arith.subf %mul3A_541, %mul3A_542 : vector<16xf32>
        %mul3A_544 = arith.mulf %gather3A_533, %sub3A_543 : vector<16xf32>
        %add3A_545 = arith.addf %add3A_540, %mul3A_544 : vector<16xf32>
        scf.yield %add3A_545 : vector<16xf32>
      }
      %scan3A_372 = arith.constant 128 : i32
      %mul3A_373 = arith.mulf %scan3A_371, %get3A_3 : vector<16xf32>
      %add3A_374 = arith.addf %mul3A_373, %get3A_7 : vector<16xf32>
      %neg3A_375 = arith.constant 0.000000e+00 : f32
      %neg3A_376 = vector.broadcast %neg3A_375 : f32 to vector<16xf32>
      %neg3A_377 = arith.subf %neg3A_376, %add3A_374 : vector<16xf32>
      %exp3A_378 = math.exp %neg3A_377 : vector<16xf32>
      %add3A_379 = arith.constant 1.000000e+00 : f32
      %add3A_380 = vector.broadcast %add3A_379 : f32 to vector<16xf32>
      %add3A_381 = arith.addf %add3A_380, %exp3A_378 : vector<16xf32>
      %div3A_382 = arith.constant 1.000000e+00 : f32
      %div3A_383 = vector.broadcast %div3A_382 : f32 to vector<16xf32>
      %div3A_384 = arith.divf %div3A_383, %add3A_381 : vector<16xf32>
      %mul3A_385 = arith.mulf %div3A_384, %div3A_384 : vector<16xf32>
      %add3A_386 = arith.addf %add3A_363, %mul3A_385 : vector<16xf32>
      %add3A_387 = arith.constant 48 : i32
      %add3A_388 = vector.broadcast %add3A_387 : i32 to vector<16xi32>
      %add3A_389 = arith.addi %add3A_388, %iota3A : vector<16xi32>
      %scan3A_390 = arith.constant 0 : i32
      %scan3A_391 = arith.constant 128 : i32
      %scan3A_392 = arith.addi %scan3A_390, %scan3A_391 : i32
      %scan3A_393 = arith.constant 2 : i32
      %scan3A_394 = scf.for %scan3A_502 = %scan3A_390 to %scan3A_392 step %scan3A_393 iter_args(%scan3A_503 = %broadcast_in_dim3A_8) -> (vector<16xf32>)  : i32 {
        %add3A_504 = vector.broadcast %scan3A_502 : i32 to vector<16xi32>
        %add3A_505 = arith.addi %add3A_504, %iota3A : vector<16xi32>
        %and3A = arith.constant 127 : i32
        %and3A_506 = vector.broadcast %and3A : i32 to vector<16xi32>
        %and3A_507 = arith.andi %add3A_505, %and3A_506 : vector<16xi32>
        %gather3A = tpu.vector_load_idx %arg22[%add3A_389, %and3A_507] : memref<128x128xf32, #tpu.memory_space<vmem>>[vector<16xi32>, vector<16xi32>], vector<16xf32>,
        %gather3A_508 = tpu.vector_load_idx %arg23[%add3A_389, %and3A_507] : memref<128x128xf32, #tpu.memory_space<vmem>>[vector<16xi32>, vector<16xi32>], vector<16xf32>,
        %gather3A_509 = tpu.vector_load_idx %arg24[%add3A_389, %and3A_507] : memref<128x128xf32, #tpu.memory_space<vmem>>[vector<16xi32>, vector<16xi32>], vector<16xf32>,
        %gather3A_510 = tpu.vector_load_idx %arg25[%add3A_389, %and3A_507] : memref<128x128xf32, #tpu.memory_space<vmem>>[vector<16xi32>, vector<16xi32>], vector<16xf32>,
        %gather3A_511 = tpu.vector_load_idx %arg26[%add3A_389, %and3A_507] : memref<128x128xf32, #tpu.memory_space<vmem>>[vector<16xi32>, vector<16xi32>], vector<16xf32>,
        %gather3A_512 = tpu.vector_load_idx %arg27[%add3A_389, %and3A_507] : memref<128x128xf32, #tpu.memory_space<vmem>>[vector<16xi32>, vector<16xi32>], vector<16xf32>,
        %mul3A_513 = arith.mulf %gather3A, %gather3A_511 : vector<16xf32>
        %mul3A_514 = arith.mulf %gather3A_508, %gather3A_512 : vector<16xf32>
        %add3A_515 = arith.addf %mul3A_513, %mul3A_514 : vector<16xf32>
        %mul3A_516 = arith.mulf %gather3A_509, %add3A_515 : vector<16xf32>
        %add3A_517 = arith.addf %scan3A_503, %mul3A_516 : vector<16xf32>
        %mul3A_518 = arith.mulf %gather3A, %gather3A_512 : vector<16xf32>
        %mul3A_519 = arith.mulf %gather3A_508, %gather3A_511 : vector<16xf32>
        %sub3A_520 = arith.subf %mul3A_518, %mul3A_519 : vector<16xf32>
        %mul3A_521 = arith.mulf %gather3A_510, %sub3A_520 : vector<16xf32>
        %add3A_522 = arith.addf %add3A_517, %mul3A_521 : vector<16xf32>
        %scan3A_523 = arith.constant 1 : i32
        %scan3A_524 = arith.addi %scan3A_502, %scan3A_523 : i32
        %add3A_525 = vector.broadcast %scan3A_524 : i32 to vector<16xi32>
        %add3A_526 = arith.addi %add3A_525, %iota3A : vector<16xi32>
        %and3A_527 = arith.constant 127 : i32
        %and3A_528 = vector.broadcast %and3A_527 : i32 to vector<16xi32>
        %and3A_529 = arith.andi %add3A_526, %and3A_528 : vector<16xi32>
        %gather3A_530 = tpu.vector_load_idx %arg22[%add3A_389, %and3A_529] : memref<128x128xf32, #tpu.memory_space<vmem>>[vector<16xi32>, vector<16xi32>], vector<16xf32>,
        %gather3A_531 = tpu.vector_load_idx %arg23[%add3A_389, %and3A_529] : memref<128x128xf32, #tpu.memory_space<vmem>>[vector<16xi32>, vector<16xi32>], vector<16xf32>,
        %gather3A_532 = tpu.vector_load_idx %arg24[%add3A_389, %and3A_529] : memref<128x128xf32, #tpu.memory_space<vmem>>[vector<16xi32>, vector<16xi32>], vector<16xf32>,
        %gather3A_533 = tpu.vector_load_idx %arg25[%add3A_389, %and3A_529] : memref<128x128xf32, #tpu.memory_space<vmem>>[vector<16xi32>, vector<16xi32>], vector<16xf32>,
        %gather3A_534 = tpu.vector_load_idx %arg26[%add3A_389, %and3A_529] : memref<128x128xf32, #tpu.memory_space<vmem>>[vector<16xi32>, vector<16xi32>], vector<16xf32>,
        %gather3A_535 = tpu.vector_load_idx %arg27[%add3A_389, %and3A_529] : memref<128x128xf32, #tpu.memory_space<vmem>>[vector<16xi32>, vector<16xi32>], vector<16xf32>,
        %mul3A_536 = arith.mulf %gather3A_530, %gather3A_534 : vector<16xf32>
        %mul3A_537 = arith.mulf %gather3A_531, %gather3A_535 : vector<16xf32>
        %add3A_538 = arith.addf %mul3A_536, %mul3A_537 : vector<16xf32>
        %mul3A_539 = arith.mulf %gather3A_532, %add3A_538 : vector<16xf32>
        %add3A_540 = arith.addf %add3A_522, %mul3A_539 : vector<16xf32>
        %mul3A_541 = arith.mulf %gather3A_530, %gather3A_535 : vector<16xf32>
        %mul3A_542 = arith.mulf %gather3A_531, %gather3A_534 : vector<16xf32>
        %sub3A_543 = arith.subf %mul3A_541, %mul3A_542 : vector<16xf32>
        %mul3A_544 = arith.mulf %gather3A_533, %sub3A_543 : vector<16xf32>
        %add3A_545 = arith.addf %add3A_540, %mul3A_544 : vector<16xf32>
        scf.yield %add3A_545 : vector<16xf32>
      }
      %scan3A_395 = arith.constant 128 : i32
      %mul3A_396 = arith.mulf %scan3A_394, %get3A_3 : vector<16xf32>
      %add3A_397 = arith.addf %mul3A_396, %get3A_7 : vector<16xf32>
      %neg3A_398 = arith.constant 0.000000e+00 : f32
      %neg3A_399 = vector.broadcast %neg3A_398 : f32 to vector<16xf32>
      %neg3A_400 = arith.subf %neg3A_399, %add3A_397 : vector<16xf32>
      %exp3A_401 = math.exp %neg3A_400 : vector<16xf32>
      %add3A_402 = arith.constant 1.000000e+00 : f32
      %add3A_403 = vector.broadcast %add3A_402 : f32 to vector<16xf32>
      %add3A_404 = arith.addf %add3A_403, %exp3A_401 : vector<16xf32>
      %div3A_405 = arith.constant 1.000000e+00 : f32
      %div3A_406 = vector.broadcast %div3A_405 : f32 to vector<16xf32>
      %div3A_407 = arith.divf %div3A_406, %add3A_404 : vector<16xf32>
      %mul3A_408 = arith.mulf %div3A_407, %div3A_407 : vector<16xf32>
      %add3A_409 = arith.addf %add3A_386, %mul3A_408 : vector<16xf32>
      %add3A_410 = arith.constant 64 : i32
      %add3A_411 = vector.broadcast %add3A_410 : i32 to vector<16xi32>
      %add3A_412 = arith.addi %add3A_411, %iota3A : vector<16xi32>
      %scan3A_413 = arith.constant 0 : i32
      %scan3A_414 = arith.constant 128 : i32
      %scan3A_415 = arith.addi %scan3A_413, %scan3A_414 : i32
      %scan3A_416 = arith.constant 2 : i32
      %scan3A_417 = scf.for %scan3A_502 = %scan3A_413 to %scan3A_415 step %scan3A_416 iter_args(%scan3A_503 = %broadcast_in_dim3A_8) -> (vector<16xf32>)  : i32 {
        %add3A_504 = vector.broadcast %scan3A_502 : i32 to vector<16xi32>
        %add3A_505 = arith.addi %add3A_504, %iota3A : vector<16xi32>
        %and3A = arith.constant 127 : i32
        %and3A_506 = vector.broadcast %and3A : i32 to vector<16xi32>
        %and3A_507 = arith.andi %add3A_505, %and3A_506 : vector<16xi32>
        %gather3A = tpu.vector_load_idx %arg22[%add3A_412, %and3A_507] : memref<128x128xf32, #tpu.memory_space<vmem>>[vector<16xi32>, vector<16xi32>], vector<16xf32>,
        %gather3A_508 = tpu.vector_load_idx %arg23[%add3A_412, %and3A_507] : memref<128x128xf32, #tpu.memory_space<vmem>>[vector<16xi32>, vector<16xi32>], vector<16xf32>,
        %gather3A_509 = tpu.vector_load_idx %arg24[%add3A_412, %and3A_507] : memref<128x128xf32, #tpu.memory_space<vmem>>[vector<16xi32>, vector<16xi32>], vector<16xf32>,
        %gather3A_510 = tpu.vector_load_idx %arg25[%add3A_412, %and3A_507] : memref<128x128xf32, #tpu.memory_space<vmem>>[vector<16xi32>, vector<16xi32>], vector<16xf32>,
        %gather3A_511 = tpu.vector_load_idx %arg26[%add3A_412, %and3A_507] : memref<128x128xf32, #tpu.memory_space<vmem>>[vector<16xi32>, vector<16xi32>], vector<16xf32>,
        %gather3A_512 = tpu.vector_load_idx %arg27[%add3A_412, %and3A_507] : memref<128x128xf32, #tpu.memory_space<vmem>>[vector<16xi32>, vector<16xi32>], vector<16xf32>,
        %mul3A_513 = arith.mulf %gather3A, %gather3A_511 : vector<16xf32>
        %mul3A_514 = arith.mulf %gather3A_508, %gather3A_512 : vector<16xf32>
        %add3A_515 = arith.addf %mul3A_513, %mul3A_514 : vector<16xf32>
        %mul3A_516 = arith.mulf %gather3A_509, %add3A_515 : vector<16xf32>
        %add3A_517 = arith.addf %scan3A_503, %mul3A_516 : vector<16xf32>
        %mul3A_518 = arith.mulf %gather3A, %gather3A_512 : vector<16xf32>
        %mul3A_519 = arith.mulf %gather3A_508, %gather3A_511 : vector<16xf32>
        %sub3A_520 = arith.subf %mul3A_518, %mul3A_519 : vector<16xf32>
        %mul3A_521 = arith.mulf %gather3A_510, %sub3A_520 : vector<16xf32>
        %add3A_522 = arith.addf %add3A_517, %mul3A_521 : vector<16xf32>
        %scan3A_523 = arith.constant 1 : i32
        %scan3A_524 = arith.addi %scan3A_502, %scan3A_523 : i32
        %add3A_525 = vector.broadcast %scan3A_524 : i32 to vector<16xi32>
        %add3A_526 = arith.addi %add3A_525, %iota3A : vector<16xi32>
        %and3A_527 = arith.constant 127 : i32
        %and3A_528 = vector.broadcast %and3A_527 : i32 to vector<16xi32>
        %and3A_529 = arith.andi %add3A_526, %and3A_528 : vector<16xi32>
        %gather3A_530 = tpu.vector_load_idx %arg22[%add3A_412, %and3A_529] : memref<128x128xf32, #tpu.memory_space<vmem>>[vector<16xi32>, vector<16xi32>], vector<16xf32>,
        %gather3A_531 = tpu.vector_load_idx %arg23[%add3A_412, %and3A_529] : memref<128x128xf32, #tpu.memory_space<vmem>>[vector<16xi32>, vector<16xi32>], vector<16xf32>,
        %gather3A_532 = tpu.vector_load_idx %arg24[%add3A_412, %and3A_529] : memref<128x128xf32, #tpu.memory_space<vmem>>[vector<16xi32>, vector<16xi32>], vector<16xf32>,
        %gather3A_533 = tpu.vector_load_idx %arg25[%add3A_412, %and3A_529] : memref<128x128xf32, #tpu.memory_space<vmem>>[vector<16xi32>, vector<16xi32>], vector<16xf32>,
        %gather3A_534 = tpu.vector_load_idx %arg26[%add3A_412, %and3A_529] : memref<128x128xf32, #tpu.memory_space<vmem>>[vector<16xi32>, vector<16xi32>], vector<16xf32>,
        %gather3A_535 = tpu.vector_load_idx %arg27[%add3A_412, %and3A_529] : memref<128x128xf32, #tpu.memory_space<vmem>>[vector<16xi32>, vector<16xi32>], vector<16xf32>,
        %mul3A_536 = arith.mulf %gather3A_530, %gather3A_534 : vector<16xf32>
        %mul3A_537 = arith.mulf %gather3A_531, %gather3A_535 : vector<16xf32>
        %add3A_538 = arith.addf %mul3A_536, %mul3A_537 : vector<16xf32>
        %mul3A_539 = arith.mulf %gather3A_532, %add3A_538 : vector<16xf32>
        %add3A_540 = arith.addf %add3A_522, %mul3A_539 : vector<16xf32>
        %mul3A_541 = arith.mulf %gather3A_530, %gather3A_535 : vector<16xf32>
        %mul3A_542 = arith.mulf %gather3A_531, %gather3A_534 : vector<16xf32>
        %sub3A_543 = arith.subf %mul3A_541, %mul3A_542 : vector<16xf32>
        %mul3A_544 = arith.mulf %gather3A_533, %sub3A_543 : vector<16xf32>
        %add3A_545 = arith.addf %add3A_540, %mul3A_544 : vector<16xf32>
        scf.yield %add3A_545 : vector<16xf32>
      }
      %scan3A_418 = arith.constant 128 : i32
      %mul3A_419 = arith.mulf %scan3A_417, %get3A_3 : vector<16xf32>
      %add3A_420 = arith.addf %mul3A_419, %get3A_7 : vector<16xf32>
      %neg3A_421 = arith.constant 0.000000e+00 : f32
      %neg3A_422 = vector.broadcast %neg3A_421 : f32 to vector<16xf32>
      %neg3A_423 = arith.subf %neg3A_422, %add3A_420 : vector<16xf32>
      %exp3A_424 = math.exp %neg3A_423 : vector<16xf32>
      %add3A_425 = arith.constant 1.000000e+00 : f32
      %add3A_426 = vector.broadcast %add3A_425 : f32 to vector<16xf32>
      %add3A_427 = arith.addf %add3A_426, %exp3A_424 : vector<16xf32>
      %div3A_428 = arith.constant 1.000000e+00 : f32
      %div3A_429 = vector.broadcast %div3A_428 : f32 to vector<16xf32>
      %div3A_430 = arith.divf %div3A_429, %add3A_427 : vector<16xf32>
      %mul3A_431 = arith.mulf %div3A_430, %div3A_430 : vector<16xf32>
      %add3A_432 = arith.addf %add3A_409, %mul3A_431 : vector<16xf32>
      %add3A_433 = arith.constant 80 : i32
      %add3A_434 = vector.broadcast %add3A_433 : i32 to vector<16xi32>
      %add3A_435 = arith.addi %add3A_434, %iota3A : vector<16xi32>
      %scan3A_436 = arith.constant 0 : i32
      %scan3A_437 = arith.constant 128 : i32
      %scan3A_438 = arith.addi %scan3A_436, %scan3A_437 : i32
      %scan3A_439 = arith.constant 2 : i32
      %scan3A_440 = scf.for %scan3A_502 = %scan3A_436 to %scan3A_438 step %scan3A_439 iter_args(%scan3A_503 = %broadcast_in_dim3A_8) -> (vector<16xf32>)  : i32 {
        %add3A_504 = vector.broadcast %scan3A_502 : i32 to vector<16xi32>
        %add3A_505 = arith.addi %add3A_504, %iota3A : vector<16xi32>
        %and3A = arith.constant 127 : i32
        %and3A_506 = vector.broadcast %and3A : i32 to vector<16xi32>
        %and3A_507 = arith.andi %add3A_505, %and3A_506 : vector<16xi32>
        %gather3A = tpu.vector_load_idx %arg22[%add3A_435, %and3A_507] : memref<128x128xf32, #tpu.memory_space<vmem>>[vector<16xi32>, vector<16xi32>], vector<16xf32>,
        %gather3A_508 = tpu.vector_load_idx %arg23[%add3A_435, %and3A_507] : memref<128x128xf32, #tpu.memory_space<vmem>>[vector<16xi32>, vector<16xi32>], vector<16xf32>,
        %gather3A_509 = tpu.vector_load_idx %arg24[%add3A_435, %and3A_507] : memref<128x128xf32, #tpu.memory_space<vmem>>[vector<16xi32>, vector<16xi32>], vector<16xf32>,
        %gather3A_510 = tpu.vector_load_idx %arg25[%add3A_435, %and3A_507] : memref<128x128xf32, #tpu.memory_space<vmem>>[vector<16xi32>, vector<16xi32>], vector<16xf32>,
        %gather3A_511 = tpu.vector_load_idx %arg26[%add3A_435, %and3A_507] : memref<128x128xf32, #tpu.memory_space<vmem>>[vector<16xi32>, vector<16xi32>], vector<16xf32>,
        %gather3A_512 = tpu.vector_load_idx %arg27[%add3A_435, %and3A_507] : memref<128x128xf32, #tpu.memory_space<vmem>>[vector<16xi32>, vector<16xi32>], vector<16xf32>,
        %mul3A_513 = arith.mulf %gather3A, %gather3A_511 : vector<16xf32>
        %mul3A_514 = arith.mulf %gather3A_508, %gather3A_512 : vector<16xf32>
        %add3A_515 = arith.addf %mul3A_513, %mul3A_514 : vector<16xf32>
        %mul3A_516 = arith.mulf %gather3A_509, %add3A_515 : vector<16xf32>
        %add3A_517 = arith.addf %scan3A_503, %mul3A_516 : vector<16xf32>
        %mul3A_518 = arith.mulf %gather3A, %gather3A_512 : vector<16xf32>
        %mul3A_519 = arith.mulf %gather3A_508, %gather3A_511 : vector<16xf32>
        %sub3A_520 = arith.subf %mul3A_518, %mul3A_519 : vector<16xf32>
        %mul3A_521 = arith.mulf %gather3A_510, %sub3A_520 : vector<16xf32>
        %add3A_522 = arith.addf %add3A_517, %mul3A_521 : vector<16xf32>
        %scan3A_523 = arith.constant 1 : i32
        %scan3A_524 = arith.addi %scan3A_502, %scan3A_523 : i32
        %add3A_525 = vector.broadcast %scan3A_524 : i32 to vector<16xi32>
        %add3A_526 = arith.addi %add3A_525, %iota3A : vector<16xi32>
        %and3A_527 = arith.constant 127 : i32
        %and3A_528 = vector.broadcast %and3A_527 : i32 to vector<16xi32>
        %and3A_529 = arith.andi %add3A_526, %and3A_528 : vector<16xi32>
        %gather3A_530 = tpu.vector_load_idx %arg22[%add3A_435, %and3A_529] : memref<128x128xf32, #tpu.memory_space<vmem>>[vector<16xi32>, vector<16xi32>], vector<16xf32>,
        %gather3A_531 = tpu.vector_load_idx %arg23[%add3A_435, %and3A_529] : memref<128x128xf32, #tpu.memory_space<vmem>>[vector<16xi32>, vector<16xi32>], vector<16xf32>,
        %gather3A_532 = tpu.vector_load_idx %arg24[%add3A_435, %and3A_529] : memref<128x128xf32, #tpu.memory_space<vmem>>[vector<16xi32>, vector<16xi32>], vector<16xf32>,
        %gather3A_533 = tpu.vector_load_idx %arg25[%add3A_435, %and3A_529] : memref<128x128xf32, #tpu.memory_space<vmem>>[vector<16xi32>, vector<16xi32>], vector<16xf32>,
        %gather3A_534 = tpu.vector_load_idx %arg26[%add3A_435, %and3A_529] : memref<128x128xf32, #tpu.memory_space<vmem>>[vector<16xi32>, vector<16xi32>], vector<16xf32>,
        %gather3A_535 = tpu.vector_load_idx %arg27[%add3A_435, %and3A_529] : memref<128x128xf32, #tpu.memory_space<vmem>>[vector<16xi32>, vector<16xi32>], vector<16xf32>,
        %mul3A_536 = arith.mulf %gather3A_530, %gather3A_534 : vector<16xf32>
        %mul3A_537 = arith.mulf %gather3A_531, %gather3A_535 : vector<16xf32>
        %add3A_538 = arith.addf %mul3A_536, %mul3A_537 : vector<16xf32>
        %mul3A_539 = arith.mulf %gather3A_532, %add3A_538 : vector<16xf32>
        %add3A_540 = arith.addf %add3A_522, %mul3A_539 : vector<16xf32>
        %mul3A_541 = arith.mulf %gather3A_530, %gather3A_535 : vector<16xf32>
        %mul3A_542 = arith.mulf %gather3A_531, %gather3A_534 : vector<16xf32>
        %sub3A_543 = arith.subf %mul3A_541, %mul3A_542 : vector<16xf32>
        %mul3A_544 = arith.mulf %gather3A_533, %sub3A_543 : vector<16xf32>
        %add3A_545 = arith.addf %add3A_540, %mul3A_544 : vector<16xf32>
        scf.yield %add3A_545 : vector<16xf32>
      }
      %scan3A_441 = arith.constant 128 : i32
      %mul3A_442 = arith.mulf %scan3A_440, %get3A_3 : vector<16xf32>
      %add3A_443 = arith.addf %mul3A_442, %get3A_7 : vector<16xf32>
      %neg3A_444 = arith.constant 0.000000e+00 : f32
      %neg3A_445 = vector.broadcast %neg3A_444 : f32 to vector<16xf32>
      %neg3A_446 = arith.subf %neg3A_445, %add3A_443 : vector<16xf32>
      %exp3A_447 = math.exp %neg3A_446 : vector<16xf32>
      %add3A_448 = arith.constant 1.000000e+00 : f32
      %add3A_449 = vector.broadcast %add3A_448 : f32 to vector<16xf32>
      %add3A_450 = arith.addf %add3A_449, %exp3A_447 : vector<16xf32>
      %div3A_451 = arith.constant 1.000000e+00 : f32
      %div3A_452 = vector.broadcast %div3A_451 : f32 to vector<16xf32>
      %div3A_453 = arith.divf %div3A_452, %add3A_450 : vector<16xf32>
      %mul3A_454 = arith.mulf %div3A_453, %div3A_453 : vector<16xf32>
      %add3A_455 = arith.addf %add3A_432, %mul3A_454 : vector<16xf32>
      %add3A_456 = arith.constant 96 : i32
      %add3A_457 = vector.broadcast %add3A_456 : i32 to vector<16xi32>
      %add3A_458 = arith.addi %add3A_457, %iota3A : vector<16xi32>
      %scan3A_459 = arith.constant 0 : i32
      %scan3A_460 = arith.constant 128 : i32
      %scan3A_461 = arith.addi %scan3A_459, %scan3A_460 : i32
      %scan3A_462 = arith.constant 2 : i32
      %scan3A_463 = scf.for %scan3A_502 = %scan3A_459 to %scan3A_461 step %scan3A_462 iter_args(%scan3A_503 = %broadcast_in_dim3A_8) -> (vector<16xf32>)  : i32 {
        %add3A_504 = vector.broadcast %scan3A_502 : i32 to vector<16xi32>
        %add3A_505 = arith.addi %add3A_504, %iota3A : vector<16xi32>
        %and3A = arith.constant 127 : i32
        %and3A_506 = vector.broadcast %and3A : i32 to vector<16xi32>
        %and3A_507 = arith.andi %add3A_505, %and3A_506 : vector<16xi32>
        %gather3A = tpu.vector_load_idx %arg22[%add3A_458, %and3A_507] : memref<128x128xf32, #tpu.memory_space<vmem>>[vector<16xi32>, vector<16xi32>], vector<16xf32>,
        %gather3A_508 = tpu.vector_load_idx %arg23[%add3A_458, %and3A_507] : memref<128x128xf32, #tpu.memory_space<vmem>>[vector<16xi32>, vector<16xi32>], vector<16xf32>,
        %gather3A_509 = tpu.vector_load_idx %arg24[%add3A_458, %and3A_507] : memref<128x128xf32, #tpu.memory_space<vmem>>[vector<16xi32>, vector<16xi32>], vector<16xf32>,
        %gather3A_510 = tpu.vector_load_idx %arg25[%add3A_458, %and3A_507] : memref<128x128xf32, #tpu.memory_space<vmem>>[vector<16xi32>, vector<16xi32>], vector<16xf32>,
        %gather3A_511 = tpu.vector_load_idx %arg26[%add3A_458, %and3A_507] : memref<128x128xf32, #tpu.memory_space<vmem>>[vector<16xi32>, vector<16xi32>], vector<16xf32>,
        %gather3A_512 = tpu.vector_load_idx %arg27[%add3A_458, %and3A_507] : memref<128x128xf32, #tpu.memory_space<vmem>>[vector<16xi32>, vector<16xi32>], vector<16xf32>,
        %mul3A_513 = arith.mulf %gather3A, %gather3A_511 : vector<16xf32>
        %mul3A_514 = arith.mulf %gather3A_508, %gather3A_512 : vector<16xf32>
        %add3A_515 = arith.addf %mul3A_513, %mul3A_514 : vector<16xf32>
        %mul3A_516 = arith.mulf %gather3A_509, %add3A_515 : vector<16xf32>
        %add3A_517 = arith.addf %scan3A_503, %mul3A_516 : vector<16xf32>
        %mul3A_518 = arith.mulf %gather3A, %gather3A_512 : vector<16xf32>
        %mul3A_519 = arith.mulf %gather3A_508, %gather3A_511 : vector<16xf32>
        %sub3A_520 = arith.subf %mul3A_518, %mul3A_519 : vector<16xf32>
        %mul3A_521 = arith.mulf %gather3A_510, %sub3A_520 : vector<16xf32>
        %add3A_522 = arith.addf %add3A_517, %mul3A_521 : vector<16xf32>
        %scan3A_523 = arith.constant 1 : i32
        %scan3A_524 = arith.addi %scan3A_502, %scan3A_523 : i32
        %add3A_525 = vector.broadcast %scan3A_524 : i32 to vector<16xi32>
        %add3A_526 = arith.addi %add3A_525, %iota3A : vector<16xi32>
        %and3A_527 = arith.constant 127 : i32
        %and3A_528 = vector.broadcast %and3A_527 : i32 to vector<16xi32>
        %and3A_529 = arith.andi %add3A_526, %and3A_528 : vector<16xi32>
        %gather3A_530 = tpu.vector_load_idx %arg22[%add3A_458, %and3A_529] : memref<128x128xf32, #tpu.memory_space<vmem>>[vector<16xi32>, vector<16xi32>], vector<16xf32>,
        %gather3A_531 = tpu.vector_load_idx %arg23[%add3A_458, %and3A_529] : memref<128x128xf32, #tpu.memory_space<vmem>>[vector<16xi32>, vector<16xi32>], vector<16xf32>,
        %gather3A_532 = tpu.vector_load_idx %arg24[%add3A_458, %and3A_529] : memref<128x128xf32, #tpu.memory_space<vmem>>[vector<16xi32>, vector<16xi32>], vector<16xf32>,
        %gather3A_533 = tpu.vector_load_idx %arg25[%add3A_458, %and3A_529] : memref<128x128xf32, #tpu.memory_space<vmem>>[vector<16xi32>, vector<16xi32>], vector<16xf32>,
        %gather3A_534 = tpu.vector_load_idx %arg26[%add3A_458, %and3A_529] : memref<128x128xf32, #tpu.memory_space<vmem>>[vector<16xi32>, vector<16xi32>], vector<16xf32>,
        %gather3A_535 = tpu.vector_load_idx %arg27[%add3A_458, %and3A_529] : memref<128x128xf32, #tpu.memory_space<vmem>>[vector<16xi32>, vector<16xi32>], vector<16xf32>,
        %mul3A_536 = arith.mulf %gather3A_530, %gather3A_534 : vector<16xf32>
        %mul3A_537 = arith.mulf %gather3A_531, %gather3A_535 : vector<16xf32>
        %add3A_538 = arith.addf %mul3A_536, %mul3A_537 : vector<16xf32>
        %mul3A_539 = arith.mulf %gather3A_532, %add3A_538 : vector<16xf32>
        %add3A_540 = arith.addf %add3A_522, %mul3A_539 : vector<16xf32>
        %mul3A_541 = arith.mulf %gather3A_530, %gather3A_535 : vector<16xf32>
        %mul3A_542 = arith.mulf %gather3A_531, %gather3A_534 : vector<16xf32>
        %sub3A_543 = arith.subf %mul3A_541, %mul3A_542 : vector<16xf32>
        %mul3A_544 = arith.mulf %gather3A_533, %sub3A_543 : vector<16xf32>
        %add3A_545 = arith.addf %add3A_540, %mul3A_544 : vector<16xf32>
        scf.yield %add3A_545 : vector<16xf32>
      }
      %scan3A_464 = arith.constant 128 : i32
      %mul3A_465 = arith.mulf %scan3A_463, %get3A_3 : vector<16xf32>
      %add3A_466 = arith.addf %mul3A_465, %get3A_7 : vector<16xf32>
      %neg3A_467 = arith.constant 0.000000e+00 : f32
      %neg3A_468 = vector.broadcast %neg3A_467 : f32 to vector<16xf32>
      %neg3A_469 = arith.subf %neg3A_468, %add3A_466 : vector<16xf32>
      %exp3A_470 = math.exp %neg3A_469 : vector<16xf32>
      %add3A_471 = arith.constant 1.000000e+00 : f32
      %add3A_472 = vector.broadcast %add3A_471 : f32 to vector<16xf32>
      %add3A_473 = arith.addf %add3A_472, %exp3A_470 : vector<16xf32>
      %div3A_474 = arith.constant 1.000000e+00 : f32
      %div3A_475 = vector.broadcast %div3A_474 : f32 to vector<16xf32>
      %div3A_476 = arith.divf %div3A_475, %add3A_473 : vector<16xf32>
      %mul3A_477 = arith.mulf %div3A_476, %div3A_476 : vector<16xf32>
      %add3A_478 = arith.addf %add3A_455, %mul3A_477 : vector<16xf32>
      %add3A_479 = arith.constant 112 : i32
      %add3A_480 = vector.broadcast %add3A_479 : i32 to vector<16xi32>
      %add3A_481 = arith.addi %add3A_480, %iota3A : vector<16xi32>
      %scan3A_482 = arith.constant 0 : i32
      %scan3A_483 = arith.constant 128 : i32
      %scan3A_484 = arith.addi %scan3A_482, %scan3A_483 : i32
      %scan3A_485 = arith.constant 2 : i32
      %scan3A_486 = scf.for %scan3A_502 = %scan3A_482 to %scan3A_484 step %scan3A_485 iter_args(%scan3A_503 = %broadcast_in_dim3A_8) -> (vector<16xf32>)  : i32 {
        %add3A_504 = vector.broadcast %scan3A_502 : i32 to vector<16xi32>
        %add3A_505 = arith.addi %add3A_504, %iota3A : vector<16xi32>
        %and3A = arith.constant 127 : i32
        %and3A_506 = vector.broadcast %and3A : i32 to vector<16xi32>
        %and3A_507 = arith.andi %add3A_505, %and3A_506 : vector<16xi32>
        %gather3A = tpu.vector_load_idx %arg22[%add3A_481, %and3A_507] : memref<128x128xf32, #tpu.memory_space<vmem>>[vector<16xi32>, vector<16xi32>], vector<16xf32>,
        %gather3A_508 = tpu.vector_load_idx %arg23[%add3A_481, %and3A_507] : memref<128x128xf32, #tpu.memory_space<vmem>>[vector<16xi32>, vector<16xi32>], vector<16xf32>,
        %gather3A_509 = tpu.vector_load_idx %arg24[%add3A_481, %and3A_507] : memref<128x128xf32, #tpu.memory_space<vmem>>[vector<16xi32>, vector<16xi32>], vector<16xf32>,
        %gather3A_510 = tpu.vector_load_idx %arg25[%add3A_481, %and3A_507] : memref<128x128xf32, #tpu.memory_space<vmem>>[vector<16xi32>, vector<16xi32>], vector<16xf32>,
        %gather3A_511 = tpu.vector_load_idx %arg26[%add3A_481, %and3A_507] : memref<128x128xf32, #tpu.memory_space<vmem>>[vector<16xi32>, vector<16xi32>], vector<16xf32>,
        %gather3A_512 = tpu.vector_load_idx %arg27[%add3A_481, %and3A_507] : memref<128x128xf32, #tpu.memory_space<vmem>>[vector<16xi32>, vector<16xi32>], vector<16xf32>,
        %mul3A_513 = arith.mulf %gather3A, %gather3A_511 : vector<16xf32>
        %mul3A_514 = arith.mulf %gather3A_508, %gather3A_512 : vector<16xf32>
        %add3A_515 = arith.addf %mul3A_513, %mul3A_514 : vector<16xf32>
        %mul3A_516 = arith.mulf %gather3A_509, %add3A_515 : vector<16xf32>
        %add3A_517 = arith.addf %scan3A_503, %mul3A_516 : vector<16xf32>
        %mul3A_518 = arith.mulf %gather3A, %gather3A_512 : vector<16xf32>
        %mul3A_519 = arith.mulf %gather3A_508, %gather3A_511 : vector<16xf32>
        %sub3A_520 = arith.subf %mul3A_518, %mul3A_519 : vector<16xf32>
        %mul3A_521 = arith.mulf %gather3A_510, %sub3A_520 : vector<16xf32>
        %add3A_522 = arith.addf %add3A_517, %mul3A_521 : vector<16xf32>
        %scan3A_523 = arith.constant 1 : i32
        %scan3A_524 = arith.addi %scan3A_502, %scan3A_523 : i32
        %add3A_525 = vector.broadcast %scan3A_524 : i32 to vector<16xi32>
        %add3A_526 = arith.addi %add3A_525, %iota3A : vector<16xi32>
        %and3A_527 = arith.constant 127 : i32
        %and3A_528 = vector.broadcast %and3A_527 : i32 to vector<16xi32>
        %and3A_529 = arith.andi %add3A_526, %and3A_528 : vector<16xi32>
        %gather3A_530 = tpu.vector_load_idx %arg22[%add3A_481, %and3A_529] : memref<128x128xf32, #tpu.memory_space<vmem>>[vector<16xi32>, vector<16xi32>], vector<16xf32>,
        %gather3A_531 = tpu.vector_load_idx %arg23[%add3A_481, %and3A_529] : memref<128x128xf32, #tpu.memory_space<vmem>>[vector<16xi32>, vector<16xi32>], vector<16xf32>,
        %gather3A_532 = tpu.vector_load_idx %arg24[%add3A_481, %and3A_529] : memref<128x128xf32, #tpu.memory_space<vmem>>[vector<16xi32>, vector<16xi32>], vector<16xf32>,
        %gather3A_533 = tpu.vector_load_idx %arg25[%add3A_481, %and3A_529] : memref<128x128xf32, #tpu.memory_space<vmem>>[vector<16xi32>, vector<16xi32>], vector<16xf32>,
        %gather3A_534 = tpu.vector_load_idx %arg26[%add3A_481, %and3A_529] : memref<128x128xf32, #tpu.memory_space<vmem>>[vector<16xi32>, vector<16xi32>], vector<16xf32>,
        %gather3A_535 = tpu.vector_load_idx %arg27[%add3A_481, %and3A_529] : memref<128x128xf32, #tpu.memory_space<vmem>>[vector<16xi32>, vector<16xi32>], vector<16xf32>,
        %mul3A_536 = arith.mulf %gather3A_530, %gather3A_534 : vector<16xf32>
        %mul3A_537 = arith.mulf %gather3A_531, %gather3A_535 : vector<16xf32>
        %add3A_538 = arith.addf %mul3A_536, %mul3A_537 : vector<16xf32>
        %mul3A_539 = arith.mulf %gather3A_532, %add3A_538 : vector<16xf32>
        %add3A_540 = arith.addf %add3A_522, %mul3A_539 : vector<16xf32>
        %mul3A_541 = arith.mulf %gather3A_530, %gather3A_535 : vector<16xf32>
        %mul3A_542 = arith.mulf %gather3A_531, %gather3A_534 : vector<16xf32>
        %sub3A_543 = arith.subf %mul3A_541, %mul3A_542 : vector<16xf32>
        %mul3A_544 = arith.mulf %gather3A_533, %sub3A_543 : vector<16xf32>
        %add3A_545 = arith.addf %add3A_540, %mul3A_544 : vector<16xf32>
        scf.yield %add3A_545 : vector<16xf32>
      }
      %scan3A_487 = arith.constant 128 : i32
      %mul3A_488 = arith.mulf %scan3A_486, %get3A_3 : vector<16xf32>
      %add3A_489 = arith.addf %mul3A_488, %get3A_7 : vector<16xf32>
      %neg3A_490 = arith.constant 0.000000e+00 : f32
      %neg3A_491 = vector.broadcast %neg3A_490 : f32 to vector<16xf32>
      %neg3A_492 = arith.subf %neg3A_491, %add3A_489 : vector<16xf32>
      %exp3A_493 = math.exp %neg3A_492 : vector<16xf32>
      %add3A_494 = arith.constant 1.000000e+00 : f32
      %add3A_495 = vector.broadcast %add3A_494 : f32 to vector<16xf32>
      %add3A_496 = arith.addf %add3A_495, %exp3A_493 : vector<16xf32>
      %div3A_497 = arith.constant 1.000000e+00 : f32
      %div3A_498 = vector.broadcast %div3A_497 : f32 to vector<16xf32>
      %div3A_499 = arith.divf %div3A_498, %add3A_496 : vector<16xf32>
      %mul3A_500 = arith.mulf %div3A_499, %div3A_499 : vector<16xf32>
      %add3A_501 = arith.addf %add3A_478, %mul3A_500 : vector<16xf32>
      scf.yield %add3A_501 : vector<16xf32>
    }
    %scan3A_260 = arith.constant 10 : i32
    %add3A_261 = arith.addf %scan3A_253, %scan3A_259 : vector<16xf32>
    %mul3A_262 = arith.constant 5.000000e-02 : f32
    %mul3A_263 = vector.broadcast %mul3A_262 : f32 to vector<16xf32>
    %mul3A_264 = arith.mulf %add3A_261, %mul3A_263 : vector<16xf32>
    %add3A_265 = arith.addf %add3A_248, %mul3A_264 : vector<16xf32>
    %mul3A_266 = arith.constant 2.500000e-04 : f32
    %mul3A_267 = vector.broadcast %mul3A_266 : f32 to vector<16xf32>
    %mul3A_268 = arith.mulf %scan3A_230#1, %mul3A_267 : vector<16xf32>
    %add3A_269 = arith.addf %add3A_265, %mul3A_268 : vector<16xf32>
    %mul3A_270 = arith.constant 2.44140625E-4 : f32
    %mul3A_271 = vector.broadcast %mul3A_270 : f32 to vector<16xf32>
    %mul3A_272 = arith.mulf %add3A_269, %mul3A_271 : vector<16xf32>
    %swap3A = arith.constant 0 : index
    %swap3A_273 = tpu.vector_load %arg29[%swap3A] {strides = array<i32>} : memref<16xf32, #tpu.memory_space<vmem>>, vector<16xf32>,
    tpu.vector_store %arg29[%swap3A], %mul3A_272 {strides = array<i32>} : memref<16xf32, #tpu.memory_space<vmem>>, vector<16xf32>,
    "tpu.region"() ({
      %run_scoped3A = tpu.sem_alloc : memref<!tpu.dma_semaphore, #tpu.memory_space<semaphore_mem>>
      %dma_start3A_274 = arith.constant 0 : i32
      %dma_start3A_275 = tpu.memref_slice %arg17[%add3A, %dma_start3A_274] : memref<32x16xf32, #tpu.memory_space<hbm>> -> memref<1x16xf32, #tpu.memory_space<hbm>>
      %dma_start3A_276 = tpu.memref_squeeze %dma_start3A_275 : memref<1x16xf32, #tpu.memory_space<hbm>> -> memref<16xf32, #tpu.memory_space<hbm>>
      %dma_start3A_277 = arith.constant 0 : i32
      %dma_start3A_278 = tpu.memref_slice %arg17[%add3A, %dma_start3A_277] : memref<32x16xf32, #tpu.memory_space<hbm>> -> memref<1x16xf32, #tpu.memory_space<hbm>>
      %dma_start3A_279 = tpu.memref_squeeze %dma_start3A_278 : memref<1x16xf32, #tpu.memory_space<hbm>> -> memref<16xf32, #tpu.memory_space<hbm>>
      tpu.enqueue_dma source(%arg29 : memref<16xf32, #tpu.memory_space<vmem>>) target(%dma_start3A_279 : memref<16xf32, #tpu.memory_space<hbm>>) target_semaphore(%run_scoped3A : memref<!tpu.dma_semaphore, #tpu.memory_space<semaphore_mem>>)
      %dma_wait3A_280 = arith.constant 0 : i32
      %dma_wait3A_281 = tpu.memref_slice %arg17[%add3A, %dma_wait3A_280] : memref<32x16xf32, #tpu.memory_space<hbm>> -> memref<1x16xf32, #tpu.memory_space<hbm>>
      %dma_wait3A_282 = tpu.memref_squeeze %dma_wait3A_281 : memref<1x16xf32, #tpu.memory_space<hbm>> -> memref<16xf32, #tpu.memory_space<hbm>>
      %dma_wait3A_283 = arith.constant 0 : i32
      %dma_wait3A_284 = tpu.memref_slice %arg17[%add3A, %dma_wait3A_283] : memref<32x16xf32, #tpu.memory_space<hbm>> -> memref<1x16xf32, #tpu.memory_space<hbm>>
      %dma_wait3A_285 = tpu.memref_squeeze %dma_wait3A_284 : memref<1x16xf32, #tpu.memory_space<hbm>> -> memref<16xf32, #tpu.memory_space<hbm>>
      tpu.wait_dma2 semaphore(%run_scoped3A : memref<!tpu.dma_semaphore, #tpu.memory_space<semaphore_mem>>) src(%arg29 : memref<16xf32, #tpu.memory_space<vmem>>) dst(%dma_wait3A_285 : memref<16xf32, #tpu.memory_space<hbm>>)
      tpu.yield
    }) : () -> ()
    return
  }
}

</mosaic_0001>

<sc_bundles>
// kernel: kernel.3.cloned.1.call-start
scs
__scs_entry_jumppad:
0x0: {  	(pc) =	sbr.rel $0x88, $3  }
0x1: {  	(tag) =	ssettag $0x0;
	lr =	simm.s32 $0x1  }
0x2: {  	[smem:$0x3F91] =	sst lr;
	_ =	strace $0xD0000000  }
0x3: {  	_ = 	snop  }
0x4: {  	_ = 	snop  }
0x5: {  	_ = 	snop  }
0x6: {  	_ = 	snop  }
0x7: {  	_ = 	snop  }
__scs_overlays_trampoline_lowered:
0x8: {  	[smem:$0x3FA0] =	sst s0  }
0x9: {  	[smem:$0x3FA1] =	sst s1  }
0xa: {  	[smem:$0x3FA2] =	sst s2  }
0xb: {  	[smem:$0x3FA3] =	sst s3  }
0xc: {  	[smem:$0x3FA4] =	sst s4  }
0xd: {  	[smem:$0x3FA5] =	sst s5  }
0xe: {  	[smem:$0x3FA6] =	sst s6  }
0xf: {  	[smem:$0x3FA7] =	sst s7  }
0x10: {  	[smem:$0x3FA8] =	sst s8  }
0x11: {  	[smem:$0x3FA9] =	sst s9;
	s0 =	simm.s32 @!p0 $0x0  }
0x12: {  	s1 =	sld [smem:$0x3F8F];
	s0 =	simm.s32 @p0 $0x1  }
0x13: {  	[smem:$0x3FAA] =	sst s0;
	s0 =	simm.s32 @!p1 $0x0  }
0x14: {  	s2 =	sld [smem:$0x3F8E];
	s0 =	simm.s32 @p1 $0x1  }
0x15: {  	[smem:$0x3FAB] =	sst s0;
	s0 =	simm.s32 @!p2 $0x0  }
0x16: {  	s3 =	sld [smem:$0x3FDB];
	s0 =	simm.s32 @p2 $0x1  }
0x17: {  	s4 =	simm.s32 $0x1BF5;
	[smem:$0x3FAD] =	sst s0  }
0x18: {  	s0 =	sld [smem:$0x3F90];
	_ =	swait.ge [sflag:s4], $0x0  }
0x19: {  	s7 =	sld [smem:$0x3F91]  }
0x1a: {  	s8 =	sadd.s32 $0xFFFFE003, lr  }
0x1b: {  	s9 =	sadd.s32 $0xFFFFFEF7, lr;
	s5 =	simm.s32 $0xFFFFFFFF;
	p2 =	slt.u32 s8, $0xFFFFF086  }
0x1c: {  	p1 =	slt.u32 s9, $0xF7A;
	s5 =	simm.s32 @!p2 $0x0  }
0x1d: {  	s5 =	simm.s32 @p1 $0x1;
	p0 =	seq.s32 s7, s2  }
0x1e: {  	s7 =	smul.u32 @!p0 $0xF7A, s2;
	p2 =	seq.s32 @!p0 s5, $0x0  }
0x1f: {  	s9 =	smul.u32 $0xF7A, s1;
	s8 =	simm.s32 @!p0 $0x1BF5;
	p2 =	por !p2, p0  }
0x20: {  	[sflag:s8] =	ssyncset.s32 @!p0 $0xFFFFF086;
	s6 =	sadd.s32 @!p0 s3, s7;
	s7 =	simm.s32 @!p0 $0x108  }
0x21: {  	s3 =	sadd.s32 s3, s9;
	s6 =	sadd.s32 @!p0 $0x88, s6;
	s7 =	simm.s32 @p2 $0x1082  }
0x22: {  	[simem:s7], [sflag:s8] =	dma.local @!p0 [hbm:s6], $0xF7A  }
0x23: {  	s9 =	sor.u32 $0xD0000000, s2;
	s6 =	simm.s32 $0x108;
	_ =	swait.ge @!p0 [sflag:s8], $0x0  }
0x24: {  	s3 =	sadd.s32 $0x88, s3;
	s6 =	simm.s32 @!p1 $0x1082;
	[sflag:s4] =	ssyncset.s32 $0xFFFFF086  }
0x25: {  	[simem:s6], [sflag:s4] =	dma.local [hbm:s3], $0xF7A  }
0x26: {  	[smem:$0x3F91] =	sst s1;
	(tag) =	ssettag s2;
	_ =	strace s9  }
0x27: {  	s1 =	sld [smem:$0x3FA1]  }
0x28: {  	s2 =	sld [smem:$0x3FA2]  }
0x29: {  	s4 =	sld [smem:$0x3FA4]  }
0x2a: {  	p0 =	seq.s32 s5, $0x0;
	s5 =	sld [smem:$0x3FA5]  }
0x2b: {  	s6 =	sld [smem:$0x3FA6]  }
0x2c: {  	s7 =	sld [smem:$0x3FA7]  }
0x2d: {  	s3 =	simm.s32 $0x108;
	s8 =	sld [smem:$0x3FA8]  }
0x2e: {  	s3 =	simm.s32 @!p0 $0x1082;
	s9 =	sld [smem:$0x3FA9]  }
0x2f: {  	lr =	sadd.s32 s0, s3;
	s0 =	sld [smem:$0x3FA0]  }
0x30: {  	s3 =	sld [smem:$0x3FA3]  }
0x31: {  	[smem:$0x3FAC] =	sst s10  }
0x32: {  	s10 =	sld [smem:$0x3FAA];
	_ =	sdelay $0x3  }
0x33: {  	p0 =	seq.s32 s10, $0x1;
	s10 =	sld [smem:$0x3FAC];
	_ =	sdelay $0x3  }
0x34: {  	[smem:$0x3FAC] =	sst s10  }
0x35: {  	s10 =	sld [smem:$0x3FAB];
	_ =	sdelay $0x3  }
0x36: {  	p1 =	seq.s32 s10, $0x1;
	s10 =	sld [smem:$0x3FAC];
	_ =	sdelay $0x3  }
0x37: {  	[smem:$0x3FAC] =	sst s10  }
0x38: {  	s10 =	sld [smem:$0x3FAD]  }
0x39: {  	_ = 	snop;
	(pc) =	sbr.ind lr, $3  }
0x3a: {  	_ = 	snop  }
0x3b: {  	_ = 	snop  }
0x3c: {  	p2 =	seq.s32 s10, $0x1;
	s10 =	sld [smem:$0x3FAC]  }
0x3d: {  	_ =	shalt  }
0x3e: {  	_ =	shalt  }
0x3f: {  	_ =	shalt  }
0x40: {  	_ =	shalt  }
0x41: {  	_ =	shalt  }
0x42: {  	_ =	shalt  }
0x43: {  	_ =	shalt  }
0x44: {  	_ =	shalt  }
0x45: {  	_ =	shalt  }
0x46: {  	_ =	shalt  }
0x47: {  	_ =	shalt  }
0x48: {  	_ =	shalt  }
0x49: {  	_ =	shalt  }
0x4a: {  	_ =	shalt  }
0x4b: {  	_ =	shalt  }
0x4c: {  	_ =	shalt  }
0x4d: {  	_ =	shalt  }
0x4e: {  	_ =	shalt  }
0x4f: {  	_ =	shalt  }
0x50: {  	_ =	shalt  }
0x51: {  	_ =	shalt  }
0x52: {  	_ =	shalt  }
0x53: {  	_ =	shalt  }
0x54: {  	_ =	shalt  }
0x55: {  	_ =	shalt  }
0x56: {  	_ =	shalt  }
0x57: {  	_ =	shalt  }
0x58: {  	_ =	shalt  }
0x59: {  	_ =	shalt  }
0x5a: {  	_ =	shalt  }
0x5b: {  	_ =	shalt  }
0x5c: {  	_ =	shalt  }
0x5d: {  	_ =	shalt  }
0x5e: {  	_ =	shalt  }
0x5f: {  	_ =	shalt  }
0x60: {  	_ =	shalt  }
0x61: {  	_ =	shalt  }
0x62: {  	_ =	shalt  }
0x63: {  	_ =	shalt  }
0x64: {  	_ =	shalt  }
0x65: {  	_ =	shalt  }
0x66: {  	_ =	shalt  }
0x67: {  	_ =	shalt  }
0x68: {  	_ =	shalt  }
0x69: {  	_ =	shalt  }
0x6a: {  	_ =	shalt  }
0x6b: {  	_ =	shalt  }
0x6c: {  	_ =	shalt  }
0x6d: {  	_ =	shalt  }
0x6e: {  	_ =	shalt  }
0x6f: {  	_ =	shalt  }
0x70: {  	_ =	shalt  }
0x71: {  	_ =	shalt  }
0x72: {  	_ =	shalt  }
0x73: {  	_ =	shalt  }
0x74: {  	_ =	shalt  }
0x75: {  	_ =	shalt  }
0x76: {  	_ =	shalt  }
0x77: {  	_ =	shalt  }
0x78: {  	_ =	shalt  }
0x79: {  	_ =	shalt  }
0x7a: {  	_ =	shalt  }
0x7b: {  	_ =	shalt  }
0x7c: {  	_ =	shalt  }
0x7d: {  	_ =	shalt  }
0x7e: {  	_ =	shalt  }
0x7f: {  	_ =	shalt  }
0x80: {  	_ =	shalt  }
0x81: {  	_ =	shalt  }
0x82: {  	_ =	shalt  }
0x83: {  	_ =	shalt  }
0x84: {  	_ =	shalt  }
0x85: {  	_ =	shalt  }
0x86: {  	_ =	shalt  }
0x87: {  	_ =	shalt  }
.Lfunc_end0:
.L_simem_size_0:
called_computation_lowered:
.L_overlay_start_0:
0x88: {  	s2 =	sld [smem:$0x3FD9]  }
0x89: {  	s3 =	sld [smem:$0x3FFE];
	_ =	sdelay $0x1  }
0x8a: {  	s1 =	srdreg.scid  }
0x8b: {  	s0 =	sand.u32 $0x1, s1  }
0x8c: {  	s17 =	sshll.u32 s0, $0xA;
	s2 =	sadd.s32 s3, s2  }
0x8d: {  	s2 =	sadd.s32 s2, s17  }
0x8e: {  	[smem:$0x3FB8] =	sst s2  }
0x8f: {  	_ = 	snop  }
0x90: {  	s2 =	sld [smem:$0x3FC9]  }
0x91: {  	s18 =	sld [smem:$0x3FC8]  }
0x92: {  	s4 =	sld [smem:$0x3FC7]  }
0x93: {  	s5 =	sld [smem:$0x3FC6]  }
0x94: {  	s6 =	sld [smem:$0x3FBF]  }
0x95: {  	s7 =	sld [smem:$0x3FBE]  }
0x96: {  	s8 =	sld [smem:$0x3FBD]  }
0x97: {  	s9 =	sld [smem:$0x3FBC];
	(tm) =	ssettm $0x1  }
0x98: {  	s10 =	sld [smem:$0x3FFB];
	_ =	sdelay $0x3  }
0x99: {  	_ =	strace s10  }
0x9a: {  	s10 =	sld [smem:$0x3FFC];
	_ =	sdelay $0x3  }
0x9b: {  	_ =	strace s10  }
0x9c: {  	s10 =	sld [smem:$0x3FFD];
	_ =	sdelay $0x3  }
0x9d: {  	_ =	strace s10  }
0x9e: {  	_ =	strace $0x8FFFFFFF  }
0x9f: {  	s19 =	sld [smem:$0x3FDB];
	_ =	sdelay $0x1  }
0xa0: {  	s11 =	simm.s32 $_scs_section_size  }
0xa1: {  	s12 =	simm.s32 $_size__tile_overlayer_lowered;
	s13 =	simm.s32 $_tile_overlayer_lowered  }
0xa2: {  	s22 =	simm.s32 $0x1BFF;
	s21 =	sshll.u32 s13, $0x1;
	s10 =	sadd.s32 s11, s19  }
0xa3: {  	s14 =	simm.s32 $0x0;
	s20 =	sshll.u32 s12, $0x1;
	s12 =	sadd.s32 s21, s10  }
0xa4: {  	[timem:s14], [sflag:s22] =	dma.local [hbm:s12], s20  }
0xa5: {  	_ =	swait.ge [sflag:s22], s20  }
0xa6: {  	s11 =	ssub.s32 $0x0, s20;
	[sflag:s22] =	ssyncset.done $0x0  }
0xa7: {  	[sflag:s22] =	ssyncadd.s32 s11;
	_ =	sdelay $0x1  }
0xa8: {  	s23 =	simm.s32 $0x1B8B  }
0xa9: {  	_ =	swait.ge [sflag:s23], $0x1  }
0xaa: {  	[sflag:s23] =	ssyncset.done $0x0  }
0xab: {  	s25 =	simm.s32 $0x1B8E;
	s24 =	sld [smem:$0x3FFE];
	[sflag:s23] =	ssyncadd.s32 $0xFFFFFFFF  }
0xac: {  	s26 =	simm.s32 $execute0_lowered;
	[smem:$0x3FD2] =	sst s25  }
0xad: {  	s12 =	sshll.u32 s26, $0x1;
	_ =	strace $0x80000046;
	[dreg:$0x1] =	wrdreg $0xFFFFFFFF  }
0xae: {  	s28 =	simm.s32 $_size_execute0_lowered;
	s10 =	sadd.s32 s10, s12;
	[dreg:$0x0] =	wrdreg $0x0  }
0xaf: {  	s12 =	sshll.u32 s28, $0x1;
	[dreg:$0x2] =	wrdreg s10  }
0xb0: {  	[dreg:$0x3] =	wrdreg s12  }
0xb1: {  	[dreg:$0x4] =	wrdreg $0xC0  }
0xb2: {  	_ =	task [dreg:s14], $0x5FFFF  }
0xb3: {  	[dreg:$0x1] =	wrdreg $0xFFFFFFFF  }
0xb4: {  	[dreg:$0x0] =	wrdreg $0x60  }
0xb5: {  	[dreg:$0x2] =	wrdreg s2  }
0xb6: {  	[dreg:$0x3] =	wrdreg s18  }
0xb7: {  	[dreg:$0x4] =	wrdreg s4  }
0xb8: {  	[dreg:$0x5] =	wrdreg s5  }
0xb9: {  	[dreg:$0x6] =	wrdreg s24  }
0xba: {  	[dreg:$0x7] =	wrdreg s6  }
0xbb: {  	[dreg:$0x8] =	wrdreg s7  }
0xbc: {  	[dreg:$0x9] =	wrdreg s8  }
0xbd: {  	[dreg:$0xa] =	wrdreg s9  }
0xbe: {  	[dreg:$0xb] =	wrdreg $0x9  }
0xbf: {  	_ =	task.clear_ibuf [dreg:s14], $0xCFFFF;
	_ =	strace $0x90000046  }
0xc0: {  	s29 =	simm.s32 $0x9;
	_ =	strace $0x80000048  }
0xc1: {  	_ =	swait.ge [sflag:s29], $0x1  }
0xc2: {  	[sflag:s29] =	ssyncadd.s32 $0xFFFFFFFF  }
0xc3: {  	_ =	strace $0x90000048  }
0xc4: {  	_ =	sfence  }
0xc5: {  	s30 =	sld [smem:$0x0];
	_ =	sdelay $0x2  }
0xc6: {  	s31 =	sshll.u32 s1, $0xD;
	s1 =	sshrl.u32 s1, $0x2  }
0xc7: {  	s3 =	sand.u32 $0x4000, s31;
	s1 =	sadd.s32 s1, s30  }
0xc8: {  	s0 =	sor.u32 s3, s0;
	s1 =	sshll.u32 s1, $0x11  }
0xc9: {  	s0 =	sor.u32 s1, s0  }
0xca: {  	s0 =	sadd.s32 $0x8F2B, s0  }
0xcb: {  	[sflag:s0] =	ssyncadd.remote.s32 $0x1  }
0xcc: {  	_ =	sfence.sel $0xFFFF  }
0xcd: {  	[dreg:$0x0] =	wrdreg $0xFFFFFFFF;
	(pc) =	sbr.abs _section_cstart, $3  }
0xce: {  	[dreg:$0x1] =	wrdreg $0xFFFFFFFF  }
0xcf: {  	_ =	task.clear_ibuf [dreg:s14], $0x2FFFF;
	_ =	strace $0x9FFFFFFF  }
0xd0: {  	(tm) =	ssettm $0x7FFFFFFF  }
0xd1: {  	_ =	shalt  }
tec
execute0_lowered:
.L_overlay_start_1:
0x0: {  	(tag) =	ssettag $0x1  }
0x1: {  	s0 =	rddreg [dreg:$0x0]  }
0x2: {  	s6 =	rddreg [dreg:$0x1]  }
0x3: {  	s13 =	rddreg [dreg:$0x2]  }
0x4: {  	s14 =	rddreg [dreg:$0x3]  }
0x5: {  	s15 =	rddreg [dreg:$0x4]  }
0x6: {  	s1 =	rddreg [dreg:$0x5]  }
0x7: {  	s2 =	rddreg [dreg:$0x6]  }
0x8: {  	s3 =	rddreg [dreg:$0x7]  }
0x9: {  	s4 =	rddreg [dreg:$0x8];
	s5 =	simm.s32 $0x0;
	s11 =	srdreg.scid  }
0xa: {  	s16 =	stileid.u32;
	s22 =	simm.s32 $0x2;
	s24 =	simm.s32 $0x80  }
0xb: {  	s28 =	simm.s32 $0x4200;
	s29 =	simm.s32 $0x8200;
	s30 =	simm.s32 $0xC200  }
0xc: {  	s31 =	simm.s32 $0x10200;
	s23 =	simm.s32 $0x0;
	[smem:$0x7FF] =	sst s5  }
0xd: {  	s7 =	sadd.s32 $0x3200, s15;
	s8 =	sadd.s32 $0x4600, s15;
	s9 =	sadd.s32 $0x5A00, s15  }
0xe: {  	s10 =	sadd.s32 $0x6E00, s15;
	s12 =	sand.u32 $0x1, s11;
	s16 =	sshll.u32 s16, $0x1  }
0xf: {  	s11 =	sadd.s32 $0xA00, s15;
	s20 =	sadd.s32 $0x8200, s15;
	_ =	strace $0x80000047  }
0x10: {  	s18 =	sor.u32 s12, s16;
	s25 =	ssub.s32 $0x2, s12;
	s12 =	sadd.s32 $0x1E00, s15  }
0x11: {  	[dreg:$0xa] =	wrdreg s20;
	s17 =	sshll.u32 s18, $0x4;
	s19 =	sshrl.u32 s25, $0x1  }
0x12: {  	s18 =	smul.u32 $0xA, s18;
	s26 =	sadd.s32 s17, s15;
	s21 =	ssub.s32 s25, s19  }
0x13: {  	v0 =	vlaneseq.u32;
	s14 =	sadd.s32 s14, s17;
	s0 =	sadd.s32 s0, s17;
	s16 =	sadd.s32 s6, s17  }
0x14: {  	v1 =	vmul.u32 $0x80, v0;
	s17 =	sadd.s32 s13, s17;
	s25 =	simm.s32 $0x100;
	[dreg:$0xb] =	wrdreg s14  }
0x15: {  	s6 =	simm.s32 $0x1;
	[dreg:$0xc] =	wrdreg s0;
	s19 =	sadd.s32 $0x8400, s26  }
0x16: {  	v2 =	vor.u32 $0x800, v1;
	v3 =	vor.u32 $0x1000, v1;
	v4 =	vor.u32 $0x1800, v1;
	s20 =	smax.u32 s21, $0x1;
	s26 =	simm.s32 $0x200;
	s0 =	simm.s32 $0x14200  }
.LBB2_1:
0x17: {  	s13 =	rddreg [dreg:$0xa];
	s14 =	simm.s32 $0x18200  }
0x18: {  	[tilespmem:s14], [sflag:$0x2] =	stream.linear.gather [hbm4b:s13+s5], $0x100, $0x38;
	[tilespmem:$0x18380] =	vst v63  }
0x19: {  	_ =	swait.ge [sflag:s22], $0x100  }
0x1a: {  	[sflag:s22] =	ssyncset.done $0x0  }
0x1b: {  	[sflag:s22] =	ssyncadd.s32 $0xFFFFFF00  }
0x1c: {  	s15 =	simm.s32 $0x180;
	s14 =	rddreg [dreg:$0xb];
	v5 =	vld [tilespmem:$0x18200]  }
0x1d: {  	v6 =	vld [tilespmem:$0x18280];
	[tilespmem:s15], [sflag:$0x2] =	stream.linear.gather [hbm4b:s14+s5], $0x80, $0x38  }
0x1e: {  	_ =	swait.ge [sflag:s22], $0x80  }
0x1f: {  	[sflag:s22] =	ssyncset.done $0x0  }
0x20: {  	s21 =	rddreg [dreg:$0xc];
	[sflag:s22] =	ssyncadd.s32 $0xFFFFFF80  }
0x21: {  	[tilespmem:s5], [sflag:$0x2] =	stream.linear.gather [hbm4b:s21+s5], $0x80, $0x38;
	[tilespmem:$0x18380] =	vst v63  }
0x22: {  	_ =	swait.ge [sflag:s22], $0x80  }
0x23: {  	[sflag:s22] =	ssyncset.done $0x0  }
0x24: {  	[sflag:s22] =	ssyncadd.s32 $0xFFFFFF80  }
0x25: {  	[tilespmem:s24], [sflag:$0x2] =	stream.linear.gather [hbm4b:s16+s5], $0x80, $0x38;
	[tilespmem:$0x18380] =	vst v63  }
0x26: {  	_ =	swait.ge [sflag:s22], $0x80  }
0x27: {  	[sflag:s22] =	ssyncset.done $0x0  }
0x28: {  	[sflag:s22] =	ssyncadd.s32 $0xFFFFFF80  }
0x29: {  	[tilespmem:s25], [sflag:$0x2] =	stream.linear.gather [hbm4b:s17+s5], $0x80, $0x38;
	[tilespmem:$0x18380] =	vst v63  }
0x2a: {  	_ =	swait.ge [sflag:s22], $0x80  }
0x2b: {  	[sflag:s22] =	ssyncset.done $0x0  }
0x2c: {  	[sflag:s22] =	ssyncadd.s32 $0xFFFFFF80  }
0x2d: {  	[tilespmem:s26], [sflag:$0x1] =	stream.indirect.gather [hbm4b:s1+s24], $0x80, s5, s24, $0xb8;
	[tilespmem:$0x18380] =	vst v63  }
0x2e: {  	_ = 	snop  }
0x2f: {  	[tilespmem:s28], [sflag:$0x1] =	stream.indirect.gather [hbm4b:s2+s24], $0x80, s5, s24, $0xb8;
	[tilespmem:$0x18380] =	vst v63  }
0x30: {  	_ = 	snop  }
0x31: {  	[tilespmem:s29], [sflag:$0x1] =	stream.indirect.gather [hbm4b:s3+s24], $0x80, s24, s24, $0xb8;
	[tilespmem:$0x18380] =	vst v63  }
0x32: {  	_ = 	snop  }
0x33: {  	[tilespmem:s30], [sflag:$0x1] =	stream.indirect.gather [hbm4b:s4+s24], $0x80, s24, s24, $0xb8;
	[tilespmem:$0x18380] =	vst v63  }
0x34: {  	_ = 	snop  }
0x35: {  	[tilespmem:s31], [sflag:$0x1] =	stream.indirect.gather [hbm4b:s1+s24], $0x80, s25, s24, $0xb8;
	[tilespmem:$0x18380] =	vst v63  }
0x36: {  	_ = 	snop  }
0x37: {  	[tilespmem:s0], [sflag:$0x1] =	stream.indirect.gather [hbm4b:s2+s24], $0x80, s25, s24, $0xb8;
	[tilespmem:$0x18380] =	vst v63  }
0x38: {  	_ =	swait.ge [sflag:s6], $0x4000  }
0x39: {  	[sflag:s6] =	ssyncset.done $0x0  }
0x3a: {  	[sflag:s6] =	ssyncadd.s32 $0xFFFFC000  }
0x3b: {  	_ =	swait.ge [sflag:s6], $0x4000  }
0x3c: {  	[sflag:s6] =	ssyncset.done $0x0  }
0x3d: {  	[sflag:s6] =	ssyncadd.s32 $0xFFFFC000  }
0x3e: {  	_ =	swait.ge [sflag:s6], $0x4000  }
0x3f: {  	[sflag:s6] =	ssyncset.done $0x0  }
0x40: {  	[sflag:s6] =	ssyncadd.s32 $0xFFFFC000  }
0x41: {  	_ =	swait.ge [sflag:s6], $0x4000  }
0x42: {  	[sflag:s6] =	ssyncset.done $0x0  }
0x43: {  	v7 =	vadd.s32 s5, v0;
	[sflag:s6] =	ssyncadd.s32 $0xFFFFC000  }
0x44: {  	v7 =	vand.u32 $0x7F, v7;
	_ =	swait.ge [sflag:s6], $0x4000  }
0x45: {  	v7 =	vor.u32 v1, v7;
	[sflag:s6] =	ssyncset.done $0x0  }
0x46: {  	[sflag:s6] =	ssyncadd.s32 $0xFFFFC000  }
0x47: {  	_ =	swait.ge [sflag:s6], $0x4000  }
0x48: {  	s14 =	simm.s32 $0x1;
	[sflag:s6] =	ssyncset.done $0x0  }
0x49: {  	v8 =	vadd.s32 s14, v0;
	[sflag:s6] =	ssyncadd.s32 $0xFFFFC000  }
0x4a: {  	v8 =	vand.u32 $0x7F, v8;
	v9 =	vld.idx.msk [tilespmem:v7+s30+$0x0], $0xffff  }
0x4b: {  	v14 =	vor.u32 v1, v8;
	v8 =	vld.idx.msk [tilespmem:v7+s31+$0x0], $0xffff  }
0x4c: {  	v18 =	vld.idx.msk [tilespmem:v7+s0+$0x0], $0xffff  }
0x4d: {  	v24 =	vld.idx.msk [tilespmem:v7+s26+$0x0], $0xffff  }
0x4e: {  	v25 =	vld.idx.msk [tilespmem:v7+s28+$0x0], $0xffff  }
0x4f: {  	v16 =	vld.idx.msk [tilespmem:v7+s29+$0x0], $0xffff  }
0x50: {  	s15 =	simm.s32 $0x2;
	v10 =	vld.idx.msk [tilespmem:v14+s31+$0x0], $0xffff  }
0x51: {  	v26 =	vld.idx.msk [tilespmem:v14+s26+$0x0], $0xffff;
	v7 =	vadd.s32 s15, v0;
	v15 =	vmul.f32 v8, v8  }
0x52: {  	v20 =	vld.idx.msk [tilespmem:v14+s28+$0x0], $0xffff;
	v7 =	vand.u32 $0x7F, v7;
	v11 =	vmul.f32 v18, v18;
	v21 =	vmul.f32 v18, v24  }
0x53: {  	v12 =	vld.idx.msk [tilespmem:v14+s29+$0x0], $0xffff;
	v19 =	vor.u32 v1, v7;
	v28 =	vmul.f32 v8, v24;
	v7 =	vmul.f32 v18, v25  }
0x54: {  	s21 =	simm.s32 $0x3;
	v13 =	vld.idx.msk [tilespmem:v14+s0+$0x0], $0xffff;
	v18 =	vmul.f32 v24, v24;
	v24 =	vmul.f32 v25, v25  }
0x55: {  	v27 =	vadd.s32 s21, v0;
	v22 =	vmul.f32 v8, v25;
	v23 =	vmul.f32 v9, v9  }
0x56: {  	v8 =	vand.u32 $0x7F, v27;
	v27 =	vmul.f32 v26, v26;
	v32 =	vadd.f32 v24, v18;
	v18 =	vld.idx.msk [tilespmem:v14+s30+$0x0], $0xffff  }
0x57: {  	v17 =	vimm.f32 $0.0e+00;
	v29 =	vmul.f32 v20, v20;
	v31 =	vmul.f32 v16, v16  }
0x58: {  	v25 =	vmul.f32 v10, v20;
	v30 =	vmul.f32 v12, v12;
	v8 =	vor.u32 v1, v8  }
0x59: {  	v24 =	vmul.f32 v13, v26;
	v27 =	vadd.f32 v29, v27;
	v28 =	vadd.f32 v7, v28  }
0x5a: {  	s13 =	simm.s32 $0x4;
	v7 =	vld.idx.msk [tilespmem:v19+s30+$0x0], $0xffff;
	v26 =	vmul.f32 v10, v26;
	v14 =	vimm.f32 $0.0e+00;
	v29 =	vadd.f32 v31, v32  }
.LBB2_2:
0x5b: {  	p0 =	slt.u32 s13, $0x7E;
	v31 =	vld.idx.msk [tilespmem:v19+s29+$0x0], $0xffff;
	v20 =	vmul.f32 v13, v20;
	v27 =	vadd.f32 v30, v27;
	v30 =	vmul.f32 v18, v18  }
0x5c: {  	v21 =	vsub.f32 v21, v22;
	v32 =	vld.idx.msk [tilespmem:v19+s31+$0x0], $0xffff;
	v16 =	vmul.f32 v28, v16;
	v22 =	vadd.f32 v23, v29  }
0x5d: {  	v10 =	vmul.f32 v10, v10;
	v28 =	vld.idx.msk [tilespmem:v19+s0+$0x0], $0xffff;
	v20 =	vadd.f32 v20, v26;
	v23 =	vadd.f32 v30, v27  }
0x5e: {  	v30 =	vmul.f32 v21, v9;
	v26 =	vld.idx.msk [tilespmem:v19+s26+$0x0], $0xffff;
	v29 =	vadd.f32 v16, v17;
	v15 =	vadd.f32 v15, v22  }
0x5f: {  	v13 =	vmul.f32 v13, v13;
	v17 =	vsub.f32 v24, v25;
	v27 =	vld.idx.msk [tilespmem:v19+s28+$0x0], $0xffff;
	v19 =	vadd.f32 v10, v23  }
0x60: {  	v12 =	vmul.f32 v20, v12;
	v10 =	vld.idx.msk [tilespmem:v8+s31+$0x0], $0xffff;
	v21 =	vadd.f32 v29, v30;
	v11 =	vadd.f32 v11, v15  }
0x61: {  	v22 =	vadd.s32 s13, v0;
	v9 =	vmovc v7;
	v16 =	vmov v31;
	v33 =	vld.idx.msk [tilespmem:v8+s26+$0x0], $0xffff;
	v19 =	vadd.f32 v13, v19  }
0x62: {  	s14 =	sadd.s32 $0x1, s13;
	v17 =	vmul.f32 v17, v18;
	v20 =	vld.idx.msk [tilespmem:v8+s28+$0x0], $0xffff;
	v14 =	vadd.f32 v11, v14;
	v23 =	vadd.f32 v12, v21  }
0x63: {  	v24 =	vadd.s32 s14, v0;
	v15 =	vmul.f32 v32, v32;
	v11 =	vmul.f32 v28, v28;
	v13 =	vld.idx.msk [tilespmem:v8+s0+$0x0], $0xffff  }
0x64: {  	v21 =	vmul.f32 v28, v26;
	v12 =	vld.idx.msk [tilespmem:v8+s29+$0x0], $0xffff;
	v17 =	vadd.f32 v23, v17;
	v14 =	vadd.f32 v19, v14  }
0x65: {  	v18 =	vand.u32 $0x7F, v22;
	v22 =	vmul.f32 v32, v27;
	v23 =	vmul.f32 v7, v9  }
0x66: {  	v29 =	vmul.f32 v32, v26;
	v19 =	vor.u32 v1, v18;
	v28 =	vmul.f32 v28, v27;
	v18 =	vld.idx.msk [tilespmem:v8+s30+$0x0], $0xffff  }
.Ltmp0:
0x67: {  	v7 =	vand.u32 $0x7F, v24;
	v24 =	vmul.f32 v26, v26;
	v25 =	vmul.f32 v27, v27;
	(pc) =	sbr.rel @p0 .LBB2_2-.Ltmp0, $4  }
0x68: {  	v8 =	vor.u32 v1, v7;
	v7 =	vmul.f32 v33, v33;
	v26 =	vmul.f32 v20, v20  }
0x69: {  	v31 =	vmul.f32 v31, v16;
	v32 =	vadd.f32 v25, v24;
	v24 =	vmul.f32 v13, v33  }
0x6a: {  	v25 =	vmul.f32 v10, v20;
	v27 =	vadd.f32 v26, v7;
	v30 =	vmul.f32 v12, v12  }
0x6b: {  	s13 =	sadd.s32 $0x2, s13;
	v28 =	vadd.f32 v28, v29;
	v29 =	vadd.f32 v31, v32;
	v26 =	vmul.f32 v10, v33;
	v7 =	vld.idx.msk [tilespmem:v19+s30+$0x0], $0xffff  }
0x6c: {  	_ =	sdelay $0x2  }
0x6d: {  	v20 =	vmul.f32 v13, v20;
	v27 =	vadd.f32 v30, v27;
	v30 =	vmul.f32 v18, v18  }
0x6e: {  	v31 =	vld.idx.msk [tilespmem:v19+s31+$0x0], $0xffff;
	v21 =	vsub.f32 v21, v22;
	v10 =	vmul.f32 v10, v10;
	s13 =	simm.s32 $0x0;
	v16 =	vmul.f32 v28, v16  }
0x6f: {  	v22 =	vadd.f32 v23, v29;
	v23 =	vld.idx.msk [tilespmem:v19+s0+$0x0], $0xffff;
	v28 =	vadd.s32 s13, v0;
	v20 =	vadd.f32 v20, v26  }
0x70: {  	v26 =	vadd.f32 v30, v27;
	v27 =	vld.idx.msk [tilespmem:v19+s26+$0x0], $0xffff;
	v9 =	vmul.f32 v21, v9;
	v21 =	vsub.f32 v24, v25  }
0x71: {  	v13 =	vmul.f32 v13, v13;
	v28 =	vand.u32 $0x7F, v28;
	v16 =	vadd.f32 v16, v17;
	v17 =	vld.idx.msk [tilespmem:v19+s28+$0x0], $0xffff  }
0x72: {  	v15 =	vadd.f32 v15, v22;
	v10 =	vadd.f32 v10, v26;
	v18 =	vmul.f32 v21, v18;
	v21 =	vld.idx.msk [tilespmem:v8+s31+$0x0], $0xffff  }
0x73: {  	v12 =	vmul.f32 v20, v12;
	v25 =	vmul.f32 v7, v7;
	v9 =	vadd.f32 v16, v9;
	v16 =	vld.idx.msk [tilespmem:v8+s26+$0x0], $0xffff  }
0x74: {  	v11 =	vadd.f32 v11, v15;
	v15 =	vld.idx.msk [tilespmem:v8+s28+$0x0], $0xffff;
	v20 =	vmul.f32 v31, v31;
	v10 =	vadd.f32 v13, v10  }
0x75: {  	v19 =	vld.idx.msk [tilespmem:v19+s29+$0x0], $0xffff;
	v13 =	vmul.f32 v23, v23;
	v22 =	vmul.f32 v23, v27;
	v9 =	vadd.f32 v12, v9  }
0x76: {  	v11 =	vadd.f32 v11, v14;
	v14 =	vld.idx.msk [tilespmem:v8+s29+$0x0], $0xffff;
	v26 =	vmul.f32 v31, v27;
	v24 =	vmul.f32 v31, v17  }
0x77: {  	v12 =	vld.idx.msk [tilespmem:v8+s0+$0x0], $0xffff;
	v23 =	vmul.f32 v23, v17;
	v17 =	vmul.f32 v17, v17;
	v9 =	vadd.f32 v9, v18  }
0x78: {  	v8 =	vld.idx.msk [tilespmem:v8+s30+$0x0], $0xffff;
	v18 =	vmul.f32 v27, v27;
	v11 =	vadd.f32 v10, v11;
	v10 =	vmul.f32 v16, v16  }
0x79: {  	v28 =	vor.u32 v2, v28;
	v27 =	vmul.f32 v15, v15;
	v30 =	vmul.f32 v21, v15  }
0x7a: {  	v23 =	vadd.f32 v23, v26;
	v17 =	vadd.f32 v17, v18;
	v18 =	vmul.f32 v19, v19  }
0x7b: {  	v22 =	vsub.f32 v22, v24;
	v10 =	vadd.f32 v27, v10;
	v27 =	vmul.f32 v14, v14  }
0x7c: {  	v29 =	vmul.f32 v12, v16;
	v16 =	vmul.f32 v21, v16;
	v17 =	vadd.f32 v18, v17  }
0x7d: {  	v19 =	vmul.f32 v23, v19;
	v18 =	vmul.f32 v8, v8;
	v10 =	vadd.f32 v27, v10  }
0x7e: {  	s14 =	simm.s32 $0x1;
	v15 =	vmul.f32 v12, v15;
	v7 =	vmul.f32 v22, v7;
	v17 =	vadd.f32 v25, v17  }
0x7f: {  	v9 =	vadd.f32 v19, v9;
	v18 =	vadd.f32 v18, v10;
	v10 =	vadd.s32 s14, v0  }
0x80: {  	v26 =	vld.idx.msk [tilespmem:v28+s31+$0x0], $0xffff;
	v16 =	vadd.f32 v15, v16;
	v15 =	vand.u32 $0x7F, v10;
	v17 =	vadd.f32 v20, v17  }
0x81: {  	v27 =	vld.idx.msk [tilespmem:v28+s0+$0x0], $0xffff;
	v7 =	vadd.f32 v9, v7;
	v19 =	vor.u32 v2, v15  }
0x82: {  	v20 =	vsub.f32 v29, v30;
	v29 =	vld.idx.msk [tilespmem:v28+s26+$0x0], $0xffff;
	v9 =	vadd.f32 v13, v17;
	v13 =	vmul.f32 v16, v14  }
0x83: {  	v21 =	vmul.f32 v21, v21;
	v10 =	vld.idx.msk [tilespmem:v28+s30+$0x0], $0xffff  }
0x84: {  	v15 =	vld.idx.msk [tilespmem:v28+s29+$0x0], $0xffff;
	v8 =	vmul.f32 v20, v8;
	v7 =	vadd.f32 v13, v7  }
0x85: {  	v12 =	vmul.f32 v12, v12;
	v18 =	vadd.f32 v21, v18;
	v9 =	vadd.f32 v9, v11;
	v11 =	vld.idx.msk [tilespmem:v28+s28+$0x0], $0xffff  }
0x86: {  	v14 =	vmul.f32 v27, v27;
	v13 =	vld.idx.msk [tilespmem:v19+s31+$0x0], $0xffff;
	v7 =	vadd.f32 v7, v8  }
0x87: {  	s15 =	simm.s32 $0x2;
	v12 =	vadd.f32 v12, v18;
	v18 =	vmul.f32 v26, v26;
	v23 =	vmul.f32 v27, v29;
	v28 =	vld.idx.msk [tilespmem:v19+s26+$0x0], $0xffff  }
0x88: {  	s21 =	simm.s32 $0x3;
	v25 =	vmul.f32 v10, v10;
	v30 =	vmul.f32 v26, v29;
	v22 =	vld.idx.msk [tilespmem:v19+s28+$0x0], $0xffff;
	[tilespmem:$0x1FFE0] =	vst v7;
	v7 =	vadd.s32 s15, v0  }
0x89: {  	v9 =	vadd.f32 v12, v9;
	v12 =	vadd.s32 s21, v0;
	v17 =	vld.idx.msk [tilespmem:v19+s0+$0x0], $0xffff;
	v7 =	vand.u32 $0x7F, v7  }
0x8a: {  	v16 =	vld.idx.msk [tilespmem:v19+s29+$0x0], $0xffff;
	v34 =	vmul.f32 v15, v15;
	v21 =	vor.u32 v2, v7;
	v7 =	vand.u32 $0x7F, v12  }
0x8b: {  	v24 =	vmul.f32 v26, v11;
	v32 =	vmul.f32 v27, v11;
	v12 =	vor.u32 v2, v7;
	v7 =	vld [tilespmem:$0x180]  }
0x8c: {  	v19 =	vld.idx.msk [tilespmem:v19+s30+$0x0], $0xffff;
	v26 =	vmul.f32 v29, v29;
	v11 =	vmul.f32 v11, v11  }
0x8d: {  	v29 =	vmul.f32 v28, v28;
	v31 =	vmul.f32 v22, v22  }
0x8e: {  	v33 =	vadd.f32 v11, v26;
	v26 =	vmul.f32 v17, v28;
	v27 =	vmul.f32 v13, v22  }
0x8f: {  	v32 =	vadd.f32 v32, v30;
	v29 =	vadd.f32 v31, v29;
	v31 =	vmul.f32 v16, v16  }
0x90: {  	s13 =	simm.s32 $0x4;
	v20 =	vimm.f32 $0.0e+00;
	v28 =	vmul.f32 v13, v28;
	v30 =	vadd.f32 v34, v33;
	v11 =	vld.idx.msk [tilespmem:v21+s30+$0x0], $0xffff;
	[tilespmem:$0x1FFF0] =	vst v7  }
.LBB2_4:
0x91: {  	p0 =	slt.u32 s13, $0x7E;
	v33 =	vld.idx.msk [tilespmem:v21+s29+$0x0], $0xffff;
	v22 =	vmul.f32 v17, v22;
	v29 =	vadd.f32 v31, v29;
	v31 =	vmul.f32 v19, v19  }
0x92: {  	v23 =	vsub.f32 v23, v24;
	v34 =	vld.idx.msk [tilespmem:v21+s31+$0x0], $0xffff;
	v15 =	vmul.f32 v32, v15;
	v24 =	vadd.f32 v25, v30  }
0x93: {  	v13 =	vmul.f32 v13, v13;
	v30 =	vld.idx.msk [tilespmem:v21+s0+$0x0], $0xffff;
	v22 =	vadd.f32 v22, v28;
	v25 =	vadd.f32 v31, v29  }
0x94: {  	v8 =	vmul.f32 v23, v10;
	v28 =	vld.idx.msk [tilespmem:v21+s26+$0x0], $0xffff;
	v7 =	vadd.f32 v15, v20;
	v18 =	vadd.f32 v18, v24  }
0x95: {  	v17 =	vmul.f32 v17, v17;
	v20 =	vsub.f32 v26, v27;
	v29 =	vld.idx.msk [tilespmem:v21+s28+$0x0], $0xffff;
	v21 =	vadd.f32 v13, v25  }
0x96: {  	v16 =	vmul.f32 v22, v16;
	v13 =	vld.idx.msk [tilespmem:v12+s31+$0x0], $0xffff;
	v23 =	vadd.f32 v7, v8;
	v14 =	vadd.f32 v14, v18  }
0x97: {  	v24 =	vadd.s32 s13, v0;
	v10 =	vmovc v11;
	v15 =	vmov v33;
	v35 =	vld.idx.msk [tilespmem:v12+s26+$0x0], $0xffff;
	v21 =	vadd.f32 v17, v21  }
0x98: {  	s14 =	sadd.s32 $0x1, s13;
	v19 =	vmul.f32 v20, v19;
	v22 =	vld.idx.msk [tilespmem:v12+s28+$0x0], $0xffff;
	v9 =	vadd.f32 v14, v9;
	v25 =	vadd.f32 v16, v23  }
0x99: {  	v26 =	vadd.s32 s14, v0;
	v18 =	vmul.f32 v34, v34;
	v14 =	vmul.f32 v30, v30;
	v17 =	vld.idx.msk [tilespmem:v12+s0+$0x0], $0xffff  }
0x9a: {  	v23 =	vmul.f32 v30, v28;
	v16 =	vld.idx.msk [tilespmem:v12+s29+$0x0], $0xffff;
	v20 =	vadd.f32 v25, v19;
	v9 =	vadd.f32 v21, v9  }
0x9b: {  	v19 =	vand.u32 $0x7F, v24;
	v24 =	vmul.f32 v34, v29;
	v25 =	vmul.f32 v11, v10  }
0x9c: {  	v32 =	vmul.f32 v34, v28;
	v30 =	vmul.f32 v30, v29;
	v21 =	vor.u32 v2, v19;
	v19 =	vld.idx.msk [tilespmem:v12+s30+$0x0], $0xffff  }
.Ltmp1:
0x9d: {  	v11 =	vand.u32 $0x7F, v26;
	v26 =	vmul.f32 v28, v28;
	v27 =	vmul.f32 v29, v29;
	(pc) =	sbr.rel @p0 .LBB2_4-.Ltmp1, $4  }
0x9e: {  	v12 =	vor.u32 v2, v11;
	v11 =	vmul.f32 v35, v35;
	v28 =	vmul.f32 v22, v22  }
0x9f: {  	v33 =	vmul.f32 v33, v15;
	v34 =	vadd.f32 v27, v26;
	v26 =	vmul.f32 v17, v35  }
0xa0: {  	v27 =	vmul.f32 v13, v22;
	v29 =	vadd.f32 v28, v11;
	v31 =	vmul.f32 v16, v16  }
0xa1: {  	s13 =	sadd.s32 $0x2, s13;
	v32 =	vadd.f32 v30, v32;
	v30 =	vadd.f32 v33, v34;
	v28 =	vmul.f32 v13, v35;
	v11 =	vld.idx.msk [tilespmem:v21+s30+$0x0], $0xffff  }
0xa2: {  	_ =	sdelay $0x3  }
0xa3: {  	v22 =	vmul.f32 v17, v22;
	v29 =	vadd.f32 v31, v29;
	v31 =	vmul.f32 v19, v19;
	v33 =	vld.idx.msk [tilespmem:v21+s31+$0x0], $0xffff  }
0xa4: {  	v23 =	vsub.f32 v23, v24;
	v15 =	vmul.f32 v32, v15;
	v24 =	vadd.f32 v25, v30;
	v25 =	vld.idx.msk [tilespmem:v21+s0+$0x0], $0xffff  }
0xa5: {  	v13 =	vmul.f32 v13, v13;
	v22 =	vadd.f32 v22, v28;
	v28 =	vadd.f32 v31, v29;
	v29 =	vld.idx.msk [tilespmem:v21+s26+$0x0], $0xffff  }
0xa6: {  	s13 =	simm.s32 $0x0;
	v10 =	vmul.f32 v23, v10;
	v23 =	vsub.f32 v26, v27;
	v15 =	vadd.f32 v15, v20;
	v20 =	vld.idx.msk [tilespmem:v21+s28+$0x0], $0xffff  }
0xa7: {  	v17 =	vmul.f32 v17, v17;
	v30 =	vadd.s32 s13, v0;
	v21 =	vld.idx.msk [tilespmem:v21+s29+$0x0], $0xffff  }
0xa8: {  	v18 =	vadd.f32 v18, v24;
	v13 =	vadd.f32 v13, v28;
	v19 =	vmul.f32 v23, v19;
	v23 =	vld.idx.msk [tilespmem:v12+s31+$0x0], $0xffff  }
0xa9: {  	v27 =	vmul.f32 v11, v11;
	v10 =	vadd.f32 v15, v10;
	v15 =	vmul.f32 v22, v16;
	v16 =	vld.idx.msk [tilespmem:v12+s26+$0x0], $0xffff  }
0xaa: {  	v14 =	vadd.f32 v14, v18;
	v18 =	vld.idx.msk [tilespmem:v12+s28+$0x0], $0xffff;
	v22 =	vmul.f32 v33, v33;
	v13 =	vadd.f32 v17, v13  }
0xab: {  	v24 =	vmul.f32 v25, v25;
	v17 =	vmul.f32 v25, v29;
	v10 =	vadd.f32 v15, v10;
	v15 =	vld.idx.msk [tilespmem:v12+s0+$0x0], $0xffff  }
0xac: {  	v9 =	vadd.f32 v14, v9;
	v14 =	vld.idx.msk [tilespmem:v12+s29+$0x0], $0xffff;
	v28 =	vmul.f32 v33, v29;
	v26 =	vmul.f32 v33, v20  }
0xad: {  	v30 =	vand.u32 $0x7F, v30;
	v25 =	vmul.f32 v25, v20;
	v20 =	vmul.f32 v20, v20  }
0xae: {  	v10 =	vadd.f32 v10, v19;
	v19 =	vmul.f32 v29, v29;
	v9 =	vadd.f32 v13, v9;
	v13 =	vld.idx.msk [tilespmem:v12+s30+$0x0], $0xffff  }
0xaf: {  	v30 =	vor.u32 v3, v30;
	v12 =	vmul.f32 v16, v16;
	v29 =	vmul.f32 v18, v18  }
0xb0: {  	v61 =	vmul.f32 v23, v18;
	v19 =	vadd.f32 v20, v19;
	v20 =	vmul.f32 v21, v21  }
0xb1: {  	v31 =	vmul.f32 v15, v16;
	v12 =	vadd.f32 v29, v12;
	v29 =	vmul.f32 v14, v14  }
0xb2: {  	v25 =	vadd.f32 v25, v28;
	v16 =	vmul.f32 v23, v16;
	v18 =	vmul.f32 v15, v18  }
0xb3: {  	v19 =	vadd.f32 v20, v19;
	v12 =	vadd.f32 v29, v12;
	v20 =	vmul.f32 v13, v13  }
0xb4: {  	s14 =	simm.s32 $0x1;
	v17 =	vsub.f32 v17, v26;
	v21 =	vmul.f32 v25, v21;
	v16 =	vadd.f32 v18, v16  }
0xb5: {  	v28 =	vld.idx.msk [tilespmem:v30+s31+$0x0], $0xffff;
	v19 =	vadd.f32 v27, v19;
	v18 =	vadd.f32 v20, v12;
	v12 =	vadd.s32 s14, v0  }
0xb6: {  	v11 =	vmul.f32 v17, v11;
	v17 =	vld.idx.msk [tilespmem:v30+s29+$0x0], $0xffff;
	v10 =	vadd.f32 v21, v10;
	v21 =	vand.u32 $0x7F, v12  }
0xb7: {  	v29 =	vld.idx.msk [tilespmem:v30+s0+$0x0], $0xffff;
	v19 =	vadd.f32 v22, v19;
	v21 =	vor.u32 v3, v21  }
0xb8: {  	v20 =	vmul.f32 v23, v23;
	v10 =	vadd.f32 v10, v11;
	v12 =	vld.idx.msk [tilespmem:v30+s30+$0x0], $0xffff  }
0xb9: {  	v22 =	vsub.f32 v31, v61;
	v31 =	vld.idx.msk [tilespmem:v30+s26+$0x0], $0xffff;
	v11 =	vadd.f32 v24, v19  }
0xba: {  	v15 =	vmul.f32 v15, v15;
	v18 =	vadd.f32 v20, v18  }
0xbb: {  	v14 =	vmul.f32 v16, v14;
	v9 =	vadd.f32 v11, v9;
	v11 =	vmul.f32 v22, v13;
	v13 =	vld.idx.msk [tilespmem:v30+s28+$0x0], $0xffff  }
0xbc: {  	v16 =	vadd.f32 v15, v18;
	v15 =	vld.idx.msk [tilespmem:v21+s31+$0x0], $0xffff  }
0xbd: {  	s21 =	simm.s32 $0x3;
	v36 =	vmul.f32 v17, v17;
	v10 =	vadd.f32 v14, v10;
	v20 =	vmul.f32 v28, v28;
	v30 =	vld.idx.msk [tilespmem:v21+s26+$0x0], $0xffff  }
0xbe: {  	s15 =	simm.s32 $0x2;
	v14 =	vadd.s32 s21, v0;
	v25 =	vmul.f32 v29, v31;
	v27 =	vmul.f32 v12, v12;
	v24 =	vld.idx.msk [tilespmem:v21+s28+$0x0], $0xffff  }
0xbf: {  	v7 =	vadd.f32 v10, v11;
	v11 =	vadd.f32 v16, v9;
	v9 =	vadd.s32 s15, v0;
	v19 =	vld.idx.msk [tilespmem:v21+s0+$0x0], $0xffff  }
0xc0: {  	v62 =	vmul.f32 v28, v31;
	v16 =	vmul.f32 v29, v29;
	v18 =	vld.idx.msk [tilespmem:v21+s29+$0x0], $0xffff;
	v9 =	vand.u32 $0x7F, v9  }
0xc1: {  	[tilespmem:$0x1FFC0] =	vst v7;
	v23 =	vor.u32 v3, v9;
	v7 =	vld [tilespmem:$0x190];
	v26 =	vmul.f32 v28, v13;
	v34 =	vmul.f32 v29, v13  }
0xc2: {  	v21 =	vld.idx.msk [tilespmem:v21+s30+$0x0], $0xffff;
	v9 =	vand.u32 $0x7F, v14;
	v28 =	vmul.f32 v31, v31;
	v13 =	vmul.f32 v13, v13  }
0xc3: {  	v14 =	vor.u32 v3, v9;
	v31 =	vmul.f32 v30, v30;
	v63 =	vmul.f32 v24, v24  }
0xc4: {  	v35 =	vadd.f32 v13, v28;
	v28 =	vmul.f32 v19, v30;
	v29 =	vmul.f32 v15, v24  }
0xc5: {  	v33 =	vmul.f32 v18, v18;
	v34 =	vadd.f32 v34, v62;
	v31 =	vadd.f32 v63, v31  }
0xc6: {  	s13 =	simm.s32 $0x4;
	v22 =	vimm.f32 $0.0e+00;
	v30 =	vmul.f32 v15, v30;
	[tilespmem:$0x1FFD0] =	vst v7;
	v13 =	vld.idx.msk [tilespmem:v23+s30+$0x0], $0xffff;
	v32 =	vadd.f32 v36, v35  }
.LBB2_6:
0xc7: {  	p0 =	slt.u32 s13, $0x7E;
	v35 =	vld.idx.msk [tilespmem:v23+s29+$0x0], $0xffff;
	v24 =	vmul.f32 v19, v24;
	v31 =	vadd.f32 v33, v31;
	v33 =	vmul.f32 v21, v21  }
0xc8: {  	v25 =	vsub.f32 v25, v26;
	v36 =	vld.idx.msk [tilespmem:v23+s31+$0x0], $0xffff;
	v17 =	vmul.f32 v34, v17;
	v26 =	vadd.f32 v27, v32  }
0xc9: {  	v15 =	vmul.f32 v15, v15;
	v32 =	vld.idx.msk [tilespmem:v23+s0+$0x0], $0xffff;
	v24 =	vadd.f32 v24, v30;
	v27 =	vadd.f32 v33, v31  }
0xca: {  	v8 =	vmul.f32 v25, v12;
	v30 =	vld.idx.msk [tilespmem:v23+s26+$0x0], $0xffff;
	v7 =	vadd.f32 v17, v22;
	v20 =	vadd.f32 v20, v26  }
0xcb: {  	v19 =	vmul.f32 v19, v19;
	v22 =	vsub.f32 v28, v29;
	v31 =	vld.idx.msk [tilespmem:v23+s28+$0x0], $0xffff;
	v23 =	vadd.f32 v15, v27  }
0xcc: {  	v18 =	vmul.f32 v24, v18;
	v15 =	vld.idx.msk [tilespmem:v14+s31+$0x0], $0xffff;
	v25 =	vadd.f32 v7, v8;
	v16 =	vadd.f32 v16, v20  }
0xcd: {  	v26 =	vadd.s32 s13, v0;
	v12 =	vmovc v13;
	v17 =	vmov v35;
	v37 =	vld.idx.msk [tilespmem:v14+s26+$0x0], $0xffff;
	v23 =	vadd.f32 v19, v23  }
0xce: {  	s14 =	sadd.s32 $0x1, s13;
	v21 =	vmul.f32 v22, v21;
	v24 =	vld.idx.msk [tilespmem:v14+s28+$0x0], $0xffff;
	v11 =	vadd.f32 v16, v11;
	v27 =	vadd.f32 v18, v25  }
0xcf: {  	v28 =	vadd.s32 s14, v0;
	v20 =	vmul.f32 v36, v36;
	v16 =	vmul.f32 v32, v32;
	v19 =	vld.idx.msk [tilespmem:v14+s0+$0x0], $0xffff  }
0xd0: {  	v25 =	vmul.f32 v32, v30;
	v18 =	vld.idx.msk [tilespmem:v14+s29+$0x0], $0xffff;
	v22 =	vadd.f32 v27, v21;
	v11 =	vadd.f32 v23, v11  }
0xd1: {  	v21 =	vand.u32 $0x7F, v26;
	v26 =	vmul.f32 v36, v31;
	v27 =	vmul.f32 v13, v12  }
0xd2: {  	v34 =	vmul.f32 v36, v30;
	v32 =	vmul.f32 v32, v31;
	v23 =	vor.u32 v3, v21;
	v21 =	vld.idx.msk [tilespmem:v14+s30+$0x0], $0xffff  }
.Ltmp2:
0xd3: {  	v13 =	vand.u32 $0x7F, v28;
	v28 =	vmul.f32 v30, v30;
	v29 =	vmul.f32 v31, v31;
	(pc) =	sbr.rel @p0 .LBB2_6-.Ltmp2, $4  }
0xd4: {  	v14 =	vor.u32 v3, v13;
	v13 =	vmul.f32 v37, v37;
	v30 =	vmul.f32 v24, v24  }
0xd5: {  	v35 =	vmul.f32 v35, v17;
	v36 =	vadd.f32 v29, v28;
	v28 =	vmul.f32 v19, v37  }
0xd6: {  	v29 =	vmul.f32 v15, v24;
	v31 =	vadd.f32 v30, v13;
	v33 =	vmul.f32 v18, v18  }
0xd7: {  	s13 =	sadd.s32 $0x2, s13;
	v34 =	vadd.f32 v32, v34;
	v32 =	vadd.f32 v35, v36;
	v30 =	vmul.f32 v15, v37;
	v13 =	vld.idx.msk [tilespmem:v23+s30+$0x0], $0xffff  }
0xd8: {  	_ =	sdelay $0x3  }
0xd9: {  	v24 =	vmul.f32 v19, v24;
	v31 =	vadd.f32 v33, v31;
	v53 =	vmul.f32 v21, v21;
	v35 =	vld.idx.msk [tilespmem:v23+s31+$0x0], $0xffff  }
0xda: {  	v25 =	vsub.f32 v25, v26;
	v17 =	vmul.f32 v34, v17;
	v26 =	vadd.f32 v27, v32;
	v27 =	vld.idx.msk [tilespmem:v23+s0+$0x0], $0xffff  }
0xdb: {  	v15 =	vmul.f32 v15, v15;
	v24 =	vadd.f32 v24, v30;
	v30 =	vadd.f32 v53, v31;
	v31 =	vld.idx.msk [tilespmem:v23+s26+$0x0], $0xffff  }
0xdc: {  	s13 =	simm.s32 $0x0;
	v12 =	vmul.f32 v25, v12;
	v25 =	vsub.f32 v28, v29;
	v17 =	vadd.f32 v17, v22;
	v22 =	vld.idx.msk [tilespmem:v23+s28+$0x0], $0xffff  }
0xdd: {  	v19 =	vmul.f32 v19, v19;
	v54 =	vadd.s32 s13, v0;
	v23 =	vld.idx.msk [tilespmem:v23+s29+$0x0], $0xffff  }
0xde: {  	v20 =	vadd.f32 v20, v26;
	v15 =	vadd.f32 v15, v30;
	v21 =	vmul.f32 v25, v21;
	v25 =	vld.idx.msk [tilespmem:v14+s31+$0x0], $0xffff  }
0xdf: {  	v29 =	vmul.f32 v13, v13;
	v12 =	vadd.f32 v17, v12;
	v17 =	vmul.f32 v24, v18;
	v18 =	vld.idx.msk [tilespmem:v14+s26+$0x0], $0xffff  }
0xe0: {  	v16 =	vadd.f32 v16, v20;
	v20 =	vld.idx.msk [tilespmem:v14+s28+$0x0], $0xffff;
	v24 =	vmul.f32 v35, v35;
	v15 =	vadd.f32 v19, v15  }
0xe1: {  	v26 =	vmul.f32 v27, v27;
	v19 =	vmul.f32 v27, v31;
	v12 =	vadd.f32 v17, v12;
	v17 =	vld.idx.msk [tilespmem:v14+s0+$0x0], $0xffff  }
0xe2: {  	v11 =	vadd.f32 v16, v11;
	v16 =	vld.idx.msk [tilespmem:v14+s29+$0x0], $0xffff;
	v30 =	vmul.f32 v35, v31;
	v28 =	vmul.f32 v35, v22  }
0xe3: {  	v32 =	vand.u32 $0x7F, v54;
	v27 =	vmul.f32 v27, v22;
	v22 =	vmul.f32 v22, v22  }
0xe4: {  	v12 =	vadd.f32 v12, v21;
	v21 =	vmul.f32 v31, v31;
	v11 =	vadd.f32 v15, v11;
	v15 =	vld.idx.msk [tilespmem:v14+s30+$0x0], $0xffff  }
0xe5: {  	v32 =	vor.u32 v4, v32;
	v14 =	vmul.f32 v18, v18;
	v31 =	vmul.f32 v20, v20  }
0xe6: {  	v56 =	vmul.f32 v25, v20;
	v21 =	vadd.f32 v22, v21;
	v22 =	vmul.f32 v23, v23  }
0xe7: {  	v55 =	vmul.f32 v17, v18;
	v14 =	vadd.f32 v31, v14;
	v31 =	vmul.f32 v16, v16  }
0xe8: {  	v27 =	vadd.f32 v27, v30;
	v18 =	vmul.f32 v25, v18;
	v20 =	vmul.f32 v17, v20  }
0xe9: {  	v21 =	vadd.f32 v22, v21;
	v14 =	vadd.f32 v31, v14;
	v22 =	vmul.f32 v15, v15  }
0xea: {  	s14 =	simm.s32 $0x1;
	v19 =	vsub.f32 v19, v28;
	v23 =	vmul.f32 v27, v23;
	v18 =	vadd.f32 v20, v18  }
0xeb: {  	v21 =	vadd.f32 v29, v21;
	v20 =	vadd.f32 v22, v14;
	v14 =	vadd.s32 s14, v0  }
0xec: {  	v57 =	vld.idx.msk [tilespmem:v32+s26+$0x0], $0xffff;
	v13 =	vmul.f32 v19, v13;
	v12 =	vadd.f32 v23, v12;
	v23 =	vand.u32 $0x7F, v14  }
0xed: {  	v30 =	vld.idx.msk [tilespmem:v32+s31+$0x0], $0xffff;
	v21 =	vadd.f32 v24, v21;
	v23 =	vor.u32 v4, v23  }
0xee: {  	v19 =	vld.idx.msk [tilespmem:v32+s29+$0x0], $0xffff;
	v22 =	vmul.f32 v25, v25;
	v12 =	vadd.f32 v12, v13  }
0xef: {  	v31 =	vld.idx.msk [tilespmem:v32+s0+$0x0], $0xffff;
	v24 =	vsub.f32 v55, v56;
	v13 =	vadd.f32 v26, v21  }
0xf0: {  	v17 =	vmul.f32 v17, v17;
	v14 =	vld.idx.msk [tilespmem:v32+s30+$0x0], $0xffff;
	v20 =	vadd.f32 v22, v20  }
0xf1: {  	v16 =	vmul.f32 v18, v16;
	v11 =	vadd.f32 v13, v11;
	v13 =	vmul.f32 v24, v15;
	v15 =	vld.idx.msk [tilespmem:v32+s28+$0x0], $0xffff  }
0xf2: {  	s15 =	simm.s32 $0x2;
	v18 =	vadd.f32 v17, v20;
	v17 =	vld.idx.msk [tilespmem:v23+s31+$0x0], $0xffff  }
0xf3: {  	s21 =	simm.s32 $0x3;
	v59 =	vadd.s32 s15, v0;
	v60 =	vmul.f32 v30, v57;
	v12 =	vadd.f32 v16, v12;
	v58 =	vld.idx.msk [tilespmem:v23+s26+$0x0], $0xffff  }
0xf4: {  	v38 =	vmul.f32 v19, v19;
	v22 =	vmul.f32 v30, v30;
	v16 =	vadd.s32 s21, v0;
	v26 =	vld.idx.msk [tilespmem:v23+s28+$0x0], $0xffff  }
0xf5: {  	v27 =	vmul.f32 v31, v57;
	v29 =	vmul.f32 v14, v14;
	v7 =	vadd.f32 v12, v13;
	v21 =	vld.idx.msk [tilespmem:v23+s0+$0x0], $0xffff  }
0xf6: {  	v13 =	vadd.f32 v18, v11;
	v18 =	vmul.f32 v31, v31;
	v20 =	vld.idx.msk [tilespmem:v23+s29+$0x0], $0xffff;
	v11 =	vand.u32 $0x7F, v59  }
0xf7: {  	v25 =	vor.u32 v4, v11;
	[tilespmem:$0x1FFA0] =	vst v7;
	v7 =	vld [tilespmem:$0x1A0];
	v28 =	vmul.f32 v30, v15;
	v36 =	vmul.f32 v31, v15  }
0xf8: {  	v61 =	vand.u32 $0x7F, v16;
	v23 =	vld.idx.msk [tilespmem:v23+s30+$0x0], $0xffff;
	v30 =	vmul.f32 v57, v57;
	v15 =	vmul.f32 v15, v15  }
0xf9: {  	v16 =	vor.u32 v4, v61;
	v62 =	vmul.f32 v58, v58;
	v63 =	vmul.f32 v26, v26  }
0xfa: {  	v37 =	vadd.f32 v15, v30;
	v30 =	vmul.f32 v21, v58;
	v31 =	vmul.f32 v17, v26  }
0xfb: {  	v35 =	vmul.f32 v20, v20;
	v36 =	vadd.f32 v36, v60;
	v33 =	vadd.f32 v63, v62  }
0xfc: {  	s13 =	simm.s32 $0x4;
	v24 =	vimm.f32 $0.0e+00;
	v32 =	vmul.f32 v17, v58;
	v15 =	vld.idx.msk [tilespmem:v25+s30+$0x0], $0xffff;
	[tilespmem:$0x1FFB0] =	vst v7;
	v34 =	vadd.f32 v38, v37  }
.LBB2_8:
0xfd: {  	p0 =	slt.u32 s13, $0x7E;
	v37 =	vld.idx.msk [tilespmem:v25+s29+$0x0], $0xffff;
	v26 =	vmul.f32 v21, v26;
	v33 =	vadd.f32 v35, v33;
	v35 =	vmul.f32 v23, v23  }
0xfe: {  	v27 =	vsub.f32 v27, v28;
	v38 =	vld.idx.msk [tilespmem:v25+s31+$0x0], $0xffff;
	v19 =	vmul.f32 v36, v19;
	v28 =	vadd.f32 v29, v34  }
0xff: {  	v17 =	vmul.f32 v17, v17;
	v34 =	vld.idx.msk [tilespmem:v25+s0+$0x0], $0xffff;
	v26 =	vadd.f32 v26, v32;
	v29 =	vadd.f32 v35, v33  }
0x100: {  	v8 =	vmul.f32 v27, v14;
	v32 =	vld.idx.msk [tilespmem:v25+s26+$0x0], $0xffff;
	v7 =	vadd.f32 v19, v24;
	v22 =	vadd.f32 v22, v28  }
0x101: {  	v21 =	vmul.f32 v21, v21;
	v24 =	vsub.f32 v30, v31;
	v33 =	vld.idx.msk [tilespmem:v25+s28+$0x0], $0xffff;
	v25 =	vadd.f32 v17, v29  }
0x102: {  	v20 =	vmul.f32 v26, v20;
	v17 =	vld.idx.msk [tilespmem:v16+s31+$0x0], $0xffff;
	v27 =	vadd.f32 v7, v8;
	v18 =	vadd.f32 v18, v22  }
0x103: {  	v28 =	vadd.s32 s13, v0;
	v14 =	vmovc v15;
	v19 =	vmov v37;
	v39 =	vld.idx.msk [tilespmem:v16+s26+$0x0], $0xffff;
	v25 =	vadd.f32 v21, v25  }
0x104: {  	s14 =	sadd.s32 $0x1, s13;
	v23 =	vmul.f32 v24, v23;
	v26 =	vld.idx.msk [tilespmem:v16+s28+$0x0], $0xffff;
	v13 =	vadd.f32 v18, v13;
	v29 =	vadd.f32 v20, v27  }
0x105: {  	v30 =	vadd.s32 s14, v0;
	v22 =	vmul.f32 v38, v38;
	v18 =	vmul.f32 v34, v34;
	v21 =	vld.idx.msk [tilespmem:v16+s0+$0x0], $0xffff  }
0x106: {  	v27 =	vmul.f32 v34, v32;
	v20 =	vld.idx.msk [tilespmem:v16+s29+$0x0], $0xffff;
	v24 =	vadd.f32 v29, v23;
	v13 =	vadd.f32 v25, v13  }
0x107: {  	v23 =	vand.u32 $0x7F, v28;
	v28 =	vmul.f32 v38, v33;
	v29 =	vmul.f32 v15, v14  }
0x108: {  	v36 =	vmul.f32 v38, v32;
	v34 =	vmul.f32 v34, v33;
	v25 =	vor.u32 v4, v23;
	v23 =	vld.idx.msk [tilespmem:v16+s30+$0x0], $0xffff  }
.Ltmp3:
0x109: {  	v15 =	vand.u32 $0x7F, v30;
	v30 =	vmul.f32 v32, v32;
	v31 =	vmul.f32 v33, v33;
	(pc) =	sbr.rel @p0 .LBB2_8-.Ltmp3, $4  }
0x10a: {  	v16 =	vor.u32 v4, v15;
	v15 =	vmul.f32 v39, v39;
	v32 =	vmul.f32 v26, v26  }
0x10b: {  	v37 =	vmul.f32 v37, v19;
	v38 =	vadd.f32 v31, v30;
	v30 =	vmul.f32 v21, v39  }
0x10c: {  	v31 =	vmul.f32 v17, v26;
	v33 =	vadd.f32 v32, v15;
	v35 =	vmul.f32 v20, v20  }
0x10d: {  	s13 =	sadd.s32 $0x2, s13;
	v36 =	vadd.f32 v34, v36;
	v34 =	vadd.f32 v37, v38;
	v32 =	vmul.f32 v17, v39;
	v15 =	vld.idx.msk [tilespmem:v25+s30+$0x0], $0xffff  }
0x10e: {  	_ =	sdelay $0x3  }
0x10f: {  	v26 =	vmul.f32 v21, v26;
	v33 =	vadd.f32 v35, v33;
	v47 =	vmul.f32 v23, v23;
	v37 =	vld.idx.msk [tilespmem:v25+s31+$0x0], $0xffff  }
0x110: {  	v27 =	vsub.f32 v27, v28;
	v17 =	vmul.f32 v17, v17;
	v49 =	vld.idx.msk [tilespmem:v25+s26+$0x0], $0xffff;
	v19 =	vmul.f32 v36, v19  }
0x111: {  	v21 =	vmul.f32 v21, v21;
	v28 =	vadd.f32 v29, v34;
	v29 =	vld.idx.msk [tilespmem:v25+s0+$0x0], $0xffff;
	v48 =	vadd.f32 v47, v33  }
0x112: {  	s13 =	simm.s32 $0x0;
	v14 =	vmul.f32 v27, v14;
	v27 =	vsub.f32 v30, v31;
	v31 =	vld.idx.msk [tilespmem:v16+s29+$0x0], $0xffff;
	v19 =	vadd.f32 v19, v24  }
0x113: {  	v54 =	vadd.s32 s13, v0;
	v26 =	vadd.f32 v26, v32;
	v22 =	vadd.f32 v22, v28;
	v24 =	vld.idx.msk [tilespmem:v25+s28+$0x0], $0xffff  }
0x114: {  	v25 =	vld.idx.msk [tilespmem:v25+s29+$0x0], $0xffff;
	v17 =	vadd.f32 v17, v48;
	v30 =	vmul.f32 v15, v15;
	v14 =	vadd.f32 v19, v14  }
0x115: {  	v18 =	vadd.f32 v18, v22;
	v19 =	vmul.f32 v26, v20;
	v20 =	vld.idx.msk [tilespmem:v16+s26+$0x0], $0xffff;
	v22 =	vmul.f32 v27, v23  }
0x116: {  	v23 =	vmul.f32 v37, v37;
	v26 =	vld.idx.msk [tilespmem:v16+s0+$0x0], $0xffff;
	v17 =	vadd.f32 v21, v17;
	v27 =	vmul.f32 v29, v49  }
0x117: {  	v28 =	vld.idx.msk [tilespmem:v16+s31+$0x0], $0xffff;
	v14 =	vadd.f32 v19, v14;
	v19 =	vmul.f32 v29, v29;
	v56 =	vmul.f32 v31, v31  }
0x118: {  	v21 =	vld.idx.msk [tilespmem:v16+s28+$0x0], $0xffff;
	v13 =	vadd.f32 v18, v13;
	v18 =	vmul.f32 v37, v24;
	v50 =	vmul.f32 v24, v24  }
0x119: {  	v24 =	vmul.f32 v29, v24;
	v52 =	vmul.f32 v25, v25;
	v22 =	vadd.f32 v14, v22  }
0x11a: {  	v14 =	vmul.f32 v49, v49;
	v13 =	vadd.f32 v17, v13;
	v17 =	vmul.f32 v37, v49  }
0x11b: {  	v36 =	vand.u32 $0x7F, v54;
	v16 =	vld.idx.msk [tilespmem:v16+s30+$0x0], $0xffff;
	v29 =	vmul.f32 v20, v20;
	v53 =	vmul.f32 v26, v20  }
0x11c: {  	v20 =	vmul.f32 v28, v20;
	v32 =	vadd.f32 v50, v14;
	v14 =	vor.u32 $0x2000, v1  }
0x11d: {  	v18 =	vsub.f32 v27, v18;
	v51 =	vmul.f32 v21, v21;
	v36 =	vor.u32 v14, v36  }
0x11e: {  	v27 =	vmul.f32 v28, v28;
	v17 =	vadd.f32 v24, v17;
	v24 =	vadd.f32 v52, v32  }
0x11f: {  	v55 =	vmul.f32 v28, v21;
	v21 =	vmul.f32 v26, v21;
	v29 =	vadd.f32 v51, v29  }
0x120: {  	s14 =	simm.s32 $0x1;
	v57 =	vmul.f32 v16, v16;
	v17 =	vmul.f32 v17, v25;
	v24 =	vadd.f32 v30, v24  }
0x121: {  	v15 =	vmul.f32 v18, v15;
	v25 =	vadd.s32 s14, v0;
	v29 =	vadd.f32 v56, v29  }
0x122: {  	v28 =	vadd.f32 v17, v22;
	v22 =	vand.u32 $0x7F, v25;
	v17 =	vld.idx.msk [tilespmem:v36+s30+$0x0], $0xffff;
	v18 =	vadd.f32 v23, v24  }
0x123: {  	v20 =	vadd.f32 v21, v20;
	v58 =	vor.u32 v14, v22;
	v24 =	vmul.f32 v26, v26;
	v26 =	vld.idx.msk [tilespmem:v36+s31+$0x0], $0xffff  }
0x124: {  	v21 =	vadd.f32 v57, v29;
	v59 =	vld.idx.msk [tilespmem:v36+s0+$0x0], $0xffff;
	v18 =	vadd.f32 v19, v18  }
0x125: {  	v23 =	vsub.f32 v53, v55;
	v15 =	vadd.f32 v28, v15;
	v60 =	vld.idx.msk [tilespmem:v36+s26+$0x0], $0xffff  }
0x126: {  	v21 =	vadd.f32 v27, v21;
	v19 =	vmul.f32 v20, v31;
	v13 =	vadd.f32 v18, v13;
	v18 =	vld.idx.msk [tilespmem:v36+s28+$0x0], $0xffff  }
0x127: {  	v22 =	vld.idx.msk [tilespmem:v36+s29+$0x0], $0xffff  }
0x128: {  	v16 =	vmul.f32 v23, v16;
	v21 =	vadd.f32 v24, v21;
	v15 =	vadd.f32 v19, v15;
	v20 =	vld.idx.msk [tilespmem:v58+s31+$0x0], $0xffff  }
0x129: {  	v27 =	vimm.f32 $0.0e+00;
	v40 =	vld.idx.msk [tilespmem:v58+s26+$0x0], $0xffff;
	v25 =	vmul.f32 v26, v26  }
0x12a: {  	s15 =	simm.s32 $0x2;
	v29 =	vld.idx.msk [tilespmem:v58+s28+$0x0], $0xffff;
	v61 =	vmul.f32 v26, v60;
	v15 =	vadd.f32 v15, v16;
	v16 =	vadd.f32 v21, v13  }
0x12b: {  	v24 =	vld.idx.msk [tilespmem:v58+s0+$0x0], $0xffff;
	v13 =	vadd.s32 s15, v0;
	v31 =	vmul.f32 v26, v18;
	v39 =	vmul.f32 v59, v18  }
0x12c: {  	s21 =	simm.s32 $0x3;
	v23 =	vld.idx.msk [tilespmem:v58+s29+$0x0], $0xffff;
	v13 =	vand.u32 $0x7F, v13;
	v26 =	vmul.f32 v60, v60;
	v18 =	vmul.f32 v18, v18  }
0x12d: {  	v19 =	vadd.s32 s21, v0;
	v30 =	vmul.f32 v59, v60;
	v28 =	vor.u32 v14, v13  }
0x12e: {  	v32 =	vmul.f32 v17, v17;
	v42 =	vmul.f32 v22, v22;
	v41 =	vadd.f32 v18, v26;
	v26 =	vld.idx.msk [tilespmem:v58+s30+$0x0], $0xffff  }
0x12f: {  	v13 =	vand.u32 $0x7F, v19;
	v62 =	vmul.f32 v40, v40;
	v63 =	vmul.f32 v29, v29  }
0x130: {  	v21 =	vmul.f32 v59, v59;
	v19 =	vor.u32 v14, v13;
	v33 =	vmul.f32 v24, v40  }
0x131: {  	v13 =	vld [tilespmem:$0x1B0];
	v34 =	vmul.f32 v20, v29;
	v38 =	vmul.f32 v23, v23;
	v36 =	vadd.f32 v63, v62  }
0x132: {  	s13 =	simm.s32 $0x4;
	v35 =	vmul.f32 v20, v40;
	v39 =	vadd.f32 v39, v61;
	v18 =	vld.idx.msk [tilespmem:v28+s30+$0x0], $0xffff;
	v37 =	vadd.f32 v42, v41  }
.LBB2_10:
0x133: {  	p0 =	slt.u32 s13, $0x7E;
	v40 =	vld.idx.msk [tilespmem:v28+s29+$0x0], $0xffff;
	v29 =	vmul.f32 v24, v29;
	v36 =	vadd.f32 v38, v36;
	v38 =	vmul.f32 v26, v26  }
0x134: {  	v30 =	vsub.f32 v30, v31;
	v41 =	vld.idx.msk [tilespmem:v28+s31+$0x0], $0xffff;
	v22 =	vmul.f32 v39, v22;
	v31 =	vadd.f32 v32, v37  }
0x135: {  	v20 =	vmul.f32 v20, v20;
	v37 =	vld.idx.msk [tilespmem:v28+s0+$0x0], $0xffff;
	v29 =	vadd.f32 v29, v35;
	v32 =	vadd.f32 v38, v36  }
0x136: {  	v8 =	vmul.f32 v30, v17;
	v35 =	vld.idx.msk [tilespmem:v28+s26+$0x0], $0xffff;
	v7 =	vadd.f32 v22, v27;
	v25 =	vadd.f32 v25, v31  }
0x137: {  	v24 =	vmul.f32 v24, v24;
	v27 =	vsub.f32 v33, v34;
	v36 =	vld.idx.msk [tilespmem:v28+s28+$0x0], $0xffff;
	v28 =	vadd.f32 v20, v32  }
0x138: {  	v23 =	vmul.f32 v29, v23;
	v20 =	vld.idx.msk [tilespmem:v19+s31+$0x0], $0xffff;
	v30 =	vadd.f32 v7, v8;
	v21 =	vadd.f32 v21, v25  }
0x139: {  	v31 =	vadd.s32 s13, v0;
	v17 =	vmovc v18;
	v22 =	vmov v40;
	v42 =	vld.idx.msk [tilespmem:v19+s26+$0x0], $0xffff;
	v28 =	vadd.f32 v24, v28  }
0x13a: {  	s14 =	sadd.s32 $0x1, s13;
	v26 =	vmul.f32 v27, v26;
	v29 =	vld.idx.msk [tilespmem:v19+s28+$0x0], $0xffff;
	v16 =	vadd.f32 v21, v16;
	v32 =	vadd.f32 v23, v30  }
0x13b: {  	v33 =	vadd.s32 s14, v0;
	v25 =	vmul.f32 v41, v41;
	v21 =	vmul.f32 v37, v37;
	v24 =	vld.idx.msk [tilespmem:v19+s0+$0x0], $0xffff  }
0x13c: {  	v30 =	vmul.f32 v37, v35;
	v23 =	vld.idx.msk [tilespmem:v19+s29+$0x0], $0xffff;
	v27 =	vadd.f32 v32, v26;
	v16 =	vadd.f32 v28, v16  }
0x13d: {  	v26 =	vand.u32 $0x7F, v31;
	v31 =	vmul.f32 v41, v36;
	v32 =	vmul.f32 v18, v17  }
0x13e: {  	v39 =	vmul.f32 v41, v35;
	v37 =	vmul.f32 v37, v36;
	v28 =	vor.u32 v14, v26;
	v26 =	vld.idx.msk [tilespmem:v19+s30+$0x0], $0xffff  }
.Ltmp4:
0x13f: {  	v18 =	vand.u32 $0x7F, v33;
	v33 =	vmul.f32 v35, v35;
	v34 =	vmul.f32 v36, v36;
	(pc) =	sbr.rel @p0 .LBB2_10-.Ltmp4, $4  }
0x140: {  	v19 =	vor.u32 v14, v18;
	v18 =	vmul.f32 v42, v42;
	v35 =	vmul.f32 v29, v29  }
0x141: {  	v40 =	vmul.f32 v40, v22;
	v41 =	vadd.f32 v34, v33;
	v33 =	vmul.f32 v24, v42  }
0x142: {  	v34 =	vmul.f32 v20, v29;
	v36 =	vadd.f32 v35, v18;
	v38 =	vmul.f32 v23, v23  }
0x143: {  	s13 =	sadd.s32 $0x2, s13;
	v39 =	vadd.f32 v37, v39;
	v37 =	vadd.f32 v40, v41;
	v35 =	vmul.f32 v20, v42;
	v18 =	vld.idx.msk [tilespmem:v28+s30+$0x0], $0xffff  }
0x144: {  	_ =	sdelay $0x3  }
0x145: {  	v40 =	vld.idx.msk [tilespmem:v28+s31+$0x0], $0xffff  }
0x146: {  	v29 =	vmul.f32 v24, v29;
	v36 =	vadd.f32 v38, v36;
	v11 =	vmul.f32 v26, v26;
	v44 =	vld.idx.msk [tilespmem:v28+s0+$0x0], $0xffff  }
0x147: {  	v30 =	vsub.f32 v30, v31;
	v46 =	vld.idx.msk [tilespmem:v28+s26+$0x0], $0xffff;
	v22 =	vmul.f32 v39, v22;
	v31 =	vadd.f32 v32, v37  }
0x148: {  	v20 =	vmul.f32 v20, v20;
	v48 =	vld.idx.msk [tilespmem:v19+s29+$0x0], $0xffff;
	v29 =	vadd.f32 v29, v35;
	v45 =	vadd.f32 v11, v36  }
0x149: {  	v17 =	vmul.f32 v30, v17;
	v30 =	vsub.f32 v33, v34;
	v22 =	vadd.f32 v22, v27  }
0x14a: {  	v24 =	vmul.f32 v24, v24;
	v25 =	vadd.f32 v25, v31;
	v27 =	vld.idx.msk [tilespmem:v28+s28+$0x0], $0xffff;
	v20 =	vadd.f32 v20, v45  }
0x14b: {  	v28 =	vld.idx.msk [tilespmem:v28+s29+$0x0], $0xffff;
	v47 =	vmul.f32 v18, v18;
	v17 =	vadd.f32 v22, v17;
	v22 =	vmul.f32 v29, v23  }
0x14c: {  	s13 =	simm.s32 $0x0;
	v21 =	vadd.f32 v21, v25;
	v23 =	vld.idx.msk [tilespmem:v19+s26+$0x0], $0xffff;
	v25 =	vmul.f32 v30, v26;
	v26 =	vmul.f32 v40, v40  }
0x14d: {  	v54 =	vadd.s32 s13, v0;
	v29 =	vld.idx.msk [tilespmem:v19+s0+$0x0], $0xffff;
	v30 =	vmul.f32 v44, v46;
	v56 =	vmul.f32 v48, v48  }
0x14e: {  	v31 =	vld.idx.msk [tilespmem:v19+s31+$0x0], $0xffff;
	v20 =	vadd.f32 v24, v20;
	v17 =	vadd.f32 v22, v17;
	v22 =	vmul.f32 v44, v44  }
0x14f: {  	v24 =	vld.idx.msk [tilespmem:v19+s28+$0x0], $0xffff;
	v16 =	vadd.f32 v21, v16;
	v21 =	vmul.f32 v40, v27;
	v49 =	vmul.f32 v27, v27  }
0x150: {  	v27 =	vmul.f32 v44, v27;
	v52 =	vmul.f32 v28, v28;
	v25 =	vadd.f32 v17, v25  }
0x151: {  	v17 =	vmul.f32 v46, v46;
	v16 =	vadd.f32 v20, v16;
	v20 =	vmul.f32 v40, v46  }
0x152: {  	v39 =	vand.u32 $0x7F, v54;
	v19 =	vld.idx.msk [tilespmem:v19+s30+$0x0], $0xffff;
	v50 =	vmul.f32 v23, v23;
	v53 =	vmul.f32 v29, v23  }
0x153: {  	v23 =	vmul.f32 v31, v23;
	v35 =	vadd.f32 v49, v17;
	v17 =	vor.u32 $0x2800, v1  }
0x154: {  	v51 =	vmul.f32 v24, v24;
	v20 =	vadd.f32 v27, v20;
	v39 =	vor.u32 v17, v39  }
0x155: {  	v55 =	vmul.f32 v31, v24;
	v24 =	vmul.f32 v29, v24;
	v27 =	vadd.f32 v52, v35  }
0x156: {  	v32 =	vadd.f32 v51, v50;
	v20 =	vmul.f32 v20, v28;
	v28 =	vsub.f32 v30, v21  }
0x157: {  	s14 =	simm.s32 $0x1;
	v57 =	vmul.f32 v19, v19;
	v23 =	vadd.f32 v24, v23;
	v27 =	vadd.f32 v47, v27  }
0x158: {  	v21 =	vadd.s32 s14, v0;
	v32 =	vadd.f32 v56, v32;
	v20 =	vadd.f32 v20, v25  }
0x159: {  	v25 =	vand.u32 $0x7F, v21;
	v18 =	vmul.f32 v28, v18;
	v21 =	vld.idx.msk [tilespmem:v39+s30+$0x0], $0xffff;
	v26 =	vadd.f32 v26, v27  }
0x15a: {  	v28 =	vmul.f32 v29, v29;
	v58 =	vor.u32 v17, v25;
	v24 =	vadd.f32 v57, v32;
	v29 =	vld.idx.msk [tilespmem:v39+s31+$0x0], $0xffff  }
0x15b: {  	v30 =	vmul.f32 v31, v31;
	v18 =	vadd.f32 v20, v18;
	v59 =	vld.idx.msk [tilespmem:v39+s0+$0x0], $0xffff;
	v20 =	vadd.f32 v22, v26  }
0x15c: {  	v27 =	vsub.f32 v53, v55;
	v60 =	vld.idx.msk [tilespmem:v39+s26+$0x0], $0xffff  }
0x15d: {  	v24 =	vadd.f32 v30, v24;
	v22 =	vmul.f32 v23, v48;
	v16 =	vadd.f32 v20, v16;
	v20 =	vld.idx.msk [tilespmem:v39+s28+$0x0], $0xffff  }
0x15e: {  	v25 =	vld.idx.msk [tilespmem:v39+s29+$0x0], $0xffff  }
0x15f: {  	v19 =	vmul.f32 v27, v19;
	v24 =	vadd.f32 v28, v24;
	v18 =	vadd.f32 v22, v18;
	v23 =	vld.idx.msk [tilespmem:v58+s31+$0x0], $0xffff  }
0x160: {  	v30 =	vimm.f32 $0.0e+00;
	v43 =	vld.idx.msk [tilespmem:v58+s26+$0x0], $0xffff;
	v28 =	vmul.f32 v29, v29  }
0x161: {  	s15 =	simm.s32 $0x2;
	v32 =	vld.idx.msk [tilespmem:v58+s28+$0x0], $0xffff;
	v61 =	vmul.f32 v29, v60;
	v18 =	vadd.f32 v18, v19;
	v19 =	vadd.f32 v24, v16  }
0x162: {  	v27 =	vld.idx.msk [tilespmem:v58+s0+$0x0], $0xffff;
	v16 =	vadd.s32 s15, v0;
	v34 =	vmul.f32 v29, v20;
	v42 =	vmul.f32 v59, v20  }
0x163: {  	s21 =	simm.s32 $0x3;
	v26 =	vld.idx.msk [tilespmem:v58+s29+$0x0], $0xffff;
	v16 =	vand.u32 $0x7F, v16;
	v29 =	vmul.f32 v60, v60;
	v20 =	vmul.f32 v20, v20  }
0x164: {  	v22 =	vadd.s32 s21, v0;
	v33 =	vmul.f32 v59, v60;
	v31 =	vor.u32 v17, v16  }
0x165: {  	v35 =	vmul.f32 v21, v21;
	v45 =	vmul.f32 v25, v25;
	v44 =	vadd.f32 v20, v29;
	v29 =	vld.idx.msk [tilespmem:v58+s30+$0x0], $0xffff  }
0x166: {  	v16 =	vand.u32 $0x7F, v22;
	v62 =	vmul.f32 v43, v43;
	v63 =	vmul.f32 v32, v32  }
0x167: {  	v24 =	vmul.f32 v59, v59;
	v22 =	vor.u32 v17, v16;
	v36 =	vmul.f32 v27, v43  }
0x168: {  	v16 =	vld [tilespmem:$0x1C0];
	v37 =	vmul.f32 v23, v32;
	v41 =	vmul.f32 v26, v26;
	v39 =	vadd.f32 v63, v62  }
0x169: {  	s13 =	simm.s32 $0x4;
	v38 =	vmul.f32 v23, v43;
	v42 =	vadd.f32 v42, v61;
	v20 =	vld.idx.msk [tilespmem:v31+s30+$0x0], $0xffff;
	v40 =	vadd.f32 v45, v44  }
.LBB2_12:
0x16a: {  	p0 =	slt.u32 s13, $0x7E;
	v43 =	vld.idx.msk [tilespmem:v31+s29+$0x0], $0xffff;
	v32 =	vmul.f32 v27, v32;
	v39 =	vadd.f32 v41, v39;
	v41 =	vmul.f32 v29, v29  }
0x16b: {  	v33 =	vsub.f32 v33, v34;
	v44 =	vld.idx.msk [tilespmem:v31+s31+$0x0], $0xffff;
	v25 =	vmul.f32 v42, v25;
	v34 =	vadd.f32 v35, v40  }
0x16c: {  	v23 =	vmul.f32 v23, v23;
	v40 =	vld.idx.msk [tilespmem:v31+s0+$0x0], $0xffff;
	v32 =	vadd.f32 v32, v38;
	v35 =	vadd.f32 v41, v39  }
0x16d: {  	v8 =	vmul.f32 v33, v21;
	v38 =	vld.idx.msk [tilespmem:v31+s26+$0x0], $0xffff;
	v7 =	vadd.f32 v25, v30;
	v28 =	vadd.f32 v28, v34  }
0x16e: {  	v27 =	vmul.f32 v27, v27;
	v30 =	vsub.f32 v36, v37;
	v39 =	vld.idx.msk [tilespmem:v31+s28+$0x0], $0xffff;
	v31 =	vadd.f32 v23, v35  }
0x16f: {  	v26 =	vmul.f32 v32, v26;
	v23 =	vld.idx.msk [tilespmem:v22+s31+$0x0], $0xffff;
	v33 =	vadd.f32 v7, v8;
	v24 =	vadd.f32 v24, v28  }
0x170: {  	v34 =	vadd.s32 s13, v0;
	v21 =	vmovc v20;
	v25 =	vmov v43;
	v45 =	vld.idx.msk [tilespmem:v22+s26+$0x0], $0xffff;
	v31 =	vadd.f32 v27, v31  }
0x171: {  	s14 =	sadd.s32 $0x1, s13;
	v29 =	vmul.f32 v30, v29;
	v32 =	vld.idx.msk [tilespmem:v22+s28+$0x0], $0xffff;
	v19 =	vadd.f32 v24, v19;
	v35 =	vadd.f32 v26, v33  }
0x172: {  	v36 =	vadd.s32 s14, v0;
	v28 =	vmul.f32 v44, v44;
	v24 =	vmul.f32 v40, v40;
	v27 =	vld.idx.msk [tilespmem:v22+s0+$0x0], $0xffff  }
0x173: {  	v33 =	vmul.f32 v40, v38;
	v26 =	vld.idx.msk [tilespmem:v22+s29+$0x0], $0xffff;
	v30 =	vadd.f32 v35, v29;
	v19 =	vadd.f32 v31, v19  }
0x174: {  	v29 =	vand.u32 $0x7F, v34;
	v34 =	vmul.f32 v44, v39;
	v35 =	vmul.f32 v20, v21  }
0x175: {  	v42 =	vmul.f32 v44, v38;
	v40 =	vmul.f32 v40, v39;
	v31 =	vor.u32 v17, v29;
	v29 =	vld.idx.msk [tilespmem:v22+s30+$0x0], $0xffff  }
.Ltmp5:
0x176: {  	v20 =	vand.u32 $0x7F, v36;
	v36 =	vmul.f32 v38, v38;
	v37 =	vmul.f32 v39, v39;
	(pc) =	sbr.rel @p0 .LBB2_12-.Ltmp5, $4  }
0x177: {  	v22 =	vor.u32 v17, v20;
	v20 =	vmul.f32 v45, v45;
	v38 =	vmul.f32 v32, v32  }
0x178: {  	v43 =	vmul.f32 v43, v25;
	v44 =	vadd.f32 v37, v36;
	v36 =	vmul.f32 v27, v45  }
0x179: {  	v37 =	vmul.f32 v23, v32;
	v39 =	vadd.f32 v38, v20;
	v41 =	vmul.f32 v26, v26  }
0x17a: {  	s13 =	sadd.s32 $0x2, s13;
	v42 =	vadd.f32 v40, v42;
	v40 =	vadd.f32 v43, v44;
	v38 =	vmul.f32 v23, v45;
	v20 =	vld.idx.msk [tilespmem:v31+s30+$0x0], $0xffff  }
0x17b: {  	_ =	sdelay $0x3  }
0x17c: {  	v32 =	vmul.f32 v27, v32;
	v39 =	vadd.f32 v41, v39;
	v57 =	vmul.f32 v29, v29;
	v43 =	vld.idx.msk [tilespmem:v31+s31+$0x0], $0xffff  }
0x17d: {  	v33 =	vsub.f32 v33, v34;
	v59 =	vld.idx.msk [tilespmem:v31+s0+$0x0], $0xffff;
	v23 =	vmul.f32 v23, v23;
	v25 =	vmul.f32 v42, v25  }
0x17e: {  	v61 =	vld.idx.msk [tilespmem:v31+s26+$0x0], $0xffff;
	v62 =	vsub.f32 v36, v37;
	v27 =	vmul.f32 v27, v27;
	v58 =	vadd.f32 v35, v40  }
0x17f: {  	v45 =	vld.idx.msk [tilespmem:v22+s29+$0x0], $0xffff;
	s13 =	simm.s32 $0x0;
	v60 =	vadd.f32 v57, v39;
	v21 =	vmul.f32 v33, v21;
	v25 =	vadd.f32 v25, v30  }
0x180: {  	v51 =	vadd.s32 s13, v0;
	v32 =	vadd.f32 v32, v38;
	v28 =	vadd.f32 v28, v58;
	v30 =	vld.idx.msk [tilespmem:v31+s28+$0x0], $0xffff  }
0x181: {  	v63 =	vld.idx.msk [tilespmem:v22+s0+$0x0], $0xffff;
	v23 =	vadd.f32 v23, v60;
	v11 =	vmul.f32 v20, v20;
	v21 =	vadd.f32 v25, v21  }
0x182: {  	v31 =	vld.idx.msk [tilespmem:v31+s29+$0x0], $0xffff;
	v24 =	vadd.f32 v24, v28;
	v25 =	vmul.f32 v32, v26;
	v28 =	vmul.f32 v62, v29  }
0x183: {  	v10 =	vld.idx.msk [tilespmem:v22+s31+$0x0], $0xffff;
	v42 =	vand.u32 $0x7F, v51;
	v29 =	vmul.f32 v43, v43;
	v9 =	vmul.f32 v59, v61  }
0x184: {  	v26 =	vld.idx.msk [tilespmem:v22+s26+$0x0], $0xffff;
	v53 =	vmul.f32 v45, v45;
	v23 =	vadd.f32 v27, v23;
	v21 =	vadd.f32 v25, v21  }
0x185: {  	v27 =	vld.idx.msk [tilespmem:v22+s28+$0x0], $0xffff;
	v25 =	vmul.f32 v59, v59;
	v19 =	vadd.f32 v24, v19;
	v24 =	vmul.f32 v43, v30  }
0x186: {  	v46 =	vmul.f32 v30, v30;
	v28 =	vadd.f32 v21, v28;
	v21 =	vmul.f32 v61, v61  }
0x187: {  	v22 =	vld.idx.msk [tilespmem:v22+s30+$0x0], $0xffff;
	v30 =	vmul.f32 v59, v30;
	v49 =	vmul.f32 v31, v31;
	v19 =	vadd.f32 v23, v19  }
0x188: {  	v23 =	vmul.f32 v43, v61;
	v38 =	vadd.f32 v46, v21;
	v21 =	vor.u32 $0x3000, v1  }
0x189: {  	v47 =	vmul.f32 v26, v26;
	v50 =	vmul.f32 v63, v26;
	v42 =	vor.u32 v21, v42  }
0x18a: {  	v26 =	vmul.f32 v10, v26;
	v48 =	vmul.f32 v27, v27;
	v23 =	vadd.f32 v30, v23  }
0x18b: {  	v52 =	vmul.f32 v10, v27;
	v27 =	vmul.f32 v63, v27;
	v30 =	vadd.f32 v49, v38  }
0x18c: {  	s14 =	simm.s32 $0x1;
	v54 =	vmul.f32 v22, v22;
	v35 =	vadd.f32 v48, v47;
	v23 =	vmul.f32 v23, v31  }
0x18d: {  	v31 =	vsub.f32 v9, v24;
	v24 =	vadd.s32 s14, v0;
	v30 =	vadd.f32 v11, v30  }
0x18e: {  	v35 =	vadd.f32 v53, v35;
	v23 =	vadd.f32 v23, v28;
	v28 =	vand.u32 $0x7F, v24;
	v57 =	vld.idx.msk [tilespmem:v42+s31+$0x0], $0xffff  }
0x18f: {  	v20 =	vmul.f32 v31, v20;
	v56 =	vor.u32 v21, v28;
	v29 =	vadd.f32 v29, v30;
	v58 =	vld.idx.msk [tilespmem:v42+s0+$0x0], $0xffff  }
0x190: {  	v55 =	vmul.f32 v10, v10;
	v26 =	vadd.f32 v27, v26;
	v27 =	vadd.f32 v54, v35;
	v59 =	vld.idx.msk [tilespmem:v42+s26+$0x0], $0xffff  }
0x191: {  	v24 =	vld.idx.msk [tilespmem:v42+s30+$0x0], $0xffff;
	v20 =	vadd.f32 v23, v20;
	v23 =	vadd.f32 v25, v29  }
0x192: {  	v31 =	vmul.f32 v63, v63;
	v28 =	vld.idx.msk [tilespmem:v42+s29+$0x0], $0xffff;
	v30 =	vsub.f32 v50, v52;
	v27 =	vadd.f32 v55, v27  }
0x193: {  	v25 =	vmul.f32 v26, v45;
	v19 =	vadd.f32 v23, v19;
	v23 =	vld.idx.msk [tilespmem:v42+s28+$0x0], $0xffff  }
0x194: {  	v22 =	vmul.f32 v30, v22;
	v27 =	vadd.f32 v31, v27;
	v26 =	vld.idx.msk [tilespmem:v56+s31+$0x0], $0xffff  }
0x195: {  	v20 =	vadd.f32 v25, v20;
	v46 =	vld.idx.msk [tilespmem:v56+s26+$0x0], $0xffff;
	v31 =	vmul.f32 v57, v57;
	v36 =	vmul.f32 v58, v59  }
0x196: {  	s15 =	simm.s32 $0x2;
	v33 =	vimm.f32 $0.0e+00;
	v35 =	vld.idx.msk [tilespmem:v56+s28+$0x0], $0xffff;
	v38 =	vmul.f32 v24, v24;
	v60 =	vmul.f32 v57, v59  }
0x197: {  	v30 =	vld.idx.msk [tilespmem:v56+s0+$0x0], $0xffff;
	v20 =	vadd.f32 v20, v22;
	v22 =	vadd.f32 v27, v19;
	v19 =	vadd.s32 s15, v0  }
0x198: {  	v29 =	vld.idx.msk [tilespmem:v56+s29+$0x0], $0xffff;
	v61 =	vmul.f32 v59, v59;
	v48 =	vmul.f32 v28, v28;
	v19 =	vand.u32 $0x7F, v19  }
0x199: {  	s21 =	simm.s32 $0x3;
	v27 =	vmul.f32 v58, v58;
	v34 =	vor.u32 v21, v19;
	v37 =	vmul.f32 v57, v23  }
0x19a: {  	v25 =	vadd.s32 s21, v0;
	v32 =	vld.idx.msk [tilespmem:v56+s30+$0x0], $0xffff;
	v45 =	vmul.f32 v58, v23;
	v23 =	vmul.f32 v23, v23  }
0x19b: {  	v19 =	vand.u32 $0x7F, v25;
	v62 =	vmul.f32 v46, v46;
	v63 =	vmul.f32 v35, v35  }
0x19c: {  	v25 =	vor.u32 v21, v19;
	v39 =	vmul.f32 v30, v46;
	v47 =	vadd.f32 v23, v61  }
0x19d: {  	v19 =	vld [tilespmem:$0x1D0];
	v40 =	vmul.f32 v26, v35;
	v44 =	vmul.f32 v29, v29;
	v42 =	vadd.f32 v63, v62  }
0x19e: {  	s13 =	simm.s32 $0x4;
	v41 =	vmul.f32 v26, v46;
	v45 =	vadd.f32 v45, v60;
	v23 =	vld.idx.msk [tilespmem:v34+s30+$0x0], $0xffff;
	v43 =	vadd.f32 v48, v47  }
.LBB2_14:
0x19f: {  	p0 =	slt.u32 s13, $0x7E;
	v46 =	vld.idx.msk [tilespmem:v34+s29+$0x0], $0xffff;
	v35 =	vmul.f32 v30, v35;
	v42 =	vadd.f32 v44, v42;
	v44 =	vmul.f32 v32, v32  }
0x1a0: {  	v36 =	vsub.f32 v36, v37;
	v47 =	vld.idx.msk [tilespmem:v34+s31+$0x0], $0xffff;
	v28 =	vmul.f32 v45, v28;
	v37 =	vadd.f32 v38, v43  }
0x1a1: {  	v26 =	vmul.f32 v26, v26;
	v43 =	vld.idx.msk [tilespmem:v34+s0+$0x0], $0xffff;
	v35 =	vadd.f32 v35, v41;
	v38 =	vadd.f32 v44, v42  }
0x1a2: {  	v8 =	vmul.f32 v36, v24;
	v41 =	vld.idx.msk [tilespmem:v34+s26+$0x0], $0xffff;
	v7 =	vadd.f32 v28, v33;
	v31 =	vadd.f32 v31, v37  }
0x1a3: {  	v30 =	vmul.f32 v30, v30;
	v33 =	vsub.f32 v39, v40;
	v42 =	vld.idx.msk [tilespmem:v34+s28+$0x0], $0xffff;
	v34 =	vadd.f32 v26, v38  }
0x1a4: {  	v29 =	vmul.f32 v35, v29;
	v26 =	vld.idx.msk [tilespmem:v25+s31+$0x0], $0xffff;
	v36 =	vadd.f32 v7, v8;
	v27 =	vadd.f32 v27, v31  }
0x1a5: {  	v37 =	vadd.s32 s13, v0;
	v24 =	vmovc v23;
	v28 =	vmov v46;
	v48 =	vld.idx.msk [tilespmem:v25+s26+$0x0], $0xffff;
	v34 =	vadd.f32 v30, v34  }
0x1a6: {  	s14 =	sadd.s32 $0x1, s13;
	v32 =	vmul.f32 v33, v32;
	v35 =	vld.idx.msk [tilespmem:v25+s28+$0x0], $0xffff;
	v22 =	vadd.f32 v27, v22;
	v38 =	vadd.f32 v29, v36  }
0x1a7: {  	v39 =	vadd.s32 s14, v0;
	v31 =	vmul.f32 v47, v47;
	v27 =	vmul.f32 v43, v43;
	v30 =	vld.idx.msk [tilespmem:v25+s0+$0x0], $0xffff  }
0x1a8: {  	v36 =	vmul.f32 v43, v41;
	v29 =	vld.idx.msk [tilespmem:v25+s29+$0x0], $0xffff;
	v33 =	vadd.f32 v38, v32;
	v22 =	vadd.f32 v34, v22  }
0x1a9: {  	v32 =	vand.u32 $0x7F, v37;
	v37 =	vmul.f32 v47, v42;
	v38 =	vmul.f32 v23, v24  }
0x1aa: {  	v45 =	vmul.f32 v47, v41;
	v43 =	vmul.f32 v43, v42;
	v34 =	vor.u32 v21, v32;
	v32 =	vld.idx.msk [tilespmem:v25+s30+$0x0], $0xffff  }
.Ltmp6:
0x1ab: {  	v23 =	vand.u32 $0x7F, v39;
	v39 =	vmul.f32 v41, v41;
	v40 =	vmul.f32 v42, v42;
	(pc) =	sbr.rel @p0 .LBB2_14-.Ltmp6, $4  }
0x1ac: {  	v25 =	vor.u32 v21, v23;
	v23 =	vmul.f32 v48, v48;
	v41 =	vmul.f32 v35, v35  }
0x1ad: {  	v46 =	vmul.f32 v46, v28;
	v47 =	vadd.f32 v40, v39;
	v39 =	vmul.f32 v30, v48  }
0x1ae: {  	v40 =	vmul.f32 v26, v35;
	v42 =	vadd.f32 v41, v23;
	v44 =	vmul.f32 v29, v29  }
0x1af: {  	s13 =	sadd.s32 $0x2, s13;
	v45 =	vadd.f32 v43, v45;
	v43 =	vadd.f32 v46, v47;
	v41 =	vmul.f32 v26, v48;
	v23 =	vld.idx.msk [tilespmem:v34+s30+$0x0], $0xffff  }
0x1b0: {  	_ =	sdelay $0x3  }
0x1b1: {  	v35 =	vmul.f32 v30, v35;
	v42 =	vadd.f32 v44, v42;
	v11 =	vmul.f32 v32, v32;
	v46 =	vld.idx.msk [tilespmem:v34+s31+$0x0], $0xffff  }
0x1b2: {  	v36 =	vsub.f32 v36, v37;
	v49 =	vld.idx.msk [tilespmem:v34+s0+$0x0], $0xffff;
	v26 =	vmul.f32 v26, v26;
	v28 =	vmul.f32 v45, v28  }
0x1b3: {  	v51 =	vld.idx.msk [tilespmem:v34+s26+$0x0], $0xffff;
	v54 =	vsub.f32 v39, v40;
	v30 =	vmul.f32 v30, v30;
	v48 =	vadd.f32 v38, v43  }
0x1b4: {  	v52 =	vld.idx.msk [tilespmem:v34+s28+$0x0], $0xffff;
	s13 =	simm.s32 $0x0;
	v35 =	vadd.f32 v35, v41;
	v24 =	vmul.f32 v36, v24;
	v28 =	vadd.f32 v28, v33  }
0x1b5: {  	v53 =	vld.idx.msk [tilespmem:v34+s29+$0x0], $0xffff;
	v10 =	vadd.s32 s13, v0;
	v50 =	vadd.f32 v11, v42;
	v31 =	vadd.f32 v31, v48  }
0x1b6: {  	v59 =	vld.idx.msk [tilespmem:v25+s29+$0x0], $0xffff;
	v45 =	vand.u32 $0x7F, v10;
	v58 =	vmul.f32 v23, v23;
	v24 =	vadd.f32 v28, v24  }
0x1b7: {  	v27 =	vadd.f32 v27, v31;
	v28 =	vmul.f32 v35, v29;
	v31 =	vmul.f32 v54, v32  }
0x1b8: {  	v57 =	vld.idx.msk [tilespmem:v25+s31+$0x0], $0xffff;
	v26 =	vadd.f32 v26, v50;
	v55 =	vmul.f32 v46, v46;
	v56 =	vmul.f32 v49, v51  }
0x1b9: {  	v29 =	vld.idx.msk [tilespmem:v25+s26+$0x0], $0xffff;
	v60 =	vmul.f32 v52, v52;
	v33 =	vmul.f32 v49, v52;
	v24 =	vadd.f32 v28, v24  }
0x1ba: {  	v63 =	vmul.f32 v53, v53;
	v26 =	vadd.f32 v30, v26;
	v30 =	vld.idx.msk [tilespmem:v25+s28+$0x0], $0xffff;
	v22 =	vadd.f32 v27, v22  }
0x1bb: {  	v35 =	vld.idx.msk [tilespmem:v25+s0+$0x0], $0xffff;
	v48 =	vmul.f32 v59, v59;
	v31 =	vadd.f32 v24, v31;
	v24 =	vmul.f32 v51, v51  }
0x1bc: {  	v28 =	vmul.f32 v49, v49;
	v27 =	vmul.f32 v46, v52;
	v22 =	vadd.f32 v26, v22  }
0x1bd: {  	s14 =	simm.s32 $0x1;
	v25 =	vld.idx.msk [tilespmem:v25+s30+$0x0], $0xffff;
	v26 =	vmul.f32 v46, v51;
	v41 =	vadd.f32 v60, v24;
	v24 =	vor.u32 $0x3800, v1  }
0x1be: {  	v27 =	vsub.f32 v56, v27;
	v51 =	vadd.s32 s14, v0;
	v45 =	vor.u32 v24, v45  }
0x1bf: {  	v61 =	vmul.f32 v29, v29;
	v62 =	vmul.f32 v30, v30;
	v26 =	vadd.f32 v33, v26  }
0x1c0: {  	v9 =	vmul.f32 v35, v29;
	v29 =	vmul.f32 v57, v29;
	v49 =	vadd.f32 v63, v41  }
0x1c1: {  	v11 =	vmul.f32 v57, v30;
	v38 =	vadd.f32 v62, v61;
	v26 =	vmul.f32 v26, v53  }
0x1c2: {  	v30 =	vmul.f32 v35, v30;
	v50 =	vmul.f32 v25, v25;
	v33 =	vadd.f32 v58, v49  }
0x1c3: {  	v38 =	vadd.f32 v48, v38;
	v53 =	vadd.f32 v26, v31;
	v31 =	vand.u32 $0x7F, v51;
	v26 =	vld.idx.msk [tilespmem:v45+s30+$0x0], $0xffff  }
0x1c4: {  	v23 =	vmul.f32 v27, v23;
	v54 =	vor.u32 v24, v31;
	v27 =	vadd.f32 v55, v33;
	v31 =	vld.idx.msk [tilespmem:v45+s29+$0x0], $0xffff  }
0x1c5: {  	v52 =	vmul.f32 v57, v57;
	v29 =	vadd.f32 v30, v29;
	v30 =	vadd.f32 v50, v38;
	v57 =	vld.idx.msk [tilespmem:v45+s31+$0x0], $0xffff  }
0x1c6: {  	v56 =	vmul.f32 v35, v35;
	v55 =	vsub.f32 v9, v11;
	v58 =	vld.idx.msk [tilespmem:v45+s0+$0x0], $0xffff;
	v27 =	vadd.f32 v28, v27  }
0x1c7: {  	v23 =	vadd.f32 v53, v23;
	v30 =	vadd.f32 v52, v30;
	v28 =	vmul.f32 v29, v59;
	v59 =	vld.idx.msk [tilespmem:v45+s26+$0x0], $0xffff  }
0x1c8: {  	v22 =	vadd.f32 v27, v22;
	v27 =	vld.idx.msk [tilespmem:v45+s28+$0x0], $0xffff  }
0x1c9: {  	s21 =	simm.s32 $0x3;
	v25 =	vmul.f32 v55, v25;
	v30 =	vadd.f32 v56, v30;
	v23 =	vadd.f32 v28, v23;
	v29 =	vld.idx.msk [tilespmem:v54+s31+$0x0], $0xffff  }
0x1ca: {  	s15 =	simm.s32 $0x2;
	v49 =	vld.idx.msk [tilespmem:v54+s26+$0x0], $0xffff;
	v28 =	vadd.s32 s21, v0;
	v34 =	vmul.f32 v57, v57;
	v41 =	vmul.f32 v26, v26  }
0x1cb: {  	v38 =	vld.idx.msk [tilespmem:v54+s28+$0x0], $0xffff;
	v23 =	vadd.f32 v23, v25;
	v25 =	vadd.f32 v30, v22;
	v22 =	vadd.s32 s15, v0  }
0x1cc: {  	v33 =	vld.idx.msk [tilespmem:v54+s0+$0x0], $0xffff;
	v51 =	vmul.f32 v31, v31;
	v30 =	vmul.f32 v58, v58;
	v22 =	vand.u32 $0x7F, v22  }
0x1cd: {  	v32 =	vld.idx.msk [tilespmem:v54+s29+$0x0], $0xffff;
	v39 =	vmul.f32 v58, v59;
	v60 =	vmul.f32 v57, v59;
	v37 =	vor.u32 v24, v22  }
0x1ce: {  	v22 =	vand.u32 $0x7F, v28;
	v28 =	vmul.f32 v59, v59;
	v40 =	vmul.f32 v57, v27  }
0x1cf: {  	v35 =	vld.idx.msk [tilespmem:v54+s30+$0x0], $0xffff;
	v48 =	vmul.f32 v58, v27;
	v61 =	vmul.f32 v27, v27  }
0x1d0: {  	v36 =	vimm.f32 $0.0e+00;
	v62 =	vmul.f32 v49, v49;
	v63 =	vmul.f32 v38, v38  }
0x1d1: {  	v27 =	vor.u32 v24, v22;
	v42 =	vmul.f32 v33, v49;
	v50 =	vadd.f32 v61, v28  }
0x1d2: {  	v22 =	vld [tilespmem:$0x1E0];
	v43 =	vmul.f32 v29, v38;
	v47 =	vmul.f32 v32, v32;
	v45 =	vadd.f32 v63, v62  }
0x1d3: {  	s13 =	simm.s32 $0x4;
	v44 =	vmul.f32 v29, v49;
	v48 =	vadd.f32 v48, v60;
	v28 =	vld.idx.msk [tilespmem:v37+s30+$0x0], $0xffff;
	v46 =	vadd.f32 v51, v50  }
.LBB2_16:
0x1d4: {  	p0 =	slt.u32 s13, $0x7E;
	v49 =	vld.idx.msk [tilespmem:v37+s29+$0x0], $0xffff;
	v38 =	vmul.f32 v33, v38;
	v45 =	vadd.f32 v47, v45;
	v47 =	vmul.f32 v35, v35  }
0x1d5: {  	v39 =	vsub.f32 v39, v40;
	v50 =	vld.idx.msk [tilespmem:v37+s31+$0x0], $0xffff;
	v31 =	vmul.f32 v48, v31;
	v40 =	vadd.f32 v41, v46  }
0x1d6: {  	v29 =	vmul.f32 v29, v29;
	v46 =	vld.idx.msk [tilespmem:v37+s0+$0x0], $0xffff;
	v38 =	vadd.f32 v38, v44;
	v41 =	vadd.f32 v47, v45  }
0x1d7: {  	v8 =	vmul.f32 v39, v26;
	v44 =	vld.idx.msk [tilespmem:v37+s26+$0x0], $0xffff;
	v7 =	vadd.f32 v31, v36;
	v34 =	vadd.f32 v34, v40  }
0x1d8: {  	v33 =	vmul.f32 v33, v33;
	v36 =	vsub.f32 v42, v43;
	v45 =	vld.idx.msk [tilespmem:v37+s28+$0x0], $0xffff;
	v37 =	vadd.f32 v29, v41  }
0x1d9: {  	v32 =	vmul.f32 v38, v32;
	v29 =	vld.idx.msk [tilespmem:v27+s31+$0x0], $0xffff;
	v39 =	vadd.f32 v7, v8;
	v30 =	vadd.f32 v30, v34  }
0x1da: {  	v40 =	vadd.s32 s13, v0;
	v26 =	vmovc v28;
	v31 =	vmov v49;
	v51 =	vld.idx.msk [tilespmem:v27+s26+$0x0], $0xffff;
	v37 =	vadd.f32 v33, v37  }
0x1db: {  	s14 =	sadd.s32 $0x1, s13;
	v35 =	vmul.f32 v36, v35;
	v38 =	vld.idx.msk [tilespmem:v27+s28+$0x0], $0xffff;
	v25 =	vadd.f32 v30, v25;
	v41 =	vadd.f32 v32, v39  }
0x1dc: {  	v42 =	vadd.s32 s14, v0;
	v34 =	vmul.f32 v50, v50;
	v30 =	vmul.f32 v46, v46;
	v33 =	vld.idx.msk [tilespmem:v27+s0+$0x0], $0xffff  }
0x1dd: {  	v39 =	vmul.f32 v46, v44;
	v32 =	vld.idx.msk [tilespmem:v27+s29+$0x0], $0xffff;
	v36 =	vadd.f32 v41, v35;
	v25 =	vadd.f32 v37, v25  }
0x1de: {  	v35 =	vand.u32 $0x7F, v40;
	v40 =	vmul.f32 v50, v45;
	v41 =	vmul.f32 v28, v26  }
0x1df: {  	v48 =	vmul.f32 v50, v44;
	v46 =	vmul.f32 v46, v45;
	v37 =	vor.u32 v24, v35;
	v35 =	vld.idx.msk [tilespmem:v27+s30+$0x0], $0xffff  }
.Ltmp7:
0x1e0: {  	v28 =	vmul.f32 v44, v44;
	v27 =	vand.u32 $0x7F, v42;
	v42 =	vmul.f32 v45, v45;
	(pc) =	sbr.rel @p0 .LBB2_16-.Ltmp7, $4  }
0x1e1: {  	v44 =	vmul.f32 v51, v51;
	v27 =	vor.u32 v24, v27;
	v45 =	vmul.f32 v38, v38  }
0x1e2: {  	v49 =	vmul.f32 v49, v31;
	v50 =	vadd.f32 v42, v28;
	v42 =	vmul.f32 v33, v51  }
0x1e3: {  	v43 =	vmul.f32 v29, v38;
	v45 =	vadd.f32 v45, v44;
	v47 =	vmul.f32 v32, v32  }
0x1e4: {  	s13 =	sadd.s32 $0x2, s13;
	v48 =	vadd.f32 v46, v48;
	v44 =	vmul.f32 v29, v51;
	v46 =	vadd.f32 v49, v50;
	v28 =	vld.idx.msk [tilespmem:v37+s30+$0x0], $0xffff  }
0x1e5: {  	_ =	sdelay $0x3  }
0x1e6: {  	v49 =	vld.idx.msk [tilespmem:v37+s31+$0x0], $0xffff  }
0x1e7: {  	v56 =	vld.idx.msk [tilespmem:v37+s0+$0x0], $0xffff  }
0x1e8: {  	v38 =	vmul.f32 v33, v38;
	v45 =	vadd.f32 v47, v45;
	v54 =	vmul.f32 v35, v35;
	v58 =	vld.idx.msk [tilespmem:v37+s26+$0x0], $0xffff  }
0x1e9: {  	v39 =	vsub.f32 v39, v40;
	v29 =	vmul.f32 v29, v29;
	v59 =	vld.idx.msk [tilespmem:v37+s28+$0x0], $0xffff;
	v31 =	vmul.f32 v48, v31  }
0x1ea: {  	v37 =	vld.idx.msk [tilespmem:v37+s29+$0x0], $0xffff;
	v60 =	vsub.f32 v42, v43;
	v61 =	vmul.f32 v33, v33;
	v55 =	vadd.f32 v41, v46  }
0x1eb: {  	v62 =	vld.idx.msk [tilespmem:v27+s26+$0x0], $0xffff;
	v38 =	vadd.f32 v38, v44;
	v26 =	vmul.f32 v39, v26;
	v31 =	vadd.f32 v31, v36  }
0x1ec: {  	v63 =	vld.idx.msk [tilespmem:v27+s28+$0x0], $0xffff;
	v9 =	vmul.f32 v60, v35;
	v34 =	vadd.f32 v34, v55;
	v52 =	vmul.f32 v28, v28  }
0x1ed: {  	v51 =	vld.idx.msk [tilespmem:v27+s31+$0x0], $0xffff;
	v26 =	vadd.f32 v31, v26;
	v31 =	vmul.f32 v38, v32;
	v10 =	vmul.f32 v49, v49  }
0x1ee: {  	v48 =	vld.idx.msk [tilespmem:v27+s0+$0x0], $0xffff;
	v57 =	vadd.f32 v54, v45;
	v11 =	vmul.f32 v56, v56;
	v50 =	vmul.f32 v56, v58  }
0x1ef: {  	v30 =	vadd.f32 v30, v34;
	v53 =	vmul.f32 v49, v58;
	v41 =	vmul.f32 v56, v59  }
0x1f0: {  	v29 =	vadd.f32 v29, v57;
	v54 =	vmul.f32 v58, v58;
	v36 =	vmul.f32 v59, v59  }
0x1f1: {  	v55 =	vmul.f32 v63, v63;
	v56 =	vmul.f32 v37, v37;
	v25 =	vadd.f32 v30, v25;
	v30 =	vld.idx.msk [tilespmem:v27+s29+$0x0], $0xffff  }
0x1f2: {  	v58 =	vmul.f32 v51, v63;
	v32 =	vmul.f32 v51, v62;
	v29 =	vadd.f32 v61, v29  }
0x1f3: {  	v57 =	vmul.f32 v48, v62;
	v34 =	vmul.f32 v48, v63;
	v27 =	vld.idx.msk [tilespmem:v27+s30+$0x0], $0xffff  }
0x1f4: {  	v35 =	vadd.f32 v36, v54;
	v25 =	vadd.f32 v29, v25;
	v29 =	vmul.f32 v62, v62  }
0x1f5: {  	v26 =	vadd.f32 v31, v26;
	v31 =	vmul.f32 v49, v59;
	v41 =	vadd.f32 v41, v53  }
0x1f6: {  	v35 =	vadd.f32 v56, v35;
	v29 =	vadd.f32 v55, v29;
	v59 =	vmul.f32 v30, v30  }
0x1f7: {  	v26 =	vadd.f32 v26, v9;
	v60 =	vmul.f32 v41, v37;
	v31 =	vsub.f32 v50, v31  }
0x1f8: {  	v35 =	vadd.f32 v52, v35;
	v61 =	vmul.f32 v27, v27;
	v29 =	vadd.f32 v59, v29  }
0x1f9: {  	v32 =	vadd.f32 v34, v32;
	v26 =	vadd.f32 v60, v26;
	v28 =	vmul.f32 v31, v28  }
0x1fa: {  	v31 =	vmul.f32 v51, v51;
	v62 =	vadd.f32 v10, v35;
	v29 =	vadd.f32 v61, v29  }
0x1fb: {  	v63 =	vsub.f32 v57, v58;
	v26 =	vadd.f32 v26, v28;
	v28 =	vmul.f32 v32, v30  }
0x1fc: {  	v30 =	vmul.f32 v48, v48;
	v29 =	vadd.f32 v31, v29;
	v31 =	vadd.f32 v11, v62  }
0x1fd: {  	v27 =	vmul.f32 v63, v27;
	v26 =	vadd.f32 v28, v26  }
0x1fe: {  	v29 =	vadd.f32 v30, v29;
	v25 =	vadd.f32 v31, v25  }
0x1ff: {  	v28 =	vadd.f32 v26, v27  }
0x200: {  	s21 =	simm.s32 $0x0;
	s14 =	simm.s32 $0x0;
	v26 =	vld [tilespmem:$0x1F0];
	v27 =	vimm.f32 $0.0e+00;
	v25 =	vadd.f32 v29, v25;
	v29 =	vimm.f32 $0.0e+00  }
.LBB2_18:
0x201: {  	s13 =	sadd.s32 s18, s14  }
0x202: {  	s13 =	sshll.u32 s13, $0x4  }
0x203: {  	s15 =	sadd.s32 s7, s13  }
0x204: {  	[tilespmem:s21], [sflag:$0x2] =	stream.linear.gather [hbm4b:s15+s21], $0x80, $0x38;
	[tilespmem:$0x18380] =	vst v63  }
0x205: {  	_ =	swait.ge [sflag:s22], $0x80  }
0x206: {  	[sflag:s22] =	ssyncset.done $0x0  }
0x207: {  	s15 =	sadd.s32 s8, s13;
	[sflag:s22] =	ssyncadd.s32 $0xFFFFFF80  }
0x208: {  	[tilespmem:s24], [sflag:$0x2] =	stream.linear.gather [hbm4b:s15+s21], $0x80, $0x38;
	[tilespmem:$0x18380] =	vst v63  }
0x209: {  	_ =	swait.ge [sflag:s22], $0x80  }
0x20a: {  	[sflag:s22] =	ssyncset.done $0x0  }
0x20b: {  	s13 =	sadd.s32 s9, s13;
	[sflag:s22] =	ssyncadd.s32 $0xFFFFFF80  }
0x20c: {  	[tilespmem:s25], [sflag:$0x2] =	stream.linear.gather [hbm4b:s13+s21], $0x80, $0x38;
	[tilespmem:$0x18380] =	vst v63  }
0x20d: {  	_ =	swait.ge [sflag:s22], $0x80  }
0x20e: {  	[sflag:s22] =	ssyncset.done $0x0  }
0x20f: {  	[sflag:s22] =	ssyncadd.s32 $0xFFFFFF80  }
0x210: {  	[tilespmem:s26], [sflag:$0x1] =	stream.indirect.gather [hbm4b:s1+s24], $0x80, s21, s24, $0xb8;
	[tilespmem:$0x18380] =	vst v63  }
0x211: {  	_ = 	snop  }
0x212: {  	[tilespmem:s28], [sflag:$0x1] =	stream.indirect.gather [hbm4b:s2+s24], $0x80, s21, s24, $0xb8;
	[tilespmem:$0x18380] =	vst v63  }
0x213: {  	_ = 	snop  }
0x214: {  	[tilespmem:s29], [sflag:$0x1] =	stream.indirect.gather [hbm4b:s3+s24], $0x80, s24, s24, $0xb8;
	[tilespmem:$0x18380] =	vst v63  }
0x215: {  	_ = 	snop  }
0x216: {  	[tilespmem:s30], [sflag:$0x1] =	stream.indirect.gather [hbm4b:s4+s24], $0x80, s24, s24, $0xb8;
	[tilespmem:$0x18380] =	vst v63  }
0x217: {  	_ = 	snop  }
0x218: {  	[tilespmem:s31], [sflag:$0x1] =	stream.indirect.gather [hbm4b:s1+s24], $0x80, s25, s24, $0xb8;
	[tilespmem:$0x18380] =	vst v63  }
0x219: {  	_ = 	snop  }
0x21a: {  	[tilespmem:s0], [sflag:$0x1] =	stream.indirect.gather [hbm4b:s2+s24], $0x80, s25, s24, $0xb8;
	[tilespmem:$0x18380] =	vst v63  }
0x21b: {  	_ =	swait.ge [sflag:s6], $0x4000  }
0x21c: {  	[sflag:s6] =	ssyncset.done $0x0  }
0x21d: {  	[sflag:s6] =	ssyncadd.s32 $0xFFFFC000  }
0x21e: {  	_ =	swait.ge [sflag:s6], $0x4000  }
0x21f: {  	[sflag:s6] =	ssyncset.done $0x0  }
0x220: {  	[sflag:s6] =	ssyncadd.s32 $0xFFFFC000  }
0x221: {  	_ =	swait.ge [sflag:s6], $0x4000  }
0x222: {  	[sflag:s6] =	ssyncset.done $0x0  }
0x223: {  	[sflag:s6] =	ssyncadd.s32 $0xFFFFC000  }
0x224: {  	_ =	swait.ge [sflag:s6], $0x4000  }
0x225: {  	[sflag:s6] =	ssyncset.done $0x0  }
0x226: {  	v30 =	vadd.s32 s21, v0;
	[sflag:s6] =	ssyncadd.s32 $0xFFFFC000  }
0x227: {  	v30 =	vand.u32 $0x7F, v30;
	_ =	swait.ge [sflag:s6], $0x4000  }
0x228: {  	v30 =	vor.u32 v1, v30;
	[sflag:s6] =	ssyncset.done $0x0  }
0x229: {  	[sflag:s6] =	ssyncadd.s32 $0xFFFFC000  }
0x22a: {  	s15 =	simm.s32 $0x1;
	_ =	swait.ge [sflag:s6], $0x4000  }
0x22b: {  	v31 =	vadd.s32 s15, v0;
	[sflag:s6] =	ssyncset.done $0x0  }
0x22c: {  	v31 =	vand.u32 $0x7F, v31;
	[sflag:s6] =	ssyncadd.s32 $0xFFFFC000  }
0x22d: {  	v34 =	vor.u32 v1, v31;
	v33 =	vld.idx.msk [tilespmem:v30+s29+$0x0], $0xffff  }
0x22e: {  	v32 =	vld.idx.msk [tilespmem:v30+s26+$0x0], $0xffff  }
0x22f: {  	s15 =	simm.s32 $0x2;
	v35 =	vld.idx.msk [tilespmem:v30+s28+$0x0], $0xffff  }
0x230: {  	v31 =	vadd.s32 s15, v0;
	v37 =	vld.idx.msk [tilespmem:v30+s31+$0x0], $0xffff  }
0x231: {  	v31 =	vand.u32 $0x7F, v31;
	v38 =	vld.idx.msk [tilespmem:v30+s0+$0x0], $0xffff  }
0x232: {  	v40 =	vor.u32 v1, v31;
	v39 =	vld.idx.msk [tilespmem:v34+s26+$0x0], $0xffff  }
0x233: {  	s15 =	simm.s32 $0x3;
	v41 =	vld.idx.msk [tilespmem:v34+s28+$0x0], $0xffff  }
0x234: {  	v31 =	vadd.s32 s15, v0;
	v42 =	vld.idx.msk [tilespmem:v34+s31+$0x0], $0xffff  }
0x235: {  	v31 =	vand.u32 $0x7F, v31;
	v43 =	vld.idx.msk [tilespmem:v34+s0+$0x0], $0xffff  }
0x236: {  	v31 =	vor.u32 v1, v31;
	v44 =	vld.idx.msk [tilespmem:v30+s30+$0x0], $0xffff  }
0x237: {  	v30 =	vld.idx.msk [tilespmem:v40+s29+$0x0], $0xffff;
	v45 =	vmul.f32 v37, v32;
	v46 =	vmul.f32 v38, v35  }
0x238: {  	v36 =	vld.idx.msk [tilespmem:v40+s26+$0x0], $0xffff  }
0x239: {  	v47 =	vld.idx.msk [tilespmem:v34+s29+$0x0], $0xffff;
	v38 =	vmul.f32 v38, v32;
	v35 =	vmul.f32 v37, v35;
	v45 =	vadd.f32 v46, v45  }
0x23a: {  	s15 =	simm.s32 $0x4;
	v57 =	vld.idx.msk [tilespmem:v34+s30+$0x0], $0xffff;
	v56 =	vmul.f32 v42, v39;
	v59 =	vmul.f32 v43, v41  }
0x23b: {  	v60 =	vadd.s32 s15, v0;
	v34 =	vld.idx.msk [tilespmem:v31+s28+$0x0], $0xffff;
	v58 =	vsub.f32 v38, v35;
	v33 =	vmul.f32 v45, v33  }
0x23c: {  	v32 =	vld.idx.msk [tilespmem:v40+s28+$0x0], $0xffff;
	v43 =	vmul.f32 v43, v39;
	v41 =	vmul.f32 v42, v41;
	v37 =	vadd.f32 v59, v56  }
0x23d: {  	v39 =	vld.idx.msk [tilespmem:v40+s0+$0x0], $0xffff;
	v44 =	vmul.f32 v58, v44;
	v45 =	vand.u32 $0x7F, v60;
	v61 =	vadd.f32 v33, v29  }
0x23e: {  	v35 =	vld.idx.msk [tilespmem:v40+s31+$0x0], $0xffff;
	v37 =	vmul.f32 v37, v47;
	v42 =	vor.u32 v1, v45  }
0x23f: {  	v62 =	vsub.f32 v43, v41;
	v38 =	vld.idx.msk [tilespmem:v31+s31+$0x0], $0xffff;
	v44 =	vadd.f32 v61, v44  }
0x240: {  	s15 =	simm.s32 $0x5;
	v41 =	vld.idx.msk [tilespmem:v31+s0+$0x0], $0xffff  }
0x241: {  	v63 =	vadd.s32 s15, v0;
	v33 =	vld.idx.msk [tilespmem:v31+s26+$0x0], $0xffff;
	v43 =	vadd.f32 v37, v44;
	v44 =	vmul.f32 v62, v57  }
0x242: {  	s13 =	simm.s32 $0x6;
	v40 =	vld.idx.msk [tilespmem:v40+s30+$0x0], $0xffff;
	v45 =	vand.u32 $0x7F, v63;
	v37 =	vmov v42  }
.LBB2_19:
0x243: {  	p0 =	slt.u32 s13, $0x7E;
	v46 =	vld.idx.msk [tilespmem:v42+s29+$0x0], $0xffff;
	v47 =	vmul.f32 v35, v36;
	v48 =	vmul.f32 v39, v32;
	v43 =	vadd.f32 v43, v44  }
0x244: {  	v45 =	vor.u32 v1, v45;
	v44 =	vld.idx.msk [tilespmem:v42+s26+$0x0], $0xffff  }
0x245: {  	v36 =	vmul.f32 v39, v36;
	v35 =	vmul.f32 v35, v32;
	v47 =	vadd.f32 v48, v47;
	v48 =	vld.idx.msk [tilespmem:v31+s29+$0x0], $0xffff  }
0x246: {  	v39 =	vadd.s32 s13, v0;
	v32 =	vld.idx.msk [tilespmem:v42+s28+$0x0], $0xffff;
	v42 =	vmul.f32 v38, v33  }
0x247: {  	v8 =	vsub.f32 v36, v35;
	v49 =	vmul.f32 v41, v34;
	v7 =	vmul.f32 v47, v30;
	v47 =	vld.idx.msk [tilespmem:v31+s30+$0x0], $0xffff  }
0x248: {  	v50 =	vand.u32 $0x7F, v39;
	v41 =	vmul.f32 v41, v33;
	v38 =	vmul.f32 v38, v34;
	v31 =	vmovc v45;
	v35 =	vld.idx.msk [tilespmem:v37+s31+$0x0], $0xffff  }
0x249: {  	v40 =	vmul.f32 v8, v40;
	v49 =	vadd.f32 v49, v42;
	v39 =	vld.idx.msk [tilespmem:v37+s0+$0x0], $0xffff;
	v43 =	vadd.f32 v7, v43  }
.Ltmp8:
0x24a: {  	v42 =	vor.u32 v1, v50;
	v30 =	vmov v46;
	v36 =	vmov v44;
	v33 =	vld.idx.msk [tilespmem:v45+s26+$0x0], $0xffff;
	(pc) =	sbr.rel @p0 .LBB2_19-.Ltmp8, $4  }
0x24b: {  	v44 =	vsub.f32 v41, v38;
	v34 =	vld.idx.msk [tilespmem:v45+s28+$0x0], $0xffff;
	v40 =	vadd.f32 v43, v40;
	v43 =	vmul.f32 v49, v48  }
0x24c: {  	s15 =	sadd.s32 $0x1, s13;
	v38 =	vld.idx.msk [tilespmem:v45+s31+$0x0], $0xffff  }
0x24d: {  	v45 =	vadd.s32 s15, v0;
	v44 =	vmul.f32 v44, v47;
	v41 =	vld.idx.msk [tilespmem:v31+s0+$0x0], $0xffff;
	v43 =	vadd.f32 v43, v40  }
0x24e: {  	s13 =	sadd.s32 $0x2, s13;
	v45 =	vand.u32 $0x7F, v45;
	v40 =	vld.idx.msk [tilespmem:v37+s30+$0x0], $0xffff;
	v37 =	vmov v42  }
0x24f: {  	_ =	sdelay $0x3  }
0x250: {  	v46 =	vld.idx.msk [tilespmem:v42+s29+$0x0], $0xffff  }
0x251: {  	v47 =	vld.idx.msk [tilespmem:v42+s26+$0x0], $0xffff  }
0x252: {  	v48 =	vld.idx.msk [tilespmem:v31+s29+$0x0], $0xffff  }
0x253: {  	v45 =	vor.u32 v1, v45;
	v42 =	vld.idx.msk [tilespmem:v42+s28+$0x0], $0xffff  }
0x254: {  	v49 =	vld.idx.msk [tilespmem:v31+s30+$0x0], $0xffff  }
0x255: {  	v50 =	vld.idx.msk [tilespmem:v37+s31+$0x0], $0xffff  }
0x256: {  	v31 =	vmul.f32 v35, v36;
	v51 =	vmul.f32 v39, v32;
	v52 =	vld.idx.msk [tilespmem:v37+s0+$0x0], $0xffff;
	s13 =	simm.s32 $0x0  }
0x257: {  	v37 =	vld.idx.msk [tilespmem:v37+s30+$0x0], $0xffff;
	v54 =	vadd.s32 s13, v0  }
0x258: {  	v51 =	vadd.f32 v51, v31;
	v31 =	vand.u32 $0x7F, v54;
	v53 =	vld.idx.msk [tilespmem:v45+s26+$0x0], $0xffff  }
0x259: {  	v60 =	vmul.f32 v39, v36;
	v61 =	vmul.f32 v35, v32;
	v39 =	vor.u32 v2, v31;
	v55 =	vld.idx.msk [tilespmem:v45+s28+$0x0], $0xffff  }
0x25a: {  	v43 =	vadd.f32 v43, v44;
	v62 =	vmul.f32 v38, v33;
	v35 =	vld.idx.msk [tilespmem:v45+s31+$0x0], $0xffff  }
0x25b: {  	s15 =	simm.s32 $0x1;
	v36 =	vsub.f32 v60, v61;
	v11 =	vmul.f32 v38, v34;
	v63 =	vmul.f32 v41, v34;
	v44 =	vld.idx.msk [tilespmem:v45+s0+$0x0], $0xffff  }
0x25c: {  	v10 =	vadd.s32 s15, v0;
	v9 =	vmul.f32 v41, v33;
	v30 =	vmul.f32 v51, v30;
	v41 =	vld.idx.msk [tilespmem:v45+s29+$0x0], $0xffff  }
0x25d: {  	v32 =	vand.u32 $0x7F, v10;
	v36 =	vmul.f32 v36, v40;
	v56 =	vld.idx.msk [tilespmem:v45+s30+$0x0], $0xffff;
	v59 =	vadd.f32 v63, v62  }
0x25e: {  	v45 =	vor.u32 v2, v32;
	v61 =	vmul.f32 v50, v47;
	v30 =	vadd.f32 v30, v43;
	v43 =	vld.idx.msk [tilespmem:v39+s29+$0x0], $0xffff  }
0x25f: {  	v62 =	vmul.f32 v52, v42;
	v47 =	vmul.f32 v52, v47;
	v40 =	vld.idx.msk [tilespmem:v39+s26+$0x0], $0xffff  }
0x260: {  	s15 =	simm.s32 $0x2;
	v42 =	vmul.f32 v50, v42;
	v60 =	vmul.f32 v59, v48;
	v48 =	vld.idx.msk [tilespmem:v39+s28+$0x0], $0xffff  }
0x261: {  	v34 =	vsub.f32 v9, v11;
	v63 =	vadd.s32 s15, v0;
	v38 =	vadd.f32 v62, v61;
	v54 =	vld.idx.msk [tilespmem:v39+s31+$0x0], $0xffff  }
0x262: {  	v33 =	vand.u32 $0x7F, v63;
	v42 =	vsub.f32 v47, v42;
	v30 =	vadd.f32 v30, v36;
	v9 =	vld.idx.msk [tilespmem:v39+s0+$0x0], $0xffff  }
0x263: {  	v34 =	vmul.f32 v34, v49;
	v49 =	vor.u32 v2, v33;
	v51 =	vld.idx.msk [tilespmem:v45+s26+$0x0], $0xffff  }
0x264: {  	s15 =	simm.s32 $0x3;
	v38 =	vmul.f32 v38, v46;
	v37 =	vmul.f32 v42, v37;
	v30 =	vadd.f32 v60, v30;
	v50 =	vld.idx.msk [tilespmem:v45+s28+$0x0], $0xffff  }
0x265: {  	v63 =	vadd.s32 s15, v0;
	v10 =	vmul.f32 v35, v53;
	v11 =	vmul.f32 v44, v55;
	v60 =	vld.idx.msk [tilespmem:v45+s0+$0x0], $0xffff  }
0x266: {  	v46 =	vld.idx.msk [tilespmem:v45+s31+$0x0], $0xffff;
	v44 =	vmul.f32 v44, v53;
	v35 =	vmul.f32 v35, v55;
	v30 =	vadd.f32 v30, v34  }
0x267: {  	v61 =	vld.idx.msk [tilespmem:v39+s30+$0x0], $0xffff;
	v47 =	vadd.f32 v11, v10;
	v62 =	vmul.f32 v54, v40;
	v57 =	vmul.f32 v9, v48  }
0x268: {  	v58 =	vld.idx.msk [tilespmem:v45+s30+$0x0], $0xffff;
	v34 =	vand.u32 $0x7F, v63;
	v35 =	vsub.f32 v44, v35;
	v36 =	vmul.f32 v9, v40  }
0x269: {  	v42 =	vld.idx.msk [tilespmem:v49+s26+$0x0], $0xffff;
	v40 =	vor.u32 v2, v34;
	v48 =	vmul.f32 v54, v48;
	v57 =	vadd.f32 v57, v62  }
0x26a: {  	v9 =	vld.idx.msk [tilespmem:v45+s29+$0x0], $0xffff;
	v30 =	vadd.f32 v38, v30;
	v10 =	vmul.f32 v47, v41;
	v59 =	vmul.f32 v60, v50  }
0x26b: {  	v39 =	vld.idx.msk [tilespmem:v49+s28+$0x0], $0xffff;
	v48 =	vsub.f32 v36, v48;
	v11 =	vmul.f32 v57, v43;
	v57 =	vmul.f32 v46, v51  }
0x26c: {  	s15 =	simm.s32 $0x4;
	v45 =	vld.idx.msk [tilespmem:v49+s0+$0x0], $0xffff;
	v36 =	vimm.f32 $0.0e+00;
	v62 =	vmul.f32 v35, v56;
	v51 =	vmul.f32 v60, v51  }
0x26d: {  	v38 =	vld.idx.msk [tilespmem:v49+s29+$0x0], $0xffff;
	v46 =	vmul.f32 v46, v50;
	v60 =	vadd.s32 s15, v0;
	v47 =	vadd.f32 v59, v57  }
0x26e: {  	v43 =	vld.idx.msk [tilespmem:v49+s31+$0x0], $0xffff;
	v48 =	vmul.f32 v48, v61;
	v35 =	vand.u32 $0x7F, v60;
	v61 =	vadd.f32 v11, v36  }
0x26f: {  	v30 =	vadd.f32 v30, v37;
	v49 =	vld.idx.msk [tilespmem:v49+s30+$0x0], $0xffff;
	v50 =	vor.u32 v2, v35;
	v47 =	vmul.f32 v47, v9  }
0x270: {  	v41 =	vld.idx.msk [tilespmem:v40+s26+$0x0], $0xffff;
	v63 =	vsub.f32 v51, v46;
	v52 =	vadd.f32 v61, v48  }
0x271: {  	s15 =	simm.s32 $0x5;
	v30 =	vadd.f32 v10, v30;
	v44 =	vld.idx.msk [tilespmem:v40+s28+$0x0], $0xffff  }
0x272: {  	v37 =	vadd.s32 s15, v0;
	v46 =	vld.idx.msk [tilespmem:v40+s31+$0x0], $0xffff;
	v51 =	vadd.f32 v47, v52;
	v52 =	vmul.f32 v63, v58  }
0x273: {  	s13 =	simm.s32 $0x6;
	v53 =	vand.u32 $0x7F, v37;
	v30 =	vadd.f32 v30, v62;
	v48 =	vld.idx.msk [tilespmem:v40+s0+$0x0], $0xffff;
	v47 =	vmov v50  }
.LBB2_21:
0x274: {  	p0 =	slt.u32 s13, $0x7E;
	v54 =	vld.idx.msk [tilespmem:v50+s29+$0x0], $0xffff;
	v55 =	vmul.f32 v43, v42;
	v56 =	vmul.f32 v45, v39;
	v51 =	vadd.f32 v51, v52  }
0x275: {  	v53 =	vor.u32 v2, v53;
	v52 =	vld.idx.msk [tilespmem:v50+s26+$0x0], $0xffff  }
0x276: {  	v42 =	vmul.f32 v45, v42;
	v43 =	vmul.f32 v43, v39;
	v55 =	vadd.f32 v56, v55;
	v56 =	vld.idx.msk [tilespmem:v40+s29+$0x0], $0xffff  }
0x277: {  	v45 =	vadd.s32 s13, v0;
	v39 =	vld.idx.msk [tilespmem:v50+s28+$0x0], $0xffff;
	v50 =	vmul.f32 v46, v41  }
0x278: {  	v8 =	vsub.f32 v42, v43;
	v57 =	vmul.f32 v48, v44;
	v7 =	vmul.f32 v55, v38;
	v55 =	vld.idx.msk [tilespmem:v40+s30+$0x0], $0xffff  }
0x279: {  	v58 =	vand.u32 $0x7F, v45;
	v48 =	vmul.f32 v48, v41;
	v46 =	vmul.f32 v46, v44;
	v40 =	vmovc v53;
	v43 =	vld.idx.msk [tilespmem:v47+s31+$0x0], $0xffff  }
0x27a: {  	v49 =	vmul.f32 v8, v49;
	v57 =	vadd.f32 v57, v50;
	v45 =	vld.idx.msk [tilespmem:v47+s0+$0x0], $0xffff;
	v51 =	vadd.f32 v7, v51  }
.Ltmp9:
0x27b: {  	v50 =	vor.u32 v2, v58;
	v38 =	vmov v54;
	v42 =	vmov v52;
	v41 =	vld.idx.msk [tilespmem:v53+s26+$0x0], $0xffff;
	(pc) =	sbr.rel @p0 .LBB2_21-.Ltmp9, $4  }
0x27c: {  	v52 =	vsub.f32 v48, v46;
	v44 =	vld.idx.msk [tilespmem:v53+s28+$0x0], $0xffff;
	v49 =	vadd.f32 v51, v49;
	v51 =	vmul.f32 v57, v56  }
0x27d: {  	s15 =	sadd.s32 $0x1, s13;
	v46 =	vld.idx.msk [tilespmem:v53+s31+$0x0], $0xffff  }
0x27e: {  	v53 =	vadd.s32 s15, v0;
	v52 =	vmul.f32 v52, v55;
	v48 =	vld.idx.msk [tilespmem:v40+s0+$0x0], $0xffff;
	v51 =	vadd.f32 v51, v49  }
0x27f: {  	s13 =	sadd.s32 $0x2, s13;
	v53 =	vand.u32 $0x7F, v53;
	v49 =	vld.idx.msk [tilespmem:v47+s30+$0x0], $0xffff;
	v47 =	vmov v50  }
0x280: {  	_ =	sdelay $0x3  }
0x281: {  	v54 =	vld.idx.msk [tilespmem:v50+s29+$0x0], $0xffff  }
0x282: {  	v55 =	vld.idx.msk [tilespmem:v50+s26+$0x0], $0xffff  }
0x283: {  	v56 =	vld.idx.msk [tilespmem:v40+s29+$0x0], $0xffff  }
0x284: {  	v53 =	vor.u32 v2, v53;
	v50 =	vld.idx.msk [tilespmem:v50+s28+$0x0], $0xffff  }
0x285: {  	v40 =	vld.idx.msk [tilespmem:v40+s30+$0x0], $0xffff  }
0x286: {  	v57 =	vld.idx.msk [tilespmem:v47+s31+$0x0], $0xffff  }
0x287: {  	v58 =	vld.idx.msk [tilespmem:v47+s0+$0x0], $0xffff  }
0x288: {  	v47 =	vld.idx.msk [tilespmem:v47+s30+$0x0], $0xffff  }
0x289: {  	v59 =	vld.idx.msk [tilespmem:v53+s26+$0x0], $0xffff  }
0x28a: {  	v31 =	vor.u32 v3, v31;
	v60 =	vld.idx.msk [tilespmem:v53+s28+$0x0], $0xffff  }
0x28b: {  	v61 =	vmul.f32 v43, v42;
	v62 =	vmul.f32 v45, v39;
	v63 =	vld.idx.msk [tilespmem:v53+s31+$0x0], $0xffff  }
0x28c: {  	v7 =	vld.idx.msk [tilespmem:v53+s0+$0x0], $0xffff  }
0x28d: {  	v11 =	vmul.f32 v45, v42;
	v61 =	vadd.f32 v62, v61;
	v62 =	vmul.f32 v43, v39;
	v43 =	vld.idx.msk [tilespmem:v53+s29+$0x0], $0xffff  }
0x28e: {  	v45 =	vadd.f32 v51, v52;
	v9 =	vmul.f32 v46, v41;
	v52 =	vld.idx.msk [tilespmem:v53+s30+$0x0], $0xffff  }
0x28f: {  	v10 =	vmul.f32 v48, v44;
	v38 =	vmul.f32 v61, v38;
	v39 =	vsub.f32 v11, v62;
	v53 =	vld.idx.msk [tilespmem:v31+s29+$0x0], $0xffff  }
0x290: {  	v61 =	vor.u32 v3, v32;
	v11 =	vmul.f32 v48, v41;
	v48 =	vmul.f32 v46, v44;
	v44 =	vld.idx.msk [tilespmem:v31+s26+$0x0], $0xffff  }
0x291: {  	v42 =	vadd.f32 v10, v9;
	v46 =	vld.idx.msk [tilespmem:v31+s31+$0x0], $0xffff;
	v9 =	vmul.f32 v57, v55;
	v10 =	vmul.f32 v58, v50  }
0x292: {  	v41 =	vld.idx.msk [tilespmem:v31+s0+$0x0], $0xffff;
	v38 =	vadd.f32 v38, v45;
	v39 =	vmul.f32 v39, v49  }
0x293: {  	v45 =	vld.idx.msk [tilespmem:v31+s28+$0x0], $0xffff;
	v32 =	vsub.f32 v11, v48;
	v11 =	vadd.f32 v10, v9  }
0x294: {  	v31 =	vld.idx.msk [tilespmem:v31+s30+$0x0], $0xffff;
	v62 =	vmul.f32 v42, v56;
	v9 =	vmul.f32 v57, v50;
	v38 =	vadd.f32 v38, v39  }
0x295: {  	v49 =	vor.u32 v3, v33;
	v32 =	vmul.f32 v32, v40;
	v51 =	vld.idx.msk [tilespmem:v61+s26+$0x0], $0xffff;
	v39 =	vmul.f32 v11, v54  }
0x296: {  	v42 =	vld.idx.msk [tilespmem:v61+s31+$0x0], $0xffff;
	v33 =	vadd.f32 v62, v38;
	v62 =	vmul.f32 v58, v55;
	v10 =	vmul.f32 v63, v59  }
0x297: {  	v38 =	vld.idx.msk [tilespmem:v61+s28+$0x0], $0xffff;
	v11 =	vmul.f32 v7, v60;
	v7 =	vmul.f32 v7, v59  }
0x298: {  	v55 =	vld.idx.msk [tilespmem:v61+s0+$0x0], $0xffff;
	v48 =	vmul.f32 v63, v60;
	v60 =	vmul.f32 v46, v44  }
0x299: {  	v58 =	vld.idx.msk [tilespmem:v61+s30+$0x0], $0xffff;
	v33 =	vadd.f32 v33, v32;
	v40 =	vsub.f32 v62, v9;
	v62 =	vmul.f32 v41, v45  }
0x29a: {  	v32 =	vld.idx.msk [tilespmem:v49+s29+$0x0], $0xffff;
	v63 =	vadd.f32 v11, v10;
	v41 =	vmul.f32 v41, v44;
	v7 =	vsub.f32 v7, v48  }
0x29b: {  	v9 =	vld.idx.msk [tilespmem:v61+s29+$0x0], $0xffff;
	v11 =	vmul.f32 v46, v45;
	v56 =	vadd.f32 v39, v33;
	v10 =	vadd.f32 v62, v60  }
0x29c: {  	v39 =	vld.idx.msk [tilespmem:v49+s26+$0x0], $0xffff;
	v40 =	vmul.f32 v40, v47;
	v33 =	vor.u32 v3, v34;
	v57 =	vmul.f32 v42, v51  }
0x29d: {  	v34 =	vld.idx.msk [tilespmem:v49+s28+$0x0], $0xffff;
	v41 =	vsub.f32 v41, v11;
	v59 =	vmul.f32 v55, v38;
	v53 =	vmul.f32 v10, v53  }
0x29e: {  	v47 =	vand.u32 $0x7F, v37;
	v37 =	vld.idx.msk [tilespmem:v49+s30+$0x0], $0xffff;
	v60 =	vmul.f32 v55, v51;
	v61 =	vmul.f32 v42, v38  }
0x29f: {  	v42 =	vld.idx.msk [tilespmem:v49+s0+$0x0], $0xffff;
	v31 =	vmul.f32 v41, v31;
	v62 =	vadd.f32 v59, v57;
	v53 =	vadd.f32 v53, v36  }
0x2a0: {  	v44 =	vor.u32 v3, v35;
	v43 =	vmul.f32 v63, v43;
	v56 =	vadd.f32 v56, v40;
	v40 =	vld.idx.msk [tilespmem:v49+s31+$0x0], $0xffff  }
0x2a1: {  	v48 =	vsub.f32 v60, v61;
	v36 =	vld.idx.msk [tilespmem:v33+s26+$0x0], $0xffff;
	v46 =	vmul.f32 v62, v9;
	v63 =	vadd.f32 v53, v31  }
0x2a2: {  	v7 =	vmul.f32 v7, v52;
	v43 =	vadd.f32 v43, v56;
	v38 =	vld.idx.msk [tilespmem:v33+s28+$0x0], $0xffff  }
0x2a3: {  	v41 =	vld.idx.msk [tilespmem:v33+s31+$0x0], $0xffff;
	v45 =	vadd.f32 v46, v63;
	v46 =	vmul.f32 v48, v58  }
0x2a4: {  	s13 =	simm.s32 $0x6;
	v35 =	vmov v44;
	v31 =	vadd.f32 v43, v7;
	v43 =	vld.idx.msk [tilespmem:v33+s0+$0x0], $0xffff  }
.LBB2_23:
0x2a5: {  	p0 =	slt.u32 s13, $0x7E;
	v7 =	vld.idx.msk [tilespmem:v44+s29+$0x0], $0xffff;
	v48 =	vmul.f32 v40, v39;
	v49 =	vmul.f32 v42, v34;
	v45 =	vadd.f32 v45, v46  }
0x2a6: {  	v47 =	vor.u32 v3, v47;
	v46 =	vld.idx.msk [tilespmem:v44+s26+$0x0], $0xffff  }
0x2a7: {  	v39 =	vmul.f32 v42, v39;
	v40 =	vmul.f32 v40, v34;
	v48 =	vadd.f32 v49, v48;
	v49 =	vld.idx.msk [tilespmem:v33+s29+$0x0], $0xffff  }
0x2a8: {  	v42 =	vadd.s32 s13, v0;
	v34 =	vld.idx.msk [tilespmem:v44+s28+$0x0], $0xffff;
	v44 =	vmul.f32 v41, v36  }
0x2a9: {  	v9 =	vsub.f32 v39, v40;
	v50 =	vmul.f32 v43, v38;
	v8 =	vmul.f32 v48, v32;
	v48 =	vld.idx.msk [tilespmem:v33+s30+$0x0], $0xffff  }
0x2aa: {  	v51 =	vand.u32 $0x7F, v42;
	v43 =	vmul.f32 v43, v36;
	v41 =	vmul.f32 v41, v38;
	v33 =	vmovc v47;
	v40 =	vld.idx.msk [tilespmem:v35+s31+$0x0], $0xffff  }
0x2ab: {  	v37 =	vmul.f32 v9, v37;
	v50 =	vadd.f32 v50, v44;
	v42 =	vld.idx.msk [tilespmem:v35+s0+$0x0], $0xffff;
	v45 =	vadd.f32 v8, v45  }
.Ltmp10:
0x2ac: {  	v44 =	vor.u32 v3, v51;
	v32 =	vmov v7;
	v39 =	vmov v46;
	v36 =	vld.idx.msk [tilespmem:v47+s26+$0x0], $0xffff;
	(pc) =	sbr.rel @p0 .LBB2_23-.Ltmp10, $4  }
0x2ad: {  	v46 =	vsub.f32 v43, v41;
	v38 =	vld.idx.msk [tilespmem:v47+s28+$0x0], $0xffff;
	v7 =	vadd.f32 v45, v37;
	v37 =	vmul.f32 v50, v49  }
0x2ae: {  	s15 =	sadd.s32 $0x1, s13;
	v41 =	vld.idx.msk [tilespmem:v47+s31+$0x0], $0xffff  }
0x2af: {  	v47 =	vadd.s32 s15, v0;
	v46 =	vmul.f32 v46, v48;
	v43 =	vld.idx.msk [tilespmem:v33+s0+$0x0], $0xffff;
	v45 =	vadd.f32 v37, v7  }
0x2b0: {  	s13 =	sadd.s32 $0x2, s13;
	v47 =	vand.u32 $0x7F, v47;
	v37 =	vld.idx.msk [tilespmem:v35+s30+$0x0], $0xffff;
	v35 =	vmov v44  }
0x2b1: {  	_ =	sdelay $0x3  }
0x2b2: {  	v7 =	vld.idx.msk [tilespmem:v44+s29+$0x0], $0xffff  }
0x2b3: {  	v48 =	vld.idx.msk [tilespmem:v44+s26+$0x0], $0xffff  }
0x2b4: {  	v49 =	vld.idx.msk [tilespmem:v33+s29+$0x0], $0xffff  }
0x2b5: {  	v47 =	vor.u32 v3, v47;
	v44 =	vld.idx.msk [tilespmem:v44+s28+$0x0], $0xffff;
	v58 =	vmul.f32 v40, v39;
	v52 =	vmul.f32 v42, v34  }
0x2b6: {  	v50 =	vld.idx.msk [tilespmem:v33+s30+$0x0], $0xffff  }
0x2b7: {  	v51 =	vld.idx.msk [tilespmem:v35+s31+$0x0], $0xffff;
	v52 =	vadd.f32 v52, v58  }
0x2b8: {  	v53 =	vld.idx.msk [tilespmem:v35+s0+$0x0], $0xffff;
	s13 =	simm.s32 $0x0  }
0x2b9: {  	v55 =	vadd.s32 s13, v0;
	v32 =	vmul.f32 v52, v32;
	v52 =	vld.idx.msk [tilespmem:v35+s30+$0x0], $0xffff  }
0x2ba: {  	v33 =	vand.u32 $0x7F, v55;
	v54 =	vld.idx.msk [tilespmem:v47+s26+$0x0], $0xffff  }
0x2bb: {  	v60 =	vmul.f32 v40, v34;
	v40 =	vor.u32 v4, v33;
	v56 =	vld.idx.msk [tilespmem:v47+s28+$0x0], $0xffff  }
0x2bc: {  	v59 =	vmul.f32 v42, v39;
	s15 =	simm.s32 $0x1;
	v55 =	vld.idx.msk [tilespmem:v47+s31+$0x0], $0xffff  }
0x2bd: {  	v61 =	vadd.f32 v45, v46;
	v10 =	vadd.s32 s15, v0;
	v45 =	vld.idx.msk [tilespmem:v47+s0+$0x0], $0xffff  }
0x2be: {  	v39 =	vsub.f32 v59, v60;
	v63 =	vmul.f32 v43, v38;
	v9 =	vmul.f32 v43, v36;
	v43 =	vld.idx.msk [tilespmem:v47+s29+$0x0], $0xffff  }
0x2bf: {  	v62 =	vmul.f32 v41, v36;
	v11 =	vmul.f32 v41, v38;
	v34 =	vand.u32 $0x7F, v10;
	v57 =	vld.idx.msk [tilespmem:v47+s30+$0x0], $0xffff  }
0x2c0: {  	v46 =	vor.u32 v4, v34;
	v37 =	vmul.f32 v39, v37;
	v32 =	vadd.f32 v32, v61;
	v39 =	vld.idx.msk [tilespmem:v40+s29+$0x0], $0xffff  }
0x2c1: {  	v35 =	vadd.f32 v63, v62;
	v58 =	vmul.f32 v51, v48;
	v59 =	vmul.f32 v53, v44;
	v41 =	vld.idx.msk [tilespmem:v40+s26+$0x0], $0xffff  }
0x2c2: {  	v36 =	vsub.f32 v9, v11;
	v44 =	vmul.f32 v51, v44;
	v32 =	vadd.f32 v32, v37;
	v37 =	vld.idx.msk [tilespmem:v40+s28+$0x0], $0xffff  }
0x2c3: {  	s15 =	simm.s32 $0x2;
	v61 =	vmul.f32 v53, v48;
	v35 =	vmul.f32 v35, v49;
	v38 =	vadd.f32 v59, v58;
	v49 =	vld.idx.msk [tilespmem:v40+s31+$0x0], $0xffff  }
0x2c4: {  	v60 =	vadd.s32 s15, v0;
	v36 =	vmul.f32 v36, v50;
	v47 =	vld.idx.msk [tilespmem:v40+s0+$0x0], $0xffff  }
0x2c5: {  	v50 =	vld.idx.msk [tilespmem:v46+s26+$0x0], $0xffff;
	v63 =	vsub.f32 v61, v44;
	v7 =	vmul.f32 v38, v7;
	v38 =	vimm.f32 $0.0e+00  }
0x2c6: {  	v51 =	vld.idx.msk [tilespmem:v46+s31+$0x0], $0xffff;
	v32 =	vadd.f32 v35, v32;
	v35 =	vand.u32 $0x7F, v60;
	v62 =	vmul.f32 v55, v54  }
0x2c7: {  	s15 =	simm.s32 $0x3;
	v53 =	vld.idx.msk [tilespmem:v46+s0+$0x0], $0xffff;
	v9 =	vmul.f32 v45, v56;
	v45 =	vmul.f32 v45, v54;
	v58 =	vor.u32 v4, v35  }
0x2c8: {  	v48 =	vld.idx.msk [tilespmem:v46+s28+$0x0], $0xffff;
	v11 =	vmul.f32 v63, v52;
	v60 =	vadd.s32 s15, v0;
	v55 =	vmul.f32 v55, v56  }
0x2c9: {  	v54 =	vld.idx.msk [tilespmem:v40+s30+$0x0], $0xffff;
	v32 =	vadd.f32 v32, v36;
	v10 =	vmul.f32 v49, v41;
	v59 =	vmul.f32 v47, v37  }
0x2ca: {  	v61 =	vadd.f32 v9, v62;
	v36 =	vand.u32 $0x7F, v60;
	v37 =	vmul.f32 v49, v37;
	v49 =	vld.idx.msk [tilespmem:v46+s29+$0x0], $0xffff  }
0x2cb: {  	v47 =	vmul.f32 v47, v41;
	v42 =	vor.u32 v4, v36;
	v62 =	vadd.f32 v59, v10;
	v10 =	vld.idx.msk [tilespmem:v46+s30+$0x0], $0xffff  }
0x2cc: {  	s15 =	simm.s32 $0x4;
	v9 =	vmul.f32 v51, v50;
	v50 =	vmul.f32 v53, v50;
	v7 =	vadd.f32 v7, v32;
	v40 =	vld.idx.msk [tilespmem:v58+s29+$0x0], $0xffff  }
0x2cd: {  	v63 =	vmul.f32 v61, v43;
	v61 =	vadd.s32 s15, v0;
	v59 =	vmul.f32 v53, v48;
	v44 =	vld.idx.msk [tilespmem:v58+s26+$0x0], $0xffff  }
0x2ce: {  	v37 =	vsub.f32 v47, v37;
	v7 =	vadd.f32 v7, v11;
	v41 =	vld.idx.msk [tilespmem:v58+s28+$0x0], $0xffff;
	v39 =	vmul.f32 v62, v39  }
0x2cf: {  	v48 =	vmul.f32 v51, v48;
	v11 =	vsub.f32 v45, v55;
	v45 =	vld.idx.msk [tilespmem:v58+s31+$0x0], $0xffff;
	v52 =	vadd.f32 v59, v9  }
0x2d0: {  	v47 =	vld.idx.msk [tilespmem:v58+s0+$0x0], $0xffff;
	v60 =	vmul.f32 v37, v54;
	v37 =	vand.u32 $0x7F, v61;
	v39 =	vadd.f32 v39, v38  }
0x2d1: {  	v43 =	vld.idx.msk [tilespmem:v42+s26+$0x0], $0xffff;
	v7 =	vadd.f32 v63, v7;
	v49 =	vmul.f32 v52, v49;
	v52 =	vor.u32 v4, v37  }
0x2d2: {  	v46 =	vld.idx.msk [tilespmem:v42+s28+$0x0], $0xffff;
	v63 =	vsub.f32 v50, v48;
	v51 =	vadd.f32 v39, v60  }
0x2d3: {  	s15 =	simm.s32 $0x5;
	v62 =	vmul.f32 v11, v57;
	v48 =	vld.idx.msk [tilespmem:v42+s31+$0x0], $0xffff  }
0x2d4: {  	v50 =	vld.idx.msk [tilespmem:v42+s0+$0x0], $0xffff;
	v54 =	vmul.f32 v63, v10;
	v39 =	vadd.s32 s15, v0;
	v53 =	vadd.f32 v49, v51  }
0x2d5: {  	s13 =	simm.s32 $0x6;
	v32 =	vadd.f32 v7, v62;
	v55 =	vand.u32 $0x7F, v39;
	v51 =	vld.idx.msk [tilespmem:v58+s30+$0x0], $0xffff;
	v49 =	vmov v52  }
.LBB2_25:
0x2d6: {  	p0 =	slt.u32 s13, $0x7E;
	v7 =	vld.idx.msk [tilespmem:v52+s29+$0x0], $0xffff;
	v56 =	vmul.f32 v45, v44;
	v57 =	vmul.f32 v47, v41;
	v53 =	vadd.f32 v53, v54  }
0x2d7: {  	v55 =	vor.u32 v4, v55;
	v54 =	vld.idx.msk [tilespmem:v52+s26+$0x0], $0xffff  }
0x2d8: {  	v44 =	vmul.f32 v47, v44;
	v45 =	vmul.f32 v45, v41;
	v56 =	vadd.f32 v57, v56;
	v57 =	vld.idx.msk [tilespmem:v42+s29+$0x0], $0xffff  }
0x2d9: {  	v47 =	vadd.s32 s13, v0;
	v41 =	vld.idx.msk [tilespmem:v52+s28+$0x0], $0xffff;
	v52 =	vmul.f32 v48, v43  }
0x2da: {  	v9 =	vsub.f32 v44, v45;
	v58 =	vmul.f32 v50, v46;
	v8 =	vmul.f32 v56, v40;
	v56 =	vld.idx.msk [tilespmem:v42+s30+$0x0], $0xffff  }
0x2db: {  	v59 =	vand.u32 $0x7F, v47;
	v50 =	vmul.f32 v50, v43;
	v48 =	vmul.f32 v48, v46;
	v42 =	vmovc v55;
	v45 =	vld.idx.msk [tilespmem:v49+s31+$0x0], $0xffff  }
0x2dc: {  	v51 =	vmul.f32 v9, v51;
	v58 =	vadd.f32 v58, v52;
	v47 =	vld.idx.msk [tilespmem:v49+s0+$0x0], $0xffff;
	v53 =	vadd.f32 v8, v53  }
.Ltmp11:
0x2dd: {  	v52 =	vor.u32 v4, v59;
	v40 =	vmov v7;
	v44 =	vmov v54;
	v43 =	vld.idx.msk [tilespmem:v55+s26+$0x0], $0xffff;
	(pc) =	sbr.rel @p0 .LBB2_25-.Ltmp11, $4  }
0x2de: {  	v54 =	vsub.f32 v50, v48;
	v46 =	vld.idx.msk [tilespmem:v55+s28+$0x0], $0xffff;
	v7 =	vadd.f32 v53, v51;
	v51 =	vmul.f32 v58, v57  }
0x2df: {  	s15 =	sadd.s32 $0x1, s13;
	v48 =	vld.idx.msk [tilespmem:v55+s31+$0x0], $0xffff  }
0x2e0: {  	v55 =	vadd.s32 s15, v0;
	v54 =	vmul.f32 v54, v56;
	v50 =	vld.idx.msk [tilespmem:v42+s0+$0x0], $0xffff;
	v53 =	vadd.f32 v51, v7  }
0x2e1: {  	s13 =	sadd.s32 $0x2, s13;
	v55 =	vand.u32 $0x7F, v55;
	v51 =	vld.idx.msk [tilespmem:v49+s30+$0x0], $0xffff;
	v49 =	vmov v52  }
0x2e2: {  	_ =	sdelay $0x3  }
0x2e3: {  	v7 =	vld.idx.msk [tilespmem:v52+s29+$0x0], $0xffff  }
0x2e4: {  	v56 =	vld.idx.msk [tilespmem:v52+s26+$0x0], $0xffff  }
0x2e5: {  	v57 =	vld.idx.msk [tilespmem:v42+s29+$0x0], $0xffff  }
0x2e6: {  	v55 =	vor.u32 v4, v55;
	v52 =	vld.idx.msk [tilespmem:v52+s28+$0x0], $0xffff  }
0x2e7: {  	v42 =	vld.idx.msk [tilespmem:v42+s30+$0x0], $0xffff  }
0x2e8: {  	v58 =	vld.idx.msk [tilespmem:v49+s31+$0x0], $0xffff  }
0x2e9: {  	v59 =	vld.idx.msk [tilespmem:v49+s0+$0x0], $0xffff  }
0x2ea: {  	v49 =	vld.idx.msk [tilespmem:v49+s30+$0x0], $0xffff  }
0x2eb: {  	v60 =	vld.idx.msk [tilespmem:v55+s26+$0x0], $0xffff  }
0x2ec: {  	v62 =	vmul.f32 v45, v44;
	v63 =	vmul.f32 v47, v41;
	v33 =	vor.u32 v14, v33;
	v61 =	vld.idx.msk [tilespmem:v55+s28+$0x0], $0xffff  }
0x2ed: {  	v8 =	vld.idx.msk [tilespmem:v55+s31+$0x0], $0xffff  }
0x2ee: {  	v11 =	vmul.f32 v47, v44;
	v62 =	vadd.f32 v63, v62;
	v9 =	vld.idx.msk [tilespmem:v55+s0+$0x0], $0xffff  }
0x2ef: {  	v47 =	vadd.f32 v53, v54;
	v63 =	vmul.f32 v45, v41;
	v53 =	vmul.f32 v48, v43;
	v45 =	vld.idx.msk [tilespmem:v55+s29+$0x0], $0xffff  }
0x2f0: {  	v10 =	vmul.f32 v50, v46;
	v40 =	vmul.f32 v62, v40;
	v54 =	vld.idx.msk [tilespmem:v55+s30+$0x0], $0xffff  }
0x2f1: {  	v41 =	vsub.f32 v11, v63;
	v11 =	vmul.f32 v50, v43;
	v63 =	vmul.f32 v48, v46;
	v55 =	vld.idx.msk [tilespmem:v33+s29+$0x0], $0xffff  }
0x2f2: {  	v62 =	vor.u32 v14, v34;
	v46 =	vld.idx.msk [tilespmem:v33+s26+$0x0], $0xffff;
	v44 =	vadd.f32 v10, v53;
	v40 =	vadd.f32 v40, v47  }
0x2f3: {  	v48 =	vld.idx.msk [tilespmem:v33+s31+$0x0], $0xffff;
	v41 =	vmul.f32 v41, v51;
	v34 =	vsub.f32 v11, v63;
	v11 =	vmul.f32 v58, v56  }
0x2f4: {  	v43 =	vld.idx.msk [tilespmem:v33+s0+$0x0], $0xffff;
	v10 =	vmul.f32 v44, v57;
	v57 =	vmul.f32 v59, v52  }
0x2f5: {  	v47 =	vld.idx.msk [tilespmem:v33+s28+$0x0], $0xffff;
	v40 =	vadd.f32 v40, v41  }
0x2f6: {  	v51 =	vor.u32 v14, v35;
	v33 =	vld.idx.msk [tilespmem:v33+s30+$0x0], $0xffff;
	v34 =	vmul.f32 v34, v42;
	v63 =	vadd.f32 v57, v11  }
0x2f7: {  	v53 =	vld.idx.msk [tilespmem:v62+s26+$0x0], $0xffff;
	v11 =	vmul.f32 v58, v52;
	v35 =	vadd.f32 v10, v40;
	v10 =	vmul.f32 v59, v56  }
0x2f8: {  	v44 =	vld.idx.msk [tilespmem:v62+s31+$0x0], $0xffff;
	v52 =	vmul.f32 v8, v60;
	v8 =	vmul.f32 v8, v61  }
0x2f9: {  	v40 =	vld.idx.msk [tilespmem:v62+s28+$0x0], $0xffff;
	v7 =	vmul.f32 v63, v7;
	v63 =	vmul.f32 v9, v61  }
0x2fa: {  	v56 =	vld.idx.msk [tilespmem:v62+s0+$0x0], $0xffff;
	v9 =	vmul.f32 v9, v60;
	v61 =	vmul.f32 v48, v47;
	v35 =	vadd.f32 v35, v34  }
0x2fb: {  	v41 =	vld.idx.msk [tilespmem:v51+s26+$0x0], $0xffff;
	v42 =	vsub.f32 v10, v11;
	v10 =	vmul.f32 v48, v46;
	v11 =	vmul.f32 v43, v47  }
0x2fc: {  	v34 =	vld.idx.msk [tilespmem:v51+s29+$0x0], $0xffff;
	v43 =	vmul.f32 v43, v46;
	v60 =	vadd.f32 v63, v52;
	v7 =	vadd.f32 v7, v35  }
0x2fd: {  	v48 =	vld.idx.msk [tilespmem:v62+s30+$0x0], $0xffff;
	v42 =	vmul.f32 v42, v49;
	v35 =	vor.u32 v14, v36;
	v50 =	vadd.f32 v11, v10  }
0x2fe: {  	v52 =	vld.idx.msk [tilespmem:v62+s29+$0x0], $0xffff;
	v63 =	vmul.f32 v44, v53;
	v45 =	vmul.f32 v60, v45  }
0x2ff: {  	v36 =	vld.idx.msk [tilespmem:v51+s28+$0x0], $0xffff;
	v43 =	vsub.f32 v43, v61;
	v58 =	vmul.f32 v56, v40;
	v57 =	vmul.f32 v50, v55  }
0x300: {  	v59 =	vmul.f32 v56, v53;
	v60 =	vmul.f32 v44, v40;
	v44 =	vld.idx.msk [tilespmem:v51+s0+$0x0], $0xffff;
	v7 =	vadd.f32 v7, v42  }
0x301: {  	v42 =	vld.idx.msk [tilespmem:v51+s31+$0x0], $0xffff;
	v33 =	vmul.f32 v43, v33;
	v61 =	vadd.f32 v58, v63;
	v49 =	vadd.f32 v57, v38  }
0x302: {  	v46 =	vor.u32 v14, v37;
	v8 =	vsub.f32 v9, v8;
	v38 =	vld.idx.msk [tilespmem:v35+s26+$0x0], $0xffff  }
0x303: {  	v9 =	vsub.f32 v59, v60;
	v40 =	vld.idx.msk [tilespmem:v35+s28+$0x0], $0xffff;
	v63 =	vmul.f32 v61, v52;
	v62 =	vadd.f32 v49, v33  }
0x304: {  	v8 =	vmul.f32 v8, v54;
	v7 =	vadd.f32 v45, v7;
	v43 =	vld.idx.msk [tilespmem:v35+s31+$0x0], $0xffff  }
0x305: {  	v45 =	vld.idx.msk [tilespmem:v35+s0+$0x0], $0xffff;
	v48 =	vmul.f32 v9, v48;
	v47 =	vadd.f32 v63, v62  }
0x306: {  	s13 =	simm.s32 $0x6;
	v37 =	vmov v46;
	v33 =	vadd.f32 v7, v8;
	v49 =	vand.u32 $0x7F, v39;
	v39 =	vld.idx.msk [tilespmem:v51+s30+$0x0], $0xffff  }
.LBB2_27:
0x307: {  	p0 =	slt.u32 s13, $0x7E;
	v7 =	vld.idx.msk [tilespmem:v46+s29+$0x0], $0xffff;
	v8 =	vmul.f32 v42, v41;
	v9 =	vmul.f32 v44, v36;
	v47 =	vadd.f32 v47, v48  }
0x308: {  	v49 =	vor.u32 v14, v49;
	v48 =	vld.idx.msk [tilespmem:v46+s26+$0x0], $0xffff  }
0x309: {  	v8 =	vadd.f32 v9, v8;
	v9 =	vmul.f32 v44, v41;
	v41 =	vmul.f32 v42, v36;
	v50 =	vld.idx.msk [tilespmem:v35+s29+$0x0], $0xffff  }
0x30a: {  	v42 =	vadd.s32 s13, v0;
	v36 =	vld.idx.msk [tilespmem:v46+s28+$0x0], $0xffff;
	v46 =	vmul.f32 v43, v38  }
0x30b: {  	v10 =	vmul.f32 v45, v40;
	v8 =	vmul.f32 v8, v34;
	v9 =	vsub.f32 v9, v41;
	v51 =	vld.idx.msk [tilespmem:v35+s30+$0x0], $0xffff  }
0x30c: {  	v11 =	vand.u32 $0x7F, v42;
	v45 =	vmul.f32 v45, v38;
	v43 =	vmul.f32 v43, v40;
	v35 =	vmovc v49;
	v42 =	vld.idx.msk [tilespmem:v37+s31+$0x0], $0xffff  }
0x30d: {  	v44 =	vld.idx.msk [tilespmem:v37+s0+$0x0], $0xffff;
	v8 =	vadd.f32 v8, v47;
	v9 =	vmul.f32 v9, v39;
	v39 =	vadd.f32 v10, v46  }
.Ltmp12:
0x30e: {  	v34 =	vmov v7;
	v46 =	vor.u32 v14, v11;
	v41 =	vmov v48;
	v38 =	vld.idx.msk [tilespmem:v49+s26+$0x0], $0xffff;
	(pc) =	sbr.rel @p0 .LBB2_27-.Ltmp12, $4  }
0x30f: {  	v40 =	vld.idx.msk [tilespmem:v49+s28+$0x0], $0xffff;
	v7 =	vadd.f32 v8, v9;
	v8 =	vmul.f32 v39, v50;
	v9 =	vsub.f32 v45, v43  }
0x310: {  	s15 =	sadd.s32 $0x1, s13;
	v43 =	vld.idx.msk [tilespmem:v49+s31+$0x0], $0xffff  }
0x311: {  	v39 =	vadd.s32 s15, v0;
	v45 =	vld.idx.msk [tilespmem:v49+s0+$0x0], $0xffff;
	v47 =	vadd.f32 v8, v7;
	v48 =	vmul.f32 v9, v51  }
0x312: {  	s13 =	sadd.s32 $0x2, s13;
	v49 =	vand.u32 $0x7F, v39;
	v39 =	vld.idx.msk [tilespmem:v37+s30+$0x0], $0xffff;
	v37 =	vmov v46  }
0x313: {  	_ =	sdelay $0x3  }
0x314: {  	v7 =	vld.idx.msk [tilespmem:v46+s29+$0x0], $0xffff  }
0x315: {  	v8 =	vld.idx.msk [tilespmem:v46+s26+$0x0], $0xffff  }
0x316: {  	v9 =	vor.u32 v14, v49;
	v49 =	vld.idx.msk [tilespmem:v35+s29+$0x0], $0xffff  }
0x317: {  	v46 =	vld.idx.msk [tilespmem:v46+s28+$0x0], $0xffff;
	v10 =	vmul.f32 v42, v41;
	v52 =	vmul.f32 v44, v36  }
0x318: {  	v50 =	vld.idx.msk [tilespmem:v35+s30+$0x0], $0xffff  }
0x319: {  	v51 =	vld.idx.msk [tilespmem:v37+s31+$0x0], $0xffff;
	v52 =	vadd.f32 v52, v10  }
0x31a: {  	v53 =	vld.idx.msk [tilespmem:v37+s0+$0x0], $0xffff;
	s13 =	simm.s32 $0x0  }
0x31b: {  	v55 =	vadd.s32 s13, v0;
	v34 =	vmul.f32 v52, v34;
	v52 =	vld.idx.msk [tilespmem:v37+s30+$0x0], $0xffff  }
0x31c: {  	v35 =	vand.u32 $0x7F, v55;
	v54 =	vld.idx.msk [tilespmem:v9+s26+$0x0], $0xffff  }
0x31d: {  	v11 =	vmul.f32 v44, v41;
	v57 =	vmul.f32 v42, v36;
	s15 =	simm.s32 $0x1;
	v42 =	vor.u32 v17, v35;
	v56 =	vld.idx.msk [tilespmem:v9+s28+$0x0], $0xffff  }
0x31e: {  	v58 =	vadd.f32 v47, v48;
	v62 =	vadd.s32 s15, v0;
	v59 =	vmul.f32 v43, v38;
	v55 =	vld.idx.msk [tilespmem:v9+s31+$0x0], $0xffff  }
0x31f: {  	v41 =	vsub.f32 v11, v57;
	v36 =	vand.u32 $0x7F, v62;
	v60 =	vmul.f32 v45, v40;
	v47 =	vld.idx.msk [tilespmem:v9+s0+$0x0], $0xffff  }
0x320: {  	v63 =	vmul.f32 v43, v40;
	v61 =	vmul.f32 v45, v38;
	v48 =	vor.u32 v17, v36;
	v45 =	vld.idx.msk [tilespmem:v9+s29+$0x0], $0xffff  }
0x321: {  	v39 =	vmul.f32 v41, v39;
	v9 =	vld.idx.msk [tilespmem:v9+s30+$0x0], $0xffff;
	v37 =	vadd.f32 v60, v59;
	v34 =	vadd.f32 v34, v58  }
0x322: {  	v38 =	vsub.f32 v61, v63;
	v10 =	vmul.f32 v51, v8;
	v11 =	vmul.f32 v53, v46;
	v43 =	vld.idx.msk [tilespmem:v42+s26+$0x0], $0xffff  }
0x323: {  	v8 =	vmul.f32 v53, v8;
	v61 =	vmul.f32 v51, v46;
	v34 =	vadd.f32 v34, v39;
	v39 =	vld.idx.msk [tilespmem:v42+s28+$0x0], $0xffff  }
0x324: {  	v57 =	vld.idx.msk [tilespmem:v42+s31+$0x0], $0xffff  }
0x325: {  	s15 =	simm.s32 $0x2;
	v37 =	vmul.f32 v37, v49;
	v40 =	vadd.f32 v11, v10;
	v8 =	vsub.f32 v8, v61;
	v49 =	vld.idx.msk [tilespmem:v42+s0+$0x0], $0xffff  }
0x326: {  	v60 =	vadd.s32 s15, v0;
	v38 =	vmul.f32 v38, v50;
	v50 =	vld.idx.msk [tilespmem:v48+s26+$0x0], $0xffff  }
0x327: {  	v53 =	vld.idx.msk [tilespmem:v48+s31+$0x0], $0xffff;
	v7 =	vmul.f32 v40, v7;
	v8 =	vmul.f32 v8, v52;
	v34 =	vadd.f32 v37, v34  }
0x328: {  	v41 =	vld.idx.msk [tilespmem:v42+s29+$0x0], $0xffff;
	v37 =	vand.u32 $0x7F, v60;
	v62 =	vmul.f32 v47, v56;
	v47 =	vmul.f32 v47, v54  }
0x329: {  	v51 =	vld.idx.msk [tilespmem:v48+s28+$0x0], $0xffff;
	v58 =	vor.u32 v17, v37;
	v34 =	vadd.f32 v34, v38;
	v38 =	vmul.f32 v55, v54  }
0x32a: {  	s15 =	simm.s32 $0x3;
	v59 =	vld.idx.msk [tilespmem:v42+s30+$0x0], $0xffff;
	v55 =	vmul.f32 v55, v56;
	v63 =	vmul.f32 v57, v43  }
0x32b: {  	v61 =	vadd.s32 s15, v0;
	v54 =	vld.idx.msk [tilespmem:v48+s0+$0x0], $0xffff;
	v60 =	vmul.f32 v49, v39;
	v49 =	vmul.f32 v49, v43  }
0x32c: {  	v56 =	vld.idx.msk [tilespmem:v48+s30+$0x0], $0xffff;
	v39 =	vmul.f32 v57, v39;
	v10 =	vmul.f32 v53, v50;
	v7 =	vadd.f32 v7, v34  }
0x32d: {  	v40 =	vadd.f32 v62, v38;
	v38 =	vand.u32 $0x7F, v61;
	v62 =	vadd.f32 v60, v63;
	v63 =	vld.idx.msk [tilespmem:v48+s29+$0x0], $0xffff  }
0x32e: {  	v11 =	vsub.f32 v47, v55;
	v44 =	vor.u32 v17, v38;
	v39 =	vsub.f32 v49, v39;
	v42 =	vld.idx.msk [tilespmem:v58+s29+$0x0], $0xffff  }
0x32f: {  	s15 =	simm.s32 $0x4;
	v46 =	vld.idx.msk [tilespmem:v58+s26+$0x0], $0xffff;
	v7 =	vadd.f32 v7, v8;
	v8 =	vmul.f32 v40, v45;
	v34 =	vmul.f32 v62, v41  }
0x330: {  	v61 =	vadd.s32 s15, v0;
	v43 =	vld.idx.msk [tilespmem:v58+s28+$0x0], $0xffff;
	v57 =	vmul.f32 v54, v51;
	v50 =	vmul.f32 v54, v50  }
0x331: {  	v47 =	vld.idx.msk [tilespmem:v58+s31+$0x0], $0xffff;
	v40 =	vimm.f32 $0.0e+00;
	v51 =	vmul.f32 v53, v51;
	v60 =	vmul.f32 v39, v59  }
0x332: {  	v49 =	vld.idx.msk [tilespmem:v58+s0+$0x0], $0xffff;
	v39 =	vand.u32 $0x7F, v61;
	v34 =	vadd.f32 v34, v40;
	v41 =	vadd.f32 v57, v10  }
0x333: {  	v53 =	vld.idx.msk [tilespmem:v58+s30+$0x0], $0xffff;
	v54 =	vor.u32 v17, v39;
	v51 =	vsub.f32 v50, v51  }
0x334: {  	v45 =	vld.idx.msk [tilespmem:v44+s26+$0x0], $0xffff;
	v62 =	vadd.f32 v34, v60;
	v63 =	vmul.f32 v41, v63  }
0x335: {  	s15 =	simm.s32 $0x5;
	v7 =	vadd.f32 v8, v7;
	v8 =	vmul.f32 v11, v9;
	v48 =	vld.idx.msk [tilespmem:v44+s28+$0x0], $0xffff  }
0x336: {  	v50 =	vld.idx.msk [tilespmem:v44+s31+$0x0], $0xffff;
	v41 =	vadd.s32 s15, v0;
	v56 =	vmul.f32 v51, v56;
	v55 =	vadd.f32 v63, v62  }
0x337: {  	s13 =	simm.s32 $0x6;
	v52 =	vld.idx.msk [tilespmem:v44+s0+$0x0], $0xffff;
	v34 =	vadd.f32 v7, v8;
	v57 =	vand.u32 $0x7F, v41;
	v51 =	vmov v54  }
.LBB2_29:
0x338: {  	p0 =	slt.u32 s13, $0x7E;
	v7 =	vld.idx.msk [tilespmem:v54+s29+$0x0], $0xffff;
	v8 =	vmul.f32 v47, v46;
	v9 =	vmul.f32 v49, v43;
	v55 =	vadd.f32 v55, v56  }
0x339: {  	v57 =	vor.u32 v17, v57;
	v56 =	vld.idx.msk [tilespmem:v54+s26+$0x0], $0xffff  }
0x33a: {  	v8 =	vadd.f32 v9, v8;
	v9 =	vmul.f32 v49, v46;
	v46 =	vmul.f32 v47, v43;
	v58 =	vld.idx.msk [tilespmem:v44+s29+$0x0], $0xffff  }
0x33b: {  	v47 =	vadd.s32 s13, v0;
	v43 =	vld.idx.msk [tilespmem:v54+s28+$0x0], $0xffff;
	v54 =	vmul.f32 v50, v45  }
0x33c: {  	v10 =	vmul.f32 v52, v48;
	v8 =	vmul.f32 v8, v42;
	v9 =	vsub.f32 v9, v46;
	v59 =	vld.idx.msk [tilespmem:v44+s30+$0x0], $0xffff  }
0x33d: {  	v11 =	vand.u32 $0x7F, v47;
	v52 =	vmul.f32 v52, v45;
	v50 =	vmul.f32 v50, v48;
	v44 =	vmovc v57;
	v47 =	vld.idx.msk [tilespmem:v51+s31+$0x0], $0xffff  }
0x33e: {  	v49 =	vld.idx.msk [tilespmem:v51+s0+$0x0], $0xffff;
	v8 =	vadd.f32 v8, v55;
	v9 =	vmul.f32 v9, v53;
	v53 =	vadd.f32 v10, v54  }
.Ltmp13:
0x33f: {  	v42 =	vmov v7;
	v54 =	vor.u32 v17, v11;
	v46 =	vmov v56;
	v45 =	vld.idx.msk [tilespmem:v57+s26+$0x0], $0xffff;
	(pc) =	sbr.rel @p0 .LBB2_29-.Ltmp13, $4  }
0x340: {  	v48 =	vld.idx.msk [tilespmem:v57+s28+$0x0], $0xffff;
	v7 =	vadd.f32 v8, v9;
	v8 =	vmul.f32 v53, v58;
	v9 =	vsub.f32 v52, v50  }
0x341: {  	s15 =	sadd.s32 $0x1, s13;
	v50 =	vld.idx.msk [tilespmem:v57+s31+$0x0], $0xffff  }
0x342: {  	v53 =	vadd.s32 s15, v0;
	v52 =	vld.idx.msk [tilespmem:v57+s0+$0x0], $0xffff;
	v55 =	vadd.f32 v8, v7;
	v56 =	vmul.f32 v9, v59  }
0x343: {  	s13 =	sadd.s32 $0x2, s13;
	v57 =	vand.u32 $0x7F, v53;
	v53 =	vld.idx.msk [tilespmem:v51+s30+$0x0], $0xffff;
	v51 =	vmov v54  }
0x344: {  	_ =	sdelay $0x3  }
0x345: {  	v7 =	vld.idx.msk [tilespmem:v54+s29+$0x0], $0xffff  }
0x346: {  	v8 =	vld.idx.msk [tilespmem:v54+s26+$0x0], $0xffff  }
0x347: {  	v9 =	vor.u32 v17, v57;
	v57 =	vld.idx.msk [tilespmem:v44+s29+$0x0], $0xffff  }
0x348: {  	v54 =	vld.idx.msk [tilespmem:v54+s28+$0x0], $0xffff  }
0x349: {  	v44 =	vld.idx.msk [tilespmem:v44+s30+$0x0], $0xffff  }
0x34a: {  	v58 =	vld.idx.msk [tilespmem:v51+s31+$0x0], $0xffff  }
0x34b: {  	v59 =	vld.idx.msk [tilespmem:v51+s0+$0x0], $0xffff  }
0x34c: {  	v51 =	vld.idx.msk [tilespmem:v51+s30+$0x0], $0xffff  }
0x34d: {  	v60 =	vld.idx.msk [tilespmem:v9+s26+$0x0], $0xffff  }
0x34e: {  	v35 =	vor.u32 v21, v35;
	v61 =	vld.idx.msk [tilespmem:v9+s28+$0x0], $0xffff  }
0x34f: {  	v62 =	vmul.f32 v47, v46;
	v63 =	vmul.f32 v49, v43;
	v10 =	vld.idx.msk [tilespmem:v9+s31+$0x0], $0xffff  }
0x350: {  	v11 =	vld.idx.msk [tilespmem:v9+s0+$0x0], $0xffff  }
0x351: {  	v46 =	vmul.f32 v49, v46;
	v62 =	vadd.f32 v63, v62;
	v63 =	vmul.f32 v47, v43;
	v47 =	vld.idx.msk [tilespmem:v9+s29+$0x0], $0xffff  }
0x352: {  	v49 =	vadd.f32 v55, v56;
	v55 =	vmul.f32 v50, v45;
	v9 =	vld.idx.msk [tilespmem:v9+s30+$0x0], $0xffff  }
0x353: {  	v42 =	vmul.f32 v62, v42;
	v43 =	vsub.f32 v46, v63;
	v46 =	vmul.f32 v52, v48;
	v56 =	vld.idx.msk [tilespmem:v35+s29+$0x0], $0xffff  }
0x354: {  	v62 =	vor.u32 v21, v36;
	v63 =	vmul.f32 v52, v45;
	v52 =	vmul.f32 v50, v48;
	v48 =	vld.idx.msk [tilespmem:v35+s26+$0x0], $0xffff  }
0x355: {  	v50 =	vld.idx.msk [tilespmem:v35+s31+$0x0], $0xffff  }
0x356: {  	v45 =	vld.idx.msk [tilespmem:v35+s0+$0x0], $0xffff;
	v42 =	vadd.f32 v42, v49;
	v43 =	vmul.f32 v43, v53;
	v46 =	vadd.f32 v46, v55  }
0x357: {  	v49 =	vld.idx.msk [tilespmem:v35+s28+$0x0], $0xffff;
	v36 =	vsub.f32 v63, v52;
	v63 =	vmul.f32 v59, v54;
	v53 =	vor.u32 v21, v37  }
0x358: {  	v35 =	vld.idx.msk [tilespmem:v35+s30+$0x0], $0xffff;
	v42 =	vadd.f32 v42, v43;
	v57 =	vmul.f32 v46, v57;
	v46 =	vmul.f32 v58, v8  }
0x359: {  	v36 =	vmul.f32 v36, v44;
	v8 =	vmul.f32 v59, v8;
	v55 =	vld.idx.msk [tilespmem:v62+s26+$0x0], $0xffff  }
0x35a: {  	v59 =	vmul.f32 v58, v54;
	v52 =	vld.idx.msk [tilespmem:v62+s0+$0x0], $0xffff;
	v37 =	vadd.f32 v57, v42;
	v44 =	vmul.f32 v10, v60  }
0x35b: {  	v63 =	vadd.f32 v63, v46;
	v46 =	vld.idx.msk [tilespmem:v62+s31+$0x0], $0xffff;
	v10 =	vmul.f32 v10, v61;
	v58 =	vmul.f32 v50, v48  }
0x35c: {  	v57 =	vld.idx.msk [tilespmem:v62+s28+$0x0], $0xffff;
	v8 =	vsub.f32 v8, v59;
	v59 =	vmul.f32 v45, v49;
	v45 =	vmul.f32 v45, v48  }
0x35d: {  	v43 =	vld.idx.msk [tilespmem:v53+s26+$0x0], $0xffff;
	v37 =	vadd.f32 v37, v36;
	v7 =	vmul.f32 v63, v7;
	v63 =	vmul.f32 v11, v61  }
0x35e: {  	v42 =	vor.u32 v21, v38;
	v11 =	vmul.f32 v11, v60;
	v36 =	vld.idx.msk [tilespmem:v53+s29+$0x0], $0xffff;
	v8 =	vmul.f32 v8, v51  }
0x35f: {  	v51 =	vld.idx.msk [tilespmem:v62+s29+$0x0], $0xffff;
	v61 =	vmul.f32 v50, v49;
	v60 =	vadd.f32 v59, v58;
	v7 =	vadd.f32 v7, v37  }
0x360: {  	v50 =	vld.idx.msk [tilespmem:v62+s30+$0x0], $0xffff;
	v44 =	vadd.f32 v63, v44;
	v58 =	vmul.f32 v52, v55;
	v63 =	vmul.f32 v46, v55  }
0x361: {  	v37 =	vld.idx.msk [tilespmem:v53+s28+$0x0], $0xffff;
	v45 =	vsub.f32 v45, v61;
	v38 =	vmul.f32 v60, v56;
	v56 =	vmul.f32 v52, v57  }
0x362: {  	v59 =	vmul.f32 v46, v57;
	v46 =	vld.idx.msk [tilespmem:v53+s0+$0x0], $0xffff;
	v7 =	vadd.f32 v7, v8;
	v8 =	vmul.f32 v44, v47  }
0x363: {  	v44 =	vld.idx.msk [tilespmem:v53+s31+$0x0], $0xffff;
	v35 =	vmul.f32 v45, v35;
	v60 =	vadd.f32 v38, v40;
	v61 =	vadd.f32 v56, v63  }
0x364: {  	v48 =	vor.u32 v21, v39;
	v10 =	vsub.f32 v11, v10;
	v45 =	vld.idx.msk [tilespmem:v42+s31+$0x0], $0xffff  }
0x365: {  	v47 =	vld.idx.msk [tilespmem:v42+s0+$0x0], $0xffff;
	v11 =	vsub.f32 v58, v59;
	v62 =	vadd.f32 v60, v35;
	v63 =	vmul.f32 v61, v51  }
0x366: {  	v38 =	vld.idx.msk [tilespmem:v42+s26+$0x0], $0xffff;
	v7 =	vadd.f32 v8, v7;
	v8 =	vmul.f32 v10, v9  }
0x367: {  	v40 =	vld.idx.msk [tilespmem:v42+s28+$0x0], $0xffff;
	v50 =	vmul.f32 v11, v50;
	v49 =	vadd.f32 v63, v62  }
0x368: {  	s13 =	simm.s32 $0x6;
	v39 =	vmov v48;
	v51 =	vand.u32 $0x7F, v41;
	v41 =	vld.idx.msk [tilespmem:v53+s30+$0x0], $0xffff;
	v35 =	vadd.f32 v7, v8  }
.LBB2_31:
0x369: {  	p0 =	slt.u32 s13, $0x7E;
	v7 =	vld.idx.msk [tilespmem:v48+s29+$0x0], $0xffff;
	v8 =	vmul.f32 v44, v43;
	v9 =	vmul.f32 v46, v37;
	v10 =	vadd.f32 v49, v50  }
0x36a: {  	v49 =	vor.u32 v21, v51;
	v11 =	vld.idx.msk [tilespmem:v48+s26+$0x0], $0xffff  }
0x36b: {  	v8 =	vadd.f32 v9, v8;
	v9 =	vmul.f32 v46, v43;
	v43 =	vmul.f32 v44, v37;
	v50 =	vld.idx.msk [tilespmem:v42+s29+$0x0], $0xffff  }
0x36c: {  	v44 =	vadd.s32 s13, v0;
	v37 =	vld.idx.msk [tilespmem:v48+s28+$0x0], $0xffff;
	v48 =	vmul.f32 v45, v38  }
0x36d: {  	v12 =	vmul.f32 v47, v40;
	v8 =	vmul.f32 v8, v36;
	v9 =	vsub.f32 v9, v43;
	v51 =	vld.idx.msk [tilespmem:v42+s30+$0x0], $0xffff  }
0x36e: {  	v52 =	vand.u32 $0x7F, v44;
	v47 =	vmul.f32 v47, v38;
	v45 =	vmul.f32 v45, v40;
	v42 =	vmovc v49;
	v44 =	vld.idx.msk [tilespmem:v39+s31+$0x0], $0xffff  }
0x36f: {  	v46 =	vld.idx.msk [tilespmem:v39+s0+$0x0], $0xffff;
	v8 =	vadd.f32 v8, v10;
	v9 =	vmul.f32 v9, v41;
	v10 =	vadd.f32 v12, v48  }
.Ltmp14:
0x370: {  	v36 =	vmov v7;
	v48 =	vor.u32 v21, v52;
	v43 =	vmov v11;
	v38 =	vld.idx.msk [tilespmem:v49+s26+$0x0], $0xffff;
	(pc) =	sbr.rel @p0 .LBB2_31-.Ltmp14, $4  }
0x371: {  	v40 =	vld.idx.msk [tilespmem:v49+s28+$0x0], $0xffff;
	v7 =	vadd.f32 v8, v9;
	v8 =	vmul.f32 v10, v50;
	v9 =	vsub.f32 v47, v45  }
0x372: {  	s15 =	sadd.s32 $0x1, s13;
	v45 =	vld.idx.msk [tilespmem:v49+s31+$0x0], $0xffff  }
0x373: {  	v10 =	vadd.s32 s15, v0;
	v47 =	vld.idx.msk [tilespmem:v49+s0+$0x0], $0xffff;
	v49 =	vadd.f32 v8, v7;
	v50 =	vmul.f32 v9, v51  }
0x374: {  	s13 =	sadd.s32 $0x2, s13;
	v51 =	vand.u32 $0x7F, v10;
	v41 =	vld.idx.msk [tilespmem:v39+s30+$0x0], $0xffff;
	v39 =	vmov v48  }
0x375: {  	_ =	sdelay $0x3  }
0x376: {  	v7 =	vld.idx.msk [tilespmem:v48+s29+$0x0], $0xffff  }
0x377: {  	v8 =	vld.idx.msk [tilespmem:v48+s26+$0x0], $0xffff  }
0x378: {  	v10 =	vld.idx.msk [tilespmem:v42+s29+$0x0], $0xffff  }
0x379: {  	v9 =	vor.u32 v21, v51;
	v11 =	vld.idx.msk [tilespmem:v48+s28+$0x0], $0xffff  }
0x37a: {  	v42 =	vld.idx.msk [tilespmem:v42+s30+$0x0], $0xffff  }
0x37b: {  	v48 =	vld.idx.msk [tilespmem:v39+s31+$0x0], $0xffff  }
0x37c: {  	v51 =	vld.idx.msk [tilespmem:v39+s0+$0x0], $0xffff;
	s13 =	simm.s32 $0x0  }
0x37d: {  	v39 =	vld.idx.msk [tilespmem:v39+s30+$0x0], $0xffff;
	v53 =	vadd.s32 s13, v0  }
0x37e: {  	v54 =	vmul.f32 v44, v43;
	v55 =	vmul.f32 v46, v37;
	v53 =	vand.u32 $0x7F, v53;
	v52 =	vld.idx.msk [tilespmem:v9+s26+$0x0], $0xffff  }
0x37f: {  	v58 =	vmul.f32 v44, v37;
	s15 =	simm.s32 $0x1;
	v53 =	vor.u32 v24, v53;
	v56 =	vld.idx.msk [tilespmem:v9+s28+$0x0], $0xffff  }
0x380: {  	v60 =	vadd.s32 s15, v0;
	v54 =	vadd.f32 v55, v54;
	v55 =	vmul.f32 v46, v43;
	v57 =	vld.idx.msk [tilespmem:v9+s31+$0x0], $0xffff  }
0x381: {  	v59 =	vadd.f32 v49, v50;
	v61 =	vmul.f32 v45, v38;
	v49 =	vand.u32 $0x7F, v60;
	v44 =	vld.idx.msk [tilespmem:v9+s0+$0x0], $0xffff  }
0x382: {  	v62 =	vmul.f32 v47, v40;
	v36 =	vmul.f32 v54, v36;
	v37 =	vsub.f32 v55, v58;
	v43 =	vld.idx.msk [tilespmem:v9+s29+$0x0], $0xffff  }
0x383: {  	v46 =	vor.u32 v24, v49;
	v63 =	vmul.f32 v47, v38;
	v49 =	vmul.f32 v45, v40;
	v9 =	vld.idx.msk [tilespmem:v9+s30+$0x0], $0xffff  }
0x384: {  	s15 =	simm.s32 $0x2;
	v36 =	vadd.f32 v36, v59;
	v37 =	vmul.f32 v37, v41;
	v41 =	vld.idx.msk [tilespmem:v53+s29+$0x0], $0xffff  }
0x385: {  	v58 =	vadd.s32 s15, v0;
	v55 =	vadd.f32 v62, v61;
	v38 =	vsub.f32 v63, v49;
	v47 =	vld.idx.msk [tilespmem:v53+s26+$0x0], $0xffff  }
0x386: {  	v60 =	vmul.f32 v51, v11;
	v59 =	vmul.f32 v48, v8;
	v36 =	vadd.f32 v36, v37;
	v37 =	vld.idx.msk [tilespmem:v53+s28+$0x0], $0xffff  }
0x387: {  	v40 =	vand.u32 $0x7F, v58;
	v11 =	vmul.f32 v48, v11;
	v8 =	vmul.f32 v51, v8;
	v45 =	vld.idx.msk [tilespmem:v53+s31+$0x0], $0xffff  }
0x388: {  	v40 =	vor.u32 v24, v40;
	v10 =	vmul.f32 v55, v10;
	v54 =	vld.idx.msk [tilespmem:v53+s0+$0x0], $0xffff;
	v62 =	vadd.f32 v60, v59  }
0x389: {  	v61 =	vmul.f32 v38, v42;
	v42 =	vld.idx.msk [tilespmem:v46+s26+$0x0], $0xffff;
	v8 =	vsub.f32 v8, v11;
	v63 =	vmul.f32 v57, v52  }
0x38a: {  	v48 =	vld.idx.msk [tilespmem:v46+s28+$0x0], $0xffff;
	v10 =	vadd.f32 v10, v36;
	v58 =	vmul.f32 v44, v56;
	v7 =	vmul.f32 v62, v7  }
0x38b: {  	s15 =	simm.s32 $0x3;
	v51 =	vld.idx.msk [tilespmem:v46+s31+$0x0], $0xffff;
	v52 =	vmul.f32 v44, v52;
	v55 =	vmul.f32 v57, v56  }
0x38c: {  	v11 =	vld.idx.msk [tilespmem:v46+s0+$0x0], $0xffff;
	v62 =	vadd.s32 s15, v0;
	v8 =	vmul.f32 v8, v39;
	v10 =	vadd.f32 v10, v61  }
0x38d: {  	v49 =	vld.idx.msk [tilespmem:v53+s30+$0x0], $0xffff;
	v57 =	vimm.f32 $0.0e+00;
	v59 =	vadd.f32 v58, v63;
	v61 =	vand.u32 $0x7F, v62  }
0x38e: {  	v50 =	vld.idx.msk [tilespmem:v46+s29+$0x0], $0xffff;
	s15 =	simm.s32 $0x4;
	v63 =	vmul.f32 v45, v47;
	v60 =	vmul.f32 v54, v37;
	v7 =	vadd.f32 v7, v10  }
0x38f: {  	v38 =	vld.idx.msk [tilespmem:v40+s29+$0x0], $0xffff;
	v36 =	vor.u32 v24, v61;
	v37 =	vmul.f32 v45, v37;
	v61 =	vadd.s32 s15, v0  }
0x390: {  	v44 =	vld.idx.msk [tilespmem:v40+s26+$0x0], $0xffff;
	v62 =	vadd.f32 v60, v63;
	v7 =	vadd.f32 v7, v8;
	v8 =	vmul.f32 v54, v47  }
0x391: {  	v39 =	vld.idx.msk [tilespmem:v40+s28+$0x0], $0xffff;
	v56 =	vmul.f32 v59, v43;
	v59 =	vmul.f32 v51, v42;
	v63 =	vsub.f32 v52, v55  }
0x392: {  	v58 =	vld.idx.msk [tilespmem:v46+s30+$0x0], $0xffff;
	v60 =	vmul.f32 v11, v48;
	v10 =	vmul.f32 v62, v41;
	v8 =	vsub.f32 v8, v37  }
0x393: {  	v46 =	vld.idx.msk [tilespmem:v40+s0+$0x0], $0xffff;
	v11 =	vmul.f32 v11, v42;
	v48 =	vmul.f32 v51, v48;
	v62 =	vand.u32 $0x7F, v61  }
0x394: {  	v43 =	vld.idx.msk [tilespmem:v40+s31+$0x0], $0xffff;
	v37 =	vadd.f32 v60, v59;
	v10 =	vadd.f32 v10, v57;
	v8 =	vmul.f32 v8, v49  }
0x395: {  	v47 =	vld.idx.msk [tilespmem:v40+s30+$0x0], $0xffff;
	v9 =	vmul.f32 v63, v9;
	v11 =	vsub.f32 v11, v48;
	v49 =	vor.u32 v24, v62  }
0x396: {  	v41 =	vld.idx.msk [tilespmem:v36+s26+$0x0], $0xffff;
	v7 =	vadd.f32 v56, v7;
	v63 =	vmul.f32 v37, v50;
	v8 =	vadd.f32 v10, v8  }
0x397: {  	s15 =	simm.s32 $0x5;
	v42 =	vld.idx.msk [tilespmem:v36+s28+$0x0], $0xffff;
	v52 =	vmul.f32 v11, v58  }
0x398: {  	v45 =	vld.idx.msk [tilespmem:v36+s31+$0x0], $0xffff;
	v37 =	vadd.f32 v7, v9;
	v7 =	vadd.s32 s15, v0;
	v51 =	vadd.f32 v63, v8  }
0x399: {  	s13 =	simm.s32 $0x6;
	v48 =	vld.idx.msk [tilespmem:v36+s0+$0x0], $0xffff;
	v50 =	vand.u32 $0x7F, v7;
	v40 =	vmov v49  }
.LBB2_33:
0x39a: {  	p0 =	slt.u32 s13, $0x7E;
	v7 =	vld.idx.msk [tilespmem:v49+s29+$0x0], $0xffff;
	v8 =	vmul.f32 v43, v44;
	v9 =	vmul.f32 v46, v39;
	v10 =	vadd.f32 v51, v52  }
0x39b: {  	v50 =	vor.u32 v24, v50;
	v11 =	vld.idx.msk [tilespmem:v49+s26+$0x0], $0xffff  }
0x39c: {  	v43 =	vmul.f32 v43, v39;
	v8 =	vadd.f32 v9, v8;
	v9 =	vmul.f32 v46, v44;
	v51 =	vld.idx.msk [tilespmem:v36+s29+$0x0], $0xffff  }
0x39d: {  	v44 =	vadd.s32 s13, v0;
	v39 =	vld.idx.msk [tilespmem:v49+s28+$0x0], $0xffff;
	v49 =	vmul.f32 v45, v41  }
0x39e: {  	v12 =	vmul.f32 v48, v42;
	v8 =	vmul.f32 v8, v38;
	v9 =	vsub.f32 v9, v43;
	v52 =	vld.idx.msk [tilespmem:v36+s30+$0x0], $0xffff  }
0x39f: {  	v53 =	vand.u32 $0x7F, v44;
	v48 =	vmul.f32 v48, v41;
	v45 =	vmul.f32 v45, v42;
	v36 =	vmovc v50;
	v43 =	vld.idx.msk [tilespmem:v40+s31+$0x0], $0xffff  }
0x3a0: {  	v46 =	vld.idx.msk [tilespmem:v40+s0+$0x0], $0xffff;
	v8 =	vadd.f32 v8, v10;
	v9 =	vmul.f32 v9, v47;
	v10 =	vadd.f32 v12, v49  }
.Ltmp15:
0x3a1: {  	v38 =	vmov v7;
	v49 =	vor.u32 v24, v53;
	v44 =	vmov v11;
	v41 =	vld.idx.msk [tilespmem:v50+s26+$0x0], $0xffff;
	(pc) =	sbr.rel @p0 .LBB2_33-.Ltmp15, $4  }
0x3a2: {  	v42 =	vld.idx.msk [tilespmem:v50+s28+$0x0], $0xffff;
	v7 =	vadd.f32 v8, v9;
	v8 =	vmul.f32 v10, v51;
	v9 =	vsub.f32 v48, v45  }
0x3a3: {  	s15 =	sadd.s32 $0x1, s13;
	v45 =	vld.idx.msk [tilespmem:v50+s31+$0x0], $0xffff  }
0x3a4: {  	v10 =	vadd.s32 s15, v0;
	v48 =	vld.idx.msk [tilespmem:v50+s0+$0x0], $0xffff;
	v51 =	vadd.f32 v8, v7;
	v52 =	vmul.f32 v9, v52  }
0x3a5: {  	s13 =	sadd.s32 $0x2, s13;
	v50 =	vand.u32 $0x7F, v10;
	v47 =	vld.idx.msk [tilespmem:v40+s30+$0x0], $0xffff;
	v40 =	vmov v49  }
0x3a6: {  	v7 =	vmul.f32 v30, v5;
	_ =	sdelay $0x1  }
0x3a7: {  	v7 =	vadd.f32 v7, v6;
	_ =	sdelay $0x1  }
0x3a8: {  	v7 =	vsub.f32 $0.0e+00, v7;
	_ =	sdelay $0x1  }
0x3a9: {  	v7 =	vmul.f32 $1.442695020e+00, v7;
	_ =	sdelay $0x1  }
0x3aa: {  	(erf) = vpow2.f32 v7;
	_ =	sdelay $0x4  }
0x3ab: {  	v7 =	vmul.f32 v31, v5;
	_ =	sdelay $0x1  }
0x3ac: {  	v7 =	vadd.f32 v7, v6;
	_ =	sdelay $0x1  }
0x3ad: {  	v7 =	vsub.f32 $0.0e+00, v7;
	v8 =	vpop (erf)  }
0x3ae: {  	v8 =	vadd.f32 $1.000000000e+00, v8  }
0x3af: {  	v7 =	vmul.f32 $1.442695020e+00, v7  }
0x3b0: {  	(erf) = vrcp.f32 v8  }
0x3b1: {  	(erf) = vpow2.f32 v7;
	_ =	sdelay $0x4  }
0x3b2: {  	v7 =	vmul.f32 v32, v5;
	_ =	sdelay $0x1  }
0x3b3: {  	v7 =	vadd.f32 v7, v6  }
0x3b4: {  	v8 =	vpop (erf)  }
0x3b5: {  	v7 =	vsub.f32 $0.0e+00, v7;
	v9 =	vpop (erf)  }
0x3b6: {  	v9 =	vadd.f32 $1.000000000e+00, v9  }
0x3b7: {  	v7 =	vmul.f32 $1.442695020e+00, v7  }
0x3b8: {  	(erf) = vrcp.f32 v9  }
0x3b9: {  	(erf) = vpow2.f32 v7;
	_ =	sdelay $0x4  }
0x3ba: {  	v7 =	vmul.f32 v33, v5;
	_ =	sdelay $0x1  }
0x3bb: {  	v7 =	vadd.f32 v7, v6  }
0x3bc: {  	v9 =	vpop (erf)  }
0x3bd: {  	v7 =	vsub.f32 $0.0e+00, v7;
	v10 =	vpop (erf)  }
0x3be: {  	v10 =	vadd.f32 $1.000000000e+00, v10  }
0x3bf: {  	v7 =	vmul.f32 $1.442695020e+00, v7  }
0x3c0: {  	(erf) = vrcp.f32 v10  }
0x3c1: {  	(erf) = vpow2.f32 v7;
	_ =	sdelay $0x4  }
0x3c2: {  	v7 =	vmul.f32 v34, v5;
	_ =	sdelay $0x1  }
0x3c3: {  	v7 =	vadd.f32 v7, v6  }
0x3c4: {  	v10 =	vpop (erf)  }
0x3c5: {  	v7 =	vsub.f32 $0.0e+00, v7;
	v11 =	vpop (erf)  }
0x3c6: {  	v11 =	vadd.f32 $1.000000000e+00, v11  }
0x3c7: {  	v7 =	vmul.f32 $1.442695020e+00, v7  }
0x3c8: {  	(erf) = vrcp.f32 v11  }
0x3c9: {  	(erf) = vpow2.f32 v7;
	_ =	sdelay $0x4  }
0x3ca: {  	v30 =	vmul.f32 v43, v44;
	v7 =	vmul.f32 v35, v5  }
0x3cb: {  	v62 =	vmul.f32 v43, v39;
	v43 =	vld.idx.msk [tilespmem:v49+s28+$0x0], $0xffff;
	v31 =	vmul.f32 v46, v39  }
0x3cc: {  	v54 =	vld.idx.msk [tilespmem:v40+s31+$0x0], $0xffff;
	v7 =	vadd.f32 v7, v6  }
0x3cd: {  	v56 =	vld.idx.msk [tilespmem:v40+s0+$0x0], $0xffff;
	v30 =	vadd.f32 v31, v30;
	v31 =	vmul.f32 v46, v44;
	v34 =	vor.u32 v24, v50;
	v44 =	vpop (erf)  }
0x3ce: {  	v61 =	vadd.f32 v51, v52;
	v33 =	vld.idx.msk [tilespmem:v49+s26+$0x0], $0xffff;
	v7 =	vsub.f32 $0.0e+00, v7;
	v52 =	vpop (erf)  }
0x3cf: {  	v63 =	vmul.f32 v45, v41;
	v58 =	vmul.f32 v45, v42;
	v11 =	vld.idx.msk [tilespmem:v49+s29+$0x0], $0xffff;
	v49 =	vadd.f32 $1.000000000e+00, v52  }
0x3d0: {  	v53 =	vmul.f32 v48, v42;
	v35 =	vld.idx.msk [tilespmem:v36+s29+$0x0], $0xffff;
	v7 =	vmul.f32 $1.442695020e+00, v7  }
0x3d1: {  	v57 =	vld.idx.msk [tilespmem:v36+s30+$0x0], $0xffff;
	v30 =	vmul.f32 v30, v38;
	v31 =	vsub.f32 v31, v62;
	(erf) = vrcp.f32 v49  }
0x3d2: {  	v55 =	vmul.f32 v48, v41;
	v60 =	vld.idx.msk [tilespmem:v34+s26+$0x0], $0xffff;
	(erf) = vpow2.f32 v7  }
0x3d3: {  	v59 =	vadd.f32 v53, v63;
	v30 =	vadd.f32 v30, v61;
	v31 =	vmul.f32 v31, v47;
	v61 =	vld.idx.msk [tilespmem:v34+s28+$0x0], $0xffff  }
0x3d4: {  	v37 =	vmul.f32 v37, v5;
	v62 =	vsub.f32 v55, v58;
	v47 =	vmul.f32 v56, v43;
	v63 =	vld.idx.msk [tilespmem:v34+s0+$0x0], $0xffff  }
0x3d5: {  	v30 =	vadd.f32 v30, v31;
	v46 =	vmul.f32 v54, v33;
	v31 =	vmul.f32 v59, v35;
	v7 =	vld.idx.msk [tilespmem:v34+s31+$0x0], $0xffff  }
0x3d6: {  	v48 =	vld.idx.msk [tilespmem:v40+s30+$0x0], $0xffff;
	v51 =	vmul.f32 v54, v43;
	v33 =	vmul.f32 v56, v33  }
0x3d7: {  	v30 =	vadd.f32 v31, v30;
	v31 =	vmul.f32 v62, v57;
	v49 =	vadd.f32 v47, v46  }
0x3d8: {  	v53 =	vadd.f32 v37, v6;
	v33 =	vsub.f32 v33, v51  }
0x3d9: {  	v54 =	vmul.f32 v63, v61;
	v30 =	vadd.f32 v30, v31;
	v52 =	vld.idx.msk [tilespmem:v34+s29+$0x0], $0xffff;
	v11 =	vmul.f32 v49, v11  }
0x3da: {  	v35 =	vmul.f32 v63, v60;
	v31 =	vmul.f32 v7, v60;
	v55 =	vpop (erf)  }
0x3db: {  	v57 =	vsub.f32 $0.0e+00, v53;
	v34 =	vld.idx.msk [tilespmem:v34+s30+$0x0], $0xffff;
	v11 =	vadd.f32 v11, v30;
	v30 =	vmul.f32 v33, v48;
	v56 =	vpop (erf)  }
0x3dc: {  	v7 =	vmul.f32 v7, v61;
	v31 =	vadd.f32 v54, v31;
	v32 =	vadd.f32 $1.000000000e+00, v56  }
0x3dd: {  	v11 =	vadd.f32 v11, v30;
	v30 =	vmul.f32 $1.442695020e+00, v57  }
0x3de: {  	v7 =	vsub.f32 v35, v7;
	v31 =	vmul.f32 v31, v52;
	(erf) = vrcp.f32 v32  }
0x3df: {  	(erf) = vpow2.f32 v30  }
0x3e0: {  	v7 =	vmul.f32 v7, v34;
	v11 =	vadd.f32 v31, v11;
	_ =	sdelay $0x1  }
0x3e1: {  	v7 =	vadd.f32 v11, v7;
	_ =	sdelay $0x1  }
0x3e2: {  	v7 =	vmul.f32 v7, v5;
	_ =	sdelay $0x1  }
0x3e3: {  	v7 =	vadd.f32 v7, v6  }
0x3e4: {  	v58 =	vpop (erf)  }
0x3e5: {  	v7 =	vsub.f32 $0.0e+00, v7;
	v30 =	vpop (erf)  }
0x3e6: {  	v30 =	vadd.f32 $1.000000000e+00, v30  }
0x3e7: {  	v7 =	vmul.f32 $1.442695020e+00, v7  }
0x3e8: {  	(erf) = vrcp.f32 v30  }
0x3e9: {  	(erf) = vpow2.f32 v7;
	_ =	sdelay $0x7  }
0x3ea: {  	v8 =	vmul.f32 v8, v8;
	v7 =	vpop (erf)  }
0x3eb: {  	v30 =	vpop (erf)  }
0x3ec: {  	v8 =	vadd.f32 v8, v27;
	v9 =	vmul.f32 v9, v9;
	v27 =	vadd.f32 $1.000000000e+00, v30;
	_ =	sdelay $0x1  }
0x3ed: {  	v8 =	vadd.f32 v9, v8;
	v59 =	vmul.f32 v10, v10;
	(erf) = vrcp.f32 v27;
	_ =	sdelay $0x1  }
0x3ee: {  	v8 =	vadd.f32 v59, v8;
	v60 =	vmul.f32 v44, v44;
	_ =	sdelay $0x1  }
0x3ef: {  	v8 =	vadd.f32 v60, v8;
	v61 =	vmul.f32 v55, v55;
	_ =	sdelay $0x1  }
0x3f0: {  	s14 =	sadd.s32 $0x1, s14;
	v8 =	vadd.f32 v61, v8;
	v62 =	vmul.f32 v58, v58  }
0x3f1: {  	p0 =	sne.s32 s14, $0xA  }
.Ltmp16:
0x3f2: {  	v8 =	vadd.f32 v62, v8;
	v7 =	vmul.f32 v7, v7;
	(pc) =	sbr.rel @p0 .LBB2_18-.Ltmp16, $3  }
0x3f3: {  	v63 =	vpop (erf)  }
0x3f4: {  	v7 =	vadd.f32 v7, v8;
	v8 =	vmul.f32 v63, v63;
	_ =	sdelay $0x1  }
0x3f5: {  	s13 =	simm.s32 $0x0;
	v30 =	vimm.f32 $0.0e+00;
	v27 =	vadd.f32 v8, v7  }
0x3f6: {  	v29 =	vimm.f32 $0.0e+00;
	s14 =	simm.s32 $0x0  }
.LBB2_36:
0x3f7: {  	s15 =	sadd.s32 s18, s14  }
0x3f8: {  	s15 =	sshll.u32 s15, $0x4  }
0x3f9: {  	s21 =	sadd.s32 s10, s15  }
0x3fa: {  	[tilespmem:s13], [sflag:$0x2] =	stream.linear.gather [hbm4b:s21+s13], $0x80, $0x38;
	[tilespmem:$0x18380] =	vst v63  }
0x3fb: {  	_ =	swait.ge [sflag:s22], $0x80  }
0x3fc: {  	[sflag:s22] =	ssyncset.done $0x0  }
0x3fd: {  	s21 =	sadd.s32 s11, s15;
	[sflag:s22] =	ssyncadd.s32 $0xFFFFFF80  }
0x3fe: {  	[tilespmem:s24], [sflag:$0x2] =	stream.linear.gather [hbm4b:s21+s13], $0x80, $0x38;
	[tilespmem:$0x18380] =	vst v63  }
0x3ff: {  	_ =	swait.ge [sflag:s22], $0x80  }
0x400: {  	[sflag:s22] =	ssyncset.done $0x0  }
0x401: {  	s15 =	sadd.s32 s12, s15;
	[sflag:s22] =	ssyncadd.s32 $0xFFFFFF80  }
0x402: {  	[tilespmem:s25], [sflag:$0x2] =	stream.linear.gather [hbm4b:s15+s13], $0x80, $0x38;
	[tilespmem:$0x18380] =	vst v63  }
0x403: {  	_ =	swait.ge [sflag:s22], $0x80  }
0x404: {  	[sflag:s22] =	ssyncset.done $0x0  }
0x405: {  	[sflag:s22] =	ssyncadd.s32 $0xFFFFFF80  }
0x406: {  	[tilespmem:s26], [sflag:$0x1] =	stream.indirect.gather [hbm4b:s1+s24], $0x80, s13, s24, $0xb8;
	[tilespmem:$0x18380] =	vst v63  }
0x407: {  	_ = 	snop  }
0x408: {  	[tilespmem:s28], [sflag:$0x1] =	stream.indirect.gather [hbm4b:s2+s24], $0x80, s13, s24, $0xb8;
	[tilespmem:$0x18380] =	vst v63  }
0x409: {  	_ = 	snop  }
0x40a: {  	[tilespmem:s29], [sflag:$0x1] =	stream.indirect.gather [hbm4b:s3+s24], $0x80, s24, s24, $0xb8;
	[tilespmem:$0x18380] =	vst v63  }
0x40b: {  	_ = 	snop  }
0x40c: {  	[tilespmem:s30], [sflag:$0x1] =	stream.indirect.gather [hbm4b:s4+s24], $0x80, s24, s24, $0xb8;
	[tilespmem:$0x18380] =	vst v63  }
0x40d: {  	_ = 	snop  }
0x40e: {  	[tilespmem:s31], [sflag:$0x1] =	stream.indirect.gather [hbm4b:s1+s24], $0x80, s25, s24, $0xb8;
	[tilespmem:$0x18380] =	vst v63  }
0x40f: {  	_ = 	snop  }
0x410: {  	[tilespmem:s0], [sflag:$0x1] =	stream.indirect.gather [hbm4b:s2+s24], $0x80, s25, s24, $0xb8;
	[tilespmem:$0x18380] =	vst v63  }
0x411: {  	_ =	swait.ge [sflag:s6], $0x4000  }
0x412: {  	[sflag:s6] =	ssyncset.done $0x0  }
0x413: {  	[sflag:s6] =	ssyncadd.s32 $0xFFFFC000  }
0x414: {  	_ =	swait.ge [sflag:s6], $0x4000  }
0x415: {  	[sflag:s6] =	ssyncset.done $0x0  }
0x416: {  	[sflag:s6] =	ssyncadd.s32 $0xFFFFC000  }
0x417: {  	_ =	swait.ge [sflag:s6], $0x4000  }
0x418: {  	[sflag:s6] =	ssyncset.done $0x0  }
0x419: {  	[sflag:s6] =	ssyncadd.s32 $0xFFFFC000  }
0x41a: {  	_ =	swait.ge [sflag:s6], $0x4000  }
0x41b: {  	[sflag:s6] =	ssyncset.done $0x0  }
0x41c: {  	v7 =	vadd.s32 s13, v0;
	[sflag:s6] =	ssyncadd.s32 $0xFFFFC000  }
0x41d: {  	v7 =	vand.u32 $0x7F, v7;
	_ =	swait.ge [sflag:s6], $0x4000  }
0x41e: {  	v7 =	vor.u32 v1, v7;
	[sflag:s6] =	ssyncset.done $0x0  }
0x41f: {  	[sflag:s6] =	ssyncadd.s32 $0xFFFFC000  }
0x420: {  	s21 =	simm.s32 $0x1;
	_ =	swait.ge [sflag:s6], $0x4000  }
0x421: {  	v8 =	vadd.s32 s21, v0;
	[sflag:s6] =	ssyncset.done $0x0  }
0x422: {  	v8 =	vand.u32 $0x7F, v8;
	[sflag:s6] =	ssyncadd.s32 $0xFFFFC000  }
0x423: {  	v8 =	vor.u32 v1, v8;
	v9 =	vld.idx.msk [tilespmem:v7+s29+$0x0], $0xffff  }
0x424: {  	v10 =	vld.idx.msk [tilespmem:v7+s26+$0x0], $0xffff  }
0x425: {  	s21 =	simm.s32 $0x2;
	v11 =	vld.idx.msk [tilespmem:v7+s28+$0x0], $0xffff  }
0x426: {  	v31 =	vadd.s32 s21, v0;
	v33 =	vld.idx.msk [tilespmem:v7+s31+$0x0], $0xffff  }
0x427: {  	v31 =	vand.u32 $0x7F, v31;
	v34 =	vld.idx.msk [tilespmem:v7+s0+$0x0], $0xffff  }
0x428: {  	v38 =	vor.u32 v1, v31;
	v35 =	vld.idx.msk [tilespmem:v8+s26+$0x0], $0xffff  }
0x429: {  	v39 =	vld.idx.msk [tilespmem:v8+s28+$0x0], $0xffff  }
0x42a: {  	v40 =	vld.idx.msk [tilespmem:v8+s31+$0x0], $0xffff  }
0x42b: {  	s21 =	simm.s32 $0x3;
	v41 =	vld.idx.msk [tilespmem:v8+s0+$0x0], $0xffff  }
0x42c: {  	v32 =	vadd.s32 s21, v0;
	v7 =	vld.idx.msk [tilespmem:v7+s30+$0x0], $0xffff  }
0x42d: {  	v32 =	vand.u32 $0x7F, v32;
	v31 =	vld.idx.msk [tilespmem:v38+s29+$0x0], $0xffff;
	v36 =	vmul.f32 v33, v10;
	v42 =	vmul.f32 v34, v11  }
0x42e: {  	v32 =	vor.u32 v1, v32;
	v37 =	vld.idx.msk [tilespmem:v38+s26+$0x0], $0xffff  }
0x42f: {  	v43 =	vld.idx.msk [tilespmem:v8+s29+$0x0], $0xffff;
	v10 =	vmul.f32 v34, v10;
	v11 =	vmul.f32 v33, v11;
	v36 =	vadd.f32 v42, v36  }
0x430: {  	s21 =	simm.s32 $0x4;
	v8 =	vld.idx.msk [tilespmem:v8+s30+$0x0], $0xffff;
	v56 =	vmul.f32 v40, v35;
	v57 =	vmul.f32 v41, v39  }
0x431: {  	v58 =	vadd.s32 s21, v0;
	v33 =	vld.idx.msk [tilespmem:v38+s28+$0x0], $0xffff;
	v10 =	vsub.f32 v10, v11;
	v9 =	vmul.f32 v36, v9  }
0x432: {  	v60 =	vand.u32 $0x7F, v58;
	v39 =	vmul.f32 v40, v39;
	v40 =	vld.idx.msk [tilespmem:v38+s0+$0x0], $0xffff;
	v59 =	vadd.f32 v57, v56  }
0x433: {  	v41 =	vmul.f32 v41, v35;
	v34 =	vld.idx.msk [tilespmem:v32+s26+$0x0], $0xffff;
	v7 =	vmul.f32 v10, v7;
	v9 =	vadd.f32 v9, v30  }
0x434: {  	v36 =	vld.idx.msk [tilespmem:v38+s31+$0x0], $0xffff;
	v61 =	vmul.f32 v59, v43;
	v43 =	vor.u32 v1, v60  }
0x435: {  	v35 =	vld.idx.msk [tilespmem:v32+s28+$0x0], $0xffff;
	v62 =	vsub.f32 v41, v39;
	v7 =	vadd.f32 v9, v7  }
0x436: {  	s21 =	simm.s32 $0x5;
	v39 =	vld.idx.msk [tilespmem:v32+s31+$0x0], $0xffff  }
0x437: {  	v63 =	vadd.s32 s21, v0;
	v42 =	vld.idx.msk [tilespmem:v32+s0+$0x0], $0xffff;
	v45 =	vmul.f32 v62, v8;
	v44 =	vadd.f32 v61, v7  }
0x438: {  	s21 =	simm.s32 $0x6;
	v46 =	vand.u32 $0x7F, v63;
	v41 =	vld.idx.msk [tilespmem:v38+s30+$0x0], $0xffff;
	v38 =	vmov v43  }
.LBB2_37:
0x439: {  	p0 =	slt.u32 s21, $0x7E;
	v7 =	vld.idx.msk [tilespmem:v43+s29+$0x0], $0xffff;
	v8 =	vmul.f32 v36, v37;
	v9 =	vmul.f32 v40, v33;
	v10 =	vadd.f32 v44, v45  }
0x43a: {  	v44 =	vor.u32 v1, v46;
	v11 =	vld.idx.msk [tilespmem:v43+s26+$0x0], $0xffff  }
0x43b: {  	v36 =	vmul.f32 v36, v33;
	v8 =	vadd.f32 v9, v8;
	v9 =	vmul.f32 v40, v37;
	v45 =	vld.idx.msk [tilespmem:v32+s29+$0x0], $0xffff  }
0x43c: {  	v37 =	vadd.s32 s21, v0;
	v33 =	vld.idx.msk [tilespmem:v43+s28+$0x0], $0xffff;
	v43 =	vmul.f32 v39, v34  }
0x43d: {  	v12 =	vmul.f32 v42, v35;
	v8 =	vmul.f32 v8, v31;
	v9 =	vsub.f32 v9, v36;
	v46 =	vld.idx.msk [tilespmem:v32+s30+$0x0], $0xffff  }
0x43e: {  	v47 =	vand.u32 $0x7F, v37;
	v42 =	vmul.f32 v42, v34;
	v39 =	vmul.f32 v39, v35;
	v32 =	vmovc v44;
	v36 =	vld.idx.msk [tilespmem:v38+s31+$0x0], $0xffff  }
0x43f: {  	v40 =	vld.idx.msk [tilespmem:v38+s0+$0x0], $0xffff;
	v8 =	vadd.f32 v8, v10;
	v9 =	vmul.f32 v9, v41;
	v10 =	vadd.f32 v12, v43  }
.Ltmp17:
0x440: {  	v31 =	vmov v7;
	v43 =	vor.u32 v1, v47;
	v37 =	vmov v11;
	v34 =	vld.idx.msk [tilespmem:v44+s26+$0x0], $0xffff;
	(pc) =	sbr.rel @p0 .LBB2_37-.Ltmp17, $4  }
0x441: {  	v35 =	vld.idx.msk [tilespmem:v44+s28+$0x0], $0xffff;
	v7 =	vadd.f32 v8, v9;
	v8 =	vmul.f32 v10, v45;
	v9 =	vsub.f32 v42, v39  }
0x442: {  	s15 =	sadd.s32 $0x1, s21;
	v39 =	vld.idx.msk [tilespmem:v44+s31+$0x0], $0xffff  }
0x443: {  	v10 =	vadd.s32 s15, v0;
	v42 =	vld.idx.msk [tilespmem:v44+s0+$0x0], $0xffff;
	v44 =	vadd.f32 v8, v7;
	v45 =	vmul.f32 v9, v46  }
0x444: {  	s21 =	sadd.s32 $0x2, s21;
	v46 =	vand.u32 $0x7F, v10;
	v41 =	vld.idx.msk [tilespmem:v38+s30+$0x0], $0xffff;
	v38 =	vmov v43  }
0x445: {  	_ =	sdelay $0x3  }
0x446: {  	v7 =	vld.idx.msk [tilespmem:v43+s29+$0x0], $0xffff  }
0x447: {  	v8 =	vld.idx.msk [tilespmem:v43+s26+$0x0], $0xffff  }
0x448: {  	v10 =	vld.idx.msk [tilespmem:v32+s29+$0x0], $0xffff  }
0x449: {  	v9 =	vor.u32 v1, v46;
	v11 =	vld.idx.msk [tilespmem:v43+s28+$0x0], $0xffff  }
0x44a: {  	v43 =	vld.idx.msk [tilespmem:v32+s30+$0x0], $0xffff  }
0x44b: {  	v46 =	vld.idx.msk [tilespmem:v38+s31+$0x0], $0xffff;
	s15 =	simm.s32 $0x0  }
0x44c: {  	v53 =	vmul.f32 v36, v37;
	v47 =	vmul.f32 v40, v33;
	v48 =	vld.idx.msk [tilespmem:v38+s0+$0x0], $0xffff;
	v50 =	vadd.s32 s15, v0  }
0x44d: {  	v54 =	vmul.f32 v40, v37;
	v38 =	vld.idx.msk [tilespmem:v38+s30+$0x0], $0xffff;
	v32 =	vand.u32 $0x7F, v50  }
0x44e: {  	v55 =	vmul.f32 v36, v33;
	s21 =	simm.s32 $0x1;
	v47 =	vadd.f32 v47, v53;
	v40 =	vor.u32 v2, v32;
	v49 =	vld.idx.msk [tilespmem:v9+s26+$0x0], $0xffff  }
0x44f: {  	v44 =	vadd.f32 v44, v45;
	v59 =	vadd.s32 s21, v0;
	v51 =	vld.idx.msk [tilespmem:v9+s28+$0x0], $0xffff  }
0x450: {  	v37 =	vsub.f32 v54, v55;
	v33 =	vand.u32 $0x7F, v59;
	v31 =	vmul.f32 v47, v31;
	v36 =	vld.idx.msk [tilespmem:v9+s31+$0x0], $0xffff  }
0x451: {  	v57 =	vmul.f32 v42, v35;
	v47 =	vor.u32 v2, v33;
	v45 =	vld.idx.msk [tilespmem:v9+s0+$0x0], $0xffff  }
0x452: {  	v58 =	vmul.f32 v42, v34;
	v37 =	vmul.f32 v37, v41;
	v42 =	vld.idx.msk [tilespmem:v9+s29+$0x0], $0xffff;
	v31 =	vadd.f32 v31, v44  }
0x453: {  	v56 =	vmul.f32 v39, v34;
	v60 =	vmul.f32 v39, v35;
	v41 =	vld.idx.msk [tilespmem:v40+s26+$0x0], $0xffff  }
0x454: {  	v62 =	vmul.f32 v46, v8;
	v63 =	vmul.f32 v48, v11;
	v31 =	vadd.f32 v31, v37;
	v37 =	vld.idx.msk [tilespmem:v40+s28+$0x0], $0xffff  }
0x455: {  	s21 =	simm.s32 $0x2;
	v61 =	vadd.f32 v57, v56;
	v8 =	vmul.f32 v48, v8;
	v11 =	vmul.f32 v46, v11;
	v52 =	vld.idx.msk [tilespmem:v40+s31+$0x0], $0xffff  }
0x456: {  	v35 =	vsub.f32 v58, v60;
	v56 =	vadd.s32 s21, v0;
	v53 =	vld.idx.msk [tilespmem:v47+s26+$0x0], $0xffff  }
0x457: {  	v10 =	vmul.f32 v61, v10;
	v39 =	vadd.f32 v63, v62;
	v8 =	vsub.f32 v8, v11;
	v46 =	vld.idx.msk [tilespmem:v47+s28+$0x0], $0xffff  }
0x458: {  	v34 =	vand.u32 $0x7F, v56;
	v35 =	vmul.f32 v35, v43;
	v48 =	vld.idx.msk [tilespmem:v47+s31+$0x0], $0xffff  }
0x459: {  	v7 =	vmul.f32 v39, v7;
	v8 =	vmul.f32 v8, v38;
	v10 =	vadd.f32 v10, v31;
	v31 =	vld.idx.msk [tilespmem:v40+s0+$0x0], $0xffff  }
0x45a: {  	v9 =	vld.idx.msk [tilespmem:v9+s30+$0x0], $0xffff;
	s21 =	simm.s32 $0x3;
	v50 =	vor.u32 v2, v34;
	v57 =	vmul.f32 v36, v49;
	v58 =	vmul.f32 v45, v51  }
0x45b: {  	v61 =	vadd.s32 s21, v0;
	v45 =	vmul.f32 v45, v49;
	v49 =	vld.idx.msk [tilespmem:v47+s0+$0x0], $0xffff;
	v36 =	vmul.f32 v36, v51  }
0x45c: {  	v44 =	vld.idx.msk [tilespmem:v40+s29+$0x0], $0xffff;
	v10 =	vadd.f32 v10, v35;
	v11 =	vadd.f32 v58, v57;
	v35 =	vand.u32 $0x7F, v61  }
0x45d: {  	v54 =	vld.idx.msk [tilespmem:v40+s30+$0x0], $0xffff;
	v36 =	vsub.f32 v45, v36;
	v59 =	vmul.f32 v52, v41;
	v57 =	vmul.f32 v48, v53  }
0x45e: {  	v63 =	vld.idx.msk [tilespmem:v47+s29+$0x0], $0xffff;
	v7 =	vadd.f32 v7, v10;
	v48 =	vmul.f32 v48, v46;
	v60 =	vmul.f32 v31, v37  }
0x45f: {  	v55 =	vld.idx.msk [tilespmem:v47+s30+$0x0], $0xffff;
	v31 =	vmul.f32 v31, v41;
	v41 =	vor.u32 v2, v35;
	v37 =	vmul.f32 v52, v37  }
0x460: {  	v39 =	vld.idx.msk [tilespmem:v50+s29+$0x0], $0xffff;
	v58 =	vmul.f32 v49, v46;
	v7 =	vadd.f32 v7, v8;
	v62 =	vadd.f32 v60, v59  }
0x461: {  	s21 =	simm.s32 $0x4;
	v43 =	vld.idx.msk [tilespmem:v50+s26+$0x0], $0xffff;
	v8 =	vmul.f32 v11, v42;
	v31 =	vsub.f32 v31, v37;
	v59 =	vmul.f32 v49, v53  }
0x462: {  	v40 =	vld.idx.msk [tilespmem:v50+s28+$0x0], $0xffff;
	v37 =	vimm.f32 $0.0e+00;
	v60 =	vadd.s32 s21, v0;
	v10 =	vmul.f32 v62, v44  }
0x463: {  	v46 =	vld.idx.msk [tilespmem:v50+s0+$0x0], $0xffff;
	v11 =	vadd.f32 v58, v57;
	v7 =	vadd.f32 v8, v7;
	v8 =	vmul.f32 v36, v9  }
0x464: {  	v36 =	vand.u32 $0x7F, v60;
	v44 =	vld.idx.msk [tilespmem:v50+s31+$0x0], $0xffff;
	v31 =	vmul.f32 v31, v54;
	v10 =	vadd.f32 v10, v37  }
0x465: {  	v51 =	vor.u32 v2, v36;
	v50 =	vld.idx.msk [tilespmem:v50+s30+$0x0], $0xffff  }
0x466: {  	v62 =	vmul.f32 v11, v63;
	v63 =	vsub.f32 v59, v48;
	v42 =	vld.idx.msk [tilespmem:v41+s26+$0x0], $0xffff;
	v61 =	vadd.f32 v10, v31  }
0x467: {  	s21 =	simm.s32 $0x5;
	v45 =	vld.idx.msk [tilespmem:v41+s28+$0x0], $0xffff  }
0x468: {  	v38 =	vadd.s32 s21, v0;
	v47 =	vld.idx.msk [tilespmem:v41+s31+$0x0], $0xffff;
	v53 =	vmul.f32 v63, v55;
	v52 =	vadd.f32 v62, v61  }
0x469: {  	s21 =	simm.s32 $0x6;
	v54 =	vand.u32 $0x7F, v38;
	v49 =	vld.idx.msk [tilespmem:v41+s0+$0x0], $0xffff;
	v48 =	vmov v51;
	v31 =	vadd.f32 v7, v8  }
.LBB2_39:
0x46a: {  	p0 =	slt.u32 s21, $0x7E;
	v7 =	vld.idx.msk [tilespmem:v51+s29+$0x0], $0xffff;
	v8 =	vmul.f32 v44, v43;
	v9 =	vmul.f32 v46, v40;
	v10 =	vadd.f32 v52, v53  }
0x46b: {  	v52 =	vor.u32 v2, v54;
	v11 =	vld.idx.msk [tilespmem:v51+s26+$0x0], $0xffff  }
0x46c: {  	v8 =	vadd.f32 v9, v8;
	v9 =	vmul.f32 v46, v43;
	v43 =	vmul.f32 v44, v40;
	v53 =	vld.idx.msk [tilespmem:v41+s29+$0x0], $0xffff  }
0x46d: {  	v44 =	vadd.s32 s21, v0;
	v40 =	vld.idx.msk [tilespmem:v51+s28+$0x0], $0xffff;
	v51 =	vmul.f32 v47, v42  }
0x46e: {  	v12 =	vmul.f32 v49, v45;
	v8 =	vmul.f32 v8, v39;
	v9 =	vsub.f32 v9, v43;
	v54 =	vld.idx.msk [tilespmem:v41+s30+$0x0], $0xffff  }
0x46f: {  	v55 =	vand.u32 $0x7F, v44;
	v49 =	vmul.f32 v49, v42;
	v47 =	vmul.f32 v47, v45;
	v41 =	vmovc v52;
	v44 =	vld.idx.msk [tilespmem:v48+s31+$0x0], $0xffff  }
0x470: {  	v46 =	vld.idx.msk [tilespmem:v48+s0+$0x0], $0xffff;
	v8 =	vadd.f32 v8, v10;
	v9 =	vmul.f32 v9, v50;
	v10 =	vadd.f32 v12, v51  }
.Ltmp18:
0x471: {  	v39 =	vmov v7;
	v51 =	vor.u32 v2, v55;
	v43 =	vmov v11;
	v42 =	vld.idx.msk [tilespmem:v52+s26+$0x0], $0xffff;
	(pc) =	sbr.rel @p0 .LBB2_39-.Ltmp18, $4  }
0x472: {  	v45 =	vld.idx.msk [tilespmem:v52+s28+$0x0], $0xffff;
	v7 =	vadd.f32 v8, v9;
	v8 =	vmul.f32 v10, v53;
	v9 =	vsub.f32 v49, v47  }
0x473: {  	s15 =	sadd.s32 $0x1, s21;
	v47 =	vld.idx.msk [tilespmem:v52+s31+$0x0], $0xffff  }
0x474: {  	v10 =	vadd.s32 s15, v0;
	v49 =	vld.idx.msk [tilespmem:v52+s0+$0x0], $0xffff;
	v52 =	vadd.f32 v8, v7;
	v53 =	vmul.f32 v9, v54  }
0x475: {  	s21 =	sadd.s32 $0x2, s21;
	v54 =	vand.u32 $0x7F, v10;
	v50 =	vld.idx.msk [tilespmem:v48+s30+$0x0], $0xffff;
	v48 =	vmov v51  }
0x476: {  	_ =	sdelay $0x3  }
0x477: {  	v7 =	vld.idx.msk [tilespmem:v51+s29+$0x0], $0xffff  }
0x478: {  	v8 =	vld.idx.msk [tilespmem:v51+s26+$0x0], $0xffff  }
0x479: {  	v10 =	vld.idx.msk [tilespmem:v41+s29+$0x0], $0xffff  }
0x47a: {  	v9 =	vor.u32 v2, v54;
	v11 =	vld.idx.msk [tilespmem:v51+s28+$0x0], $0xffff  }
0x47b: {  	v41 =	vld.idx.msk [tilespmem:v41+s30+$0x0], $0xffff  }
0x47c: {  	v51 =	vld.idx.msk [tilespmem:v48+s31+$0x0], $0xffff  }
0x47d: {  	v54 =	vld.idx.msk [tilespmem:v48+s0+$0x0], $0xffff  }
0x47e: {  	v48 =	vld.idx.msk [tilespmem:v48+s30+$0x0], $0xffff  }
0x47f: {  	v55 =	vld.idx.msk [tilespmem:v9+s26+$0x0], $0xffff  }
0x480: {  	v32 =	vor.u32 v3, v32;
	v56 =	vld.idx.msk [tilespmem:v9+s28+$0x0], $0xffff  }
0x481: {  	v57 =	vmul.f32 v44, v43;
	v58 =	vmul.f32 v46, v40;
	v59 =	vld.idx.msk [tilespmem:v9+s31+$0x0], $0xffff  }
0x482: {  	v60 =	vld.idx.msk [tilespmem:v9+s0+$0x0], $0xffff  }
0x483: {  	v63 =	vmul.f32 v46, v43;
	v57 =	vadd.f32 v58, v57;
	v58 =	vmul.f32 v44, v40;
	v44 =	vld.idx.msk [tilespmem:v9+s29+$0x0], $0xffff  }
0x484: {  	v46 =	vadd.f32 v52, v53;
	v61 =	vmul.f32 v47, v42;
	v9 =	vld.idx.msk [tilespmem:v9+s30+$0x0], $0xffff  }
0x485: {  	v62 =	vmul.f32 v49, v45;
	v39 =	vmul.f32 v57, v39;
	v40 =	vsub.f32 v63, v58;
	v53 =	vld.idx.msk [tilespmem:v32+s29+$0x0], $0xffff  }
0x486: {  	v57 =	vor.u32 v3, v33;
	v63 =	vmul.f32 v49, v42;
	v49 =	vmul.f32 v47, v45;
	v45 =	vld.idx.msk [tilespmem:v32+s26+$0x0], $0xffff  }
0x487: {  	v47 =	vld.idx.msk [tilespmem:v32+s31+$0x0], $0xffff;
	v58 =	vmul.f32 v51, v8  }
0x488: {  	v43 =	vadd.f32 v62, v61;
	v42 =	vld.idx.msk [tilespmem:v32+s0+$0x0], $0xffff;
	v61 =	vmul.f32 v54, v11;
	v8 =	vmul.f32 v54, v8  }
0x489: {  	v11 =	vmul.f32 v51, v11;
	v39 =	vadd.f32 v39, v46;
	v40 =	vmul.f32 v40, v50;
	v46 =	vld.idx.msk [tilespmem:v32+s28+$0x0], $0xffff  }
0x48a: {  	v33 =	vsub.f32 v63, v49;
	v49 =	vor.u32 v3, v34;
	v32 =	vld.idx.msk [tilespmem:v32+s30+$0x0], $0xffff;
	v62 =	vadd.f32 v61, v58  }
0x48b: {  	v10 =	vmul.f32 v43, v10;
	v8 =	vsub.f32 v8, v11;
	v39 =	vadd.f32 v39, v40;
	v50 =	vld.idx.msk [tilespmem:v57+s26+$0x0], $0xffff  }
0x48c: {  	v33 =	vmul.f32 v33, v41;
	v43 =	vld.idx.msk [tilespmem:v57+s31+$0x0], $0xffff;
	v7 =	vmul.f32 v62, v7  }
0x48d: {  	v51 =	vld.idx.msk [tilespmem:v57+s0+$0x0], $0xffff;
	v8 =	vmul.f32 v8, v48;
	v10 =	vadd.f32 v10, v39;
	v63 =	vmul.f32 v60, v56  }
0x48e: {  	v39 =	vld.idx.msk [tilespmem:v57+s28+$0x0], $0xffff;
	v58 =	vmul.f32 v60, v55;
	v60 =	vmul.f32 v59, v56  }
0x48f: {  	v61 =	vmul.f32 v47, v45;
	v56 =	vld.idx.msk [tilespmem:v57+s30+$0x0], $0xffff;
	v62 =	vmul.f32 v42, v46;
	v10 =	vadd.f32 v10, v33  }
0x490: {  	v34 =	vor.u32 v3, v35;
	v41 =	vmul.f32 v59, v55;
	v40 =	vld.idx.msk [tilespmem:v49+s26+$0x0], $0xffff;
	v42 =	vmul.f32 v42, v45  }
0x491: {  	v54 =	vmul.f32 v47, v46;
	v35 =	vld.idx.msk [tilespmem:v49+s28+$0x0], $0xffff;
	v7 =	vadd.f32 v7, v10;
	v10 =	vadd.f32 v62, v61  }
0x492: {  	v48 =	vand.u32 $0x7F, v38;
	v41 =	vadd.f32 v63, v41;
	v63 =	vld.idx.msk [tilespmem:v57+s29+$0x0], $0xffff;
	v55 =	vmul.f32 v43, v50  }
0x493: {  	v38 =	vld.idx.msk [tilespmem:v49+s30+$0x0], $0xffff;
	v42 =	vsub.f32 v42, v54;
	v57 =	vmul.f32 v51, v39;
	v10 =	vmul.f32 v10, v53  }
0x494: {  	v33 =	vld.idx.msk [tilespmem:v49+s29+$0x0], $0xffff;
	v11 =	vsub.f32 v58, v60;
	v58 =	vmul.f32 v51, v50;
	v59 =	vmul.f32 v43, v39  }
0x495: {  	v43 =	vld.idx.msk [tilespmem:v49+s0+$0x0], $0xffff;
	v32 =	vmul.f32 v42, v32;
	v60 =	vadd.f32 v57, v55;
	v10 =	vadd.f32 v10, v37  }
0x496: {  	v45 =	vor.u32 v3, v36;
	v7 =	vadd.f32 v7, v8;
	v8 =	vmul.f32 v41, v44;
	v41 =	vld.idx.msk [tilespmem:v49+s31+$0x0], $0xffff  }
0x497: {  	v39 =	vld.idx.msk [tilespmem:v34+s28+$0x0], $0xffff;
	v62 =	vmul.f32 v60, v63;
	v63 =	vsub.f32 v58, v59;
	v61 =	vadd.f32 v10, v32  }
0x498: {  	v42 =	vld.idx.msk [tilespmem:v34+s31+$0x0], $0xffff;
	v7 =	vadd.f32 v8, v7;
	v8 =	vmul.f32 v11, v9  }
0x499: {  	v37 =	vld.idx.msk [tilespmem:v34+s26+$0x0], $0xffff;
	v47 =	vmul.f32 v63, v56;
	v46 =	vadd.f32 v62, v61  }
0x49a: {  	s21 =	simm.s32 $0x6;
	v36 =	vmov v45;
	v44 =	vld.idx.msk [tilespmem:v34+s0+$0x0], $0xffff;
	v32 =	vadd.f32 v7, v8  }
.LBB2_41:
0x49b: {  	p0 =	slt.u32 s21, $0x7E;
	v7 =	vld.idx.msk [tilespmem:v45+s29+$0x0], $0xffff;
	v8 =	vmul.f32 v41, v40;
	v9 =	vmul.f32 v43, v35;
	v10 =	vadd.f32 v46, v47  }
0x49c: {  	v46 =	vor.u32 v3, v48;
	v11 =	vld.idx.msk [tilespmem:v45+s26+$0x0], $0xffff  }
0x49d: {  	v8 =	vadd.f32 v9, v8;
	v9 =	vmul.f32 v43, v40;
	v40 =	vmul.f32 v41, v35;
	v47 =	vld.idx.msk [tilespmem:v34+s29+$0x0], $0xffff  }
0x49e: {  	v41 =	vadd.s32 s21, v0;
	v35 =	vld.idx.msk [tilespmem:v45+s28+$0x0], $0xffff;
	v45 =	vmul.f32 v42, v37  }
0x49f: {  	v12 =	vmul.f32 v44, v39;
	v8 =	vmul.f32 v8, v33;
	v9 =	vsub.f32 v9, v40;
	v48 =	vld.idx.msk [tilespmem:v34+s30+$0x0], $0xffff  }
0x4a0: {  	v49 =	vand.u32 $0x7F, v41;
	v44 =	vmul.f32 v44, v37;
	v42 =	vmul.f32 v42, v39;
	v34 =	vmovc v46;
	v41 =	vld.idx.msk [tilespmem:v36+s31+$0x0], $0xffff  }
0x4a1: {  	v43 =	vld.idx.msk [tilespmem:v36+s0+$0x0], $0xffff;
	v8 =	vadd.f32 v8, v10;
	v9 =	vmul.f32 v9, v38;
	v10 =	vadd.f32 v12, v45  }
.Ltmp19:
0x4a2: {  	v33 =	vmov v7;
	v45 =	vor.u32 v3, v49;
	v40 =	vmov v11;
	v37 =	vld.idx.msk [tilespmem:v46+s26+$0x0], $0xffff;
	(pc) =	sbr.rel @p0 .LBB2_41-.Ltmp19, $4  }
0x4a3: {  	v39 =	vld.idx.msk [tilespmem:v46+s28+$0x0], $0xffff;
	v7 =	vadd.f32 v8, v9;
	v8 =	vmul.f32 v10, v47;
	v9 =	vsub.f32 v44, v42  }
0x4a4: {  	s15 =	sadd.s32 $0x1, s21;
	v42 =	vld.idx.msk [tilespmem:v46+s31+$0x0], $0xffff  }
0x4a5: {  	v10 =	vadd.s32 s15, v0;
	v44 =	vld.idx.msk [tilespmem:v46+s0+$0x0], $0xffff;
	v46 =	vadd.f32 v8, v7;
	v47 =	vmul.f32 v9, v48  }
0x4a6: {  	s21 =	sadd.s32 $0x2, s21;
	v48 =	vand.u32 $0x7F, v10;
	v38 =	vld.idx.msk [tilespmem:v36+s30+$0x0], $0xffff;
	v36 =	vmov v45  }
0x4a7: {  	_ =	sdelay $0x3  }
0x4a8: {  	v7 =	vld.idx.msk [tilespmem:v45+s29+$0x0], $0xffff  }
0x4a9: {  	v8 =	vld.idx.msk [tilespmem:v45+s26+$0x0], $0xffff  }
0x4aa: {  	v10 =	vld.idx.msk [tilespmem:v34+s29+$0x0], $0xffff  }
0x4ab: {  	v9 =	vor.u32 v3, v48;
	v11 =	vld.idx.msk [tilespmem:v45+s28+$0x0], $0xffff;
	v60 =	vmul.f32 v41, v40;
	v49 =	vmul.f32 v43, v35  }
0x4ac: {  	v45 =	vld.idx.msk [tilespmem:v34+s30+$0x0], $0xffff  }
0x4ad: {  	v48 =	vld.idx.msk [tilespmem:v36+s31+$0x0], $0xffff;
	v49 =	vadd.f32 v49, v60  }
0x4ae: {  	v50 =	vld.idx.msk [tilespmem:v36+s0+$0x0], $0xffff;
	s15 =	simm.s32 $0x0  }
0x4af: {  	v52 =	vadd.s32 s15, v0;
	v33 =	vmul.f32 v49, v33;
	v49 =	vld.idx.msk [tilespmem:v36+s30+$0x0], $0xffff  }
0x4b0: {  	v34 =	vand.u32 $0x7F, v52;
	v51 =	vld.idx.msk [tilespmem:v9+s26+$0x0], $0xffff  }
0x4b1: {  	v61 =	vmul.f32 v43, v40;
	v62 =	vmul.f32 v41, v35;
	v41 =	vor.u32 v4, v34;
	v53 =	vld.idx.msk [tilespmem:v9+s28+$0x0], $0xffff  }
0x4b2: {  	s21 =	simm.s32 $0x1;
	v52 =	vld.idx.msk [tilespmem:v9+s31+$0x0], $0xffff  }
0x4b3: {  	v63 =	vadd.f32 v46, v47;
	v57 =	vadd.s32 s21, v0;
	v40 =	vsub.f32 v61, v62;
	v46 =	vld.idx.msk [tilespmem:v9+s0+$0x0], $0xffff  }
0x4b4: {  	v35 =	vand.u32 $0x7F, v57;
	v55 =	vmul.f32 v44, v39;
	v56 =	vmul.f32 v44, v37;
	v44 =	vld.idx.msk [tilespmem:v9+s29+$0x0], $0xffff  }
0x4b5: {  	v54 =	vmul.f32 v42, v37;
	v47 =	vor.u32 v4, v35;
	v9 =	vld.idx.msk [tilespmem:v9+s30+$0x0], $0xffff  }
0x4b6: {  	s21 =	simm.s32 $0x2;
	v58 =	vmul.f32 v42, v39;
	v38 =	vmul.f32 v40, v38;
	v33 =	vadd.f32 v33, v63;
	v40 =	vld.idx.msk [tilespmem:v41+s29+$0x0], $0xffff  }
0x4b7: {  	v61 =	vadd.s32 s21, v0;
	v36 =	vadd.f32 v55, v54;
	v59 =	vmul.f32 v48, v8;
	v42 =	vld.idx.msk [tilespmem:v41+s26+$0x0], $0xffff  }
0x4b8: {  	v60 =	vmul.f32 v50, v11;
	v8 =	vmul.f32 v50, v8;
	v33 =	vadd.f32 v33, v38;
	v38 =	vld.idx.msk [tilespmem:v41+s28+$0x0], $0xffff  }
0x4b9: {  	v37 =	vsub.f32 v56, v58;
	v11 =	vmul.f32 v48, v11;
	v10 =	vmul.f32 v36, v10;
	v54 =	vld.idx.msk [tilespmem:v41+s31+$0x0], $0xffff  }
0x4ba: {  	v36 =	vand.u32 $0x7F, v61;
	v39 =	vadd.f32 v60, v59;
	v55 =	vld.idx.msk [tilespmem:v47+s26+$0x0], $0xffff  }
0x4bb: {  	s21 =	simm.s32 $0x3;
	v37 =	vmul.f32 v37, v45;
	v8 =	vsub.f32 v8, v11;
	v10 =	vadd.f32 v10, v33;
	v33 =	vld.idx.msk [tilespmem:v41+s0+$0x0], $0xffff  }
0x4bc: {  	v60 =	vadd.s32 s21, v0;
	v48 =	vld.idx.msk [tilespmem:v47+s28+$0x0], $0xffff;
	v62 =	vmul.f32 v52, v51;
	v63 =	vmul.f32 v46, v53  }
0x4bd: {  	v57 =	vor.u32 v4, v36;
	v50 =	vld.idx.msk [tilespmem:v47+s31+$0x0], $0xffff;
	v7 =	vmul.f32 v39, v7;
	v8 =	vmul.f32 v8, v49  }
0x4be: {  	s21 =	simm.s32 $0x4;
	v56 =	vld.idx.msk [tilespmem:v41+s30+$0x0], $0xffff;
	v39 =	vmul.f32 v46, v51;
	v10 =	vadd.f32 v10, v37;
	v11 =	vadd.f32 v63, v62  }
0x4bf: {  	v51 =	vld.idx.msk [tilespmem:v47+s0+$0x0], $0xffff;
	v37 =	vand.u32 $0x7F, v60;
	v62 =	vmul.f32 v52, v53;
	v60 =	vadd.s32 s21, v0  }
0x4c0: {  	v49 =	vld.idx.msk [tilespmem:v47+s29+$0x0], $0xffff;
	v58 =	vmul.f32 v54, v42;
	v43 =	vor.u32 v4, v37;
	v59 =	vmul.f32 v33, v38  }
0x4c1: {  	v52 =	vld.idx.msk [tilespmem:v47+s30+$0x0], $0xffff;
	v7 =	vadd.f32 v7, v10;
	v33 =	vmul.f32 v33, v42;
	v38 =	vmul.f32 v54, v38  }
0x4c2: {  	v41 =	vld.idx.msk [tilespmem:v57+s29+$0x0], $0xffff;
	v63 =	vmul.f32 v50, v55;
	v50 =	vmul.f32 v50, v48;
	v61 =	vadd.f32 v59, v58  }
0x4c3: {  	v45 =	vld.idx.msk [tilespmem:v57+s26+$0x0], $0xffff;
	v7 =	vadd.f32 v7, v8;
	v8 =	vmul.f32 v11, v44;
	v33 =	vsub.f32 v33, v38  }
0x4c4: {  	v46 =	vld.idx.msk [tilespmem:v57+s31+$0x0], $0xffff;
	v58 =	vsub.f32 v39, v62;
	v59 =	vmul.f32 v51, v48;
	v10 =	vmul.f32 v61, v40  }
0x4c5: {  	v42 =	vld.idx.msk [tilespmem:v57+s28+$0x0], $0xffff;
	v51 =	vmul.f32 v51, v55;
	v39 =	vimm.f32 $0.0e+00;
	v38 =	vand.u32 $0x7F, v60  }
0x4c6: {  	v48 =	vld.idx.msk [tilespmem:v57+s0+$0x0], $0xffff;
	v33 =	vmul.f32 v33, v56;
	v11 =	vadd.f32 v59, v63;
	v10 =	vadd.f32 v10, v39  }
0x4c7: {  	v44 =	vld.idx.msk [tilespmem:v43+s26+$0x0], $0xffff;
	v53 =	vor.u32 v4, v38  }
0x4c8: {  	v47 =	vld.idx.msk [tilespmem:v43+s28+$0x0], $0xffff;
	v63 =	vsub.f32 v51, v50;
	v62 =	vmul.f32 v11, v49;
	v61 =	vadd.f32 v10, v33  }
0x4c9: {  	s21 =	simm.s32 $0x5;
	v7 =	vadd.f32 v8, v7;
	v8 =	vmul.f32 v58, v9;
	v51 =	vld.idx.msk [tilespmem:v43+s0+$0x0], $0xffff  }
0x4ca: {  	v40 =	vadd.s32 s21, v0;
	v49 =	vld.idx.msk [tilespmem:v43+s31+$0x0], $0xffff;
	v55 =	vmul.f32 v63, v52;
	v54 =	vadd.f32 v62, v61  }
0x4cb: {  	s21 =	simm.s32 $0x6;
	v50 =	vmov v53;
	v56 =	vand.u32 $0x7F, v40;
	v52 =	vld.idx.msk [tilespmem:v57+s30+$0x0], $0xffff;
	v33 =	vadd.f32 v7, v8  }
.LBB2_43:
0x4cc: {  	p0 =	slt.u32 s21, $0x7E;
	v7 =	vld.idx.msk [tilespmem:v53+s29+$0x0], $0xffff;
	v8 =	vmul.f32 v46, v45;
	v9 =	vmul.f32 v48, v42;
	v10 =	vadd.f32 v54, v55  }
0x4cd: {  	v54 =	vor.u32 v4, v56;
	v11 =	vld.idx.msk [tilespmem:v53+s26+$0x0], $0xffff  }
0x4ce: {  	v8 =	vadd.f32 v9, v8;
	v9 =	vmul.f32 v48, v45;
	v45 =	vmul.f32 v46, v42;
	v55 =	vld.idx.msk [tilespmem:v43+s29+$0x0], $0xffff  }
0x4cf: {  	v46 =	vadd.s32 s21, v0;
	v42 =	vld.idx.msk [tilespmem:v53+s28+$0x0], $0xffff;
	v53 =	vmul.f32 v49, v44  }
0x4d0: {  	v12 =	vmul.f32 v51, v47;
	v8 =	vmul.f32 v8, v41;
	v9 =	vsub.f32 v9, v45;
	v56 =	vld.idx.msk [tilespmem:v43+s30+$0x0], $0xffff  }
0x4d1: {  	v57 =	vand.u32 $0x7F, v46;
	v51 =	vmul.f32 v51, v44;
	v49 =	vmul.f32 v49, v47;
	v43 =	vmovc v54;
	v46 =	vld.idx.msk [tilespmem:v50+s31+$0x0], $0xffff  }
0x4d2: {  	v48 =	vld.idx.msk [tilespmem:v50+s0+$0x0], $0xffff;
	v8 =	vadd.f32 v8, v10;
	v9 =	vmul.f32 v9, v52;
	v10 =	vadd.f32 v12, v53  }
.Ltmp20:
0x4d3: {  	v41 =	vmov v7;
	v53 =	vor.u32 v4, v57;
	v45 =	vmov v11;
	v44 =	vld.idx.msk [tilespmem:v54+s26+$0x0], $0xffff;
	(pc) =	sbr.rel @p0 .LBB2_43-.Ltmp20, $4  }
0x4d4: {  	v47 =	vld.idx.msk [tilespmem:v54+s28+$0x0], $0xffff;
	v7 =	vadd.f32 v8, v9;
	v8 =	vmul.f32 v10, v55;
	v9 =	vsub.f32 v51, v49  }
0x4d5: {  	s15 =	sadd.s32 $0x1, s21;
	v49 =	vld.idx.msk [tilespmem:v54+s31+$0x0], $0xffff  }
0x4d6: {  	v10 =	vadd.s32 s15, v0;
	v51 =	vld.idx.msk [tilespmem:v54+s0+$0x0], $0xffff;
	v54 =	vadd.f32 v8, v7;
	v55 =	vmul.f32 v9, v56  }
0x4d7: {  	s21 =	sadd.s32 $0x2, s21;
	v56 =	vand.u32 $0x7F, v10;
	v52 =	vld.idx.msk [tilespmem:v50+s30+$0x0], $0xffff;
	v50 =	vmov v53  }
0x4d8: {  	_ =	sdelay $0x3  }
0x4d9: {  	v7 =	vld.idx.msk [tilespmem:v53+s29+$0x0], $0xffff  }
0x4da: {  	v8 =	vld.idx.msk [tilespmem:v53+s26+$0x0], $0xffff  }
0x4db: {  	v10 =	vld.idx.msk [tilespmem:v43+s29+$0x0], $0xffff  }
0x4dc: {  	v9 =	vor.u32 v4, v56;
	v11 =	vld.idx.msk [tilespmem:v53+s28+$0x0], $0xffff  }
0x4dd: {  	v43 =	vld.idx.msk [tilespmem:v43+s30+$0x0], $0xffff  }
0x4de: {  	v53 =	vld.idx.msk [tilespmem:v50+s31+$0x0], $0xffff  }
0x4df: {  	v56 =	vld.idx.msk [tilespmem:v50+s0+$0x0], $0xffff  }
0x4e0: {  	v50 =	vld.idx.msk [tilespmem:v50+s30+$0x0], $0xffff  }
0x4e1: {  	v57 =	vld.idx.msk [tilespmem:v9+s26+$0x0], $0xffff  }
0x4e2: {  	v34 =	vor.u32 v14, v34;
	v58 =	vld.idx.msk [tilespmem:v9+s28+$0x0], $0xffff  }
0x4e3: {  	v59 =	vmul.f32 v46, v45;
	v60 =	vmul.f32 v48, v42;
	v61 =	vld.idx.msk [tilespmem:v9+s31+$0x0], $0xffff  }
0x4e4: {  	v62 =	vld.idx.msk [tilespmem:v9+s0+$0x0], $0xffff  }
0x4e5: {  	v63 =	vmul.f32 v46, v42;
	v59 =	vadd.f32 v60, v59;
	v46 =	vld.idx.msk [tilespmem:v9+s29+$0x0], $0xffff  }
0x4e6: {  	v60 =	vmul.f32 v48, v45;
	v48 =	vadd.f32 v54, v55;
	v54 =	vmul.f32 v49, v44;
	v9 =	vld.idx.msk [tilespmem:v9+s30+$0x0], $0xffff  }
0x4e7: {  	v45 =	vmul.f32 v51, v47;
	v41 =	vmul.f32 v59, v41;
	v55 =	vld.idx.msk [tilespmem:v34+s29+$0x0], $0xffff  }
0x4e8: {  	v42 =	vsub.f32 v60, v63;
	v59 =	vor.u32 v14, v35;
	v63 =	vmul.f32 v49, v47;
	v47 =	vld.idx.msk [tilespmem:v34+s26+$0x0], $0xffff  }
0x4e9: {  	v60 =	vmul.f32 v51, v44;
	v49 =	vld.idx.msk [tilespmem:v34+s31+$0x0], $0xffff  }
0x4ea: {  	v45 =	vadd.f32 v45, v54;
	v44 =	vld.idx.msk [tilespmem:v34+s0+$0x0], $0xffff;
	v41 =	vadd.f32 v41, v48;
	v42 =	vmul.f32 v42, v52  }
0x4eb: {  	v48 =	vld.idx.msk [tilespmem:v34+s28+$0x0], $0xffff;
	v35 =	vsub.f32 v60, v63;
	v60 =	vmul.f32 v53, v8;
	v63 =	vmul.f32 v56, v11  }
0x4ec: {  	v51 =	vor.u32 v14, v36;
	v8 =	vmul.f32 v56, v8;
	v34 =	vld.idx.msk [tilespmem:v34+s30+$0x0], $0xffff  }
0x4ed: {  	v10 =	vmul.f32 v45, v10;
	v41 =	vadd.f32 v41, v42;
	v60 =	vadd.f32 v63, v60;
	v52 =	vld.idx.msk [tilespmem:v59+s26+$0x0], $0xffff  }
0x4ee: {  	v11 =	vmul.f32 v53, v11;
	v35 =	vmul.f32 v35, v43;
	v45 =	vld.idx.msk [tilespmem:v59+s31+$0x0], $0xffff  }
0x4ef: {  	v53 =	vld.idx.msk [tilespmem:v59+s0+$0x0], $0xffff;
	v10 =	vadd.f32 v10, v41;
	v43 =	vmul.f32 v61, v57;
	v7 =	vmul.f32 v60, v7  }
0x4f0: {  	v36 =	vor.u32 v14, v37;
	v41 =	vld.idx.msk [tilespmem:v59+s28+$0x0], $0xffff;
	v63 =	vmul.f32 v62, v58;
	v54 =	vmul.f32 v61, v58  }
0x4f1: {  	v42 =	vld.idx.msk [tilespmem:v51+s26+$0x0], $0xffff;
	v60 =	vmul.f32 v49, v47;
	v61 =	vmul.f32 v44, v48;
	v10 =	vadd.f32 v10, v35  }
0x4f2: {  	v8 =	vsub.f32 v8, v11;
	v37 =	vld.idx.msk [tilespmem:v51+s28+$0x0], $0xffff;
	v11 =	vmul.f32 v62, v57;
	v44 =	vmul.f32 v44, v47  }
0x4f3: {  	v56 =	vld.idx.msk [tilespmem:v59+s30+$0x0], $0xffff;
	v62 =	vmul.f32 v49, v48;
	v7 =	vadd.f32 v7, v10;
	v10 =	vadd.f32 v61, v60  }
0x4f4: {  	v8 =	vmul.f32 v8, v50;
	v50 =	vld.idx.msk [tilespmem:v59+s29+$0x0], $0xffff;
	v43 =	vadd.f32 v63, v43;
	v63 =	vmul.f32 v45, v52  }
0x4f5: {  	v35 =	vld.idx.msk [tilespmem:v51+s29+$0x0], $0xffff;
	v44 =	vsub.f32 v44, v62;
	v57 =	vmul.f32 v53, v41;
	v10 =	vmul.f32 v10, v55  }
0x4f6: {  	v47 =	vor.u32 v14, v38;
	v58 =	vmul.f32 v53, v52;
	v59 =	vmul.f32 v45, v41;
	v45 =	vld.idx.msk [tilespmem:v51+s0+$0x0], $0xffff  }
0x4f7: {  	v34 =	vmul.f32 v44, v34;
	v41 =	vld.idx.msk [tilespmem:v36+s28+$0x0], $0xffff;
	v60 =	vadd.f32 v57, v63;
	v10 =	vadd.f32 v10, v39  }
0x4f8: {  	v11 =	vsub.f32 v11, v54;
	v7 =	vadd.f32 v7, v8;
	v8 =	vmul.f32 v43, v46;
	v43 =	vld.idx.msk [tilespmem:v51+s31+$0x0], $0xffff  }
0x4f9: {  	v44 =	vld.idx.msk [tilespmem:v36+s31+$0x0], $0xffff;
	v63 =	vsub.f32 v58, v59;
	v62 =	vmul.f32 v60, v50;
	v61 =	vadd.f32 v10, v34  }
0x4fa: {  	v46 =	vld.idx.msk [tilespmem:v36+s0+$0x0], $0xffff;
	v7 =	vadd.f32 v8, v7;
	v8 =	vmul.f32 v11, v9  }
0x4fb: {  	v39 =	vld.idx.msk [tilespmem:v36+s26+$0x0], $0xffff;
	v49 =	vmul.f32 v63, v56;
	v48 =	vadd.f32 v62, v61  }
0x4fc: {  	s21 =	simm.s32 $0x6;
	v38 =	vmov v47;
	v50 =	vand.u32 $0x7F, v40;
	v40 =	vld.idx.msk [tilespmem:v51+s30+$0x0], $0xffff;
	v34 =	vadd.f32 v7, v8  }
.LBB2_45:
0x4fd: {  	p0 =	slt.u32 s21, $0x7E;
	v7 =	vld.idx.msk [tilespmem:v47+s29+$0x0], $0xffff;
	v8 =	vmul.f32 v43, v42;
	v9 =	vmul.f32 v45, v37;
	v10 =	vadd.f32 v48, v49  }
0x4fe: {  	v48 =	vor.u32 v14, v50;
	v11 =	vld.idx.msk [tilespmem:v47+s26+$0x0], $0xffff  }
0x4ff: {  	v8 =	vadd.f32 v9, v8;
	v9 =	vmul.f32 v45, v42;
	v42 =	vmul.f32 v43, v37;
	v49 =	vld.idx.msk [tilespmem:v36+s29+$0x0], $0xffff  }
0x500: {  	v43 =	vadd.s32 s21, v0;
	v37 =	vld.idx.msk [tilespmem:v47+s28+$0x0], $0xffff;
	v47 =	vmul.f32 v44, v39  }
0x501: {  	v12 =	vmul.f32 v46, v41;
	v8 =	vmul.f32 v8, v35;
	v9 =	vsub.f32 v9, v42;
	v50 =	vld.idx.msk [tilespmem:v36+s30+$0x0], $0xffff  }
0x502: {  	v51 =	vand.u32 $0x7F, v43;
	v46 =	vmul.f32 v46, v39;
	v44 =	vmul.f32 v44, v41;
	v36 =	vmovc v48;
	v43 =	vld.idx.msk [tilespmem:v38+s31+$0x0], $0xffff  }
0x503: {  	v45 =	vld.idx.msk [tilespmem:v38+s0+$0x0], $0xffff;
	v8 =	vadd.f32 v8, v10;
	v9 =	vmul.f32 v9, v40;
	v10 =	vadd.f32 v12, v47  }
.Ltmp21:
0x504: {  	v35 =	vmov v7;
	v47 =	vor.u32 v14, v51;
	v42 =	vmov v11;
	v39 =	vld.idx.msk [tilespmem:v48+s26+$0x0], $0xffff;
	(pc) =	sbr.rel @p0 .LBB2_45-.Ltmp21, $4  }
0x505: {  	v41 =	vld.idx.msk [tilespmem:v48+s28+$0x0], $0xffff;
	v7 =	vadd.f32 v8, v9;
	v8 =	vmul.f32 v10, v49;
	v9 =	vsub.f32 v46, v44  }
0x506: {  	s15 =	sadd.s32 $0x1, s21;
	v44 =	vld.idx.msk [tilespmem:v48+s31+$0x0], $0xffff  }
0x507: {  	v10 =	vadd.s32 s15, v0;
	v46 =	vld.idx.msk [tilespmem:v48+s0+$0x0], $0xffff;
	v48 =	vadd.f32 v8, v7;
	v49 =	vmul.f32 v9, v50  }
0x508: {  	s21 =	sadd.s32 $0x2, s21;
	v50 =	vand.u32 $0x7F, v10;
	v40 =	vld.idx.msk [tilespmem:v38+s30+$0x0], $0xffff;
	v38 =	vmov v47  }
0x509: {  	_ =	sdelay $0x3  }
0x50a: {  	v7 =	vld.idx.msk [tilespmem:v47+s29+$0x0], $0xffff  }
0x50b: {  	v8 =	vld.idx.msk [tilespmem:v47+s26+$0x0], $0xffff  }
0x50c: {  	v10 =	vld.idx.msk [tilespmem:v36+s29+$0x0], $0xffff  }
0x50d: {  	v9 =	vor.u32 v14, v50;
	v11 =	vld.idx.msk [tilespmem:v47+s28+$0x0], $0xffff;
	v61 =	vmul.f32 v43, v42;
	v51 =	vmul.f32 v45, v37  }
0x50e: {  	v47 =	vld.idx.msk [tilespmem:v36+s30+$0x0], $0xffff  }
0x50f: {  	v50 =	vld.idx.msk [tilespmem:v38+s31+$0x0], $0xffff;
	v51 =	vadd.f32 v51, v61  }
0x510: {  	v52 =	vld.idx.msk [tilespmem:v38+s0+$0x0], $0xffff;
	s15 =	simm.s32 $0x0  }
0x511: {  	v54 =	vadd.s32 s15, v0;
	v35 =	vmul.f32 v51, v35;
	v51 =	vld.idx.msk [tilespmem:v38+s30+$0x0], $0xffff  }
0x512: {  	v36 =	vand.u32 $0x7F, v54;
	v53 =	vld.idx.msk [tilespmem:v9+s26+$0x0], $0xffff  }
0x513: {  	v62 =	vmul.f32 v45, v42;
	v63 =	vmul.f32 v43, v37;
	s21 =	simm.s32 $0x1;
	v43 =	vor.u32 v17, v36;
	v55 =	vld.idx.msk [tilespmem:v9+s28+$0x0], $0xffff  }
0x514: {  	v56 =	vadd.f32 v48, v49;
	v60 =	vadd.s32 s21, v0;
	v54 =	vld.idx.msk [tilespmem:v9+s31+$0x0], $0xffff  }
0x515: {  	v57 =	vmul.f32 v44, v39;
	v42 =	vsub.f32 v62, v63;
	v37 =	vand.u32 $0x7F, v60;
	v48 =	vld.idx.msk [tilespmem:v9+s0+$0x0], $0xffff  }
0x516: {  	v58 =	vmul.f32 v46, v41;
	v59 =	vmul.f32 v46, v39;
	v49 =	vor.u32 v17, v37;
	v46 =	vld.idx.msk [tilespmem:v9+s29+$0x0], $0xffff  }
0x517: {  	v40 =	vmul.f32 v42, v40;
	v9 =	vld.idx.msk [tilespmem:v9+s30+$0x0], $0xffff;
	v35 =	vadd.f32 v35, v56  }
0x518: {  	v61 =	vmul.f32 v44, v41;
	v38 =	vadd.f32 v58, v57;
	v44 =	vld.idx.msk [tilespmem:v43+s26+$0x0], $0xffff  }
0x519: {  	v62 =	vmul.f32 v50, v8;
	v63 =	vmul.f32 v52, v11;
	v35 =	vadd.f32 v35, v40;
	v40 =	vld.idx.msk [tilespmem:v43+s28+$0x0], $0xffff  }
0x51a: {  	v39 =	vsub.f32 v59, v61;
	v8 =	vmul.f32 v52, v8;
	v56 =	vld.idx.msk [tilespmem:v43+s31+$0x0], $0xffff  }
0x51b: {  	s21 =	simm.s32 $0x2;
	v11 =	vmul.f32 v50, v11;
	v10 =	vmul.f32 v38, v10;
	v41 =	vadd.f32 v63, v62;
	v57 =	vld.idx.msk [tilespmem:v49+s26+$0x0], $0xffff  }
0x51c: {  	v60 =	vadd.s32 s21, v0;
	v39 =	vmul.f32 v39, v47;
	v52 =	vld.idx.msk [tilespmem:v49+s31+$0x0], $0xffff  }
0x51d: {  	v8 =	vsub.f32 v8, v11;
	v7 =	vmul.f32 v41, v7;
	v10 =	vadd.f32 v10, v35;
	v35 =	vld.idx.msk [tilespmem:v43+s0+$0x0], $0xffff  }
0x51e: {  	v38 =	vand.u32 $0x7F, v60;
	v50 =	vld.idx.msk [tilespmem:v49+s28+$0x0], $0xffff;
	v61 =	vmul.f32 v54, v53;
	v62 =	vmul.f32 v48, v55  }
0x51f: {  	s21 =	simm.s32 $0x3;
	v59 =	vor.u32 v17, v38;
	v8 =	vmul.f32 v8, v51;
	v41 =	vmul.f32 v48, v53;
	v53 =	vld.idx.msk [tilespmem:v49+s0+$0x0], $0xffff  }
0x520: {  	v42 =	vld.idx.msk [tilespmem:v43+s29+$0x0], $0xffff;
	v51 =	vadd.s32 s21, v0;
	v10 =	vadd.f32 v10, v39;
	v11 =	vadd.f32 v62, v61  }
0x521: {  	v58 =	vld.idx.msk [tilespmem:v43+s30+$0x0], $0xffff;
	v39 =	vand.u32 $0x7F, v51;
	v61 =	vmul.f32 v54, v55;
	v63 =	vmul.f32 v56, v44  }
0x522: {  	v51 =	vld.idx.msk [tilespmem:v49+s29+$0x0], $0xffff;
	v45 =	vor.u32 v17, v39;
	v62 =	vmul.f32 v52, v57;
	v48 =	vmul.f32 v35, v40  }
0x523: {  	v54 =	vld.idx.msk [tilespmem:v49+s30+$0x0], $0xffff;
	v52 =	vmul.f32 v52, v50;
	v7 =	vadd.f32 v7, v10;
	v35 =	vmul.f32 v35, v44  }
0x524: {  	v43 =	vld.idx.msk [tilespmem:v59+s29+$0x0], $0xffff;
	v40 =	vmul.f32 v56, v40;
	v56 =	vmul.f32 v53, v50;
	v60 =	vadd.f32 v48, v63  }
0x525: {  	v47 =	vld.idx.msk [tilespmem:v59+s26+$0x0], $0xffff;
	v53 =	vmul.f32 v53, v57;
	v7 =	vadd.f32 v7, v8;
	v8 =	vmul.f32 v11, v46  }
0x526: {  	s21 =	simm.s32 $0x4;
	v44 =	vld.idx.msk [tilespmem:v59+s28+$0x0], $0xffff;
	v35 =	vsub.f32 v35, v40;
	v63 =	vsub.f32 v41, v61;
	v10 =	vmul.f32 v60, v42  }
0x527: {  	v50 =	vld.idx.msk [tilespmem:v59+s0+$0x0], $0xffff;
	v41 =	vimm.f32 $0.0e+00;
	v11 =	vadd.f32 v56, v62;
	v60 =	vadd.s32 s21, v0  }
0x528: {  	v48 =	vld.idx.msk [tilespmem:v59+s31+$0x0], $0xffff;
	v35 =	vmul.f32 v35, v58;
	v40 =	vand.u32 $0x7F, v60;
	v10 =	vadd.f32 v10, v41  }
0x529: {  	v46 =	vld.idx.msk [tilespmem:v45+s26+$0x0], $0xffff;
	v7 =	vadd.f32 v8, v7;
	v8 =	vmul.f32 v63, v9;
	v55 =	vor.u32 v17, v40  }
0x52a: {  	v49 =	vld.idx.msk [tilespmem:v45+s28+$0x0], $0xffff;
	v62 =	vmul.f32 v11, v51;
	v63 =	vsub.f32 v53, v52;
	v61 =	vadd.f32 v10, v35  }
0x52b: {  	s21 =	simm.s32 $0x5;
	v51 =	vld.idx.msk [tilespmem:v45+s31+$0x0], $0xffff  }
0x52c: {  	v53 =	vld.idx.msk [tilespmem:v45+s0+$0x0], $0xffff;
	v42 =	vadd.s32 s21, v0;
	v57 =	vmul.f32 v63, v54;
	v56 =	vadd.f32 v62, v61  }
0x52d: {  	s21 =	simm.s32 $0x6;
	v58 =	vand.u32 $0x7F, v42;
	v54 =	vld.idx.msk [tilespmem:v59+s30+$0x0], $0xffff;
	v52 =	vmov v55;
	v35 =	vadd.f32 v7, v8  }
.LBB2_47:
0x52e: {  	p0 =	slt.u32 s21, $0x7E;
	v7 =	vld.idx.msk [tilespmem:v55+s29+$0x0], $0xffff;
	v8 =	vmul.f32 v48, v47;
	v9 =	vmul.f32 v50, v44;
	v10 =	vadd.f32 v56, v57  }
0x52f: {  	v56 =	vor.u32 v17, v58;
	v11 =	vld.idx.msk [tilespmem:v55+s26+$0x0], $0xffff  }
0x530: {  	v8 =	vadd.f32 v9, v8;
	v9 =	vmul.f32 v50, v47;
	v47 =	vmul.f32 v48, v44;
	v57 =	vld.idx.msk [tilespmem:v45+s29+$0x0], $0xffff  }
0x531: {  	v48 =	vadd.s32 s21, v0;
	v44 =	vld.idx.msk [tilespmem:v55+s28+$0x0], $0xffff;
	v55 =	vmul.f32 v51, v46  }
0x532: {  	v12 =	vmul.f32 v53, v49;
	v8 =	vmul.f32 v8, v43;
	v9 =	vsub.f32 v9, v47;
	v58 =	vld.idx.msk [tilespmem:v45+s30+$0x0], $0xffff  }
0x533: {  	v59 =	vand.u32 $0x7F, v48;
	v53 =	vmul.f32 v53, v46;
	v51 =	vmul.f32 v51, v49;
	v45 =	vmovc v56;
	v48 =	vld.idx.msk [tilespmem:v52+s31+$0x0], $0xffff  }
0x534: {  	v50 =	vld.idx.msk [tilespmem:v52+s0+$0x0], $0xffff;
	v8 =	vadd.f32 v8, v10;
	v9 =	vmul.f32 v9, v54;
	v10 =	vadd.f32 v12, v55  }
.Ltmp22:
0x535: {  	v43 =	vmov v7;
	v55 =	vor.u32 v17, v59;
	v47 =	vmov v11;
	v46 =	vld.idx.msk [tilespmem:v56+s26+$0x0], $0xffff;
	(pc) =	sbr.rel @p0 .LBB2_47-.Ltmp22, $4  }
0x536: {  	v49 =	vld.idx.msk [tilespmem:v56+s28+$0x0], $0xffff;
	v7 =	vadd.f32 v8, v9;
	v8 =	vmul.f32 v10, v57;
	v9 =	vsub.f32 v53, v51  }
0x537: {  	s15 =	sadd.s32 $0x1, s21;
	v51 =	vld.idx.msk [tilespmem:v56+s31+$0x0], $0xffff  }
0x538: {  	v10 =	vadd.s32 s15, v0;
	v53 =	vld.idx.msk [tilespmem:v56+s0+$0x0], $0xffff;
	v56 =	vadd.f32 v8, v7;
	v57 =	vmul.f32 v9, v58  }
0x539: {  	s21 =	sadd.s32 $0x2, s21;
	v58 =	vand.u32 $0x7F, v10;
	v54 =	vld.idx.msk [tilespmem:v52+s30+$0x0], $0xffff;
	v52 =	vmov v55  }
0x53a: {  	_ =	sdelay $0x3  }
0x53b: {  	v7 =	vld.idx.msk [tilespmem:v55+s29+$0x0], $0xffff  }
0x53c: {  	v8 =	vld.idx.msk [tilespmem:v55+s26+$0x0], $0xffff  }
0x53d: {  	v10 =	vld.idx.msk [tilespmem:v45+s29+$0x0], $0xffff  }
0x53e: {  	v9 =	vor.u32 v17, v58;
	v11 =	vld.idx.msk [tilespmem:v55+s28+$0x0], $0xffff  }
0x53f: {  	v45 =	vld.idx.msk [tilespmem:v45+s30+$0x0], $0xffff  }
0x540: {  	v55 =	vld.idx.msk [tilespmem:v52+s31+$0x0], $0xffff  }
0x541: {  	v58 =	vld.idx.msk [tilespmem:v52+s0+$0x0], $0xffff  }
0x542: {  	v52 =	vld.idx.msk [tilespmem:v52+s30+$0x0], $0xffff  }
0x543: {  	v59 =	vld.idx.msk [tilespmem:v9+s26+$0x0], $0xffff  }
0x544: {  	v36 =	vor.u32 v21, v36;
	v60 =	vld.idx.msk [tilespmem:v9+s28+$0x0], $0xffff  }
0x545: {  	v61 =	vmul.f32 v48, v47;
	v62 =	vmul.f32 v50, v44;
	v63 =	vld.idx.msk [tilespmem:v9+s31+$0x0], $0xffff  }
0x546: {  	v12 =	vld.idx.msk [tilespmem:v9+s0+$0x0], $0xffff  }
0x547: {  	v47 =	vmul.f32 v50, v47;
	v61 =	vadd.f32 v62, v61;
	v62 =	vmul.f32 v48, v44;
	v48 =	vld.idx.msk [tilespmem:v9+s29+$0x0], $0xffff  }
0x548: {  	v50 =	vadd.f32 v56, v57;
	v56 =	vmul.f32 v51, v46;
	v9 =	vld.idx.msk [tilespmem:v9+s30+$0x0], $0xffff  }
0x549: {  	v43 =	vmul.f32 v61, v43;
	v44 =	vsub.f32 v47, v62;
	v47 =	vmul.f32 v53, v49;
	v57 =	vld.idx.msk [tilespmem:v36+s29+$0x0], $0xffff  }
0x54a: {  	v61 =	vor.u32 v21, v37;
	v37 =	vmul.f32 v53, v46;
	v62 =	vmul.f32 v51, v49;
	v49 =	vld.idx.msk [tilespmem:v36+s26+$0x0], $0xffff  }
0x54b: {  	v51 =	vld.idx.msk [tilespmem:v36+s31+$0x0], $0xffff;
	v43 =	vadd.f32 v43, v50;
	v44 =	vmul.f32 v44, v54;
	v47 =	vadd.f32 v47, v56  }
0x54c: {  	v46 =	vld.idx.msk [tilespmem:v36+s0+$0x0], $0xffff;
	v37 =	vsub.f32 v37, v62  }
0x54d: {  	v50 =	vld.idx.msk [tilespmem:v36+s28+$0x0], $0xffff;
	v62 =	vmul.f32 v58, v11;
	v43 =	vadd.f32 v43, v44;
	v10 =	vmul.f32 v47, v10  }
0x54e: {  	v53 =	vor.u32 v21, v38;
	v11 =	vmul.f32 v55, v11;
	v36 =	vld.idx.msk [tilespmem:v36+s30+$0x0], $0xffff;
	v44 =	vmul.f32 v55, v8  }
0x54f: {  	v37 =	vmul.f32 v37, v45;
	v8 =	vmul.f32 v58, v8;
	v54 =	vld.idx.msk [tilespmem:v61+s26+$0x0], $0xffff;
	v10 =	vadd.f32 v10, v43  }
0x550: {  	v56 =	vld.idx.msk [tilespmem:v61+s28+$0x0], $0xffff;
	v62 =	vadd.f32 v62, v44;
	v43 =	vmul.f32 v63, v59;
	v58 =	vmul.f32 v12, v60  }
0x551: {  	v55 =	vld.idx.msk [tilespmem:v61+s0+$0x0], $0xffff;
	v8 =	vsub.f32 v8, v11;
	v11 =	vmul.f32 v12, v59;
	v12 =	vmul.f32 v63, v60  }
0x552: {  	v47 =	vld.idx.msk [tilespmem:v61+s31+$0x0], $0xffff;
	v60 =	vmul.f32 v51, v49;
	v10 =	vadd.f32 v10, v37;
	v7 =	vmul.f32 v62, v7  }
0x553: {  	v38 =	vld.idx.msk [tilespmem:v53+s28+$0x0], $0xffff;
	v62 =	vmul.f32 v46, v50;
	v8 =	vmul.f32 v8, v52;
	v63 =	vadd.f32 v58, v43  }
0x554: {  	v45 =	vld.idx.msk [tilespmem:v53+s31+$0x0], $0xffff;
	v43 =	vor.u32 v21, v39;
	v11 =	vsub.f32 v11, v12;
	v7 =	vadd.f32 v7, v10  }
0x555: {  	v44 =	vld.idx.msk [tilespmem:v53+s26+$0x0], $0xffff;
	v10 =	vadd.f32 v62, v60;
	v60 =	vmul.f32 v46, v49;
	v62 =	vmul.f32 v51, v50  }
0x556: {  	v58 =	vld.idx.msk [tilespmem:v61+s29+$0x0], $0xffff;
	v59 =	vmul.f32 v55, v56;
	v7 =	vadd.f32 v7, v8;
	v8 =	vmul.f32 v63, v48  }
0x557: {  	v37 =	vld.idx.msk [tilespmem:v53+s29+$0x0], $0xffff;
	v63 =	vmul.f32 v47, v54;
	v10 =	vmul.f32 v10, v57;
	v39 =	vsub.f32 v60, v62  }
0x558: {  	v52 =	vand.u32 $0x7F, v42;
	v51 =	vld.idx.msk [tilespmem:v61+s30+$0x0], $0xffff;
	v12 =	vmul.f32 v55, v54;
	v60 =	vmul.f32 v47, v56  }
0x559: {  	v42 =	vld.idx.msk [tilespmem:v53+s30+$0x0], $0xffff;
	v10 =	vadd.f32 v10, v41;
	v36 =	vmul.f32 v39, v36;
	v46 =	vadd.f32 v59, v63  }
0x55a: {  	v49 =	vor.u32 v21, v40;
	v47 =	vld.idx.msk [tilespmem:v53+s0+$0x0], $0xffff  }
0x55b: {  	v48 =	vld.idx.msk [tilespmem:v43+s0+$0x0], $0xffff;
	v63 =	vsub.f32 v12, v60;
	v61 =	vadd.f32 v10, v36;
	v62 =	vmul.f32 v46, v58  }
0x55c: {  	v39 =	vld.idx.msk [tilespmem:v43+s26+$0x0], $0xffff;
	v7 =	vadd.f32 v8, v7;
	v8 =	vmul.f32 v11, v9  }
0x55d: {  	v46 =	vld.idx.msk [tilespmem:v43+s31+$0x0], $0xffff;
	v51 =	vmul.f32 v63, v51;
	v50 =	vadd.f32 v62, v61  }
0x55e: {  	s21 =	simm.s32 $0x6;
	v40 =	vmov v49;
	v41 =	vld.idx.msk [tilespmem:v43+s28+$0x0], $0xffff;
	v36 =	vadd.f32 v7, v8  }
.LBB2_49:
0x55f: {  	p0 =	slt.u32 s21, $0x7E;
	v7 =	vld.idx.msk [tilespmem:v49+s29+$0x0], $0xffff;
	v8 =	vmul.f32 v45, v44;
	v9 =	vmul.f32 v47, v38;
	v10 =	vadd.f32 v50, v51  }
0x560: {  	v12 =	vor.u32 v21, v52;
	v11 =	vld.idx.msk [tilespmem:v49+s26+$0x0], $0xffff  }
0x561: {  	v8 =	vadd.f32 v9, v8;
	v9 =	vmul.f32 v47, v44;
	v44 =	vmul.f32 v45, v38;
	v50 =	vld.idx.msk [tilespmem:v43+s29+$0x0], $0xffff  }
0x562: {  	v45 =	vadd.s32 s21, v0;
	v38 =	vld.idx.msk [tilespmem:v49+s28+$0x0], $0xffff;
	v49 =	vmul.f32 v46, v39  }
0x563: {  	v52 =	vmul.f32 v48, v41;
	v8 =	vmul.f32 v8, v37;
	v9 =	vsub.f32 v9, v44;
	v51 =	vld.idx.msk [tilespmem:v43+s30+$0x0], $0xffff  }
0x564: {  	v53 =	vand.u32 $0x7F, v45;
	v48 =	vmul.f32 v48, v39;
	v46 =	vmul.f32 v46, v41;
	v43 =	vmovc v12;
	v45 =	vld.idx.msk [tilespmem:v40+s31+$0x0], $0xffff  }
0x565: {  	v47 =	vld.idx.msk [tilespmem:v40+s0+$0x0], $0xffff;
	v8 =	vadd.f32 v8, v10;
	v9 =	vmul.f32 v9, v42;
	v10 =	vadd.f32 v52, v49  }
.Ltmp23:
0x566: {  	v37 =	vmov v7;
	v49 =	vor.u32 v21, v53;
	v44 =	vmov v11;
	v39 =	vld.idx.msk [tilespmem:v12+s26+$0x0], $0xffff;
	(pc) =	sbr.rel @p0 .LBB2_49-.Ltmp23, $4  }
0x567: {  	v41 =	vld.idx.msk [tilespmem:v12+s28+$0x0], $0xffff;
	v7 =	vadd.f32 v8, v9;
	v8 =	vmul.f32 v10, v50;
	v9 =	vsub.f32 v48, v46  }
0x568: {  	s15 =	sadd.s32 $0x1, s21;
	v46 =	vld.idx.msk [tilespmem:v12+s31+$0x0], $0xffff  }
0x569: {  	v10 =	vadd.s32 s15, v0;
	v48 =	vld.idx.msk [tilespmem:v12+s0+$0x0], $0xffff;
	v50 =	vadd.f32 v8, v7;
	v51 =	vmul.f32 v9, v51  }
0x56a: {  	s21 =	sadd.s32 $0x2, s21;
	v52 =	vand.u32 $0x7F, v10;
	v42 =	vld.idx.msk [tilespmem:v40+s30+$0x0], $0xffff;
	v40 =	vmov v49  }
0x56b: {  	_ =	sdelay $0x3  }
0x56c: {  	v7 =	vld.idx.msk [tilespmem:v49+s29+$0x0], $0xffff  }
0x56d: {  	v8 =	vld.idx.msk [tilespmem:v49+s26+$0x0], $0xffff  }
0x56e: {  	v10 =	vld.idx.msk [tilespmem:v43+s29+$0x0], $0xffff  }
0x56f: {  	v9 =	vor.u32 v21, v52;
	v11 =	vld.idx.msk [tilespmem:v49+s28+$0x0], $0xffff  }
0x570: {  	v12 =	vld.idx.msk [tilespmem:v43+s30+$0x0], $0xffff  }
0x571: {  	v43 =	vld.idx.msk [tilespmem:v40+s31+$0x0], $0xffff  }
0x572: {  	v49 =	vld.idx.msk [tilespmem:v40+s0+$0x0], $0xffff;
	s15 =	simm.s32 $0x0  }
0x573: {  	v40 =	vld.idx.msk [tilespmem:v40+s30+$0x0], $0xffff;
	v53 =	vadd.s32 s15, v0  }
0x574: {  	v54 =	vmul.f32 v45, v44;
	v55 =	vmul.f32 v47, v38;
	v53 =	vand.u32 $0x7F, v53;
	v52 =	vld.idx.msk [tilespmem:v9+s26+$0x0], $0xffff  }
0x575: {  	v53 =	vor.u32 v24, v53;
	v56 =	vld.idx.msk [tilespmem:v9+s28+$0x0], $0xffff  }
0x576: {  	v63 =	vmul.f32 v47, v44;
	s21 =	simm.s32 $0x1;
	v54 =	vadd.f32 v55, v54;
	v55 =	vmul.f32 v45, v38;
	v57 =	vld.idx.msk [tilespmem:v9+s31+$0x0], $0xffff  }
0x577: {  	v58 =	vadd.f32 v50, v51;
	v59 =	vadd.s32 s21, v0;
	v60 =	vmul.f32 v46, v39;
	v45 =	vld.idx.msk [tilespmem:v9+s0+$0x0], $0xffff  }
0x578: {  	v50 =	vand.u32 $0x7F, v59;
	v37 =	vmul.f32 v54, v37;
	v38 =	vsub.f32 v63, v55;
	v44 =	vld.idx.msk [tilespmem:v9+s29+$0x0], $0xffff  }
0x579: {  	v61 =	vmul.f32 v48, v41;
	v47 =	vor.u32 v24, v50;
	v62 =	vmul.f32 v48, v39;
	v9 =	vld.idx.msk [tilespmem:v9+s30+$0x0], $0xffff  }
0x57a: {  	v63 =	vmul.f32 v46, v41;
	v37 =	vadd.f32 v37, v58;
	v38 =	vmul.f32 v38, v42;
	v42 =	vld.idx.msk [tilespmem:v53+s29+$0x0], $0xffff  }
0x57b: {  	v55 =	vadd.f32 v61, v60;
	v59 =	vmul.f32 v43, v8;
	v60 =	vmul.f32 v49, v11;
	v48 =	vld.idx.msk [tilespmem:v53+s26+$0x0], $0xffff  }
0x57c: {  	s21 =	simm.s32 $0x2;
	v8 =	vmul.f32 v49, v8;
	v11 =	vmul.f32 v43, v11;
	v37 =	vadd.f32 v37, v38;
	v38 =	vld.idx.msk [tilespmem:v53+s28+$0x0], $0xffff  }
0x57d: {  	v39 =	vsub.f32 v62, v63;
	v58 =	vadd.s32 s21, v0;
	v61 =	vadd.f32 v60, v59;
	v46 =	vld.idx.msk [tilespmem:v53+s31+$0x0], $0xffff  }
0x57e: {  	s21 =	simm.s32 $0x3;
	v10 =	vmul.f32 v55, v10;
	v41 =	vand.u32 $0x7F, v58;
	v8 =	vsub.f32 v8, v11;
	v54 =	vld.idx.msk [tilespmem:v53+s0+$0x0], $0xffff  }
0x57f: {  	v59 =	vadd.s32 s21, v0;
	v12 =	vmul.f32 v39, v12;
	v55 =	vld.idx.msk [tilespmem:v47+s26+$0x0], $0xffff;
	v7 =	vmul.f32 v61, v7  }
0x580: {  	v43 =	vld.idx.msk [tilespmem:v47+s28+$0x0], $0xffff;
	v10 =	vadd.f32 v10, v37;
	v62 =	vmul.f32 v57, v52;
	v63 =	vmul.f32 v45, v56  }
0x581: {  	v41 =	vor.u32 v24, v41;
	v50 =	vld.idx.msk [tilespmem:v47+s31+$0x0], $0xffff;
	v8 =	vmul.f32 v8, v40;
	v51 =	vmul.f32 v57, v56  }
0x582: {  	v11 =	vld.idx.msk [tilespmem:v47+s0+$0x0], $0xffff;
	v10 =	vadd.f32 v10, v12;
	v12 =	vmul.f32 v45, v52;
	v58 =	vadd.f32 v63, v62  }
0x583: {  	v49 =	vld.idx.msk [tilespmem:v53+s30+$0x0], $0xffff;
	v62 =	vand.u32 $0x7F, v59;
	v60 =	vmul.f32 v46, v48;
	v61 =	vmul.f32 v54, v38  }
0x584: {  	s21 =	simm.s32 $0x4;
	v57 =	vld.idx.msk [tilespmem:v47+s29+$0x0], $0xffff;
	v37 =	vor.u32 v24, v62;
	v38 =	vmul.f32 v46, v38;
	v7 =	vadd.f32 v7, v10  }
0x585: {  	v59 =	vld.idx.msk [tilespmem:v47+s30+$0x0], $0xffff;
	v62 =	vadd.s32 s21, v0;
	v56 =	vmul.f32 v58, v44;
	v12 =	vsub.f32 v12, v51  }
0x586: {  	v39 =	vld.idx.msk [tilespmem:v41+s29+$0x0], $0xffff;
	v63 =	vadd.f32 v61, v60;
	v7 =	vadd.f32 v7, v8;
	v8 =	vmul.f32 v54, v48  }
0x587: {  	v45 =	vld.idx.msk [tilespmem:v41+s26+$0x0], $0xffff;
	v58 =	vimm.f32 $0.0e+00;
	v60 =	vmul.f32 v50, v55;
	v61 =	vmul.f32 v11, v43  }
0x588: {  	v40 =	vld.idx.msk [tilespmem:v41+s28+$0x0], $0xffff;
	v11 =	vmul.f32 v11, v55;
	v10 =	vmul.f32 v63, v42;
	v8 =	vsub.f32 v8, v38  }
0x589: {  	v47 =	vld.idx.msk [tilespmem:v41+s0+$0x0], $0xffff;
	v50 =	vmul.f32 v50, v43;
	v9 =	vmul.f32 v12, v9;
	v12 =	vand.u32 $0x7F, v62  }
0x58a: {  	v44 =	vld.idx.msk [tilespmem:v41+s31+$0x0], $0xffff;
	v38 =	vadd.f32 v61, v60;
	v10 =	vadd.f32 v10, v58;
	v8 =	vmul.f32 v8, v49  }
0x58b: {  	v48 =	vld.idx.msk [tilespmem:v41+s30+$0x0], $0xffff;
	v11 =	vsub.f32 v11, v50;
	v50 =	vor.u32 v24, v12  }
0x58c: {  	v42 =	vld.idx.msk [tilespmem:v37+s26+$0x0], $0xffff;
	v7 =	vadd.f32 v56, v7;
	v63 =	vmul.f32 v38, v57;
	v8 =	vadd.f32 v10, v8  }
0x58d: {  	s21 =	simm.s32 $0x5;
	v43 =	vld.idx.msk [tilespmem:v37+s28+$0x0], $0xffff;
	v53 =	vmul.f32 v11, v59  }
0x58e: {  	v46 =	vld.idx.msk [tilespmem:v37+s31+$0x0], $0xffff;
	v38 =	vadd.f32 v7, v9;
	v7 =	vadd.s32 s21, v0;
	v52 =	vadd.f32 v63, v8  }
0x58f: {  	v41 =	vmov v50;
	v49 =	vld.idx.msk [tilespmem:v37+s0+$0x0], $0xffff;
	s21 =	simm.s32 $0x6;
	v51 =	vand.u32 $0x7F, v7  }
.LBB2_51:
0x590: {  	p0 =	slt.u32 s21, $0x7E;
	v7 =	vld.idx.msk [tilespmem:v50+s29+$0x0], $0xffff;
	v8 =	vmul.f32 v44, v45;
	v9 =	vmul.f32 v47, v40;
	v10 =	vadd.f32 v52, v53  }
0x591: {  	v12 =	vor.u32 v24, v51;
	v11 =	vld.idx.msk [tilespmem:v50+s26+$0x0], $0xffff  }
0x592: {  	v44 =	vmul.f32 v44, v40;
	v8 =	vadd.f32 v9, v8;
	v9 =	vmul.f32 v47, v45;
	v51 =	vld.idx.msk [tilespmem:v37+s29+$0x0], $0xffff  }
0x593: {  	v45 =	vadd.s32 s21, v0;
	v40 =	vld.idx.msk [tilespmem:v50+s28+$0x0], $0xffff;
	v50 =	vmul.f32 v46, v42  }
0x594: {  	v52 =	vmul.f32 v49, v43;
	v8 =	vmul.f32 v8, v39;
	v9 =	vsub.f32 v9, v44;
	v53 =	vld.idx.msk [tilespmem:v37+s30+$0x0], $0xffff  }
0x595: {  	v54 =	vand.u32 $0x7F, v45;
	v49 =	vmul.f32 v49, v42;
	v46 =	vmul.f32 v46, v43;
	v37 =	vmovc v12;
	v44 =	vld.idx.msk [tilespmem:v41+s31+$0x0], $0xffff  }
0x596: {  	v47 =	vld.idx.msk [tilespmem:v41+s0+$0x0], $0xffff;
	v8 =	vadd.f32 v8, v10;
	v9 =	vmul.f32 v9, v48;
	v10 =	vadd.f32 v52, v50  }
.Ltmp24:
0x597: {  	v39 =	vmov v7;
	v50 =	vor.u32 v24, v54;
	v45 =	vmov v11;
	v42 =	vld.idx.msk [tilespmem:v12+s26+$0x0], $0xffff;
	(pc) =	sbr.rel @p0 .LBB2_51-.Ltmp24, $4  }
0x598: {  	v43 =	vld.idx.msk [tilespmem:v12+s28+$0x0], $0xffff;
	v7 =	vadd.f32 v8, v9;
	v8 =	vmul.f32 v10, v51;
	v9 =	vsub.f32 v49, v46  }
0x599: {  	s15 =	sadd.s32 $0x1, s21;
	v46 =	vld.idx.msk [tilespmem:v12+s31+$0x0], $0xffff  }
0x59a: {  	v10 =	vadd.s32 s15, v0;
	v49 =	vld.idx.msk [tilespmem:v12+s0+$0x0], $0xffff;
	v52 =	vadd.f32 v8, v7;
	v53 =	vmul.f32 v9, v53  }
0x59b: {  	s21 =	sadd.s32 $0x2, s21;
	v51 =	vand.u32 $0x7F, v10;
	v48 =	vld.idx.msk [tilespmem:v41+s30+$0x0], $0xffff;
	v41 =	vmov v50  }
0x59c: {  	v7 =	vmul.f32 v31, v5;
	_ =	sdelay $0x1  }
0x59d: {  	v7 =	vadd.f32 v7, v6;
	_ =	sdelay $0x1  }
0x59e: {  	v7 =	vsub.f32 $0.0e+00, v7;
	_ =	sdelay $0x1  }
0x59f: {  	v7 =	vmul.f32 $1.442695020e+00, v7;
	_ =	sdelay $0x1  }
0x5a0: {  	(erf) = vpow2.f32 v7;
	_ =	sdelay $0x4  }
0x5a1: {  	v7 =	vmul.f32 v32, v5;
	_ =	sdelay $0x1  }
0x5a2: {  	v7 =	vadd.f32 v7, v6;
	_ =	sdelay $0x1  }
0x5a3: {  	v7 =	vsub.f32 $0.0e+00, v7;
	v8 =	vpop (erf)  }
0x5a4: {  	v8 =	vadd.f32 $1.000000000e+00, v8  }
0x5a5: {  	v7 =	vmul.f32 $1.442695020e+00, v7  }
0x5a6: {  	(erf) = vrcp.f32 v8  }
0x5a7: {  	(erf) = vpow2.f32 v7;
	_ =	sdelay $0x4  }
0x5a8: {  	v7 =	vmul.f32 v33, v5;
	_ =	sdelay $0x1  }
0x5a9: {  	v7 =	vadd.f32 v7, v6  }
0x5aa: {  	v8 =	vpop (erf)  }
0x5ab: {  	v7 =	vsub.f32 $0.0e+00, v7;
	v9 =	vpop (erf)  }
0x5ac: {  	v9 =	vadd.f32 $1.000000000e+00, v9  }
0x5ad: {  	v7 =	vmul.f32 $1.442695020e+00, v7  }
0x5ae: {  	(erf) = vrcp.f32 v9  }
0x5af: {  	(erf) = vpow2.f32 v7;
	_ =	sdelay $0x4  }
0x5b0: {  	v7 =	vmul.f32 v34, v5;
	_ =	sdelay $0x1  }
0x5b1: {  	v7 =	vadd.f32 v7, v6  }
0x5b2: {  	v9 =	vpop (erf)  }
0x5b3: {  	v7 =	vsub.f32 $0.0e+00, v7;
	v10 =	vpop (erf)  }
0x5b4: {  	v10 =	vadd.f32 $1.000000000e+00, v10  }
0x5b5: {  	v7 =	vmul.f32 $1.442695020e+00, v7  }
0x5b6: {  	(erf) = vrcp.f32 v10  }
0x5b7: {  	(erf) = vpow2.f32 v7;
	_ =	sdelay $0x4  }
0x5b8: {  	v7 =	vmul.f32 v35, v5;
	_ =	sdelay $0x1  }
0x5b9: {  	v7 =	vadd.f32 v7, v6  }
0x5ba: {  	v10 =	vpop (erf)  }
0x5bb: {  	v7 =	vsub.f32 $0.0e+00, v7;
	v11 =	vpop (erf)  }
0x5bc: {  	v11 =	vadd.f32 $1.000000000e+00, v11  }
0x5bd: {  	v7 =	vmul.f32 $1.442695020e+00, v7  }
0x5be: {  	(erf) = vrcp.f32 v11  }
0x5bf: {  	(erf) = vpow2.f32 v7;
	_ =	sdelay $0x4  }
0x5c0: {  	v7 =	vmul.f32 v36, v5  }
0x5c1: {  	v12 =	vmul.f32 v44, v45;
	v62 =	vmul.f32 v44, v40;
	v44 =	vld.idx.msk [tilespmem:v50+s28+$0x0], $0xffff  }
0x5c2: {  	v31 =	vmul.f32 v47, v40;
	v54 =	vld.idx.msk [tilespmem:v41+s31+$0x0], $0xffff;
	v34 =	vor.u32 v24, v51;
	v7 =	vadd.f32 v7, v6  }
0x5c3: {  	v61 =	vadd.f32 v52, v53;
	v56 =	vld.idx.msk [tilespmem:v41+s0+$0x0], $0xffff;
	v36 =	vpop (erf)  }
0x5c4: {  	v57 =	vld.idx.msk [tilespmem:v37+s30+$0x0], $0xffff;
	v12 =	vadd.f32 v31, v12;
	v31 =	vmul.f32 v47, v45;
	v7 =	vsub.f32 $0.0e+00, v7;
	v52 =	vpop (erf)  }
0x5c5: {  	v63 =	vmul.f32 v46, v42;
	v58 =	vmul.f32 v46, v43;
	v33 =	vld.idx.msk [tilespmem:v50+s26+$0x0], $0xffff;
	v47 =	vadd.f32 $1.000000000e+00, v52  }
0x5c6: {  	v12 =	vmul.f32 v12, v39;
	v35 =	vld.idx.msk [tilespmem:v37+s29+$0x0], $0xffff;
	v7 =	vmul.f32 $1.442695020e+00, v7  }
0x5c7: {  	v53 =	vmul.f32 v49, v43;
	v31 =	vsub.f32 v31, v62;
	v60 =	vld.idx.msk [tilespmem:v34+s26+$0x0], $0xffff;
	(erf) = vrcp.f32 v47  }
0x5c8: {  	v55 =	vmul.f32 v49, v42;
	v12 =	vadd.f32 v12, v61;
	v61 =	vld.idx.msk [tilespmem:v34+s28+$0x0], $0xffff;
	(erf) = vpow2.f32 v7  }
0x5c9: {  	v59 =	vadd.f32 v53, v63;
	v31 =	vmul.f32 v31, v48;
	v63 =	vld.idx.msk [tilespmem:v34+s0+$0x0], $0xffff  }
0x5ca: {  	v38 =	vmul.f32 v38, v5;
	v62 =	vsub.f32 v55, v58;
	v46 =	vmul.f32 v54, v33;
	v11 =	vld.idx.msk [tilespmem:v50+s29+$0x0], $0xffff  }
0x5cb: {  	v12 =	vadd.f32 v12, v31;
	v31 =	vmul.f32 v59, v35;
	v47 =	vmul.f32 v56, v44;
	v7 =	vld.idx.msk [tilespmem:v34+s31+$0x0], $0xffff  }
0x5cc: {  	v48 =	vld.idx.msk [tilespmem:v41+s30+$0x0], $0xffff;
	v33 =	vmul.f32 v56, v33;
	v51 =	vmul.f32 v54, v44  }
0x5cd: {  	v12 =	vadd.f32 v31, v12;
	v31 =	vmul.f32 v62, v57;
	v49 =	vadd.f32 v47, v46  }
0x5ce: {  	v53 =	vadd.f32 v38, v6;
	v33 =	vsub.f32 v33, v51  }
0x5cf: {  	v54 =	vmul.f32 v63, v61;
	v12 =	vadd.f32 v12, v31;
	v52 =	vld.idx.msk [tilespmem:v34+s29+$0x0], $0xffff;
	v11 =	vmul.f32 v49, v11  }
0x5d0: {  	v35 =	vmul.f32 v63, v60;
	v31 =	vmul.f32 v7, v60;
	v55 =	vpop (erf)  }
0x5d1: {  	v57 =	vsub.f32 $0.0e+00, v53;
	v34 =	vld.idx.msk [tilespmem:v34+s30+$0x0], $0xffff;
	v11 =	vadd.f32 v11, v12;
	v12 =	vmul.f32 v33, v48;
	v56 =	vpop (erf)  }
0x5d2: {  	v7 =	vmul.f32 v7, v61;
	v31 =	vadd.f32 v54, v31;
	v32 =	vadd.f32 $1.000000000e+00, v56  }
0x5d3: {  	v11 =	vadd.f32 v11, v12;
	v12 =	vmul.f32 $1.442695020e+00, v57  }
0x5d4: {  	v7 =	vsub.f32 v35, v7;
	v31 =	vmul.f32 v31, v52;
	(erf) = vrcp.f32 v32  }
0x5d5: {  	(erf) = vpow2.f32 v12  }
0x5d6: {  	v7 =	vmul.f32 v7, v34;
	v11 =	vadd.f32 v31, v11;
	_ =	sdelay $0x1  }
0x5d7: {  	v7 =	vadd.f32 v11, v7;
	_ =	sdelay $0x1  }
0x5d8: {  	v7 =	vmul.f32 v7, v5;
	_ =	sdelay $0x1  }
0x5d9: {  	v7 =	vadd.f32 v7, v6  }
0x5da: {  	v58 =	vpop (erf)  }
0x5db: {  	v7 =	vsub.f32 $0.0e+00, v7;
	v12 =	vpop (erf)  }
0x5dc: {  	v12 =	vadd.f32 $1.000000000e+00, v12  }
0x5dd: {  	v7 =	vmul.f32 $1.442695020e+00, v7  }
0x5de: {  	(erf) = vrcp.f32 v12  }
0x5df: {  	(erf) = vpow2.f32 v7;
	_ =	sdelay $0x7  }
0x5e0: {  	v8 =	vmul.f32 v8, v8;
	v7 =	vpop (erf)  }
0x5e1: {  	v12 =	vpop (erf)  }
0x5e2: {  	v8 =	vadd.f32 v8, v29;
	v9 =	vmul.f32 v9, v9;
	v12 =	vadd.f32 $1.000000000e+00, v12;
	_ =	sdelay $0x1  }
0x5e3: {  	v8 =	vadd.f32 v9, v8;
	v59 =	vmul.f32 v10, v10;
	(erf) = vrcp.f32 v12;
	_ =	sdelay $0x1  }
0x5e4: {  	v8 =	vadd.f32 v59, v8;
	v60 =	vmul.f32 v36, v36;
	_ =	sdelay $0x1  }
0x5e5: {  	v8 =	vadd.f32 v60, v8;
	v61 =	vmul.f32 v55, v55;
	_ =	sdelay $0x1  }
0x5e6: {  	s14 =	sadd.s32 $0x1, s14;
	v8 =	vadd.f32 v61, v8;
	v62 =	vmul.f32 v58, v58  }
0x5e7: {  	p0 =	sne.s32 s14, $0xA  }
.Ltmp25:
0x5e8: {  	v8 =	vadd.f32 v62, v8;
	v7 =	vmul.f32 v7, v7;
	(pc) =	sbr.rel @p0 .LBB2_36-.Ltmp25, $3  }
0x5e9: {  	v63 =	vpop (erf)  }
0x5ea: {  	v7 =	vadd.f32 v7, v8;
	v8 =	vmul.f32 v63, v63;
	_ =	sdelay $0x1  }
0x5eb: {  	v29 =	vadd.f32 v8, v7  }
0x5ec: {  	v7 =	vld [tilespmem:$0x1FFE0];
	_ =	sdelay $0x4  }
0x5ed: {  	v7 =	vmul.f32 v7, v5;
	_ =	sdelay $0x1  }
0x5ee: {  	v7 =	vadd.f32 v7, v6;
	_ =	sdelay $0x1  }
0x5ef: {  	v7 =	vsub.f32 $0.0e+00, v7;
	_ =	sdelay $0x1  }
0x5f0: {  	v7 =	vmul.f32 $1.442695020e+00, v7;
	_ =	sdelay $0x1  }
0x5f1: {  	(erf) = vpow2.f32 v7;
	v7 =	vld [tilespmem:$0x1FFC0];
	_ =	sdelay $0x4  }
0x5f2: {  	v7 =	vmul.f32 v7, v5;
	_ =	sdelay $0x1  }
0x5f3: {  	v7 =	vadd.f32 v7, v6;
	_ =	sdelay $0x1  }
0x5f4: {  	v8 =	vpop (erf);
	v7 =	vsub.f32 $0.0e+00, v7  }
0x5f5: {  	v8 =	vadd.f32 $1.000000000e+00, v8  }
0x5f6: {  	v7 =	vmul.f32 $1.442695020e+00, v7  }
0x5f7: {  	(erf) = vrcp.f32 v8  }
0x5f8: {  	(erf) = vpow2.f32 v7;
	v7 =	vld [tilespmem:$0x1FFA0];
	_ =	sdelay $0x4  }
0x5f9: {  	v7 =	vmul.f32 v7, v5;
	_ =	sdelay $0x1  }
0x5fa: {  	v7 =	vadd.f32 v7, v6  }
0x5fb: {  	v8 =	vpop (erf)  }
0x5fc: {  	v9 =	vpop (erf);
	v7 =	vsub.f32 $0.0e+00, v7  }
0x5fd: {  	v9 =	vadd.f32 $1.000000000e+00, v9  }
0x5fe: {  	v7 =	vmul.f32 $1.442695020e+00, v7  }
0x5ff: {  	(erf) = vrcp.f32 v9  }
0x600: {  	(erf) = vpow2.f32 v7;
	_ =	sdelay $0x4  }
0x601: {  	v7 =	vmul.f32 v15, v5;
	_ =	sdelay $0x1  }
0x602: {  	v7 =	vadd.f32 v7, v6  }
0x603: {  	v9 =	vpop (erf)  }
0x604: {  	v7 =	vsub.f32 $0.0e+00, v7;
	v10 =	vpop (erf)  }
0x605: {  	v10 =	vadd.f32 $1.000000000e+00, v10  }
0x606: {  	v7 =	vmul.f32 $1.442695020e+00, v7  }
0x607: {  	(erf) = vrcp.f32 v10  }
0x608: {  	(erf) = vpow2.f32 v7;
	_ =	sdelay $0x4  }
0x609: {  	v7 =	vmul.f32 v18, v5;
	_ =	sdelay $0x1  }
0x60a: {  	v7 =	vadd.f32 v7, v6  }
0x60b: {  	v10 =	vpop (erf)  }
0x60c: {  	v7 =	vsub.f32 $0.0e+00, v7;
	v11 =	vpop (erf)  }
0x60d: {  	v11 =	vadd.f32 $1.000000000e+00, v11  }
0x60e: {  	v7 =	vmul.f32 $1.442695020e+00, v7  }
0x60f: {  	(erf) = vrcp.f32 v11  }
0x610: {  	(erf) = vpow2.f32 v7;
	_ =	sdelay $0x4  }
0x611: {  	v7 =	vmul.f32 v20, v5;
	_ =	sdelay $0x1  }
0x612: {  	v7 =	vadd.f32 v7, v6  }
0x613: {  	v11 =	vpop (erf)  }
0x614: {  	v7 =	vsub.f32 $0.0e+00, v7;
	v12 =	vpop (erf)  }
0x615: {  	v12 =	vadd.f32 $1.000000000e+00, v12  }
0x616: {  	v7 =	vmul.f32 $1.442695020e+00, v7  }
0x617: {  	(erf) = vrcp.f32 v12  }
0x618: {  	(erf) = vpow2.f32 v7;
	_ =	sdelay $0x4  }
0x619: {  	v7 =	vmul.f32 v23, v5;
	_ =	sdelay $0x1  }
0x61a: {  	v7 =	vadd.f32 v7, v6  }
0x61b: {  	v12 =	vpop (erf)  }
0x61c: {  	v7 =	vsub.f32 $0.0e+00, v7;
	v14 =	vpop (erf)  }
0x61d: {  	v14 =	vadd.f32 $1.000000000e+00, v14  }
0x61e: {  	v7 =	vmul.f32 $1.442695020e+00, v7  }
0x61f: {  	(erf) = vrcp.f32 v14  }
0x620: {  	(erf) = vpow2.f32 v7;
	_ =	sdelay $0x4  }
0x621: {  	v5 =	vmul.f32 v28, v5;
	_ =	sdelay $0x1  }
0x622: {  	v5 =	vadd.f32 v5, v6  }
0x623: {  	v6 =	vpop (erf)  }
0x624: {  	v5 =	vsub.f32 $0.0e+00, v5;
	v7 =	vpop (erf)  }
0x625: {  	v7 =	vadd.f32 $1.000000000e+00, v7  }
0x626: {  	v5 =	vmul.f32 $1.442695020e+00, v5  }
0x627: {  	(erf) = vrcp.f32 v7  }
0x628: {  	(erf) = vpow2.f32 v5;
	_ =	sdelay $0x3  }
0x629: {  	v56 =	vld [tilespmem:$0x1FFD0]  }
0x62a: {  	v7 =	vld [tilespmem:$0x1FFF0];
	_ =	sdelay $0x1  }
0x62b: {  	v57 =	vld [tilespmem:$0x1FFB0]  }
0x62c: {  	v5 =	vpop (erf)  }
0x62d: {  	v9 =	vsub.f32 v9, v56;
	v55 =	vpop (erf)  }
0x62e: {  	v7 =	vsub.f32 v8, v7;
	v8 =	vadd.f32 $1.000000000e+00, v55  }
0x62f: {  	v9 =	vmul.f32 v9, v9  }
0x630: {  	v10 =	vsub.f32 v10, v57;
	v7 =	vmul.f32 v7, v7;
	(erf) = vrcp.f32 v8;
	_ =	sdelay $0x1  }
0x631: {  	v58 =	vmul.f32 v10, v10;
	v59 =	vsub.f32 v11, v13;
	v7 =	vadd.f32 v9, v7;
	_ =	sdelay $0x1  }
0x632: {  	v60 =	vmul.f32 v59, v59;
	v61 =	vsub.f32 v12, v16;
	v7 =	vadd.f32 v58, v7;
	_ =	sdelay $0x1  }
0x633: {  	v62 =	vmul.f32 v61, v61;
	v6 =	vsub.f32 v6, v19;
	v7 =	vadd.f32 v60, v7;
	_ =	sdelay $0x1  }
0x634: {  	v6 =	vmul.f32 v6, v6;
	v5 =	vsub.f32 v5, v22;
	v7 =	vadd.f32 v62, v7  }
0x635: {  	v63 =	vpop (erf)  }
0x636: {  	v5 =	vmul.f32 v5, v5;
	v6 =	vadd.f32 v6, v7;
	v7 =	vsub.f32 v63, v26;
	_ =	sdelay $0x1  }
0x637: {  	v5 =	vadd.f32 v5, v6;
	v6 =	vmul.f32 v7, v7;
	v7 =	vadd.f32 v29, v27;
	_ =	sdelay $0x1  }
0x638: {  	v5 =	vadd.f32 v6, v5;
	v6 =	vmul.f32 $5.000000070e-02, v7;
	_ =	sdelay $0x1  }
0x639: {  	v5 =	vadd.f32 v6, v5;
	v6 =	vmul.f32 $2.500000120e-04, v25;
	_ =	sdelay $0x1  }
0x63a: {  	v5 =	vadd.f32 v5, v6;
	_ =	sdelay $0x1  }
0x63b: {  	s23 =	sadd.s32 $0x1, s23;
	v5 =	vmul.f32 $2.441406250e-04, v5  }
0x63c: {  	p0 =	sne.s32 s23, s20  }
.Ltmp26:
0x63d: {  	s13 =	simm.s32 $0x18300;
	[tilespmem:$0x18300] =	vst v5;
	(pc) =	sbr.rel @p0 .LBB2_1-.Ltmp26, $4  }
0x63e: {  	[hbm4b:s19+s5] =	stream.linear.scatter [tilespmem:s13], [sflag:$0x2], $0x80, $0x38;
	[tilespmem:$0x18380] =	vst v63  }
0x63f: {  	_ =	swait.ge [sflag:s22], $0x80  }
0x640: {  	[sflag:s22] =	ssyncset.done $0x0  }
0x641: {  	[sflag:s22] =	ssyncadd.s32 $0xFFFFFF80  }
0x642: {  	_ =	sfence.sel $0x180000  }
0x643: {  	[bflag:$0x0] =	sbarrier.arrive $0xFFFF  }
0x644: {  	_ =	strace $0x90000047  }
0x645: {  	s0 =	stileid.u32;
	[bflag:$0x2] =	sbarrier.arrive $0xFFFF  }
0x646: {  	p0 =	sne.s32 s0, $0x0;
	s0 =	rddreg [dreg:$0x9]  }
0x647: {  	s0 =	sadd.s32 @!p0 $0x100000, s0  }
0x648: {  	[sflag:s0] =	ssyncadd.tile.s32 @!p0 $0x1;
	_ =	shalt  }
.Lfunc_end2:
_tile_overlayer_lowered:
.L_overlay_start_2:
0x649: {  	(tag) =	ssettag $0x2  }
0x64a: {  	s0 =	rddreg [dreg:$0x0];
	s2 =	stileid.u32  }
0x64b: {  	s1 =	rddreg [dreg:$0x1];
	p0 =	sne.s32 s2, $0x0  }
0x64c: {  	s3 =	rddreg [dreg:$0x2];
	[bflag:$0x3] =	sbarrier.arrive $0xFFFF;
	s2 =	simm.s32 @!p0 $0x1C02  }
0x64d: {  	[timem:s3], [sflag:s2] =	dma.local @!p0 [hbm:s0], s1  }
0x64e: {  	s0 =	simm.s32 @!p0 $0x2  }
0x64f: {  	_ =	swait.ge @!p0 [sflag:s0], s1  }
0x650: {  	s1 =	ssub.s32 @!p0 $0x0, s1;
	[sflag:s0] =	ssyncset.done @!p0 $0x0  }
0x651: {  	[sflag:s0] =	ssyncadd.s32 @!p0 s1  }
0x652: {  	[bflag:$0x3] =	sbarrier.arrive $0xFFFF  }
0x653: {  	_ =	shalt  }

</sc_bundles>
